<compile_context>
chip_gen: v7x
topology: tpu7x:2x2x1
jax: 0.10.2.dev20260603
libtpu: 0.0.44.dev20260713+nightly
codegen_flags: <defaults>
</compile_context>

<pallas_src>
import jax
import jax.numpy as jnp
from jax import lax
from jax.experimental import pallas as pl
from jax.experimental.pallas import tpu as pltpu
from jax.experimental.pallas import tpu_sc as plsc

N_FIELDS = 26
VOCAB = 100000
DIM = 32
B = 16384
NC, NS, L = 2, 16, 16
NW = NC * NS
BPW = B // NW
NBUF = 3


def _gather_body(x_hbm, W_hbm, out_hbm, xblk_v, idx_v, rows_v, gsem, osem):
    wid = lax.axis_index("s") * NC + lax.axis_index("c")
    base = wid * BPW

    pltpu.sync_copy(x_hbm.at[pl.ds(base * N_FIELDS, BPW * N_FIELDS)], xblk_v)
    lane = lax.broadcasted_iota(jnp.int32, (L,), 0)

    def load_idx(j, s):
        col = lane * N_FIELDS + j

        def _mk(i, carry):
            g = plsc.load_gather(xblk_v, [col + i * (L * N_FIELDS)])
            idx_v[s, pl.ds(i * L, L)] = g
            return carry

        lax.fori_loop(0, BPW // L, _mk, 0)

    def gather(j, s):
        return pltpu.make_async_copy(W_hbm.at[j].at[idx_v.at[s]],
                                     rows_v.at[s], gsem.at[s])

    def writeback(j, s):
        return pltpu.make_async_copy(rows_v.at[s],
                                     out_hbm.at[j, pl.ds(base, BPW)],
                                     osem.at[s])

    for j in range(N_FIELDS + 1):
        if j < N_FIELDS:
            s = j % NBUF
            if j >= NBUF:
                writeback(j - NBUF, s).wait()
            load_idx(j, s)
            gather(j, s).start()
        if 1 <= j:
            s1 = (j - 1) % NBUF
            gather(j - 1, s1).wait()
            writeback(j - 1, s1).start()
    for j in range(N_FIELDS - NBUF + 1, N_FIELDS):
        writeback(j, j % NBUF).wait()


def kernel(x, W):
    mesh = plsc.VectorSubcoreMesh(
        core_axis_name="c", subcore_axis_name="s",
        num_cores=NC, num_subcores=NS,
    )
    return pl.kernel(
        _gather_body,
        out_type=jax.ShapeDtypeStruct((N_FIELDS, B, DIM), jnp.float32),
        mesh=mesh,
        scratch_types=[
            pltpu.VMEM((BPW * N_FIELDS,), jnp.int32),
            pltpu.VMEM((NBUF, BPW), jnp.int32),
            pltpu.VMEM((NBUF, BPW, DIM), jnp.float32),
            pltpu.SemaphoreType.DMA((NBUF,)),
            pltpu.SemaphoreType.DMA((NBUF,)),
        ],
        compiler_params=pltpu.CompilerParams(use_tc_tiling_on_sc=False,
                                             needs_layout_passes=False),
    )(x.reshape(B * N_FIELDS), W)

# --- scband reference (transcript-rebuilt; emitter-appended) ---
"""Pipeline reference for scband-multi-embedding-45724221833697 (READ-ONLY COPY).

The authoritative reference and input builder live on the scoring server;
editing this copy changes nothing except your own understanding.
"""

import jax, jax.numpy as jnp
import numpy as np

N_FIELDS = 26
VOCAB = 100000
DIM = 32
B = 16384


def setup_inputs(seed: int = 0) -> dict:
    key = jax.random.key(seed)
    k1, k2 = jax.random.split(key)
    # categorical index matrix: x[..., j] indexes table for feature j
    x = jax.random.randint(k1, (B, N_FIELDS), 0, VOCAB, dtype=jnp.int32)
    # 26 uniform-size embedding tables stacked: W[j] is the table for cat_j
    W = jax.random.normal(k2, (N_FIELDS, VOCAB, DIM), dtype=jnp.float32) * 0.02
    return {"x": x, "W": W}


def reference(x, W):
    # MultiEmbedding.forward with no categorical_groups: for each name cat_j,
    # out[cat_j] = Embedding_j(x[..., j]) = W[j][x[:, j]].
    # Returned here as a stacked array [N_FIELDS, B, DIM] (dict values in field order).
    out = jax.vmap(lambda table, idx: jnp.take(table, idx, axis=0), in_axes=(0, 1))(W, x)
    return out

if __name__ == "__main__":
    import jax
    _d = setup_inputs()
    print(jax.jit(kernel)(*tuple(_d.values())))

</pallas_src>

<mosaic_0001>
#map = affine_map<(d0, d1) -> (0)>
#map1 = affine_map<(d0, d1) -> (0, 0, 0)>
module attributes {stable_mosaic.version = 14 : i64} {
  func.func @_gather_body(%arg0: i32, %arg1: i32, %arg2: memref<425984xi32, #tpu.memory_space<hbm>>, %arg3: memref<26x100000x32xf32, #tpu.memory_space<hbm>>, %arg4: memref<26x16384x32xf32, #tpu.memory_space<hbm>>, %arg5: memref<13312xi32, #tpu.memory_space<vmem>>, %arg6: memref<3x512xi32, #tpu.memory_space<vmem>>, %arg7: memref<3x512x32xf32, #tpu.memory_space<vmem>>, %arg8: memref<3x!tpu.dma_semaphore, #tpu.memory_space<semaphore_mem>>, %arg9: memref<3x!tpu.dma_semaphore, #tpu.memory_space<semaphore_mem>>) attributes {dimension_semantics = [#tpu.dimension_semantics<core_parallel>, #tpu.dimension_semantics<subcore_parallel>], iteration_bounds = array<i64: 2, 16>, scalar_prefetch = 0 : i64, scratch_operands = 5 : i64, tpu.core_type = #tpu.core_type<sc_vector_subcore>, window_params = [{transform_indices = #map}, {transform_indices = #map1}, {transform_indices = #map1}]} {
    %mul3A = arith.constant 2 : i32
    %mul3A_0 = arith.muli %arg1, %mul3A : i32
    %add3A = arith.addi %mul3A_0, %arg0 : i32
    %mul3A_1 = arith.constant 512 : i32
    %mul3A_2 = arith.muli %add3A, %mul3A_1 : i32
    %mul3A_3 = arith.constant 26 : i32
    %mul3A_4 = arith.muli %mul3A_2, %mul3A_3 : i32
    "tpu.region"() ({
      %run_scoped3A = tpu.sem_alloc : memref<!tpu.dma_semaphore, #tpu.memory_space<semaphore_mem>>
      %dma_start3A_2323 = tpu.memref_slice %arg2[%mul3A_4] : memref<425984xi32, #tpu.memory_space<hbm>> -> memref<13312xi32, #tpu.memory_space<hbm>>
      %dma_start3A_2324 = tpu.memref_slice %arg2[%mul3A_4] : memref<425984xi32, #tpu.memory_space<hbm>> -> memref<13312xi32, #tpu.memory_space<hbm>>
      tpu.enqueue_dma source(%dma_start3A_2324 : memref<13312xi32, #tpu.memory_space<hbm>>) target(%arg5 : memref<13312xi32, #tpu.memory_space<vmem>>) target_semaphore(%run_scoped3A : memref<!tpu.dma_semaphore, #tpu.memory_space<semaphore_mem>>)
      %dma_wait3A_2325 = tpu.memref_slice %arg2[%mul3A_4] : memref<425984xi32, #tpu.memory_space<hbm>> -> memref<13312xi32, #tpu.memory_space<hbm>>
      %dma_wait3A_2326 = tpu.memref_slice %arg2[%mul3A_4] : memref<425984xi32, #tpu.memory_space<hbm>> -> memref<13312xi32, #tpu.memory_space<hbm>>
      tpu.wait_dma2 semaphore(%run_scoped3A : memref<!tpu.dma_semaphore, #tpu.memory_space<semaphore_mem>>) src(%dma_wait3A_2326 : memref<13312xi32, #tpu.memory_space<hbm>>) dst(%arg5 : memref<13312xi32, #tpu.memory_space<vmem>>)
      tpu.yield
    }) : () -> ()
    %iota3A = tpu.iota {dimensions = array<i32: 0>} : vector<16xi32>
    %mul3A_5 = arith.constant 26 : i32
    %mul3A_6 = vector.broadcast %mul3A_5 : i32 to vector<16xi32>
    %mul3A_7 = arith.muli %iota3A, %mul3A_6 : vector<16xi32>
    %add3A_8 = arith.constant 0 : i32
    %add3A_9 = vector.broadcast %add3A_8 : i32 to vector<16xi32>
    %add3A_10 = arith.addi %mul3A_7, %add3A_9 : vector<16xi32>
    %scan3A = arith.constant 0 : i32
    %scan3A_11 = arith.constant 0 : i32
    %scan3A_12 = arith.constant 32 : i32
    %scan3A_13 = arith.addi %scan3A_11, %scan3A_12 : i32
    %scan3A_14 = arith.constant 1 : i32
    scf.for %scan3A_2323 = %scan3A_11 to %scan3A_13 step %scan3A_14  : i32 {
      %mul3A_2324 = arith.constant 416 : i32
      %mul3A_2325 = arith.muli %scan3A_2323, %mul3A_2324 : i32
      %add3A_2326 = vector.broadcast %mul3A_2325 : i32 to vector<16xi32>
      %add3A_2327 = arith.addi %add3A_10, %add3A_2326 : vector<16xi32>
      %gather3A = tpu.vector_load_idx %arg5[%add3A_2327] : memref<13312xi32, #tpu.memory_space<vmem>>[vector<16xi32>], vector<16xi32>,
      %mul3A_2328 = arith.constant 16 : i32
      %mul3A_2329 = arith.muli %scan3A_2323, %mul3A_2328 : i32
      %swap3A = arith.constant 0 : i32
      %swap3A_2330 = arith.index_cast %swap3A : i32 to index
      %swap3A_2331 = arith.index_cast %mul3A_2329 : i32 to index
      %swap3A_2332 = tpu.vector_load %arg6[%swap3A_2330, %swap3A_2331] {strides = array<i32>} : memref<3x512xi32, #tpu.memory_space<vmem>>, vector<16xi32>,
      tpu.vector_store %arg6[%swap3A_2330, %swap3A_2331], %gather3A {strides = array<i32>} : memref<3x512xi32, #tpu.memory_space<vmem>>, vector<16xi32>,
    }
    %scan3A_15 = arith.constant 32 : i32
    %dma_start3A = arith.constant 0 : i32
    %dma_start3A_16 = arith.constant 0 : i32
    %dma_start3A_17 = arith.constant 0 : i32
    %dma_start3A_18 = arith.constant 0 : i32
    %dma_start3A_19 = arith.constant 0 : i32
    %dma_start3A_20 = arith.constant 0 : i32
    %dma_start3A_21 = tpu.memref_slice %arg7[%dma_start3A_17, %dma_start3A_19, %dma_start3A_20] : memref<3x512x32xf32, #tpu.memory_space<vmem>> -> memref<1x512x32xf32, #tpu.memory_space<vmem>>
    %dma_start3A_22 = tpu.memref_squeeze %dma_start3A_21 : memref<1x512x32xf32, #tpu.memory_space<vmem>> -> memref<512x32xf32, #tpu.memory_space<vmem>>
    %dma_start3A_23 = arith.constant 0 : i32
    %dma_start3A_24 = tpu.memref_slice %arg6[%dma_start3A_16, %dma_start3A_23] : memref<3x512xi32, #tpu.memory_space<vmem>> -> memref<1x512xi32, #tpu.memory_space<vmem>>
    %dma_start3A_25 = tpu.memref_squeeze %dma_start3A_24 : memref<1x512xi32, #tpu.memory_space<vmem>> -> memref<512xi32, #tpu.memory_space<vmem>>
    %dma_start3A_26 = arith.constant 0 : i32
    %dma_start3A_27 = arith.constant 0 : i32
    %dma_start3A_28 = tpu.memref_slice %arg3[%dma_start3A, %dma_start3A_26, %dma_start3A_27] : memref<26x100000x32xf32, #tpu.memory_space<hbm>> -> memref<1x100000x32xf32, #tpu.memory_space<hbm>>
    %dma_start3A_29 = tpu.memref_squeeze %dma_start3A_28 : memref<1x100000x32xf32, #tpu.memory_space<hbm>> -> memref<100000x32xf32, #tpu.memory_space<hbm>>
    %dma_start3A_30 = arith.constant 0 : i32
    %dma_start3A_31 = arith.constant 0 : i32
    %dma_start3A_32 = tpu.memref_slice %dma_start3A_29[%dma_start3A_30, %dma_start3A_31] : memref<100000x32xf32, #tpu.memory_space<hbm>> -> memref<100000x32xf32, #tpu.memory_space<hbm>>
    %dma_start3A_33 = tpu.memref_slice %arg8[%dma_start3A_18] : memref<3x!tpu.dma_semaphore, #tpu.memory_space<semaphore_mem>> -> memref<1x!tpu.dma_semaphore, #tpu.memory_space<semaphore_mem>>
    %dma_start3A_34 = tpu.memref_squeeze %dma_start3A_33 : memref<1x!tpu.dma_semaphore, #tpu.memory_space<semaphore_mem>> -> memref<!tpu.dma_semaphore, #tpu.memory_space<semaphore_mem>>
    tpu.enqueue_indirect_dma source(%dma_start3A_32 : memref<100000x32xf32, #tpu.memory_space<hbm>>) target(%dma_start3A_22 : memref<512x32xf32, #tpu.memory_space<vmem>>) offsets(%dma_start3A_25 : memref<512xi32, #tpu.memory_space<vmem>>) semaphore(%dma_start3A_34 : memref<!tpu.dma_semaphore, #tpu.memory_space<semaphore_mem>>)
    %mul3A_35 = arith.constant 26 : i32
    %mul3A_36 = vector.broadcast %mul3A_35 : i32 to vector<16xi32>
    %mul3A_37 = arith.muli %iota3A, %mul3A_36 : vector<16xi32>
    %add3A_38 = arith.constant 1 : i32
    %add3A_39 = vector.broadcast %add3A_38 : i32 to vector<16xi32>
    %add3A_40 = arith.addi %mul3A_37, %add3A_39 : vector<16xi32>
    %scan3A_41 = arith.constant 0 : i32
    %scan3A_42 = arith.constant 0 : i32
    %scan3A_43 = arith.constant 32 : i32
    %scan3A_44 = arith.addi %scan3A_42, %scan3A_43 : i32
    %scan3A_45 = arith.constant 1 : i32
    scf.for %scan3A_2323 = %scan3A_42 to %scan3A_44 step %scan3A_45  : i32 {
      %mul3A_2324 = arith.constant 416 : i32
      %mul3A_2325 = arith.muli %scan3A_2323, %mul3A_2324 : i32
      %add3A_2326 = vector.broadcast %mul3A_2325 : i32 to vector<16xi32>
      %add3A_2327 = arith.addi %add3A_40, %add3A_2326 : vector<16xi32>
      %gather3A = tpu.vector_load_idx %arg5[%add3A_2327] : memref<13312xi32, #tpu.memory_space<vmem>>[vector<16xi32>], vector<16xi32>,
      %mul3A_2328 = arith.constant 16 : i32
      %mul3A_2329 = arith.muli %scan3A_2323, %mul3A_2328 : i32
      %swap3A = arith.constant 1 : i32
      %swap3A_2330 = arith.index_cast %swap3A : i32 to index
      %swap3A_2331 = arith.index_cast %mul3A_2329 : i32 to index
      %swap3A_2332 = tpu.vector_load %arg6[%swap3A_2330, %swap3A_2331] {strides = array<i32>} : memref<3x512xi32, #tpu.memory_space<vmem>>, vector<16xi32>,
      tpu.vector_store %arg6[%swap3A_2330, %swap3A_2331], %gather3A {strides = array<i32>} : memref<3x512xi32, #tpu.memory_space<vmem>>, vector<16xi32>,
    }
    %scan3A_46 = arith.constant 32 : i32
    %dma_start3A_47 = arith.constant 1 : i32
    %dma_start3A_48 = arith.constant 1 : i32
    %dma_start3A_49 = arith.constant 1 : i32
    %dma_start3A_50 = arith.constant 1 : i32
    %dma_start3A_51 = arith.constant 0 : i32
    %dma_start3A_52 = arith.constant 0 : i32
    %dma_start3A_53 = tpu.memref_slice %arg7[%dma_start3A_49, %dma_start3A_51, %dma_start3A_52] : memref<3x512x32xf32, #tpu.memory_space<vmem>> -> memref<1x512x32xf32, #tpu.memory_space<vmem>>
    %dma_start3A_54 = tpu.memref_squeeze %dma_start3A_53 : memref<1x512x32xf32, #tpu.memory_space<vmem>> -> memref<512x32xf32, #tpu.memory_space<vmem>>
    %dma_start3A_55 = arith.constant 0 : i32
    %dma_start3A_56 = tpu.memref_slice %arg6[%dma_start3A_48, %dma_start3A_55] : memref<3x512xi32, #tpu.memory_space<vmem>> -> memref<1x512xi32, #tpu.memory_space<vmem>>
    %dma_start3A_57 = tpu.memref_squeeze %dma_start3A_56 : memref<1x512xi32, #tpu.memory_space<vmem>> -> memref<512xi32, #tpu.memory_space<vmem>>
    %dma_start3A_58 = arith.constant 0 : i32
    %dma_start3A_59 = arith.constant 0 : i32
    %dma_start3A_60 = tpu.memref_slice %arg3[%dma_start3A_47, %dma_start3A_58, %dma_start3A_59] : memref<26x100000x32xf32, #tpu.memory_space<hbm>> -> memref<1x100000x32xf32, #tpu.memory_space<hbm>>
    %dma_start3A_61 = tpu.memref_squeeze %dma_start3A_60 : memref<1x100000x32xf32, #tpu.memory_space<hbm>> -> memref<100000x32xf32, #tpu.memory_space<hbm>>
    %dma_start3A_62 = arith.constant 0 : i32
    %dma_start3A_63 = arith.constant 0 : i32
    %dma_start3A_64 = tpu.memref_slice %dma_start3A_61[%dma_start3A_62, %dma_start3A_63] : memref<100000x32xf32, #tpu.memory_space<hbm>> -> memref<100000x32xf32, #tpu.memory_space<hbm>>
    %dma_start3A_65 = tpu.memref_slice %arg8[%dma_start3A_50] : memref<3x!tpu.dma_semaphore, #tpu.memory_space<semaphore_mem>> -> memref<1x!tpu.dma_semaphore, #tpu.memory_space<semaphore_mem>>
    %dma_start3A_66 = tpu.memref_squeeze %dma_start3A_65 : memref<1x!tpu.dma_semaphore, #tpu.memory_space<semaphore_mem>> -> memref<!tpu.dma_semaphore, #tpu.memory_space<semaphore_mem>>
    tpu.enqueue_indirect_dma source(%dma_start3A_64 : memref<100000x32xf32, #tpu.memory_space<hbm>>) target(%dma_start3A_54 : memref<512x32xf32, #tpu.memory_space<vmem>>) offsets(%dma_start3A_57 : memref<512xi32, #tpu.memory_space<vmem>>) semaphore(%dma_start3A_66 : memref<!tpu.dma_semaphore, #tpu.memory_space<semaphore_mem>>)
    %dma_wait3A = arith.constant 0 : i32
    %dma_wait3A_67 = arith.constant 0 : i32
    %dma_wait3A_68 = arith.constant 0 : i32
    %dma_wait3A_69 = arith.constant 0 : i32
    %dma_wait3A_70 = arith.constant 0 : i32
    %dma_wait3A_71 = arith.constant 0 : i32
    %dma_wait3A_72 = tpu.memref_slice %arg7[%dma_wait3A_68, %dma_wait3A_70, %dma_wait3A_71] : memref<3x512x32xf32, #tpu.memory_space<vmem>> -> memref<1x512x32xf32, #tpu.memory_space<vmem>>
    %dma_wait3A_73 = tpu.memref_squeeze %dma_wait3A_72 : memref<1x512x32xf32, #tpu.memory_space<vmem>> -> memref<512x32xf32, #tpu.memory_space<vmem>>
    %dma_wait3A_74 = arith.constant 0 : i32
    %dma_wait3A_75 = tpu.memref_slice %arg6[%dma_wait3A_67, %dma_wait3A_74] : memref<3x512xi32, #tpu.memory_space<vmem>> -> memref<1x512xi32, #tpu.memory_space<vmem>>
    %dma_wait3A_76 = tpu.memref_squeeze %dma_wait3A_75 : memref<1x512xi32, #tpu.memory_space<vmem>> -> memref<512xi32, #tpu.memory_space<vmem>>
    %dma_wait3A_77 = arith.constant 0 : i32
    %dma_wait3A_78 = arith.constant 0 : i32
    %dma_wait3A_79 = tpu.memref_slice %arg3[%dma_wait3A, %dma_wait3A_77, %dma_wait3A_78] : memref<26x100000x32xf32, #tpu.memory_space<hbm>> -> memref<1x100000x32xf32, #tpu.memory_space<hbm>>
    %dma_wait3A_80 = tpu.memref_squeeze %dma_wait3A_79 : memref<1x100000x32xf32, #tpu.memory_space<hbm>> -> memref<100000x32xf32, #tpu.memory_space<hbm>>
    %dma_wait3A_81 = arith.constant 0 : i32
    %dma_wait3A_82 = arith.constant 0 : i32
    %dma_wait3A_83 = tpu.memref_slice %dma_wait3A_80[%dma_wait3A_81, %dma_wait3A_82] : memref<100000x32xf32, #tpu.memory_space<hbm>> -> memref<100000x32xf32, #tpu.memory_space<hbm>>
    %dma_wait3A_84 = tpu.memref_slice %arg8[%dma_wait3A_69] : memref<3x!tpu.dma_semaphore, #tpu.memory_space<semaphore_mem>> -> memref<1x!tpu.dma_semaphore, #tpu.memory_space<semaphore_mem>>
    %dma_wait3A_85 = tpu.memref_squeeze %dma_wait3A_84 : memref<1x!tpu.dma_semaphore, #tpu.memory_space<semaphore_mem>> -> memref<!tpu.dma_semaphore, #tpu.memory_space<semaphore_mem>>
    tpu.wait_indirect_dma semaphore(%dma_wait3A_85 : memref<!tpu.dma_semaphore, #tpu.memory_space<semaphore_mem>>) src(%dma_wait3A_83 : memref<100000x32xf32, #tpu.memory_space<hbm>>) dst(%dma_wait3A_73 : memref<512x32xf32, #tpu.memory_space<vmem>>)
    %dma_start3A_86 = arith.constant 0 : i32
    %dma_start3A_87 = arith.constant 0 : i32
    %dma_start3A_88 = arith.constant 0 : i32
    %dma_start3A_89 = arith.constant 0 : i32
    %dma_start3A_90 = arith.constant 0 : i32
    %dma_start3A_91 = tpu.memref_slice %arg7[%dma_start3A_86, %dma_start3A_89, %dma_start3A_90] : memref<3x512x32xf32, #tpu.memory_space<vmem>> -> memref<1x512x32xf32, #tpu.memory_space<vmem>>
    %dma_start3A_92 = tpu.memref_squeeze %dma_start3A_91 : memref<1x512x32xf32, #tpu.memory_space<vmem>> -> memref<512x32xf32, #tpu.memory_space<vmem>>
    %dma_start3A_93 = arith.constant 0 : i32
    %dma_start3A_94 = tpu.memref_slice %arg4[%dma_start3A_87, %mul3A_2, %dma_start3A_93] : memref<26x16384x32xf32, #tpu.memory_space<hbm>> -> memref<1x512x32xf32, #tpu.memory_space<hbm>>
    %dma_start3A_95 = tpu.memref_squeeze %dma_start3A_94 : memref<1x512x32xf32, #tpu.memory_space<hbm>> -> memref<512x32xf32, #tpu.memory_space<hbm>>
    %dma_start3A_96 = tpu.memref_slice %arg9[%dma_start3A_88] : memref<3x!tpu.dma_semaphore, #tpu.memory_space<semaphore_mem>> -> memref<1x!tpu.dma_semaphore, #tpu.memory_space<semaphore_mem>>
    %dma_start3A_97 = tpu.memref_squeeze %dma_start3A_96 : memref<1x!tpu.dma_semaphore, #tpu.memory_space<semaphore_mem>> -> memref<!tpu.dma_semaphore, #tpu.memory_space<semaphore_mem>>
    %dma_start3A_98 = arith.constant 0 : i32
    %dma_start3A_99 = tpu.memref_slice %arg4[%dma_start3A_87, %mul3A_2, %dma_start3A_98] : memref<26x16384x32xf32, #tpu.memory_space<hbm>> -> memref<1x512x32xf32, #tpu.memory_space<hbm>>
    %dma_start3A_100 = tpu.memref_squeeze %dma_start3A_99 : memref<1x512x32xf32, #tpu.memory_space<hbm>> -> memref<512x32xf32, #tpu.memory_space<hbm>>
    %dma_start3A_101 = arith.constant 0 : i32
    %dma_start3A_102 = arith.constant 0 : i32
    %dma_start3A_103 = tpu.memref_slice %arg7[%dma_start3A_86, %dma_start3A_101, %dma_start3A_102] : memref<3x512x32xf32, #tpu.memory_space<vmem>> -> memref<1x512x32xf32, #tpu.memory_space<vmem>>
    %dma_start3A_104 = tpu.memref_squeeze %dma_start3A_103 : memref<1x512x32xf32, #tpu.memory_space<vmem>> -> memref<512x32xf32, #tpu.memory_space<vmem>>
    tpu.enqueue_dma source(%dma_start3A_104 : memref<512x32xf32, #tpu.memory_space<vmem>>) target(%dma_start3A_100 : memref<512x32xf32, #tpu.memory_space<hbm>>) target_semaphore(%dma_start3A_97 : memref<!tpu.dma_semaphore, #tpu.memory_space<semaphore_mem>>)
    %mul3A_105 = arith.constant 26 : i32
    %mul3A_106 = vector.broadcast %mul3A_105 : i32 to vector<16xi32>
    %mul3A_107 = arith.muli %iota3A, %mul3A_106 : vector<16xi32>
    %add3A_108 = arith.constant 2 : i32
    %add3A_109 = vector.broadcast %add3A_108 : i32 to vector<16xi32>
    %add3A_110 = arith.addi %mul3A_107, %add3A_109 : vector<16xi32>
    %scan3A_111 = arith.constant 0 : i32
    %scan3A_112 = arith.constant 0 : i32
    %scan3A_113 = arith.constant 32 : i32
    %scan3A_114 = arith.addi %scan3A_112, %scan3A_113 : i32
    %scan3A_115 = arith.constant 1 : i32
    scf.for %scan3A_2323 = %scan3A_112 to %scan3A_114 step %scan3A_115  : i32 {
      %mul3A_2324 = arith.constant 416 : i32
      %mul3A_2325 = arith.muli %scan3A_2323, %mul3A_2324 : i32
      %add3A_2326 = vector.broadcast %mul3A_2325 : i32 to vector<16xi32>
      %add3A_2327 = arith.addi %add3A_110, %add3A_2326 : vector<16xi32>
      %gather3A = tpu.vector_load_idx %arg5[%add3A_2327] : memref<13312xi32, #tpu.memory_space<vmem>>[vector<16xi32>], vector<16xi32>,
      %mul3A_2328 = arith.constant 16 : i32
      %mul3A_2329 = arith.muli %scan3A_2323, %mul3A_2328 : i32
      %swap3A = arith.constant 2 : i32
      %swap3A_2330 = arith.index_cast %swap3A : i32 to index
      %swap3A_2331 = arith.index_cast %mul3A_2329 : i32 to index
      %swap3A_2332 = tpu.vector_load %arg6[%swap3A_2330, %swap3A_2331] {strides = array<i32>} : memref<3x512xi32, #tpu.memory_space<vmem>>, vector<16xi32>,
      tpu.vector_store %arg6[%swap3A_2330, %swap3A_2331], %gather3A {strides = array<i32>} : memref<3x512xi32, #tpu.memory_space<vmem>>, vector<16xi32>,
    }
    %scan3A_116 = arith.constant 32 : i32
    %dma_start3A_117 = arith.constant 2 : i32
    %dma_start3A_118 = arith.constant 2 : i32
    %dma_start3A_119 = arith.constant 2 : i32
    %dma_start3A_120 = arith.constant 2 : i32
    %dma_start3A_121 = arith.constant 0 : i32
    %dma_start3A_122 = arith.constant 0 : i32
    %dma_start3A_123 = tpu.memref_slice %arg7[%dma_start3A_119, %dma_start3A_121, %dma_start3A_122] : memref<3x512x32xf32, #tpu.memory_space<vmem>> -> memref<1x512x32xf32, #tpu.memory_space<vmem>>
    %dma_start3A_124 = tpu.memref_squeeze %dma_start3A_123 : memref<1x512x32xf32, #tpu.memory_space<vmem>> -> memref<512x32xf32, #tpu.memory_space<vmem>>
    %dma_start3A_125 = arith.constant 0 : i32
    %dma_start3A_126 = tpu.memref_slice %arg6[%dma_start3A_118, %dma_start3A_125] : memref<3x512xi32, #tpu.memory_space<vmem>> -> memref<1x512xi32, #tpu.memory_space<vmem>>
    %dma_start3A_127 = tpu.memref_squeeze %dma_start3A_126 : memref<1x512xi32, #tpu.memory_space<vmem>> -> memref<512xi32, #tpu.memory_space<vmem>>
    %dma_start3A_128 = arith.constant 0 : i32
    %dma_start3A_129 = arith.constant 0 : i32
    %dma_start3A_130 = tpu.memref_slice %arg3[%dma_start3A_117, %dma_start3A_128, %dma_start3A_129] : memref<26x100000x32xf32, #tpu.memory_space<hbm>> -> memref<1x100000x32xf32, #tpu.memory_space<hbm>>
    %dma_start3A_131 = tpu.memref_squeeze %dma_start3A_130 : memref<1x100000x32xf32, #tpu.memory_space<hbm>> -> memref<100000x32xf32, #tpu.memory_space<hbm>>
    %dma_start3A_132 = arith.constant 0 : i32
    %dma_start3A_133 = arith.constant 0 : i32
    %dma_start3A_134 = tpu.memref_slice %dma_start3A_131[%dma_start3A_132, %dma_start3A_133] : memref<100000x32xf32, #tpu.memory_space<hbm>> -> memref<100000x32xf32, #tpu.memory_space<hbm>>
    %dma_start3A_135 = tpu.memref_slice %arg8[%dma_start3A_120] : memref<3x!tpu.dma_semaphore, #tpu.memory_space<semaphore_mem>> -> memref<1x!tpu.dma_semaphore, #tpu.memory_space<semaphore_mem>>
    %dma_start3A_136 = tpu.memref_squeeze %dma_start3A_135 : memref<1x!tpu.dma_semaphore, #tpu.memory_space<semaphore_mem>> -> memref<!tpu.dma_semaphore, #tpu.memory_space<semaphore_mem>>
    tpu.enqueue_indirect_dma source(%dma_start3A_134 : memref<100000x32xf32, #tpu.memory_space<hbm>>) target(%dma_start3A_124 : memref<512x32xf32, #tpu.memory_space<vmem>>) offsets(%dma_start3A_127 : memref<512xi32, #tpu.memory_space<vmem>>) semaphore(%dma_start3A_136 : memref<!tpu.dma_semaphore, #tpu.memory_space<semaphore_mem>>)
    %dma_wait3A_137 = arith.constant 1 : i32
    %dma_wait3A_138 = arith.constant 1 : i32
    %dma_wait3A_139 = arith.constant 1 : i32
    %dma_wait3A_140 = arith.constant 1 : i32
    %dma_wait3A_141 = arith.constant 0 : i32
    %dma_wait3A_142 = arith.constant 0 : i32
    %dma_wait3A_143 = tpu.memref_slice %arg7[%dma_wait3A_139, %dma_wait3A_141, %dma_wait3A_142] : memref<3x512x32xf32, #tpu.memory_space<vmem>> -> memref<1x512x32xf32, #tpu.memory_space<vmem>>
    %dma_wait3A_144 = tpu.memref_squeeze %dma_wait3A_143 : memref<1x512x32xf32, #tpu.memory_space<vmem>> -> memref<512x32xf32, #tpu.memory_space<vmem>>
    %dma_wait3A_145 = arith.constant 0 : i32
    %dma_wait3A_146 = tpu.memref_slice %arg6[%dma_wait3A_138, %dma_wait3A_145] : memref<3x512xi32, #tpu.memory_space<vmem>> -> memref<1x512xi32, #tpu.memory_space<vmem>>
    %dma_wait3A_147 = tpu.memref_squeeze %dma_wait3A_146 : memref<1x512xi32, #tpu.memory_space<vmem>> -> memref<512xi32, #tpu.memory_space<vmem>>
    %dma_wait3A_148 = arith.constant 0 : i32
    %dma_wait3A_149 = arith.constant 0 : i32
    %dma_wait3A_150 = tpu.memref_slice %arg3[%dma_wait3A_137, %dma_wait3A_148, %dma_wait3A_149] : memref<26x100000x32xf32, #tpu.memory_space<hbm>> -> memref<1x100000x32xf32, #tpu.memory_space<hbm>>
    %dma_wait3A_151 = tpu.memref_squeeze %dma_wait3A_150 : memref<1x100000x32xf32, #tpu.memory_space<hbm>> -> memref<100000x32xf32, #tpu.memory_space<hbm>>
    %dma_wait3A_152 = arith.constant 0 : i32
    %dma_wait3A_153 = arith.constant 0 : i32
    %dma_wait3A_154 = tpu.memref_slice %dma_wait3A_151[%dma_wait3A_152, %dma_wait3A_153] : memref<100000x32xf32, #tpu.memory_space<hbm>> -> memref<100000x32xf32, #tpu.memory_space<hbm>>
    %dma_wait3A_155 = tpu.memref_slice %arg8[%dma_wait3A_140] : memref<3x!tpu.dma_semaphore, #tpu.memory_space<semaphore_mem>> -> memref<1x!tpu.dma_semaphore, #tpu.memory_space<semaphore_mem>>
    %dma_wait3A_156 = tpu.memref_squeeze %dma_wait3A_155 : memref<1x!tpu.dma_semaphore, #tpu.memory_space<semaphore_mem>> -> memref<!tpu.dma_semaphore, #tpu.memory_space<semaphore_mem>>
    tpu.wait_indirect_dma semaphore(%dma_wait3A_156 : memref<!tpu.dma_semaphore, #tpu.memory_space<semaphore_mem>>) src(%dma_wait3A_154 : memref<100000x32xf32, #tpu.memory_space<hbm>>) dst(%dma_wait3A_144 : memref<512x32xf32, #tpu.memory_space<vmem>>)
    %dma_start3A_157 = arith.constant 1 : i32
    %dma_start3A_158 = arith.constant 1 : i32
    %dma_start3A_159 = arith.constant 1 : i32
    %dma_start3A_160 = arith.constant 0 : i32
    %dma_start3A_161 = arith.constant 0 : i32
    %dma_start3A_162 = tpu.memref_slice %arg7[%dma_start3A_157, %dma_start3A_160, %dma_start3A_161] : memref<3x512x32xf32, #tpu.memory_space<vmem>> -> memref<1x512x32xf32, #tpu.memory_space<vmem>>
    %dma_start3A_163 = tpu.memref_squeeze %dma_start3A_162 : memref<1x512x32xf32, #tpu.memory_space<vmem>> -> memref<512x32xf32, #tpu.memory_space<vmem>>
    %dma_start3A_164 = arith.constant 0 : i32
    %dma_start3A_165 = tpu.memref_slice %arg4[%dma_start3A_158, %mul3A_2, %dma_start3A_164] : memref<26x16384x32xf32, #tpu.memory_space<hbm>> -> memref<1x512x32xf32, #tpu.memory_space<hbm>>
    %dma_start3A_166 = tpu.memref_squeeze %dma_start3A_165 : memref<1x512x32xf32, #tpu.memory_space<hbm>> -> memref<512x32xf32, #tpu.memory_space<hbm>>
    %dma_start3A_167 = tpu.memref_slice %arg9[%dma_start3A_159] : memref<3x!tpu.dma_semaphore, #tpu.memory_space<semaphore_mem>> -> memref<1x!tpu.dma_semaphore, #tpu.memory_space<semaphore_mem>>
    %dma_start3A_168 = tpu.memref_squeeze %dma_start3A_167 : memref<1x!tpu.dma_semaphore, #tpu.memory_space<semaphore_mem>> -> memref<!tpu.dma_semaphore, #tpu.memory_space<semaphore_mem>>
    %dma_start3A_169 = arith.constant 0 : i32
    %dma_start3A_170 = tpu.memref_slice %arg4[%dma_start3A_158, %mul3A_2, %dma_start3A_169] : memref<26x16384x32xf32, #tpu.memory_space<hbm>> -> memref<1x512x32xf32, #tpu.memory_space<hbm>>
    %dma_start3A_171 = tpu.memref_squeeze %dma_start3A_170 : memref<1x512x32xf32, #tpu.memory_space<hbm>> -> memref<512x32xf32, #tpu.memory_space<hbm>>
    %dma_start3A_172 = arith.constant 0 : i32
    %dma_start3A_173 = arith.constant 0 : i32
    %dma_start3A_174 = tpu.memref_slice %arg7[%dma_start3A_157, %dma_start3A_172, %dma_start3A_173] : memref<3x512x32xf32, #tpu.memory_space<vmem>> -> memref<1x512x32xf32, #tpu.memory_space<vmem>>
    %dma_start3A_175 = tpu.memref_squeeze %dma_start3A_174 : memref<1x512x32xf32, #tpu.memory_space<vmem>> -> memref<512x32xf32, #tpu.memory_space<vmem>>
    tpu.enqueue_dma source(%dma_start3A_175 : memref<512x32xf32, #tpu.memory_space<vmem>>) target(%dma_start3A_171 : memref<512x32xf32, #tpu.memory_space<hbm>>) target_semaphore(%dma_start3A_168 : memref<!tpu.dma_semaphore, #tpu.memory_space<semaphore_mem>>)
    %dma_wait3A_176 = arith.constant 0 : i32
    %dma_wait3A_177 = arith.constant 0 : i32
    %dma_wait3A_178 = arith.constant 0 : i32
    %dma_wait3A_179 = arith.constant 0 : i32
    %dma_wait3A_180 = arith.constant 0 : i32
    %dma_wait3A_181 = tpu.memref_slice %arg7[%dma_wait3A_176, %dma_wait3A_179, %dma_wait3A_180] : memref<3x512x32xf32, #tpu.memory_space<vmem>> -> memref<1x512x32xf32, #tpu.memory_space<vmem>>
    %dma_wait3A_182 = tpu.memref_squeeze %dma_wait3A_181 : memref<1x512x32xf32, #tpu.memory_space<vmem>> -> memref<512x32xf32, #tpu.memory_space<vmem>>
    %dma_wait3A_183 = arith.constant 0 : i32
    %dma_wait3A_184 = tpu.memref_slice %arg4[%dma_wait3A_177, %mul3A_2, %dma_wait3A_183] : memref<26x16384x32xf32, #tpu.memory_space<hbm>> -> memref<1x512x32xf32, #tpu.memory_space<hbm>>
    %dma_wait3A_185 = tpu.memref_squeeze %dma_wait3A_184 : memref<1x512x32xf32, #tpu.memory_space<hbm>> -> memref<512x32xf32, #tpu.memory_space<hbm>>
    %dma_wait3A_186 = tpu.memref_slice %arg9[%dma_wait3A_178] : memref<3x!tpu.dma_semaphore, #tpu.memory_space<semaphore_mem>> -> memref<1x!tpu.dma_semaphore, #tpu.memory_space<semaphore_mem>>
    %dma_wait3A_187 = tpu.memref_squeeze %dma_wait3A_186 : memref<1x!tpu.dma_semaphore, #tpu.memory_space<semaphore_mem>> -> memref<!tpu.dma_semaphore, #tpu.memory_space<semaphore_mem>>
    %dma_wait3A_188 = arith.constant 0 : i32
    %dma_wait3A_189 = tpu.memref_slice %arg4[%dma_wait3A_177, %mul3A_2, %dma_wait3A_188] : memref<26x16384x32xf32, #tpu.memory_space<hbm>> -> memref<1x512x32xf32, #tpu.memory_space<hbm>>
    %dma_wait3A_190 = tpu.memref_squeeze %dma_wait3A_189 : memref<1x512x32xf32, #tpu.memory_space<hbm>> -> memref<512x32xf32, #tpu.memory_space<hbm>>
    %dma_wait3A_191 = arith.constant 0 : i32
    %dma_wait3A_192 = arith.constant 0 : i32
    %dma_wait3A_193 = tpu.memref_slice %arg7[%dma_wait3A_176, %dma_wait3A_191, %dma_wait3A_192] : memref<3x512x32xf32, #tpu.memory_space<vmem>> -> memref<1x512x32xf32, #tpu.memory_space<vmem>>
    %dma_wait3A_194 = tpu.memref_squeeze %dma_wait3A_193 : memref<1x512x32xf32, #tpu.memory_space<vmem>> -> memref<512x32xf32, #tpu.memory_space<vmem>>
    tpu.wait_dma2 semaphore(%dma_wait3A_187 : memref<!tpu.dma_semaphore, #tpu.memory_space<semaphore_mem>>) src(%dma_wait3A_194 : memref<512x32xf32, #tpu.memory_space<vmem>>) dst(%dma_wait3A_190 : memref<512x32xf32, #tpu.memory_space<hbm>>)
    %mul3A_195 = arith.constant 26 : i32
    %mul3A_196 = vector.broadcast %mul3A_195 : i32 to vector<16xi32>
    %mul3A_197 = arith.muli %iota3A, %mul3A_196 : vector<16xi32>
    %add3A_198 = arith.constant 3 : i32
    %add3A_199 = vector.broadcast %add3A_198 : i32 to vector<16xi32>
    %add3A_200 = arith.addi %mul3A_197, %add3A_199 : vector<16xi32>
    %scan3A_201 = arith.constant 0 : i32
    %scan3A_202 = arith.constant 0 : i32
    %scan3A_203 = arith.constant 32 : i32
    %scan3A_204 = arith.addi %scan3A_202, %scan3A_203 : i32
    %scan3A_205 = arith.constant 1 : i32
    scf.for %scan3A_2323 = %scan3A_202 to %scan3A_204 step %scan3A_205  : i32 {
      %mul3A_2324 = arith.constant 416 : i32
      %mul3A_2325 = arith.muli %scan3A_2323, %mul3A_2324 : i32
      %add3A_2326 = vector.broadcast %mul3A_2325 : i32 to vector<16xi32>
      %add3A_2327 = arith.addi %add3A_200, %add3A_2326 : vector<16xi32>
      %gather3A = tpu.vector_load_idx %arg5[%add3A_2327] : memref<13312xi32, #tpu.memory_space<vmem>>[vector<16xi32>], vector<16xi32>,
      %mul3A_2328 = arith.constant 16 : i32
      %mul3A_2329 = arith.muli %scan3A_2323, %mul3A_2328 : i32
      %swap3A = arith.constant 0 : i32
      %swap3A_2330 = arith.index_cast %swap3A : i32 to index
      %swap3A_2331 = arith.index_cast %mul3A_2329 : i32 to index
      %swap3A_2332 = tpu.vector_load %arg6[%swap3A_2330, %swap3A_2331] {strides = array<i32>} : memref<3x512xi32, #tpu.memory_space<vmem>>, vector<16xi32>,
      tpu.vector_store %arg6[%swap3A_2330, %swap3A_2331], %gather3A {strides = array<i32>} : memref<3x512xi32, #tpu.memory_space<vmem>>, vector<16xi32>,
    }
    %scan3A_206 = arith.constant 32 : i32
    %dma_start3A_207 = arith.constant 3 : i32
    %dma_start3A_208 = arith.constant 0 : i32
    %dma_start3A_209 = arith.constant 0 : i32
    %dma_start3A_210 = arith.constant 0 : i32
    %dma_start3A_211 = arith.constant 0 : i32
    %dma_start3A_212 = arith.constant 0 : i32
    %dma_start3A_213 = tpu.memref_slice %arg7[%dma_start3A_209, %dma_start3A_211, %dma_start3A_212] : memref<3x512x32xf32, #tpu.memory_space<vmem>> -> memref<1x512x32xf32, #tpu.memory_space<vmem>>
    %dma_start3A_214 = tpu.memref_squeeze %dma_start3A_213 : memref<1x512x32xf32, #tpu.memory_space<vmem>> -> memref<512x32xf32, #tpu.memory_space<vmem>>
    %dma_start3A_215 = arith.constant 0 : i32
    %dma_start3A_216 = tpu.memref_slice %arg6[%dma_start3A_208, %dma_start3A_215] : memref<3x512xi32, #tpu.memory_space<vmem>> -> memref<1x512xi32, #tpu.memory_space<vmem>>
    %dma_start3A_217 = tpu.memref_squeeze %dma_start3A_216 : memref<1x512xi32, #tpu.memory_space<vmem>> -> memref<512xi32, #tpu.memory_space<vmem>>
    %dma_start3A_218 = arith.constant 0 : i32
    %dma_start3A_219 = arith.constant 0 : i32
    %dma_start3A_220 = tpu.memref_slice %arg3[%dma_start3A_207, %dma_start3A_218, %dma_start3A_219] : memref<26x100000x32xf32, #tpu.memory_space<hbm>> -> memref<1x100000x32xf32, #tpu.memory_space<hbm>>
    %dma_start3A_221 = tpu.memref_squeeze %dma_start3A_220 : memref<1x100000x32xf32, #tpu.memory_space<hbm>> -> memref<100000x32xf32, #tpu.memory_space<hbm>>
    %dma_start3A_222 = arith.constant 0 : i32
    %dma_start3A_223 = arith.constant 0 : i32
    %dma_start3A_224 = tpu.memref_slice %dma_start3A_221[%dma_start3A_222, %dma_start3A_223] : memref<100000x32xf32, #tpu.memory_space<hbm>> -> memref<100000x32xf32, #tpu.memory_space<hbm>>
    %dma_start3A_225 = tpu.memref_slice %arg8[%dma_start3A_210] : memref<3x!tpu.dma_semaphore, #tpu.memory_space<semaphore_mem>> -> memref<1x!tpu.dma_semaphore, #tpu.memory_space<semaphore_mem>>
    %dma_start3A_226 = tpu.memref_squeeze %dma_start3A_225 : memref<1x!tpu.dma_semaphore, #tpu.memory_space<semaphore_mem>> -> memref<!tpu.dma_semaphore, #tpu.memory_space<semaphore_mem>>
    tpu.enqueue_indirect_dma source(%dma_start3A_224 : memref<100000x32xf32, #tpu.memory_space<hbm>>) target(%dma_start3A_214 : memref<512x32xf32, #tpu.memory_space<vmem>>) offsets(%dma_start3A_217 : memref<512xi32, #tpu.memory_space<vmem>>) semaphore(%dma_start3A_226 : memref<!tpu.dma_semaphore, #tpu.memory_space<semaphore_mem>>)
    %dma_wait3A_227 = arith.constant 2 : i32
    %dma_wait3A_228 = arith.constant 2 : i32
    %dma_wait3A_229 = arith.constant 2 : i32
    %dma_wait3A_230 = arith.constant 2 : i32
    %dma_wait3A_231 = arith.constant 0 : i32
    %dma_wait3A_232 = arith.constant 0 : i32
    %dma_wait3A_233 = tpu.memref_slice %arg7[%dma_wait3A_229, %dma_wait3A_231, %dma_wait3A_232] : memref<3x512x32xf32, #tpu.memory_space<vmem>> -> memref<1x512x32xf32, #tpu.memory_space<vmem>>
    %dma_wait3A_234 = tpu.memref_squeeze %dma_wait3A_233 : memref<1x512x32xf32, #tpu.memory_space<vmem>> -> memref<512x32xf32, #tpu.memory_space<vmem>>
    %dma_wait3A_235 = arith.constant 0 : i32
    %dma_wait3A_236 = tpu.memref_slice %arg6[%dma_wait3A_228, %dma_wait3A_235] : memref<3x512xi32, #tpu.memory_space<vmem>> -> memref<1x512xi32, #tpu.memory_space<vmem>>
    %dma_wait3A_237 = tpu.memref_squeeze %dma_wait3A_236 : memref<1x512xi32, #tpu.memory_space<vmem>> -> memref<512xi32, #tpu.memory_space<vmem>>
    %dma_wait3A_238 = arith.constant 0 : i32
    %dma_wait3A_239 = arith.constant 0 : i32
    %dma_wait3A_240 = tpu.memref_slice %arg3[%dma_wait3A_227, %dma_wait3A_238, %dma_wait3A_239] : memref<26x100000x32xf32, #tpu.memory_space<hbm>> -> memref<1x100000x32xf32, #tpu.memory_space<hbm>>
    %dma_wait3A_241 = tpu.memref_squeeze %dma_wait3A_240 : memref<1x100000x32xf32, #tpu.memory_space<hbm>> -> memref<100000x32xf32, #tpu.memory_space<hbm>>
    %dma_wait3A_242 = arith.constant 0 : i32
    %dma_wait3A_243 = arith.constant 0 : i32
    %dma_wait3A_244 = tpu.memref_slice %dma_wait3A_241[%dma_wait3A_242, %dma_wait3A_243] : memref<100000x32xf32, #tpu.memory_space<hbm>> -> memref<100000x32xf32, #tpu.memory_space<hbm>>
    %dma_wait3A_245 = tpu.memref_slice %arg8[%dma_wait3A_230] : memref<3x!tpu.dma_semaphore, #tpu.memory_space<semaphore_mem>> -> memref<1x!tpu.dma_semaphore, #tpu.memory_space<semaphore_mem>>
    %dma_wait3A_246 = tpu.memref_squeeze %dma_wait3A_245 : memref<1x!tpu.dma_semaphore, #tpu.memory_space<semaphore_mem>> -> memref<!tpu.dma_semaphore, #tpu.memory_space<semaphore_mem>>
    tpu.wait_indirect_dma semaphore(%dma_wait3A_246 : memref<!tpu.dma_semaphore, #tpu.memory_space<semaphore_mem>>) src(%dma_wait3A_244 : memref<100000x32xf32, #tpu.memory_space<hbm>>) dst(%dma_wait3A_234 : memref<512x32xf32, #tpu.memory_space<vmem>>)
    %dma_start3A_247 = arith.constant 2 : i32
    %dma_start3A_248 = arith.constant 2 : i32
    %dma_start3A_249 = arith.constant 2 : i32
    %dma_start3A_250 = arith.constant 0 : i32
    %dma_start3A_251 = arith.constant 0 : i32
    %dma_start3A_252 = tpu.memref_slice %arg7[%dma_start3A_247, %dma_start3A_250, %dma_start3A_251] : memref<3x512x32xf32, #tpu.memory_space<vmem>> -> memref<1x512x32xf32, #tpu.memory_space<vmem>>
    %dma_start3A_253 = tpu.memref_squeeze %dma_start3A_252 : memref<1x512x32xf32, #tpu.memory_space<vmem>> -> memref<512x32xf32, #tpu.memory_space<vmem>>
    %dma_start3A_254 = arith.constant 0 : i32
    %dma_start3A_255 = tpu.memref_slice %arg4[%dma_start3A_248, %mul3A_2, %dma_start3A_254] : memref<26x16384x32xf32, #tpu.memory_space<hbm>> -> memref<1x512x32xf32, #tpu.memory_space<hbm>>
    %dma_start3A_256 = tpu.memref_squeeze %dma_start3A_255 : memref<1x512x32xf32, #tpu.memory_space<hbm>> -> memref<512x32xf32, #tpu.memory_space<hbm>>
    %dma_start3A_257 = tpu.memref_slice %arg9[%dma_start3A_249] : memref<3x!tpu.dma_semaphore, #tpu.memory_space<semaphore_mem>> -> memref<1x!tpu.dma_semaphore, #tpu.memory_space<semaphore_mem>>
    %dma_start3A_258 = tpu.memref_squeeze %dma_start3A_257 : memref<1x!tpu.dma_semaphore, #tpu.memory_space<semaphore_mem>> -> memref<!tpu.dma_semaphore, #tpu.memory_space<semaphore_mem>>
    %dma_start3A_259 = arith.constant 0 : i32
    %dma_start3A_260 = tpu.memref_slice %arg4[%dma_start3A_248, %mul3A_2, %dma_start3A_259] : memref<26x16384x32xf32, #tpu.memory_space<hbm>> -> memref<1x512x32xf32, #tpu.memory_space<hbm>>
    %dma_start3A_261 = tpu.memref_squeeze %dma_start3A_260 : memref<1x512x32xf32, #tpu.memory_space<hbm>> -> memref<512x32xf32, #tpu.memory_space<hbm>>
    %dma_start3A_262 = arith.constant 0 : i32
    %dma_start3A_263 = arith.constant 0 : i32
    %dma_start3A_264 = tpu.memref_slice %arg7[%dma_start3A_247, %dma_start3A_262, %dma_start3A_263] : memref<3x512x32xf32, #tpu.memory_space<vmem>> -> memref<1x512x32xf32, #tpu.memory_space<vmem>>
    %dma_start3A_265 = tpu.memref_squeeze %dma_start3A_264 : memref<1x512x32xf32, #tpu.memory_space<vmem>> -> memref<512x32xf32, #tpu.memory_space<vmem>>
    tpu.enqueue_dma source(%dma_start3A_265 : memref<512x32xf32, #tpu.memory_space<vmem>>) target(%dma_start3A_261 : memref<512x32xf32, #tpu.memory_space<hbm>>) target_semaphore(%dma_start3A_258 : memref<!tpu.dma_semaphore, #tpu.memory_space<semaphore_mem>>)
    %dma_wait3A_266 = arith.constant 1 : i32
    %dma_wait3A_267 = arith.constant 1 : i32
    %dma_wait3A_268 = arith.constant 1 : i32
    %dma_wait3A_269 = arith.constant 0 : i32
    %dma_wait3A_270 = arith.constant 0 : i32
    %dma_wait3A_271 = tpu.memref_slice %arg7[%dma_wait3A_266, %dma_wait3A_269, %dma_wait3A_270] : memref<3x512x32xf32, #tpu.memory_space<vmem>> -> memref<1x512x32xf32, #tpu.memory_space<vmem>>
    %dma_wait3A_272 = tpu.memref_squeeze %dma_wait3A_271 : memref<1x512x32xf32, #tpu.memory_space<vmem>> -> memref<512x32xf32, #tpu.memory_space<vmem>>
    %dma_wait3A_273 = arith.constant 0 : i32
    %dma_wait3A_274 = tpu.memref_slice %arg4[%dma_wait3A_267, %mul3A_2, %dma_wait3A_273] : memref<26x16384x32xf32, #tpu.memory_space<hbm>> -> memref<1x512x32xf32, #tpu.memory_space<hbm>>
    %dma_wait3A_275 = tpu.memref_squeeze %dma_wait3A_274 : memref<1x512x32xf32, #tpu.memory_space<hbm>> -> memref<512x32xf32, #tpu.memory_space<hbm>>
    %dma_wait3A_276 = tpu.memref_slice %arg9[%dma_wait3A_268] : memref<3x!tpu.dma_semaphore, #tpu.memory_space<semaphore_mem>> -> memref<1x!tpu.dma_semaphore, #tpu.memory_space<semaphore_mem>>
    %dma_wait3A_277 = tpu.memref_squeeze %dma_wait3A_276 : memref<1x!tpu.dma_semaphore, #tpu.memory_space<semaphore_mem>> -> memref<!tpu.dma_semaphore, #tpu.memory_space<semaphore_mem>>
    %dma_wait3A_278 = arith.constant 0 : i32
    %dma_wait3A_279 = tpu.memref_slice %arg4[%dma_wait3A_267, %mul3A_2, %dma_wait3A_278] : memref<26x16384x32xf32, #tpu.memory_space<hbm>> -> memref<1x512x32xf32, #tpu.memory_space<hbm>>
    %dma_wait3A_280 = tpu.memref_squeeze %dma_wait3A_279 : memref<1x512x32xf32, #tpu.memory_space<hbm>> -> memref<512x32xf32, #tpu.memory_space<hbm>>
    %dma_wait3A_281 = arith.constant 0 : i32
    %dma_wait3A_282 = arith.constant 0 : i32
    %dma_wait3A_283 = tpu.memref_slice %arg7[%dma_wait3A_266, %dma_wait3A_281, %dma_wait3A_282] : memref<3x512x32xf32, #tpu.memory_space<vmem>> -> memref<1x512x32xf32, #tpu.memory_space<vmem>>
    %dma_wait3A_284 = tpu.memref_squeeze %dma_wait3A_283 : memref<1x512x32xf32, #tpu.memory_space<vmem>> -> memref<512x32xf32, #tpu.memory_space<vmem>>
    tpu.wait_dma2 semaphore(%dma_wait3A_277 : memref<!tpu.dma_semaphore, #tpu.memory_space<semaphore_mem>>) src(%dma_wait3A_284 : memref<512x32xf32, #tpu.memory_space<vmem>>) dst(%dma_wait3A_280 : memref<512x32xf32, #tpu.memory_space<hbm>>)
    %mul3A_285 = arith.constant 26 : i32
    %mul3A_286 = vector.broadcast %mul3A_285 : i32 to vector<16xi32>
    %mul3A_287 = arith.muli %iota3A, %mul3A_286 : vector<16xi32>
    %add3A_288 = arith.constant 4 : i32
    %add3A_289 = vector.broadcast %add3A_288 : i32 to vector<16xi32>
    %add3A_290 = arith.addi %mul3A_287, %add3A_289 : vector<16xi32>
    %scan3A_291 = arith.constant 0 : i32
    %scan3A_292 = arith.constant 0 : i32
    %scan3A_293 = arith.constant 32 : i32
    %scan3A_294 = arith.addi %scan3A_292, %scan3A_293 : i32
    %scan3A_295 = arith.constant 1 : i32
    scf.for %scan3A_2323 = %scan3A_292 to %scan3A_294 step %scan3A_295  : i32 {
      %mul3A_2324 = arith.constant 416 : i32
      %mul3A_2325 = arith.muli %scan3A_2323, %mul3A_2324 : i32
      %add3A_2326 = vector.broadcast %mul3A_2325 : i32 to vector<16xi32>
      %add3A_2327 = arith.addi %add3A_290, %add3A_2326 : vector<16xi32>
      %gather3A = tpu.vector_load_idx %arg5[%add3A_2327] : memref<13312xi32, #tpu.memory_space<vmem>>[vector<16xi32>], vector<16xi32>,
      %mul3A_2328 = arith.constant 16 : i32
      %mul3A_2329 = arith.muli %scan3A_2323, %mul3A_2328 : i32
      %swap3A = arith.constant 1 : i32
      %swap3A_2330 = arith.index_cast %swap3A : i32 to index
      %swap3A_2331 = arith.index_cast %mul3A_2329 : i32 to index
      %swap3A_2332 = tpu.vector_load %arg6[%swap3A_2330, %swap3A_2331] {strides = array<i32>} : memref<3x512xi32, #tpu.memory_space<vmem>>, vector<16xi32>,
      tpu.vector_store %arg6[%swap3A_2330, %swap3A_2331], %gather3A {strides = array<i32>} : memref<3x512xi32, #tpu.memory_space<vmem>>, vector<16xi32>,
    }
    %scan3A_296 = arith.constant 32 : i32
    %dma_start3A_297 = arith.constant 4 : i32
    %dma_start3A_298 = arith.constant 1 : i32
    %dma_start3A_299 = arith.constant 1 : i32
    %dma_start3A_300 = arith.constant 1 : i32
    %dma_start3A_301 = arith.constant 0 : i32
    %dma_start3A_302 = arith.constant 0 : i32
    %dma_start3A_303 = tpu.memref_slice %arg7[%dma_start3A_299, %dma_start3A_301, %dma_start3A_302] : memref<3x512x32xf32, #tpu.memory_space<vmem>> -> memref<1x512x32xf32, #tpu.memory_space<vmem>>
    %dma_start3A_304 = tpu.memref_squeeze %dma_start3A_303 : memref<1x512x32xf32, #tpu.memory_space<vmem>> -> memref<512x32xf32, #tpu.memory_space<vmem>>
    %dma_start3A_305 = arith.constant 0 : i32
    %dma_start3A_306 = tpu.memref_slice %arg6[%dma_start3A_298, %dma_start3A_305] : memref<3x512xi32, #tpu.memory_space<vmem>> -> memref<1x512xi32, #tpu.memory_space<vmem>>
    %dma_start3A_307 = tpu.memref_squeeze %dma_start3A_306 : memref<1x512xi32, #tpu.memory_space<vmem>> -> memref<512xi32, #tpu.memory_space<vmem>>
    %dma_start3A_308 = arith.constant 0 : i32
    %dma_start3A_309 = arith.constant 0 : i32
    %dma_start3A_310 = tpu.memref_slice %arg3[%dma_start3A_297, %dma_start3A_308, %dma_start3A_309] : memref<26x100000x32xf32, #tpu.memory_space<hbm>> -> memref<1x100000x32xf32, #tpu.memory_space<hbm>>
    %dma_start3A_311 = tpu.memref_squeeze %dma_start3A_310 : memref<1x100000x32xf32, #tpu.memory_space<hbm>> -> memref<100000x32xf32, #tpu.memory_space<hbm>>
    %dma_start3A_312 = arith.constant 0 : i32
    %dma_start3A_313 = arith.constant 0 : i32
    %dma_start3A_314 = tpu.memref_slice %dma_start3A_311[%dma_start3A_312, %dma_start3A_313] : memref<100000x32xf32, #tpu.memory_space<hbm>> -> memref<100000x32xf32, #tpu.memory_space<hbm>>
    %dma_start3A_315 = tpu.memref_slice %arg8[%dma_start3A_300] : memref<3x!tpu.dma_semaphore, #tpu.memory_space<semaphore_mem>> -> memref<1x!tpu.dma_semaphore, #tpu.memory_space<semaphore_mem>>
    %dma_start3A_316 = tpu.memref_squeeze %dma_start3A_315 : memref<1x!tpu.dma_semaphore, #tpu.memory_space<semaphore_mem>> -> memref<!tpu.dma_semaphore, #tpu.memory_space<semaphore_mem>>
    tpu.enqueue_indirect_dma source(%dma_start3A_314 : memref<100000x32xf32, #tpu.memory_space<hbm>>) target(%dma_start3A_304 : memref<512x32xf32, #tpu.memory_space<vmem>>) offsets(%dma_start3A_307 : memref<512xi32, #tpu.memory_space<vmem>>) semaphore(%dma_start3A_316 : memref<!tpu.dma_semaphore, #tpu.memory_space<semaphore_mem>>)
    %dma_wait3A_317 = arith.constant 3 : i32
    %dma_wait3A_318 = arith.constant 0 : i32
    %dma_wait3A_319 = arith.constant 0 : i32
    %dma_wait3A_320 = arith.constant 0 : i32
    %dma_wait3A_321 = arith.constant 0 : i32
    %dma_wait3A_322 = arith.constant 0 : i32
    %dma_wait3A_323 = tpu.memref_slice %arg7[%dma_wait3A_319, %dma_wait3A_321, %dma_wait3A_322] : memref<3x512x32xf32, #tpu.memory_space<vmem>> -> memref<1x512x32xf32, #tpu.memory_space<vmem>>
    %dma_wait3A_324 = tpu.memref_squeeze %dma_wait3A_323 : memref<1x512x32xf32, #tpu.memory_space<vmem>> -> memref<512x32xf32, #tpu.memory_space<vmem>>
    %dma_wait3A_325 = arith.constant 0 : i32
    %dma_wait3A_326 = tpu.memref_slice %arg6[%dma_wait3A_318, %dma_wait3A_325] : memref<3x512xi32, #tpu.memory_space<vmem>> -> memref<1x512xi32, #tpu.memory_space<vmem>>
    %dma_wait3A_327 = tpu.memref_squeeze %dma_wait3A_326 : memref<1x512xi32, #tpu.memory_space<vmem>> -> memref<512xi32, #tpu.memory_space<vmem>>
    %dma_wait3A_328 = arith.constant 0 : i32
    %dma_wait3A_329 = arith.constant 0 : i32
    %dma_wait3A_330 = tpu.memref_slice %arg3[%dma_wait3A_317, %dma_wait3A_328, %dma_wait3A_329] : memref<26x100000x32xf32, #tpu.memory_space<hbm>> -> memref<1x100000x32xf32, #tpu.memory_space<hbm>>
    %dma_wait3A_331 = tpu.memref_squeeze %dma_wait3A_330 : memref<1x100000x32xf32, #tpu.memory_space<hbm>> -> memref<100000x32xf32, #tpu.memory_space<hbm>>
    %dma_wait3A_332 = arith.constant 0 : i32
    %dma_wait3A_333 = arith.constant 0 : i32
    %dma_wait3A_334 = tpu.memref_slice %dma_wait3A_331[%dma_wait3A_332, %dma_wait3A_333] : memref<100000x32xf32, #tpu.memory_space<hbm>> -> memref<100000x32xf32, #tpu.memory_space<hbm>>
    %dma_wait3A_335 = tpu.memref_slice %arg8[%dma_wait3A_320] : memref<3x!tpu.dma_semaphore, #tpu.memory_space<semaphore_mem>> -> memref<1x!tpu.dma_semaphore, #tpu.memory_space<semaphore_mem>>
    %dma_wait3A_336 = tpu.memref_squeeze %dma_wait3A_335 : memref<1x!tpu.dma_semaphore, #tpu.memory_space<semaphore_mem>> -> memref<!tpu.dma_semaphore, #tpu.memory_space<semaphore_mem>>
    tpu.wait_indirect_dma semaphore(%dma_wait3A_336 : memref<!tpu.dma_semaphore, #tpu.memory_space<semaphore_mem>>) src(%dma_wait3A_334 : memref<100000x32xf32, #tpu.memory_space<hbm>>) dst(%dma_wait3A_324 : memref<512x32xf32, #tpu.memory_space<vmem>>)
    %dma_start3A_337 = arith.constant 0 : i32
    %dma_start3A_338 = arith.constant 3 : i32
    %dma_start3A_339 = arith.constant 0 : i32
    %dma_start3A_340 = arith.constant 0 : i32
    %dma_start3A_341 = arith.constant 0 : i32
    %dma_start3A_342 = tpu.memref_slice %arg7[%dma_start3A_337, %dma_start3A_340, %dma_start3A_341] : memref<3x512x32xf32, #tpu.memory_space<vmem>> -> memref<1x512x32xf32, #tpu.memory_space<vmem>>
    %dma_start3A_343 = tpu.memref_squeeze %dma_start3A_342 : memref<1x512x32xf32, #tpu.memory_space<vmem>> -> memref<512x32xf32, #tpu.memory_space<vmem>>
    %dma_start3A_344 = arith.constant 0 : i32
    %dma_start3A_345 = tpu.memref_slice %arg4[%dma_start3A_338, %mul3A_2, %dma_start3A_344] : memref<26x16384x32xf32, #tpu.memory_space<hbm>> -> memref<1x512x32xf32, #tpu.memory_space<hbm>>
    %dma_start3A_346 = tpu.memref_squeeze %dma_start3A_345 : memref<1x512x32xf32, #tpu.memory_space<hbm>> -> memref<512x32xf32, #tpu.memory_space<hbm>>
    %dma_start3A_347 = tpu.memref_slice %arg9[%dma_start3A_339] : memref<3x!tpu.dma_semaphore, #tpu.memory_space<semaphore_mem>> -> memref<1x!tpu.dma_semaphore, #tpu.memory_space<semaphore_mem>>
    %dma_start3A_348 = tpu.memref_squeeze %dma_start3A_347 : memref<1x!tpu.dma_semaphore, #tpu.memory_space<semaphore_mem>> -> memref<!tpu.dma_semaphore, #tpu.memory_space<semaphore_mem>>
    %dma_start3A_349 = arith.constant 0 : i32
    %dma_start3A_350 = tpu.memref_slice %arg4[%dma_start3A_338, %mul3A_2, %dma_start3A_349] : memref<26x16384x32xf32, #tpu.memory_space<hbm>> -> memref<1x512x32xf32, #tpu.memory_space<hbm>>
    %dma_start3A_351 = tpu.memref_squeeze %dma_start3A_350 : memref<1x512x32xf32, #tpu.memory_space<hbm>> -> memref<512x32xf32, #tpu.memory_space<hbm>>
    %dma_start3A_352 = arith.constant 0 : i32
    %dma_start3A_353 = arith.constant 0 : i32
    %dma_start3A_354 = tpu.memref_slice %arg7[%dma_start3A_337, %dma_start3A_352, %dma_start3A_353] : memref<3x512x32xf32, #tpu.memory_space<vmem>> -> memref<1x512x32xf32, #tpu.memory_space<vmem>>
    %dma_start3A_355 = tpu.memref_squeeze %dma_start3A_354 : memref<1x512x32xf32, #tpu.memory_space<vmem>> -> memref<512x32xf32, #tpu.memory_space<vmem>>
    tpu.enqueue_dma source(%dma_start3A_355 : memref<512x32xf32, #tpu.memory_space<vmem>>) target(%dma_start3A_351 : memref<512x32xf32, #tpu.memory_space<hbm>>) target_semaphore(%dma_start3A_348 : memref<!tpu.dma_semaphore, #tpu.memory_space<semaphore_mem>>)
    %dma_wait3A_356 = arith.constant 2 : i32
    %dma_wait3A_357 = arith.constant 2 : i32
    %dma_wait3A_358 = arith.constant 2 : i32
    %dma_wait3A_359 = arith.constant 0 : i32
    %dma_wait3A_360 = arith.constant 0 : i32
    %dma_wait3A_361 = tpu.memref_slice %arg7[%dma_wait3A_356, %dma_wait3A_359, %dma_wait3A_360] : memref<3x512x32xf32, #tpu.memory_space<vmem>> -> memref<1x512x32xf32, #tpu.memory_space<vmem>>
    %dma_wait3A_362 = tpu.memref_squeeze %dma_wait3A_361 : memref<1x512x32xf32, #tpu.memory_space<vmem>> -> memref<512x32xf32, #tpu.memory_space<vmem>>
    %dma_wait3A_363 = arith.constant 0 : i32
    %dma_wait3A_364 = tpu.memref_slice %arg4[%dma_wait3A_357, %mul3A_2, %dma_wait3A_363] : memref<26x16384x32xf32, #tpu.memory_space<hbm>> -> memref<1x512x32xf32, #tpu.memory_space<hbm>>
    %dma_wait3A_365 = tpu.memref_squeeze %dma_wait3A_364 : memref<1x512x32xf32, #tpu.memory_space<hbm>> -> memref<512x32xf32, #tpu.memory_space<hbm>>
    %dma_wait3A_366 = tpu.memref_slice %arg9[%dma_wait3A_358] : memref<3x!tpu.dma_semaphore, #tpu.memory_space<semaphore_mem>> -> memref<1x!tpu.dma_semaphore, #tpu.memory_space<semaphore_mem>>
    %dma_wait3A_367 = tpu.memref_squeeze %dma_wait3A_366 : memref<1x!tpu.dma_semaphore, #tpu.memory_space<semaphore_mem>> -> memref<!tpu.dma_semaphore, #tpu.memory_space<semaphore_mem>>
    %dma_wait3A_368 = arith.constant 0 : i32
    %dma_wait3A_369 = tpu.memref_slice %arg4[%dma_wait3A_357, %mul3A_2, %dma_wait3A_368] : memref<26x16384x32xf32, #tpu.memory_space<hbm>> -> memref<1x512x32xf32, #tpu.memory_space<hbm>>
    %dma_wait3A_370 = tpu.memref_squeeze %dma_wait3A_369 : memref<1x512x32xf32, #tpu.memory_space<hbm>> -> memref<512x32xf32, #tpu.memory_space<hbm>>
    %dma_wait3A_371 = arith.constant 0 : i32
    %dma_wait3A_372 = arith.constant 0 : i32
    %dma_wait3A_373 = tpu.memref_slice %arg7[%dma_wait3A_356, %dma_wait3A_371, %dma_wait3A_372] : memref<3x512x32xf32, #tpu.memory_space<vmem>> -> memref<1x512x32xf32, #tpu.memory_space<vmem>>
    %dma_wait3A_374 = tpu.memref_squeeze %dma_wait3A_373 : memref<1x512x32xf32, #tpu.memory_space<vmem>> -> memref<512x32xf32, #tpu.memory_space<vmem>>
    tpu.wait_dma2 semaphore(%dma_wait3A_367 : memref<!tpu.dma_semaphore, #tpu.memory_space<semaphore_mem>>) src(%dma_wait3A_374 : memref<512x32xf32, #tpu.memory_space<vmem>>) dst(%dma_wait3A_370 : memref<512x32xf32, #tpu.memory_space<hbm>>)
    %mul3A_375 = arith.constant 26 : i32
    %mul3A_376 = vector.broadcast %mul3A_375 : i32 to vector<16xi32>
    %mul3A_377 = arith.muli %iota3A, %mul3A_376 : vector<16xi32>
    %add3A_378 = arith.constant 5 : i32
    %add3A_379 = vector.broadcast %add3A_378 : i32 to vector<16xi32>
    %add3A_380 = arith.addi %mul3A_377, %add3A_379 : vector<16xi32>
    %scan3A_381 = arith.constant 0 : i32
    %scan3A_382 = arith.constant 0 : i32
    %scan3A_383 = arith.constant 32 : i32
    %scan3A_384 = arith.addi %scan3A_382, %scan3A_383 : i32
    %scan3A_385 = arith.constant 1 : i32
    scf.for %scan3A_2323 = %scan3A_382 to %scan3A_384 step %scan3A_385  : i32 {
      %mul3A_2324 = arith.constant 416 : i32
      %mul3A_2325 = arith.muli %scan3A_2323, %mul3A_2324 : i32
      %add3A_2326 = vector.broadcast %mul3A_2325 : i32 to vector<16xi32>
      %add3A_2327 = arith.addi %add3A_380, %add3A_2326 : vector<16xi32>
      %gather3A = tpu.vector_load_idx %arg5[%add3A_2327] : memref<13312xi32, #tpu.memory_space<vmem>>[vector<16xi32>], vector<16xi32>,
      %mul3A_2328 = arith.constant 16 : i32
      %mul3A_2329 = arith.muli %scan3A_2323, %mul3A_2328 : i32
      %swap3A = arith.constant 2 : i32
      %swap3A_2330 = arith.index_cast %swap3A : i32 to index
      %swap3A_2331 = arith.index_cast %mul3A_2329 : i32 to index
      %swap3A_2332 = tpu.vector_load %arg6[%swap3A_2330, %swap3A_2331] {strides = array<i32>} : memref<3x512xi32, #tpu.memory_space<vmem>>, vector<16xi32>,
      tpu.vector_store %arg6[%swap3A_2330, %swap3A_2331], %gather3A {strides = array<i32>} : memref<3x512xi32, #tpu.memory_space<vmem>>, vector<16xi32>,
    }
    %scan3A_386 = arith.constant 32 : i32
    %dma_start3A_387 = arith.constant 5 : i32
    %dma_start3A_388 = arith.constant 2 : i32
    %dma_start3A_389 = arith.constant 2 : i32
    %dma_start3A_390 = arith.constant 2 : i32
    %dma_start3A_391 = arith.constant 0 : i32
    %dma_start3A_392 = arith.constant 0 : i32
    %dma_start3A_393 = tpu.memref_slice %arg7[%dma_start3A_389, %dma_start3A_391, %dma_start3A_392] : memref<3x512x32xf32, #tpu.memory_space<vmem>> -> memref<1x512x32xf32, #tpu.memory_space<vmem>>
    %dma_start3A_394 = tpu.memref_squeeze %dma_start3A_393 : memref<1x512x32xf32, #tpu.memory_space<vmem>> -> memref<512x32xf32, #tpu.memory_space<vmem>>
    %dma_start3A_395 = arith.constant 0 : i32
    %dma_start3A_396 = tpu.memref_slice %arg6[%dma_start3A_388, %dma_start3A_395] : memref<3x512xi32, #tpu.memory_space<vmem>> -> memref<1x512xi32, #tpu.memory_space<vmem>>
    %dma_start3A_397 = tpu.memref_squeeze %dma_start3A_396 : memref<1x512xi32, #tpu.memory_space<vmem>> -> memref<512xi32, #tpu.memory_space<vmem>>
    %dma_start3A_398 = arith.constant 0 : i32
    %dma_start3A_399 = arith.constant 0 : i32
    %dma_start3A_400 = tpu.memref_slice %arg3[%dma_start3A_387, %dma_start3A_398, %dma_start3A_399] : memref<26x100000x32xf32, #tpu.memory_space<hbm>> -> memref<1x100000x32xf32, #tpu.memory_space<hbm>>
    %dma_start3A_401 = tpu.memref_squeeze %dma_start3A_400 : memref<1x100000x32xf32, #tpu.memory_space<hbm>> -> memref<100000x32xf32, #tpu.memory_space<hbm>>
    %dma_start3A_402 = arith.constant 0 : i32
    %dma_start3A_403 = arith.constant 0 : i32
    %dma_start3A_404 = tpu.memref_slice %dma_start3A_401[%dma_start3A_402, %dma_start3A_403] : memref<100000x32xf32, #tpu.memory_space<hbm>> -> memref<100000x32xf32, #tpu.memory_space<hbm>>
    %dma_start3A_405 = tpu.memref_slice %arg8[%dma_start3A_390] : memref<3x!tpu.dma_semaphore, #tpu.memory_space<semaphore_mem>> -> memref<1x!tpu.dma_semaphore, #tpu.memory_space<semaphore_mem>>
    %dma_start3A_406 = tpu.memref_squeeze %dma_start3A_405 : memref<1x!tpu.dma_semaphore, #tpu.memory_space<semaphore_mem>> -> memref<!tpu.dma_semaphore, #tpu.memory_space<semaphore_mem>>
    tpu.enqueue_indirect_dma source(%dma_start3A_404 : memref<100000x32xf32, #tpu.memory_space<hbm>>) target(%dma_start3A_394 : memref<512x32xf32, #tpu.memory_space<vmem>>) offsets(%dma_start3A_397 : memref<512xi32, #tpu.memory_space<vmem>>) semaphore(%dma_start3A_406 : memref<!tpu.dma_semaphore, #tpu.memory_space<semaphore_mem>>)
    %dma_wait3A_407 = arith.constant 4 : i32
    %dma_wait3A_408 = arith.constant 1 : i32
    %dma_wait3A_409 = arith.constant 1 : i32
    %dma_wait3A_410 = arith.constant 1 : i32
    %dma_wait3A_411 = arith.constant 0 : i32
    %dma_wait3A_412 = arith.constant 0 : i32
    %dma_wait3A_413 = tpu.memref_slice %arg7[%dma_wait3A_409, %dma_wait3A_411, %dma_wait3A_412] : memref<3x512x32xf32, #tpu.memory_space<vmem>> -> memref<1x512x32xf32, #tpu.memory_space<vmem>>
    %dma_wait3A_414 = tpu.memref_squeeze %dma_wait3A_413 : memref<1x512x32xf32, #tpu.memory_space<vmem>> -> memref<512x32xf32, #tpu.memory_space<vmem>>
    %dma_wait3A_415 = arith.constant 0 : i32
    %dma_wait3A_416 = tpu.memref_slice %arg6[%dma_wait3A_408, %dma_wait3A_415] : memref<3x512xi32, #tpu.memory_space<vmem>> -> memref<1x512xi32, #tpu.memory_space<vmem>>
    %dma_wait3A_417 = tpu.memref_squeeze %dma_wait3A_416 : memref<1x512xi32, #tpu.memory_space<vmem>> -> memref<512xi32, #tpu.memory_space<vmem>>
    %dma_wait3A_418 = arith.constant 0 : i32
    %dma_wait3A_419 = arith.constant 0 : i32
    %dma_wait3A_420 = tpu.memref_slice %arg3[%dma_wait3A_407, %dma_wait3A_418, %dma_wait3A_419] : memref<26x100000x32xf32, #tpu.memory_space<hbm>> -> memref<1x100000x32xf32, #tpu.memory_space<hbm>>
    %dma_wait3A_421 = tpu.memref_squeeze %dma_wait3A_420 : memref<1x100000x32xf32, #tpu.memory_space<hbm>> -> memref<100000x32xf32, #tpu.memory_space<hbm>>
    %dma_wait3A_422 = arith.constant 0 : i32
    %dma_wait3A_423 = arith.constant 0 : i32
    %dma_wait3A_424 = tpu.memref_slice %dma_wait3A_421[%dma_wait3A_422, %dma_wait3A_423] : memref<100000x32xf32, #tpu.memory_space<hbm>> -> memref<100000x32xf32, #tpu.memory_space<hbm>>
    %dma_wait3A_425 = tpu.memref_slice %arg8[%dma_wait3A_410] : memref<3x!tpu.dma_semaphore, #tpu.memory_space<semaphore_mem>> -> memref<1x!tpu.dma_semaphore, #tpu.memory_space<semaphore_mem>>
    %dma_wait3A_426 = tpu.memref_squeeze %dma_wait3A_425 : memref<1x!tpu.dma_semaphore, #tpu.memory_space<semaphore_mem>> -> memref<!tpu.dma_semaphore, #tpu.memory_space<semaphore_mem>>
    tpu.wait_indirect_dma semaphore(%dma_wait3A_426 : memref<!tpu.dma_semaphore, #tpu.memory_space<semaphore_mem>>) src(%dma_wait3A_424 : memref<100000x32xf32, #tpu.memory_space<hbm>>) dst(%dma_wait3A_414 : memref<512x32xf32, #tpu.memory_space<vmem>>)
    %dma_start3A_427 = arith.constant 1 : i32
    %dma_start3A_428 = arith.constant 4 : i32
    %dma_start3A_429 = arith.constant 1 : i32
    %dma_start3A_430 = arith.constant 0 : i32
    %dma_start3A_431 = arith.constant 0 : i32
    %dma_start3A_432 = tpu.memref_slice %arg7[%dma_start3A_427, %dma_start3A_430, %dma_start3A_431] : memref<3x512x32xf32, #tpu.memory_space<vmem>> -> memref<1x512x32xf32, #tpu.memory_space<vmem>>
    %dma_start3A_433 = tpu.memref_squeeze %dma_start3A_432 : memref<1x512x32xf32, #tpu.memory_space<vmem>> -> memref<512x32xf32, #tpu.memory_space<vmem>>
    %dma_start3A_434 = arith.constant 0 : i32
    %dma_start3A_435 = tpu.memref_slice %arg4[%dma_start3A_428, %mul3A_2, %dma_start3A_434] : memref<26x16384x32xf32, #tpu.memory_space<hbm>> -> memref<1x512x32xf32, #tpu.memory_space<hbm>>
    %dma_start3A_436 = tpu.memref_squeeze %dma_start3A_435 : memref<1x512x32xf32, #tpu.memory_space<hbm>> -> memref<512x32xf32, #tpu.memory_space<hbm>>
    %dma_start3A_437 = tpu.memref_slice %arg9[%dma_start3A_429] : memref<3x!tpu.dma_semaphore, #tpu.memory_space<semaphore_mem>> -> memref<1x!tpu.dma_semaphore, #tpu.memory_space<semaphore_mem>>
    %dma_start3A_438 = tpu.memref_squeeze %dma_start3A_437 : memref<1x!tpu.dma_semaphore, #tpu.memory_space<semaphore_mem>> -> memref<!tpu.dma_semaphore, #tpu.memory_space<semaphore_mem>>
    %dma_start3A_439 = arith.constant 0 : i32
    %dma_start3A_440 = tpu.memref_slice %arg4[%dma_start3A_428, %mul3A_2, %dma_start3A_439] : memref<26x16384x32xf32, #tpu.memory_space<hbm>> -> memref<1x512x32xf32, #tpu.memory_space<hbm>>
    %dma_start3A_441 = tpu.memref_squeeze %dma_start3A_440 : memref<1x512x32xf32, #tpu.memory_space<hbm>> -> memref<512x32xf32, #tpu.memory_space<hbm>>
    %dma_start3A_442 = arith.constant 0 : i32
    %dma_start3A_443 = arith.constant 0 : i32
    %dma_start3A_444 = tpu.memref_slice %arg7[%dma_start3A_427, %dma_start3A_442, %dma_start3A_443] : memref<3x512x32xf32, #tpu.memory_space<vmem>> -> memref<1x512x32xf32, #tpu.memory_space<vmem>>
    %dma_start3A_445 = tpu.memref_squeeze %dma_start3A_444 : memref<1x512x32xf32, #tpu.memory_space<vmem>> -> memref<512x32xf32, #tpu.memory_space<vmem>>
    tpu.enqueue_dma source(%dma_start3A_445 : memref<512x32xf32, #tpu.memory_space<vmem>>) target(%dma_start3A_441 : memref<512x32xf32, #tpu.memory_space<hbm>>) target_semaphore(%dma_start3A_438 : memref<!tpu.dma_semaphore, #tpu.memory_space<semaphore_mem>>)
    %dma_wait3A_446 = arith.constant 0 : i32
    %dma_wait3A_447 = arith.constant 3 : i32
    %dma_wait3A_448 = arith.constant 0 : i32
    %dma_wait3A_449 = arith.constant 0 : i32
    %dma_wait3A_450 = arith.constant 0 : i32
    %dma_wait3A_451 = tpu.memref_slice %arg7[%dma_wait3A_446, %dma_wait3A_449, %dma_wait3A_450] : memref<3x512x32xf32, #tpu.memory_space<vmem>> -> memref<1x512x32xf32, #tpu.memory_space<vmem>>
    %dma_wait3A_452 = tpu.memref_squeeze %dma_wait3A_451 : memref<1x512x32xf32, #tpu.memory_space<vmem>> -> memref<512x32xf32, #tpu.memory_space<vmem>>
    %dma_wait3A_453 = arith.constant 0 : i32
    %dma_wait3A_454 = tpu.memref_slice %arg4[%dma_wait3A_447, %mul3A_2, %dma_wait3A_453] : memref<26x16384x32xf32, #tpu.memory_space<hbm>> -> memref<1x512x32xf32, #tpu.memory_space<hbm>>
    %dma_wait3A_455 = tpu.memref_squeeze %dma_wait3A_454 : memref<1x512x32xf32, #tpu.memory_space<hbm>> -> memref<512x32xf32, #tpu.memory_space<hbm>>
    %dma_wait3A_456 = tpu.memref_slice %arg9[%dma_wait3A_448] : memref<3x!tpu.dma_semaphore, #tpu.memory_space<semaphore_mem>> -> memref<1x!tpu.dma_semaphore, #tpu.memory_space<semaphore_mem>>
    %dma_wait3A_457 = tpu.memref_squeeze %dma_wait3A_456 : memref<1x!tpu.dma_semaphore, #tpu.memory_space<semaphore_mem>> -> memref<!tpu.dma_semaphore, #tpu.memory_space<semaphore_mem>>
    %dma_wait3A_458 = arith.constant 0 : i32
    %dma_wait3A_459 = tpu.memref_slice %arg4[%dma_wait3A_447, %mul3A_2, %dma_wait3A_458] : memref<26x16384x32xf32, #tpu.memory_space<hbm>> -> memref<1x512x32xf32, #tpu.memory_space<hbm>>
    %dma_wait3A_460 = tpu.memref_squeeze %dma_wait3A_459 : memref<1x512x32xf32, #tpu.memory_space<hbm>> -> memref<512x32xf32, #tpu.memory_space<hbm>>
    %dma_wait3A_461 = arith.constant 0 : i32
    %dma_wait3A_462 = arith.constant 0 : i32
    %dma_wait3A_463 = tpu.memref_slice %arg7[%dma_wait3A_446, %dma_wait3A_461, %dma_wait3A_462] : memref<3x512x32xf32, #tpu.memory_space<vmem>> -> memref<1x512x32xf32, #tpu.memory_space<vmem>>
    %dma_wait3A_464 = tpu.memref_squeeze %dma_wait3A_463 : memref<1x512x32xf32, #tpu.memory_space<vmem>> -> memref<512x32xf32, #tpu.memory_space<vmem>>
    tpu.wait_dma2 semaphore(%dma_wait3A_457 : memref<!tpu.dma_semaphore, #tpu.memory_space<semaphore_mem>>) src(%dma_wait3A_464 : memref<512x32xf32, #tpu.memory_space<vmem>>) dst(%dma_wait3A_460 : memref<512x32xf32, #tpu.memory_space<hbm>>)
    %mul3A_465 = arith.constant 26 : i32
    %mul3A_466 = vector.broadcast %mul3A_465 : i32 to vector<16xi32>
    %mul3A_467 = arith.muli %iota3A, %mul3A_466 : vector<16xi32>
    %add3A_468 = arith.constant 6 : i32
    %add3A_469 = vector.broadcast %add3A_468 : i32 to vector<16xi32>
    %add3A_470 = arith.addi %mul3A_467, %add3A_469 : vector<16xi32>
    %scan3A_471 = arith.constant 0 : i32
    %scan3A_472 = arith.constant 0 : i32
    %scan3A_473 = arith.constant 32 : i32
    %scan3A_474 = arith.addi %scan3A_472, %scan3A_473 : i32
    %scan3A_475 = arith.constant 1 : i32
    scf.for %scan3A_2323 = %scan3A_472 to %scan3A_474 step %scan3A_475  : i32 {
      %mul3A_2324 = arith.constant 416 : i32
      %mul3A_2325 = arith.muli %scan3A_2323, %mul3A_2324 : i32
      %add3A_2326 = vector.broadcast %mul3A_2325 : i32 to vector<16xi32>
      %add3A_2327 = arith.addi %add3A_470, %add3A_2326 : vector<16xi32>
      %gather3A = tpu.vector_load_idx %arg5[%add3A_2327] : memref<13312xi32, #tpu.memory_space<vmem>>[vector<16xi32>], vector<16xi32>,
      %mul3A_2328 = arith.constant 16 : i32
      %mul3A_2329 = arith.muli %scan3A_2323, %mul3A_2328 : i32
      %swap3A = arith.constant 0 : i32
      %swap3A_2330 = arith.index_cast %swap3A : i32 to index
      %swap3A_2331 = arith.index_cast %mul3A_2329 : i32 to index
      %swap3A_2332 = tpu.vector_load %arg6[%swap3A_2330, %swap3A_2331] {strides = array<i32>} : memref<3x512xi32, #tpu.memory_space<vmem>>, vector<16xi32>,
      tpu.vector_store %arg6[%swap3A_2330, %swap3A_2331], %gather3A {strides = array<i32>} : memref<3x512xi32, #tpu.memory_space<vmem>>, vector<16xi32>,
    }
    %scan3A_476 = arith.constant 32 : i32
    %dma_start3A_477 = arith.constant 6 : i32
    %dma_start3A_478 = arith.constant 0 : i32
    %dma_start3A_479 = arith.constant 0 : i32
    %dma_start3A_480 = arith.constant 0 : i32
    %dma_start3A_481 = arith.constant 0 : i32
    %dma_start3A_482 = arith.constant 0 : i32
    %dma_start3A_483 = tpu.memref_slice %arg7[%dma_start3A_479, %dma_start3A_481, %dma_start3A_482] : memref<3x512x32xf32, #tpu.memory_space<vmem>> -> memref<1x512x32xf32, #tpu.memory_space<vmem>>
    %dma_start3A_484 = tpu.memref_squeeze %dma_start3A_483 : memref<1x512x32xf32, #tpu.memory_space<vmem>> -> memref<512x32xf32, #tpu.memory_space<vmem>>
    %dma_start3A_485 = arith.constant 0 : i32
    %dma_start3A_486 = tpu.memref_slice %arg6[%dma_start3A_478, %dma_start3A_485] : memref<3x512xi32, #tpu.memory_space<vmem>> -> memref<1x512xi32, #tpu.memory_space<vmem>>
    %dma_start3A_487 = tpu.memref_squeeze %dma_start3A_486 : memref<1x512xi32, #tpu.memory_space<vmem>> -> memref<512xi32, #tpu.memory_space<vmem>>
    %dma_start3A_488 = arith.constant 0 : i32
    %dma_start3A_489 = arith.constant 0 : i32
    %dma_start3A_490 = tpu.memref_slice %arg3[%dma_start3A_477, %dma_start3A_488, %dma_start3A_489] : memref<26x100000x32xf32, #tpu.memory_space<hbm>> -> memref<1x100000x32xf32, #tpu.memory_space<hbm>>
    %dma_start3A_491 = tpu.memref_squeeze %dma_start3A_490 : memref<1x100000x32xf32, #tpu.memory_space<hbm>> -> memref<100000x32xf32, #tpu.memory_space<hbm>>
    %dma_start3A_492 = arith.constant 0 : i32
    %dma_start3A_493 = arith.constant 0 : i32
    %dma_start3A_494 = tpu.memref_slice %dma_start3A_491[%dma_start3A_492, %dma_start3A_493] : memref<100000x32xf32, #tpu.memory_space<hbm>> -> memref<100000x32xf32, #tpu.memory_space<hbm>>
    %dma_start3A_495 = tpu.memref_slice %arg8[%dma_start3A_480] : memref<3x!tpu.dma_semaphore, #tpu.memory_space<semaphore_mem>> -> memref<1x!tpu.dma_semaphore, #tpu.memory_space<semaphore_mem>>
    %dma_start3A_496 = tpu.memref_squeeze %dma_start3A_495 : memref<1x!tpu.dma_semaphore, #tpu.memory_space<semaphore_mem>> -> memref<!tpu.dma_semaphore, #tpu.memory_space<semaphore_mem>>
    tpu.enqueue_indirect_dma source(%dma_start3A_494 : memref<100000x32xf32, #tpu.memory_space<hbm>>) target(%dma_start3A_484 : memref<512x32xf32, #tpu.memory_space<vmem>>) offsets(%dma_start3A_487 : memref<512xi32, #tpu.memory_space<vmem>>) semaphore(%dma_start3A_496 : memref<!tpu.dma_semaphore, #tpu.memory_space<semaphore_mem>>)
    %dma_wait3A_497 = arith.constant 5 : i32
    %dma_wait3A_498 = arith.constant 2 : i32
    %dma_wait3A_499 = arith.constant 2 : i32
    %dma_wait3A_500 = arith.constant 2 : i32
    %dma_wait3A_501 = arith.constant 0 : i32
    %dma_wait3A_502 = arith.constant 0 : i32
    %dma_wait3A_503 = tpu.memref_slice %arg7[%dma_wait3A_499, %dma_wait3A_501, %dma_wait3A_502] : memref<3x512x32xf32, #tpu.memory_space<vmem>> -> memref<1x512x32xf32, #tpu.memory_space<vmem>>
    %dma_wait3A_504 = tpu.memref_squeeze %dma_wait3A_503 : memref<1x512x32xf32, #tpu.memory_space<vmem>> -> memref<512x32xf32, #tpu.memory_space<vmem>>
    %dma_wait3A_505 = arith.constant 0 : i32
    %dma_wait3A_506 = tpu.memref_slice %arg6[%dma_wait3A_498, %dma_wait3A_505] : memref<3x512xi32, #tpu.memory_space<vmem>> -> memref<1x512xi32, #tpu.memory_space<vmem>>
    %dma_wait3A_507 = tpu.memref_squeeze %dma_wait3A_506 : memref<1x512xi32, #tpu.memory_space<vmem>> -> memref<512xi32, #tpu.memory_space<vmem>>
    %dma_wait3A_508 = arith.constant 0 : i32
    %dma_wait3A_509 = arith.constant 0 : i32
    %dma_wait3A_510 = tpu.memref_slice %arg3[%dma_wait3A_497, %dma_wait3A_508, %dma_wait3A_509] : memref<26x100000x32xf32, #tpu.memory_space<hbm>> -> memref<1x100000x32xf32, #tpu.memory_space<hbm>>
    %dma_wait3A_511 = tpu.memref_squeeze %dma_wait3A_510 : memref<1x100000x32xf32, #tpu.memory_space<hbm>> -> memref<100000x32xf32, #tpu.memory_space<hbm>>
    %dma_wait3A_512 = arith.constant 0 : i32
    %dma_wait3A_513 = arith.constant 0 : i32
    %dma_wait3A_514 = tpu.memref_slice %dma_wait3A_511[%dma_wait3A_512, %dma_wait3A_513] : memref<100000x32xf32, #tpu.memory_space<hbm>> -> memref<100000x32xf32, #tpu.memory_space<hbm>>
    %dma_wait3A_515 = tpu.memref_slice %arg8[%dma_wait3A_500] : memref<3x!tpu.dma_semaphore, #tpu.memory_space<semaphore_mem>> -> memref<1x!tpu.dma_semaphore, #tpu.memory_space<semaphore_mem>>
    %dma_wait3A_516 = tpu.memref_squeeze %dma_wait3A_515 : memref<1x!tpu.dma_semaphore, #tpu.memory_space<semaphore_mem>> -> memref<!tpu.dma_semaphore, #tpu.memory_space<semaphore_mem>>
    tpu.wait_indirect_dma semaphore(%dma_wait3A_516 : memref<!tpu.dma_semaphore, #tpu.memory_space<semaphore_mem>>) src(%dma_wait3A_514 : memref<100000x32xf32, #tpu.memory_space<hbm>>) dst(%dma_wait3A_504 : memref<512x32xf32, #tpu.memory_space<vmem>>)
    %dma_start3A_517 = arith.constant 2 : i32
    %dma_start3A_518 = arith.constant 5 : i32
    %dma_start3A_519 = arith.constant 2 : i32
    %dma_start3A_520 = arith.constant 0 : i32
    %dma_start3A_521 = arith.constant 0 : i32
    %dma_start3A_522 = tpu.memref_slice %arg7[%dma_start3A_517, %dma_start3A_520, %dma_start3A_521] : memref<3x512x32xf32, #tpu.memory_space<vmem>> -> memref<1x512x32xf32, #tpu.memory_space<vmem>>
    %dma_start3A_523 = tpu.memref_squeeze %dma_start3A_522 : memref<1x512x32xf32, #tpu.memory_space<vmem>> -> memref<512x32xf32, #tpu.memory_space<vmem>>
    %dma_start3A_524 = arith.constant 0 : i32
    %dma_start3A_525 = tpu.memref_slice %arg4[%dma_start3A_518, %mul3A_2, %dma_start3A_524] : memref<26x16384x32xf32, #tpu.memory_space<hbm>> -> memref<1x512x32xf32, #tpu.memory_space<hbm>>
    %dma_start3A_526 = tpu.memref_squeeze %dma_start3A_525 : memref<1x512x32xf32, #tpu.memory_space<hbm>> -> memref<512x32xf32, #tpu.memory_space<hbm>>
    %dma_start3A_527 = tpu.memref_slice %arg9[%dma_start3A_519] : memref<3x!tpu.dma_semaphore, #tpu.memory_space<semaphore_mem>> -> memref<1x!tpu.dma_semaphore, #tpu.memory_space<semaphore_mem>>
    %dma_start3A_528 = tpu.memref_squeeze %dma_start3A_527 : memref<1x!tpu.dma_semaphore, #tpu.memory_space<semaphore_mem>> -> memref<!tpu.dma_semaphore, #tpu.memory_space<semaphore_mem>>
    %dma_start3A_529 = arith.constant 0 : i32
    %dma_start3A_530 = tpu.memref_slice %arg4[%dma_start3A_518, %mul3A_2, %dma_start3A_529] : memref<26x16384x32xf32, #tpu.memory_space<hbm>> -> memref<1x512x32xf32, #tpu.memory_space<hbm>>
    %dma_start3A_531 = tpu.memref_squeeze %dma_start3A_530 : memref<1x512x32xf32, #tpu.memory_space<hbm>> -> memref<512x32xf32, #tpu.memory_space<hbm>>
    %dma_start3A_532 = arith.constant 0 : i32
    %dma_start3A_533 = arith.constant 0 : i32
    %dma_start3A_534 = tpu.memref_slice %arg7[%dma_start3A_517, %dma_start3A_532, %dma_start3A_533] : memref<3x512x32xf32, #tpu.memory_space<vmem>> -> memref<1x512x32xf32, #tpu.memory_space<vmem>>
    %dma_start3A_535 = tpu.memref_squeeze %dma_start3A_534 : memref<1x512x32xf32, #tpu.memory_space<vmem>> -> memref<512x32xf32, #tpu.memory_space<vmem>>
    tpu.enqueue_dma source(%dma_start3A_535 : memref<512x32xf32, #tpu.memory_space<vmem>>) target(%dma_start3A_531 : memref<512x32xf32, #tpu.memory_space<hbm>>) target_semaphore(%dma_start3A_528 : memref<!tpu.dma_semaphore, #tpu.memory_space<semaphore_mem>>)
    %dma_wait3A_536 = arith.constant 1 : i32
    %dma_wait3A_537 = arith.constant 4 : i32
    %dma_wait3A_538 = arith.constant 1 : i32
    %dma_wait3A_539 = arith.constant 0 : i32
    %dma_wait3A_540 = arith.constant 0 : i32
    %dma_wait3A_541 = tpu.memref_slice %arg7[%dma_wait3A_536, %dma_wait3A_539, %dma_wait3A_540] : memref<3x512x32xf32, #tpu.memory_space<vmem>> -> memref<1x512x32xf32, #tpu.memory_space<vmem>>
    %dma_wait3A_542 = tpu.memref_squeeze %dma_wait3A_541 : memref<1x512x32xf32, #tpu.memory_space<vmem>> -> memref<512x32xf32, #tpu.memory_space<vmem>>
    %dma_wait3A_543 = arith.constant 0 : i32
    %dma_wait3A_544 = tpu.memref_slice %arg4[%dma_wait3A_537, %mul3A_2, %dma_wait3A_543] : memref<26x16384x32xf32, #tpu.memory_space<hbm>> -> memref<1x512x32xf32, #tpu.memory_space<hbm>>
    %dma_wait3A_545 = tpu.memref_squeeze %dma_wait3A_544 : memref<1x512x32xf32, #tpu.memory_space<hbm>> -> memref<512x32xf32, #tpu.memory_space<hbm>>
    %dma_wait3A_546 = tpu.memref_slice %arg9[%dma_wait3A_538] : memref<3x!tpu.dma_semaphore, #tpu.memory_space<semaphore_mem>> -> memref<1x!tpu.dma_semaphore, #tpu.memory_space<semaphore_mem>>
    %dma_wait3A_547 = tpu.memref_squeeze %dma_wait3A_546 : memref<1x!tpu.dma_semaphore, #tpu.memory_space<semaphore_mem>> -> memref<!tpu.dma_semaphore, #tpu.memory_space<semaphore_mem>>
    %dma_wait3A_548 = arith.constant 0 : i32
    %dma_wait3A_549 = tpu.memref_slice %arg4[%dma_wait3A_537, %mul3A_2, %dma_wait3A_548] : memref<26x16384x32xf32, #tpu.memory_space<hbm>> -> memref<1x512x32xf32, #tpu.memory_space<hbm>>
    %dma_wait3A_550 = tpu.memref_squeeze %dma_wait3A_549 : memref<1x512x32xf32, #tpu.memory_space<hbm>> -> memref<512x32xf32, #tpu.memory_space<hbm>>
    %dma_wait3A_551 = arith.constant 0 : i32
    %dma_wait3A_552 = arith.constant 0 : i32
    %dma_wait3A_553 = tpu.memref_slice %arg7[%dma_wait3A_536, %dma_wait3A_551, %dma_wait3A_552] : memref<3x512x32xf32, #tpu.memory_space<vmem>> -> memref<1x512x32xf32, #tpu.memory_space<vmem>>
    %dma_wait3A_554 = tpu.memref_squeeze %dma_wait3A_553 : memref<1x512x32xf32, #tpu.memory_space<vmem>> -> memref<512x32xf32, #tpu.memory_space<vmem>>
    tpu.wait_dma2 semaphore(%dma_wait3A_547 : memref<!tpu.dma_semaphore, #tpu.memory_space<semaphore_mem>>) src(%dma_wait3A_554 : memref<512x32xf32, #tpu.memory_space<vmem>>) dst(%dma_wait3A_550 : memref<512x32xf32, #tpu.memory_space<hbm>>)
    %mul3A_555 = arith.constant 26 : i32
    %mul3A_556 = vector.broadcast %mul3A_555 : i32 to vector<16xi32>
    %mul3A_557 = arith.muli %iota3A, %mul3A_556 : vector<16xi32>
    %add3A_558 = arith.constant 7 : i32
    %add3A_559 = vector.broadcast %add3A_558 : i32 to vector<16xi32>
    %add3A_560 = arith.addi %mul3A_557, %add3A_559 : vector<16xi32>
    %scan3A_561 = arith.constant 0 : i32
    %scan3A_562 = arith.constant 0 : i32
    %scan3A_563 = arith.constant 32 : i32
    %scan3A_564 = arith.addi %scan3A_562, %scan3A_563 : i32
    %scan3A_565 = arith.constant 1 : i32
    scf.for %scan3A_2323 = %scan3A_562 to %scan3A_564 step %scan3A_565  : i32 {
      %mul3A_2324 = arith.constant 416 : i32
      %mul3A_2325 = arith.muli %scan3A_2323, %mul3A_2324 : i32
      %add3A_2326 = vector.broadcast %mul3A_2325 : i32 to vector<16xi32>
      %add3A_2327 = arith.addi %add3A_560, %add3A_2326 : vector<16xi32>
      %gather3A = tpu.vector_load_idx %arg5[%add3A_2327] : memref<13312xi32, #tpu.memory_space<vmem>>[vector<16xi32>], vector<16xi32>,
      %mul3A_2328 = arith.constant 16 : i32
      %mul3A_2329 = arith.muli %scan3A_2323, %mul3A_2328 : i32
      %swap3A = arith.constant 1 : i32
      %swap3A_2330 = arith.index_cast %swap3A : i32 to index
      %swap3A_2331 = arith.index_cast %mul3A_2329 : i32 to index
      %swap3A_2332 = tpu.vector_load %arg6[%swap3A_2330, %swap3A_2331] {strides = array<i32>} : memref<3x512xi32, #tpu.memory_space<vmem>>, vector<16xi32>,
      tpu.vector_store %arg6[%swap3A_2330, %swap3A_2331], %gather3A {strides = array<i32>} : memref<3x512xi32, #tpu.memory_space<vmem>>, vector<16xi32>,
    }
    %scan3A_566 = arith.constant 32 : i32
    %dma_start3A_567 = arith.constant 7 : i32
    %dma_start3A_568 = arith.constant 1 : i32
    %dma_start3A_569 = arith.constant 1 : i32
    %dma_start3A_570 = arith.constant 1 : i32
    %dma_start3A_571 = arith.constant 0 : i32
    %dma_start3A_572 = arith.constant 0 : i32
    %dma_start3A_573 = tpu.memref_slice %arg7[%dma_start3A_569, %dma_start3A_571, %dma_start3A_572] : memref<3x512x32xf32, #tpu.memory_space<vmem>> -> memref<1x512x32xf32, #tpu.memory_space<vmem>>
    %dma_start3A_574 = tpu.memref_squeeze %dma_start3A_573 : memref<1x512x32xf32, #tpu.memory_space<vmem>> -> memref<512x32xf32, #tpu.memory_space<vmem>>
    %dma_start3A_575 = arith.constant 0 : i32
    %dma_start3A_576 = tpu.memref_slice %arg6[%dma_start3A_568, %dma_start3A_575] : memref<3x512xi32, #tpu.memory_space<vmem>> -> memref<1x512xi32, #tpu.memory_space<vmem>>
    %dma_start3A_577 = tpu.memref_squeeze %dma_start3A_576 : memref<1x512xi32, #tpu.memory_space<vmem>> -> memref<512xi32, #tpu.memory_space<vmem>>
    %dma_start3A_578 = arith.constant 0 : i32
    %dma_start3A_579 = arith.constant 0 : i32
    %dma_start3A_580 = tpu.memref_slice %arg3[%dma_start3A_567, %dma_start3A_578, %dma_start3A_579] : memref<26x100000x32xf32, #tpu.memory_space<hbm>> -> memref<1x100000x32xf32, #tpu.memory_space<hbm>>
    %dma_start3A_581 = tpu.memref_squeeze %dma_start3A_580 : memref<1x100000x32xf32, #tpu.memory_space<hbm>> -> memref<100000x32xf32, #tpu.memory_space<hbm>>
    %dma_start3A_582 = arith.constant 0 : i32
    %dma_start3A_583 = arith.constant 0 : i32
    %dma_start3A_584 = tpu.memref_slice %dma_start3A_581[%dma_start3A_582, %dma_start3A_583] : memref<100000x32xf32, #tpu.memory_space<hbm>> -> memref<100000x32xf32, #tpu.memory_space<hbm>>
    %dma_start3A_585 = tpu.memref_slice %arg8[%dma_start3A_570] : memref<3x!tpu.dma_semaphore, #tpu.memory_space<semaphore_mem>> -> memref<1x!tpu.dma_semaphore, #tpu.memory_space<semaphore_mem>>
    %dma_start3A_586 = tpu.memref_squeeze %dma_start3A_585 : memref<1x!tpu.dma_semaphore, #tpu.memory_space<semaphore_mem>> -> memref<!tpu.dma_semaphore, #tpu.memory_space<semaphore_mem>>
    tpu.enqueue_indirect_dma source(%dma_start3A_584 : memref<100000x32xf32, #tpu.memory_space<hbm>>) target(%dma_start3A_574 : memref<512x32xf32, #tpu.memory_space<vmem>>) offsets(%dma_start3A_577 : memref<512xi32, #tpu.memory_space<vmem>>) semaphore(%dma_start3A_586 : memref<!tpu.dma_semaphore, #tpu.memory_space<semaphore_mem>>)
    %dma_wait3A_587 = arith.constant 6 : i32
    %dma_wait3A_588 = arith.constant 0 : i32
    %dma_wait3A_589 = arith.constant 0 : i32
    %dma_wait3A_590 = arith.constant 0 : i32
    %dma_wait3A_591 = arith.constant 0 : i32
    %dma_wait3A_592 = arith.constant 0 : i32
    %dma_wait3A_593 = tpu.memref_slice %arg7[%dma_wait3A_589, %dma_wait3A_591, %dma_wait3A_592] : memref<3x512x32xf32, #tpu.memory_space<vmem>> -> memref<1x512x32xf32, #tpu.memory_space<vmem>>
    %dma_wait3A_594 = tpu.memref_squeeze %dma_wait3A_593 : memref<1x512x32xf32, #tpu.memory_space<vmem>> -> memref<512x32xf32, #tpu.memory_space<vmem>>
    %dma_wait3A_595 = arith.constant 0 : i32
    %dma_wait3A_596 = tpu.memref_slice %arg6[%dma_wait3A_588, %dma_wait3A_595] : memref<3x512xi32, #tpu.memory_space<vmem>> -> memref<1x512xi32, #tpu.memory_space<vmem>>
    %dma_wait3A_597 = tpu.memref_squeeze %dma_wait3A_596 : memref<1x512xi32, #tpu.memory_space<vmem>> -> memref<512xi32, #tpu.memory_space<vmem>>
    %dma_wait3A_598 = arith.constant 0 : i32
    %dma_wait3A_599 = arith.constant 0 : i32
    %dma_wait3A_600 = tpu.memref_slice %arg3[%dma_wait3A_587, %dma_wait3A_598, %dma_wait3A_599] : memref<26x100000x32xf32, #tpu.memory_space<hbm>> -> memref<1x100000x32xf32, #tpu.memory_space<hbm>>
    %dma_wait3A_601 = tpu.memref_squeeze %dma_wait3A_600 : memref<1x100000x32xf32, #tpu.memory_space<hbm>> -> memref<100000x32xf32, #tpu.memory_space<hbm>>
    %dma_wait3A_602 = arith.constant 0 : i32
    %dma_wait3A_603 = arith.constant 0 : i32
    %dma_wait3A_604 = tpu.memref_slice %dma_wait3A_601[%dma_wait3A_602, %dma_wait3A_603] : memref<100000x32xf32, #tpu.memory_space<hbm>> -> memref<100000x32xf32, #tpu.memory_space<hbm>>
    %dma_wait3A_605 = tpu.memref_slice %arg8[%dma_wait3A_590] : memref<3x!tpu.dma_semaphore, #tpu.memory_space<semaphore_mem>> -> memref<1x!tpu.dma_semaphore, #tpu.memory_space<semaphore_mem>>
    %dma_wait3A_606 = tpu.memref_squeeze %dma_wait3A_605 : memref<1x!tpu.dma_semaphore, #tpu.memory_space<semaphore_mem>> -> memref<!tpu.dma_semaphore, #tpu.memory_space<semaphore_mem>>
    tpu.wait_indirect_dma semaphore(%dma_wait3A_606 : memref<!tpu.dma_semaphore, #tpu.memory_space<semaphore_mem>>) src(%dma_wait3A_604 : memref<100000x32xf32, #tpu.memory_space<hbm>>) dst(%dma_wait3A_594 : memref<512x32xf32, #tpu.memory_space<vmem>>)
    %dma_start3A_607 = arith.constant 0 : i32
    %dma_start3A_608 = arith.constant 6 : i32
    %dma_start3A_609 = arith.constant 0 : i32
    %dma_start3A_610 = arith.constant 0 : i32
    %dma_start3A_611 = arith.constant 0 : i32
    %dma_start3A_612 = tpu.memref_slice %arg7[%dma_start3A_607, %dma_start3A_610, %dma_start3A_611] : memref<3x512x32xf32, #tpu.memory_space<vmem>> -> memref<1x512x32xf32, #tpu.memory_space<vmem>>
    %dma_start3A_613 = tpu.memref_squeeze %dma_start3A_612 : memref<1x512x32xf32, #tpu.memory_space<vmem>> -> memref<512x32xf32, #tpu.memory_space<vmem>>
    %dma_start3A_614 = arith.constant 0 : i32
    %dma_start3A_615 = tpu.memref_slice %arg4[%dma_start3A_608, %mul3A_2, %dma_start3A_614] : memref<26x16384x32xf32, #tpu.memory_space<hbm>> -> memref<1x512x32xf32, #tpu.memory_space<hbm>>
    %dma_start3A_616 = tpu.memref_squeeze %dma_start3A_615 : memref<1x512x32xf32, #tpu.memory_space<hbm>> -> memref<512x32xf32, #tpu.memory_space<hbm>>
    %dma_start3A_617 = tpu.memref_slice %arg9[%dma_start3A_609] : memref<3x!tpu.dma_semaphore, #tpu.memory_space<semaphore_mem>> -> memref<1x!tpu.dma_semaphore, #tpu.memory_space<semaphore_mem>>
    %dma_start3A_618 = tpu.memref_squeeze %dma_start3A_617 : memref<1x!tpu.dma_semaphore, #tpu.memory_space<semaphore_mem>> -> memref<!tpu.dma_semaphore, #tpu.memory_space<semaphore_mem>>
    %dma_start3A_619 = arith.constant 0 : i32
    %dma_start3A_620 = tpu.memref_slice %arg4[%dma_start3A_608, %mul3A_2, %dma_start3A_619] : memref<26x16384x32xf32, #tpu.memory_space<hbm>> -> memref<1x512x32xf32, #tpu.memory_space<hbm>>
    %dma_start3A_621 = tpu.memref_squeeze %dma_start3A_620 : memref<1x512x32xf32, #tpu.memory_space<hbm>> -> memref<512x32xf32, #tpu.memory_space<hbm>>
    %dma_start3A_622 = arith.constant 0 : i32
    %dma_start3A_623 = arith.constant 0 : i32
    %dma_start3A_624 = tpu.memref_slice %arg7[%dma_start3A_607, %dma_start3A_622, %dma_start3A_623] : memref<3x512x32xf32, #tpu.memory_space<vmem>> -> memref<1x512x32xf32, #tpu.memory_space<vmem>>
    %dma_start3A_625 = tpu.memref_squeeze %dma_start3A_624 : memref<1x512x32xf32, #tpu.memory_space<vmem>> -> memref<512x32xf32, #tpu.memory_space<vmem>>
    tpu.enqueue_dma source(%dma_start3A_625 : memref<512x32xf32, #tpu.memory_space<vmem>>) target(%dma_start3A_621 : memref<512x32xf32, #tpu.memory_space<hbm>>) target_semaphore(%dma_start3A_618 : memref<!tpu.dma_semaphore, #tpu.memory_space<semaphore_mem>>)
    %dma_wait3A_626 = arith.constant 2 : i32
    %dma_wait3A_627 = arith.constant 5 : i32
    %dma_wait3A_628 = arith.constant 2 : i32
    %dma_wait3A_629 = arith.constant 0 : i32
    %dma_wait3A_630 = arith.constant 0 : i32
    %dma_wait3A_631 = tpu.memref_slice %arg7[%dma_wait3A_626, %dma_wait3A_629, %dma_wait3A_630] : memref<3x512x32xf32, #tpu.memory_space<vmem>> -> memref<1x512x32xf32, #tpu.memory_space<vmem>>
    %dma_wait3A_632 = tpu.memref_squeeze %dma_wait3A_631 : memref<1x512x32xf32, #tpu.memory_space<vmem>> -> memref<512x32xf32, #tpu.memory_space<vmem>>
    %dma_wait3A_633 = arith.constant 0 : i32
    %dma_wait3A_634 = tpu.memref_slice %arg4[%dma_wait3A_627, %mul3A_2, %dma_wait3A_633] : memref<26x16384x32xf32, #tpu.memory_space<hbm>> -> memref<1x512x32xf32, #tpu.memory_space<hbm>>
    %dma_wait3A_635 = tpu.memref_squeeze %dma_wait3A_634 : memref<1x512x32xf32, #tpu.memory_space<hbm>> -> memref<512x32xf32, #tpu.memory_space<hbm>>
    %dma_wait3A_636 = tpu.memref_slice %arg9[%dma_wait3A_628] : memref<3x!tpu.dma_semaphore, #tpu.memory_space<semaphore_mem>> -> memref<1x!tpu.dma_semaphore, #tpu.memory_space<semaphore_mem>>
    %dma_wait3A_637 = tpu.memref_squeeze %dma_wait3A_636 : memref<1x!tpu.dma_semaphore, #tpu.memory_space<semaphore_mem>> -> memref<!tpu.dma_semaphore, #tpu.memory_space<semaphore_mem>>
    %dma_wait3A_638 = arith.constant 0 : i32
    %dma_wait3A_639 = tpu.memref_slice %arg4[%dma_wait3A_627, %mul3A_2, %dma_wait3A_638] : memref<26x16384x32xf32, #tpu.memory_space<hbm>> -> memref<1x512x32xf32, #tpu.memory_space<hbm>>
    %dma_wait3A_640 = tpu.memref_squeeze %dma_wait3A_639 : memref<1x512x32xf32, #tpu.memory_space<hbm>> -> memref<512x32xf32, #tpu.memory_space<hbm>>
    %dma_wait3A_641 = arith.constant 0 : i32
    %dma_wait3A_642 = arith.constant 0 : i32
    %dma_wait3A_643 = tpu.memref_slice %arg7[%dma_wait3A_626, %dma_wait3A_641, %dma_wait3A_642] : memref<3x512x32xf32, #tpu.memory_space<vmem>> -> memref<1x512x32xf32, #tpu.memory_space<vmem>>
    %dma_wait3A_644 = tpu.memref_squeeze %dma_wait3A_643 : memref<1x512x32xf32, #tpu.memory_space<vmem>> -> memref<512x32xf32, #tpu.memory_space<vmem>>
    tpu.wait_dma2 semaphore(%dma_wait3A_637 : memref<!tpu.dma_semaphore, #tpu.memory_space<semaphore_mem>>) src(%dma_wait3A_644 : memref<512x32xf32, #tpu.memory_space<vmem>>) dst(%dma_wait3A_640 : memref<512x32xf32, #tpu.memory_space<hbm>>)
    %mul3A_645 = arith.constant 26 : i32
    %mul3A_646 = vector.broadcast %mul3A_645 : i32 to vector<16xi32>
    %mul3A_647 = arith.muli %iota3A, %mul3A_646 : vector<16xi32>
    %add3A_648 = arith.constant 8 : i32
    %add3A_649 = vector.broadcast %add3A_648 : i32 to vector<16xi32>
    %add3A_650 = arith.addi %mul3A_647, %add3A_649 : vector<16xi32>
    %scan3A_651 = arith.constant 0 : i32
    %scan3A_652 = arith.constant 0 : i32
    %scan3A_653 = arith.constant 32 : i32
    %scan3A_654 = arith.addi %scan3A_652, %scan3A_653 : i32
    %scan3A_655 = arith.constant 1 : i32
    scf.for %scan3A_2323 = %scan3A_652 to %scan3A_654 step %scan3A_655  : i32 {
      %mul3A_2324 = arith.constant 416 : i32
      %mul3A_2325 = arith.muli %scan3A_2323, %mul3A_2324 : i32
      %add3A_2326 = vector.broadcast %mul3A_2325 : i32 to vector<16xi32>
      %add3A_2327 = arith.addi %add3A_650, %add3A_2326 : vector<16xi32>
      %gather3A = tpu.vector_load_idx %arg5[%add3A_2327] : memref<13312xi32, #tpu.memory_space<vmem>>[vector<16xi32>], vector<16xi32>,
      %mul3A_2328 = arith.constant 16 : i32
      %mul3A_2329 = arith.muli %scan3A_2323, %mul3A_2328 : i32
      %swap3A = arith.constant 2 : i32
      %swap3A_2330 = arith.index_cast %swap3A : i32 to index
      %swap3A_2331 = arith.index_cast %mul3A_2329 : i32 to index
      %swap3A_2332 = tpu.vector_load %arg6[%swap3A_2330, %swap3A_2331] {strides = array<i32>} : memref<3x512xi32, #tpu.memory_space<vmem>>, vector<16xi32>,
      tpu.vector_store %arg6[%swap3A_2330, %swap3A_2331], %gather3A {strides = array<i32>} : memref<3x512xi32, #tpu.memory_space<vmem>>, vector<16xi32>,
    }
    %scan3A_656 = arith.constant 32 : i32
    %dma_start3A_657 = arith.constant 8 : i32
    %dma_start3A_658 = arith.constant 2 : i32
    %dma_start3A_659 = arith.constant 2 : i32
    %dma_start3A_660 = arith.constant 2 : i32
    %dma_start3A_661 = arith.constant 0 : i32
    %dma_start3A_662 = arith.constant 0 : i32
    %dma_start3A_663 = tpu.memref_slice %arg7[%dma_start3A_659, %dma_start3A_661, %dma_start3A_662] : memref<3x512x32xf32, #tpu.memory_space<vmem>> -> memref<1x512x32xf32, #tpu.memory_space<vmem>>
    %dma_start3A_664 = tpu.memref_squeeze %dma_start3A_663 : memref<1x512x32xf32, #tpu.memory_space<vmem>> -> memref<512x32xf32, #tpu.memory_space<vmem>>
    %dma_start3A_665 = arith.constant 0 : i32
    %dma_start3A_666 = tpu.memref_slice %arg6[%dma_start3A_658, %dma_start3A_665] : memref<3x512xi32, #tpu.memory_space<vmem>> -> memref<1x512xi32, #tpu.memory_space<vmem>>
    %dma_start3A_667 = tpu.memref_squeeze %dma_start3A_666 : memref<1x512xi32, #tpu.memory_space<vmem>> -> memref<512xi32, #tpu.memory_space<vmem>>
    %dma_start3A_668 = arith.constant 0 : i32
    %dma_start3A_669 = arith.constant 0 : i32
    %dma_start3A_670 = tpu.memref_slice %arg3[%dma_start3A_657, %dma_start3A_668, %dma_start3A_669] : memref<26x100000x32xf32, #tpu.memory_space<hbm>> -> memref<1x100000x32xf32, #tpu.memory_space<hbm>>
    %dma_start3A_671 = tpu.memref_squeeze %dma_start3A_670 : memref<1x100000x32xf32, #tpu.memory_space<hbm>> -> memref<100000x32xf32, #tpu.memory_space<hbm>>
    %dma_start3A_672 = arith.constant 0 : i32
    %dma_start3A_673 = arith.constant 0 : i32
    %dma_start3A_674 = tpu.memref_slice %dma_start3A_671[%dma_start3A_672, %dma_start3A_673] : memref<100000x32xf32, #tpu.memory_space<hbm>> -> memref<100000x32xf32, #tpu.memory_space<hbm>>
    %dma_start3A_675 = tpu.memref_slice %arg8[%dma_start3A_660] : memref<3x!tpu.dma_semaphore, #tpu.memory_space<semaphore_mem>> -> memref<1x!tpu.dma_semaphore, #tpu.memory_space<semaphore_mem>>
    %dma_start3A_676 = tpu.memref_squeeze %dma_start3A_675 : memref<1x!tpu.dma_semaphore, #tpu.memory_space<semaphore_mem>> -> memref<!tpu.dma_semaphore, #tpu.memory_space<semaphore_mem>>
    tpu.enqueue_indirect_dma source(%dma_start3A_674 : memref<100000x32xf32, #tpu.memory_space<hbm>>) target(%dma_start3A_664 : memref<512x32xf32, #tpu.memory_space<vmem>>) offsets(%dma_start3A_667 : memref<512xi32, #tpu.memory_space<vmem>>) semaphore(%dma_start3A_676 : memref<!tpu.dma_semaphore, #tpu.memory_space<semaphore_mem>>)
    %dma_wait3A_677 = arith.constant 7 : i32
    %dma_wait3A_678 = arith.constant 1 : i32
    %dma_wait3A_679 = arith.constant 1 : i32
    %dma_wait3A_680 = arith.constant 1 : i32
    %dma_wait3A_681 = arith.constant 0 : i32
    %dma_wait3A_682 = arith.constant 0 : i32
    %dma_wait3A_683 = tpu.memref_slice %arg7[%dma_wait3A_679, %dma_wait3A_681, %dma_wait3A_682] : memref<3x512x32xf32, #tpu.memory_space<vmem>> -> memref<1x512x32xf32, #tpu.memory_space<vmem>>
    %dma_wait3A_684 = tpu.memref_squeeze %dma_wait3A_683 : memref<1x512x32xf32, #tpu.memory_space<vmem>> -> memref<512x32xf32, #tpu.memory_space<vmem>>
    %dma_wait3A_685 = arith.constant 0 : i32
    %dma_wait3A_686 = tpu.memref_slice %arg6[%dma_wait3A_678, %dma_wait3A_685] : memref<3x512xi32, #tpu.memory_space<vmem>> -> memref<1x512xi32, #tpu.memory_space<vmem>>
    %dma_wait3A_687 = tpu.memref_squeeze %dma_wait3A_686 : memref<1x512xi32, #tpu.memory_space<vmem>> -> memref<512xi32, #tpu.memory_space<vmem>>
    %dma_wait3A_688 = arith.constant 0 : i32
    %dma_wait3A_689 = arith.constant 0 : i32
    %dma_wait3A_690 = tpu.memref_slice %arg3[%dma_wait3A_677, %dma_wait3A_688, %dma_wait3A_689] : memref<26x100000x32xf32, #tpu.memory_space<hbm>> -> memref<1x100000x32xf32, #tpu.memory_space<hbm>>
    %dma_wait3A_691 = tpu.memref_squeeze %dma_wait3A_690 : memref<1x100000x32xf32, #tpu.memory_space<hbm>> -> memref<100000x32xf32, #tpu.memory_space<hbm>>
    %dma_wait3A_692 = arith.constant 0 : i32
    %dma_wait3A_693 = arith.constant 0 : i32
    %dma_wait3A_694 = tpu.memref_slice %dma_wait3A_691[%dma_wait3A_692, %dma_wait3A_693] : memref<100000x32xf32, #tpu.memory_space<hbm>> -> memref<100000x32xf32, #tpu.memory_space<hbm>>
    %dma_wait3A_695 = tpu.memref_slice %arg8[%dma_wait3A_680] : memref<3x!tpu.dma_semaphore, #tpu.memory_space<semaphore_mem>> -> memref<1x!tpu.dma_semaphore, #tpu.memory_space<semaphore_mem>>
    %dma_wait3A_696 = tpu.memref_squeeze %dma_wait3A_695 : memref<1x!tpu.dma_semaphore, #tpu.memory_space<semaphore_mem>> -> memref<!tpu.dma_semaphore, #tpu.memory_space<semaphore_mem>>
    tpu.wait_indirect_dma semaphore(%dma_wait3A_696 : memref<!tpu.dma_semaphore, #tpu.memory_space<semaphore_mem>>) src(%dma_wait3A_694 : memref<100000x32xf32, #tpu.memory_space<hbm>>) dst(%dma_wait3A_684 : memref<512x32xf32, #tpu.memory_space<vmem>>)
    %dma_start3A_697 = arith.constant 1 : i32
    %dma_start3A_698 = arith.constant 7 : i32
    %dma_start3A_699 = arith.constant 1 : i32
    %dma_start3A_700 = arith.constant 0 : i32
    %dma_start3A_701 = arith.constant 0 : i32
    %dma_start3A_702 = tpu.memref_slice %arg7[%dma_start3A_697, %dma_start3A_700, %dma_start3A_701] : memref<3x512x32xf32, #tpu.memory_space<vmem>> -> memref<1x512x32xf32, #tpu.memory_space<vmem>>
    %dma_start3A_703 = tpu.memref_squeeze %dma_start3A_702 : memref<1x512x32xf32, #tpu.memory_space<vmem>> -> memref<512x32xf32, #tpu.memory_space<vmem>>
    %dma_start3A_704 = arith.constant 0 : i32
    %dma_start3A_705 = tpu.memref_slice %arg4[%dma_start3A_698, %mul3A_2, %dma_start3A_704] : memref<26x16384x32xf32, #tpu.memory_space<hbm>> -> memref<1x512x32xf32, #tpu.memory_space<hbm>>
    %dma_start3A_706 = tpu.memref_squeeze %dma_start3A_705 : memref<1x512x32xf32, #tpu.memory_space<hbm>> -> memref<512x32xf32, #tpu.memory_space<hbm>>
    %dma_start3A_707 = tpu.memref_slice %arg9[%dma_start3A_699] : memref<3x!tpu.dma_semaphore, #tpu.memory_space<semaphore_mem>> -> memref<1x!tpu.dma_semaphore, #tpu.memory_space<semaphore_mem>>
    %dma_start3A_708 = tpu.memref_squeeze %dma_start3A_707 : memref<1x!tpu.dma_semaphore, #tpu.memory_space<semaphore_mem>> -> memref<!tpu.dma_semaphore, #tpu.memory_space<semaphore_mem>>
    %dma_start3A_709 = arith.constant 0 : i32
    %dma_start3A_710 = tpu.memref_slice %arg4[%dma_start3A_698, %mul3A_2, %dma_start3A_709] : memref<26x16384x32xf32, #tpu.memory_space<hbm>> -> memref<1x512x32xf32, #tpu.memory_space<hbm>>
    %dma_start3A_711 = tpu.memref_squeeze %dma_start3A_710 : memref<1x512x32xf32, #tpu.memory_space<hbm>> -> memref<512x32xf32, #tpu.memory_space<hbm>>
    %dma_start3A_712 = arith.constant 0 : i32
    %dma_start3A_713 = arith.constant 0 : i32
    %dma_start3A_714 = tpu.memref_slice %arg7[%dma_start3A_697, %dma_start3A_712, %dma_start3A_713] : memref<3x512x32xf32, #tpu.memory_space<vmem>> -> memref<1x512x32xf32, #tpu.memory_space<vmem>>
    %dma_start3A_715 = tpu.memref_squeeze %dma_start3A_714 : memref<1x512x32xf32, #tpu.memory_space<vmem>> -> memref<512x32xf32, #tpu.memory_space<vmem>>
    tpu.enqueue_dma source(%dma_start3A_715 : memref<512x32xf32, #tpu.memory_space<vmem>>) target(%dma_start3A_711 : memref<512x32xf32, #tpu.memory_space<hbm>>) target_semaphore(%dma_start3A_708 : memref<!tpu.dma_semaphore, #tpu.memory_space<semaphore_mem>>)
    %dma_wait3A_716 = arith.constant 0 : i32
    %dma_wait3A_717 = arith.constant 6 : i32
    %dma_wait3A_718 = arith.constant 0 : i32
    %dma_wait3A_719 = arith.constant 0 : i32
    %dma_wait3A_720 = arith.constant 0 : i32
    %dma_wait3A_721 = tpu.memref_slice %arg7[%dma_wait3A_716, %dma_wait3A_719, %dma_wait3A_720] : memref<3x512x32xf32, #tpu.memory_space<vmem>> -> memref<1x512x32xf32, #tpu.memory_space<vmem>>
    %dma_wait3A_722 = tpu.memref_squeeze %dma_wait3A_721 : memref<1x512x32xf32, #tpu.memory_space<vmem>> -> memref<512x32xf32, #tpu.memory_space<vmem>>
    %dma_wait3A_723 = arith.constant 0 : i32
    %dma_wait3A_724 = tpu.memref_slice %arg4[%dma_wait3A_717, %mul3A_2, %dma_wait3A_723] : memref<26x16384x32xf32, #tpu.memory_space<hbm>> -> memref<1x512x32xf32, #tpu.memory_space<hbm>>
    %dma_wait3A_725 = tpu.memref_squeeze %dma_wait3A_724 : memref<1x512x32xf32, #tpu.memory_space<hbm>> -> memref<512x32xf32, #tpu.memory_space<hbm>>
    %dma_wait3A_726 = tpu.memref_slice %arg9[%dma_wait3A_718] : memref<3x!tpu.dma_semaphore, #tpu.memory_space<semaphore_mem>> -> memref<1x!tpu.dma_semaphore, #tpu.memory_space<semaphore_mem>>
    %dma_wait3A_727 = tpu.memref_squeeze %dma_wait3A_726 : memref<1x!tpu.dma_semaphore, #tpu.memory_space<semaphore_mem>> -> memref<!tpu.dma_semaphore, #tpu.memory_space<semaphore_mem>>
    %dma_wait3A_728 = arith.constant 0 : i32
    %dma_wait3A_729 = tpu.memref_slice %arg4[%dma_wait3A_717, %mul3A_2, %dma_wait3A_728] : memref<26x16384x32xf32, #tpu.memory_space<hbm>> -> memref<1x512x32xf32, #tpu.memory_space<hbm>>
    %dma_wait3A_730 = tpu.memref_squeeze %dma_wait3A_729 : memref<1x512x32xf32, #tpu.memory_space<hbm>> -> memref<512x32xf32, #tpu.memory_space<hbm>>
    %dma_wait3A_731 = arith.constant 0 : i32
    %dma_wait3A_732 = arith.constant 0 : i32
    %dma_wait3A_733 = tpu.memref_slice %arg7[%dma_wait3A_716, %dma_wait3A_731, %dma_wait3A_732] : memref<3x512x32xf32, #tpu.memory_space<vmem>> -> memref<1x512x32xf32, #tpu.memory_space<vmem>>
    %dma_wait3A_734 = tpu.memref_squeeze %dma_wait3A_733 : memref<1x512x32xf32, #tpu.memory_space<vmem>> -> memref<512x32xf32, #tpu.memory_space<vmem>>
    tpu.wait_dma2 semaphore(%dma_wait3A_727 : memref<!tpu.dma_semaphore, #tpu.memory_space<semaphore_mem>>) src(%dma_wait3A_734 : memref<512x32xf32, #tpu.memory_space<vmem>>) dst(%dma_wait3A_730 : memref<512x32xf32, #tpu.memory_space<hbm>>)
    %mul3A_735 = arith.constant 26 : i32
    %mul3A_736 = vector.broadcast %mul3A_735 : i32 to vector<16xi32>
    %mul3A_737 = arith.muli %iota3A, %mul3A_736 : vector<16xi32>
    %add3A_738 = arith.constant 9 : i32
    %add3A_739 = vector.broadcast %add3A_738 : i32 to vector<16xi32>
    %add3A_740 = arith.addi %mul3A_737, %add3A_739 : vector<16xi32>
    %scan3A_741 = arith.constant 0 : i32
    %scan3A_742 = arith.constant 0 : i32
    %scan3A_743 = arith.constant 32 : i32
    %scan3A_744 = arith.addi %scan3A_742, %scan3A_743 : i32
    %scan3A_745 = arith.constant 1 : i32
    scf.for %scan3A_2323 = %scan3A_742 to %scan3A_744 step %scan3A_745  : i32 {
      %mul3A_2324 = arith.constant 416 : i32
      %mul3A_2325 = arith.muli %scan3A_2323, %mul3A_2324 : i32
      %add3A_2326 = vector.broadcast %mul3A_2325 : i32 to vector<16xi32>
      %add3A_2327 = arith.addi %add3A_740, %add3A_2326 : vector<16xi32>
      %gather3A = tpu.vector_load_idx %arg5[%add3A_2327] : memref<13312xi32, #tpu.memory_space<vmem>>[vector<16xi32>], vector<16xi32>,
      %mul3A_2328 = arith.constant 16 : i32
      %mul3A_2329 = arith.muli %scan3A_2323, %mul3A_2328 : i32
      %swap3A = arith.constant 0 : i32
      %swap3A_2330 = arith.index_cast %swap3A : i32 to index
      %swap3A_2331 = arith.index_cast %mul3A_2329 : i32 to index
      %swap3A_2332 = tpu.vector_load %arg6[%swap3A_2330, %swap3A_2331] {strides = array<i32>} : memref<3x512xi32, #tpu.memory_space<vmem>>, vector<16xi32>,
      tpu.vector_store %arg6[%swap3A_2330, %swap3A_2331], %gather3A {strides = array<i32>} : memref<3x512xi32, #tpu.memory_space<vmem>>, vector<16xi32>,
    }
    %scan3A_746 = arith.constant 32 : i32
    %dma_start3A_747 = arith.constant 9 : i32
    %dma_start3A_748 = arith.constant 0 : i32
    %dma_start3A_749 = arith.constant 0 : i32
    %dma_start3A_750 = arith.constant 0 : i32
    %dma_start3A_751 = arith.constant 0 : i32
    %dma_start3A_752 = arith.constant 0 : i32
    %dma_start3A_753 = tpu.memref_slice %arg7[%dma_start3A_749, %dma_start3A_751, %dma_start3A_752] : memref<3x512x32xf32, #tpu.memory_space<vmem>> -> memref<1x512x32xf32, #tpu.memory_space<vmem>>
    %dma_start3A_754 = tpu.memref_squeeze %dma_start3A_753 : memref<1x512x32xf32, #tpu.memory_space<vmem>> -> memref<512x32xf32, #tpu.memory_space<vmem>>
    %dma_start3A_755 = arith.constant 0 : i32
    %dma_start3A_756 = tpu.memref_slice %arg6[%dma_start3A_748, %dma_start3A_755] : memref<3x512xi32, #tpu.memory_space<vmem>> -> memref<1x512xi32, #tpu.memory_space<vmem>>
    %dma_start3A_757 = tpu.memref_squeeze %dma_start3A_756 : memref<1x512xi32, #tpu.memory_space<vmem>> -> memref<512xi32, #tpu.memory_space<vmem>>
    %dma_start3A_758 = arith.constant 0 : i32
    %dma_start3A_759 = arith.constant 0 : i32
    %dma_start3A_760 = tpu.memref_slice %arg3[%dma_start3A_747, %dma_start3A_758, %dma_start3A_759] : memref<26x100000x32xf32, #tpu.memory_space<hbm>> -> memref<1x100000x32xf32, #tpu.memory_space<hbm>>
    %dma_start3A_761 = tpu.memref_squeeze %dma_start3A_760 : memref<1x100000x32xf32, #tpu.memory_space<hbm>> -> memref<100000x32xf32, #tpu.memory_space<hbm>>
    %dma_start3A_762 = arith.constant 0 : i32
    %dma_start3A_763 = arith.constant 0 : i32
    %dma_start3A_764 = tpu.memref_slice %dma_start3A_761[%dma_start3A_762, %dma_start3A_763] : memref<100000x32xf32, #tpu.memory_space<hbm>> -> memref<100000x32xf32, #tpu.memory_space<hbm>>
    %dma_start3A_765 = tpu.memref_slice %arg8[%dma_start3A_750] : memref<3x!tpu.dma_semaphore, #tpu.memory_space<semaphore_mem>> -> memref<1x!tpu.dma_semaphore, #tpu.memory_space<semaphore_mem>>
    %dma_start3A_766 = tpu.memref_squeeze %dma_start3A_765 : memref<1x!tpu.dma_semaphore, #tpu.memory_space<semaphore_mem>> -> memref<!tpu.dma_semaphore, #tpu.memory_space<semaphore_mem>>
    tpu.enqueue_indirect_dma source(%dma_start3A_764 : memref<100000x32xf32, #tpu.memory_space<hbm>>) target(%dma_start3A_754 : memref<512x32xf32, #tpu.memory_space<vmem>>) offsets(%dma_start3A_757 : memref<512xi32, #tpu.memory_space<vmem>>) semaphore(%dma_start3A_766 : memref<!tpu.dma_semaphore, #tpu.memory_space<semaphore_mem>>)
    %dma_wait3A_767 = arith.constant 8 : i32
    %dma_wait3A_768 = arith.constant 2 : i32
    %dma_wait3A_769 = arith.constant 2 : i32
    %dma_wait3A_770 = arith.constant 2 : i32
    %dma_wait3A_771 = arith.constant 0 : i32
    %dma_wait3A_772 = arith.constant 0 : i32
    %dma_wait3A_773 = tpu.memref_slice %arg7[%dma_wait3A_769, %dma_wait3A_771, %dma_wait3A_772] : memref<3x512x32xf32, #tpu.memory_space<vmem>> -> memref<1x512x32xf32, #tpu.memory_space<vmem>>
    %dma_wait3A_774 = tpu.memref_squeeze %dma_wait3A_773 : memref<1x512x32xf32, #tpu.memory_space<vmem>> -> memref<512x32xf32, #tpu.memory_space<vmem>>
    %dma_wait3A_775 = arith.constant 0 : i32
    %dma_wait3A_776 = tpu.memref_slice %arg6[%dma_wait3A_768, %dma_wait3A_775] : memref<3x512xi32, #tpu.memory_space<vmem>> -> memref<1x512xi32, #tpu.memory_space<vmem>>
    %dma_wait3A_777 = tpu.memref_squeeze %dma_wait3A_776 : memref<1x512xi32, #tpu.memory_space<vmem>> -> memref<512xi32, #tpu.memory_space<vmem>>
    %dma_wait3A_778 = arith.constant 0 : i32
    %dma_wait3A_779 = arith.constant 0 : i32
    %dma_wait3A_780 = tpu.memref_slice %arg3[%dma_wait3A_767, %dma_wait3A_778, %dma_wait3A_779] : memref<26x100000x32xf32, #tpu.memory_space<hbm>> -> memref<1x100000x32xf32, #tpu.memory_space<hbm>>
    %dma_wait3A_781 = tpu.memref_squeeze %dma_wait3A_780 : memref<1x100000x32xf32, #tpu.memory_space<hbm>> -> memref<100000x32xf32, #tpu.memory_space<hbm>>
    %dma_wait3A_782 = arith.constant 0 : i32
    %dma_wait3A_783 = arith.constant 0 : i32
    %dma_wait3A_784 = tpu.memref_slice %dma_wait3A_781[%dma_wait3A_782, %dma_wait3A_783] : memref<100000x32xf32, #tpu.memory_space<hbm>> -> memref<100000x32xf32, #tpu.memory_space<hbm>>
    %dma_wait3A_785 = tpu.memref_slice %arg8[%dma_wait3A_770] : memref<3x!tpu.dma_semaphore, #tpu.memory_space<semaphore_mem>> -> memref<1x!tpu.dma_semaphore, #tpu.memory_space<semaphore_mem>>
    %dma_wait3A_786 = tpu.memref_squeeze %dma_wait3A_785 : memref<1x!tpu.dma_semaphore, #tpu.memory_space<semaphore_mem>> -> memref<!tpu.dma_semaphore, #tpu.memory_space<semaphore_mem>>
    tpu.wait_indirect_dma semaphore(%dma_wait3A_786 : memref<!tpu.dma_semaphore, #tpu.memory_space<semaphore_mem>>) src(%dma_wait3A_784 : memref<100000x32xf32, #tpu.memory_space<hbm>>) dst(%dma_wait3A_774 : memref<512x32xf32, #tpu.memory_space<vmem>>)
    %dma_start3A_787 = arith.constant 2 : i32
    %dma_start3A_788 = arith.constant 8 : i32
    %dma_start3A_789 = arith.constant 2 : i32
    %dma_start3A_790 = arith.constant 0 : i32
    %dma_start3A_791 = arith.constant 0 : i32
    %dma_start3A_792 = tpu.memref_slice %arg7[%dma_start3A_787, %dma_start3A_790, %dma_start3A_791] : memref<3x512x32xf32, #tpu.memory_space<vmem>> -> memref<1x512x32xf32, #tpu.memory_space<vmem>>
    %dma_start3A_793 = tpu.memref_squeeze %dma_start3A_792 : memref<1x512x32xf32, #tpu.memory_space<vmem>> -> memref<512x32xf32, #tpu.memory_space<vmem>>
    %dma_start3A_794 = arith.constant 0 : i32
    %dma_start3A_795 = tpu.memref_slice %arg4[%dma_start3A_788, %mul3A_2, %dma_start3A_794] : memref<26x16384x32xf32, #tpu.memory_space<hbm>> -> memref<1x512x32xf32, #tpu.memory_space<hbm>>
    %dma_start3A_796 = tpu.memref_squeeze %dma_start3A_795 : memref<1x512x32xf32, #tpu.memory_space<hbm>> -> memref<512x32xf32, #tpu.memory_space<hbm>>
    %dma_start3A_797 = tpu.memref_slice %arg9[%dma_start3A_789] : memref<3x!tpu.dma_semaphore, #tpu.memory_space<semaphore_mem>> -> memref<1x!tpu.dma_semaphore, #tpu.memory_space<semaphore_mem>>
    %dma_start3A_798 = tpu.memref_squeeze %dma_start3A_797 : memref<1x!tpu.dma_semaphore, #tpu.memory_space<semaphore_mem>> -> memref<!tpu.dma_semaphore, #tpu.memory_space<semaphore_mem>>
    %dma_start3A_799 = arith.constant 0 : i32
    %dma_start3A_800 = tpu.memref_slice %arg4[%dma_start3A_788, %mul3A_2, %dma_start3A_799] : memref<26x16384x32xf32, #tpu.memory_space<hbm>> -> memref<1x512x32xf32, #tpu.memory_space<hbm>>
    %dma_start3A_801 = tpu.memref_squeeze %dma_start3A_800 : memref<1x512x32xf32, #tpu.memory_space<hbm>> -> memref<512x32xf32, #tpu.memory_space<hbm>>
    %dma_start3A_802 = arith.constant 0 : i32
    %dma_start3A_803 = arith.constant 0 : i32
    %dma_start3A_804 = tpu.memref_slice %arg7[%dma_start3A_787, %dma_start3A_802, %dma_start3A_803] : memref<3x512x32xf32, #tpu.memory_space<vmem>> -> memref<1x512x32xf32, #tpu.memory_space<vmem>>
    %dma_start3A_805 = tpu.memref_squeeze %dma_start3A_804 : memref<1x512x32xf32, #tpu.memory_space<vmem>> -> memref<512x32xf32, #tpu.memory_space<vmem>>
    tpu.enqueue_dma source(%dma_start3A_805 : memref<512x32xf32, #tpu.memory_space<vmem>>) target(%dma_start3A_801 : memref<512x32xf32, #tpu.memory_space<hbm>>) target_semaphore(%dma_start3A_798 : memref<!tpu.dma_semaphore, #tpu.memory_space<semaphore_mem>>)
    %dma_wait3A_806 = arith.constant 1 : i32
    %dma_wait3A_807 = arith.constant 7 : i32
    %dma_wait3A_808 = arith.constant 1 : i32
    %dma_wait3A_809 = arith.constant 0 : i32
    %dma_wait3A_810 = arith.constant 0 : i32
    %dma_wait3A_811 = tpu.memref_slice %arg7[%dma_wait3A_806, %dma_wait3A_809, %dma_wait3A_810] : memref<3x512x32xf32, #tpu.memory_space<vmem>> -> memref<1x512x32xf32, #tpu.memory_space<vmem>>
    %dma_wait3A_812 = tpu.memref_squeeze %dma_wait3A_811 : memref<1x512x32xf32, #tpu.memory_space<vmem>> -> memref<512x32xf32, #tpu.memory_space<vmem>>
    %dma_wait3A_813 = arith.constant 0 : i32
    %dma_wait3A_814 = tpu.memref_slice %arg4[%dma_wait3A_807, %mul3A_2, %dma_wait3A_813] : memref<26x16384x32xf32, #tpu.memory_space<hbm>> -> memref<1x512x32xf32, #tpu.memory_space<hbm>>
    %dma_wait3A_815 = tpu.memref_squeeze %dma_wait3A_814 : memref<1x512x32xf32, #tpu.memory_space<hbm>> -> memref<512x32xf32, #tpu.memory_space<hbm>>
    %dma_wait3A_816 = tpu.memref_slice %arg9[%dma_wait3A_808] : memref<3x!tpu.dma_semaphore, #tpu.memory_space<semaphore_mem>> -> memref<1x!tpu.dma_semaphore, #tpu.memory_space<semaphore_mem>>
    %dma_wait3A_817 = tpu.memref_squeeze %dma_wait3A_816 : memref<1x!tpu.dma_semaphore, #tpu.memory_space<semaphore_mem>> -> memref<!tpu.dma_semaphore, #tpu.memory_space<semaphore_mem>>
    %dma_wait3A_818 = arith.constant 0 : i32
    %dma_wait3A_819 = tpu.memref_slice %arg4[%dma_wait3A_807, %mul3A_2, %dma_wait3A_818] : memref<26x16384x32xf32, #tpu.memory_space<hbm>> -> memref<1x512x32xf32, #tpu.memory_space<hbm>>
    %dma_wait3A_820 = tpu.memref_squeeze %dma_wait3A_819 : memref<1x512x32xf32, #tpu.memory_space<hbm>> -> memref<512x32xf32, #tpu.memory_space<hbm>>
    %dma_wait3A_821 = arith.constant 0 : i32
    %dma_wait3A_822 = arith.constant 0 : i32
    %dma_wait3A_823 = tpu.memref_slice %arg7[%dma_wait3A_806, %dma_wait3A_821, %dma_wait3A_822] : memref<3x512x32xf32, #tpu.memory_space<vmem>> -> memref<1x512x32xf32, #tpu.memory_space<vmem>>
    %dma_wait3A_824 = tpu.memref_squeeze %dma_wait3A_823 : memref<1x512x32xf32, #tpu.memory_space<vmem>> -> memref<512x32xf32, #tpu.memory_space<vmem>>
    tpu.wait_dma2 semaphore(%dma_wait3A_817 : memref<!tpu.dma_semaphore, #tpu.memory_space<semaphore_mem>>) src(%dma_wait3A_824 : memref<512x32xf32, #tpu.memory_space<vmem>>) dst(%dma_wait3A_820 : memref<512x32xf32, #tpu.memory_space<hbm>>)
    %mul3A_825 = arith.constant 26 : i32
    %mul3A_826 = vector.broadcast %mul3A_825 : i32 to vector<16xi32>
    %mul3A_827 = arith.muli %iota3A, %mul3A_826 : vector<16xi32>
    %add3A_828 = arith.constant 10 : i32
    %add3A_829 = vector.broadcast %add3A_828 : i32 to vector<16xi32>
    %add3A_830 = arith.addi %mul3A_827, %add3A_829 : vector<16xi32>
    %scan3A_831 = arith.constant 0 : i32
    %scan3A_832 = arith.constant 0 : i32
    %scan3A_833 = arith.constant 32 : i32
    %scan3A_834 = arith.addi %scan3A_832, %scan3A_833 : i32
    %scan3A_835 = arith.constant 1 : i32
    scf.for %scan3A_2323 = %scan3A_832 to %scan3A_834 step %scan3A_835  : i32 {
      %mul3A_2324 = arith.constant 416 : i32
      %mul3A_2325 = arith.muli %scan3A_2323, %mul3A_2324 : i32
      %add3A_2326 = vector.broadcast %mul3A_2325 : i32 to vector<16xi32>
      %add3A_2327 = arith.addi %add3A_830, %add3A_2326 : vector<16xi32>
      %gather3A = tpu.vector_load_idx %arg5[%add3A_2327] : memref<13312xi32, #tpu.memory_space<vmem>>[vector<16xi32>], vector<16xi32>,
      %mul3A_2328 = arith.constant 16 : i32
      %mul3A_2329 = arith.muli %scan3A_2323, %mul3A_2328 : i32
      %swap3A = arith.constant 1 : i32
      %swap3A_2330 = arith.index_cast %swap3A : i32 to index
      %swap3A_2331 = arith.index_cast %mul3A_2329 : i32 to index
      %swap3A_2332 = tpu.vector_load %arg6[%swap3A_2330, %swap3A_2331] {strides = array<i32>} : memref<3x512xi32, #tpu.memory_space<vmem>>, vector<16xi32>,
      tpu.vector_store %arg6[%swap3A_2330, %swap3A_2331], %gather3A {strides = array<i32>} : memref<3x512xi32, #tpu.memory_space<vmem>>, vector<16xi32>,
    }
    %scan3A_836 = arith.constant 32 : i32
    %dma_start3A_837 = arith.constant 10 : i32
    %dma_start3A_838 = arith.constant 1 : i32
    %dma_start3A_839 = arith.constant 1 : i32
    %dma_start3A_840 = arith.constant 1 : i32
    %dma_start3A_841 = arith.constant 0 : i32
    %dma_start3A_842 = arith.constant 0 : i32
    %dma_start3A_843 = tpu.memref_slice %arg7[%dma_start3A_839, %dma_start3A_841, %dma_start3A_842] : memref<3x512x32xf32, #tpu.memory_space<vmem>> -> memref<1x512x32xf32, #tpu.memory_space<vmem>>
    %dma_start3A_844 = tpu.memref_squeeze %dma_start3A_843 : memref<1x512x32xf32, #tpu.memory_space<vmem>> -> memref<512x32xf32, #tpu.memory_space<vmem>>
    %dma_start3A_845 = arith.constant 0 : i32
    %dma_start3A_846 = tpu.memref_slice %arg6[%dma_start3A_838, %dma_start3A_845] : memref<3x512xi32, #tpu.memory_space<vmem>> -> memref<1x512xi32, #tpu.memory_space<vmem>>
    %dma_start3A_847 = tpu.memref_squeeze %dma_start3A_846 : memref<1x512xi32, #tpu.memory_space<vmem>> -> memref<512xi32, #tpu.memory_space<vmem>>
    %dma_start3A_848 = arith.constant 0 : i32
    %dma_start3A_849 = arith.constant 0 : i32
    %dma_start3A_850 = tpu.memref_slice %arg3[%dma_start3A_837, %dma_start3A_848, %dma_start3A_849] : memref<26x100000x32xf32, #tpu.memory_space<hbm>> -> memref<1x100000x32xf32, #tpu.memory_space<hbm>>
    %dma_start3A_851 = tpu.memref_squeeze %dma_start3A_850 : memref<1x100000x32xf32, #tpu.memory_space<hbm>> -> memref<100000x32xf32, #tpu.memory_space<hbm>>
    %dma_start3A_852 = arith.constant 0 : i32
    %dma_start3A_853 = arith.constant 0 : i32
    %dma_start3A_854 = tpu.memref_slice %dma_start3A_851[%dma_start3A_852, %dma_start3A_853] : memref<100000x32xf32, #tpu.memory_space<hbm>> -> memref<100000x32xf32, #tpu.memory_space<hbm>>
    %dma_start3A_855 = tpu.memref_slice %arg8[%dma_start3A_840] : memref<3x!tpu.dma_semaphore, #tpu.memory_space<semaphore_mem>> -> memref<1x!tpu.dma_semaphore, #tpu.memory_space<semaphore_mem>>
    %dma_start3A_856 = tpu.memref_squeeze %dma_start3A_855 : memref<1x!tpu.dma_semaphore, #tpu.memory_space<semaphore_mem>> -> memref<!tpu.dma_semaphore, #tpu.memory_space<semaphore_mem>>
    tpu.enqueue_indirect_dma source(%dma_start3A_854 : memref<100000x32xf32, #tpu.memory_space<hbm>>) target(%dma_start3A_844 : memref<512x32xf32, #tpu.memory_space<vmem>>) offsets(%dma_start3A_847 : memref<512xi32, #tpu.memory_space<vmem>>) semaphore(%dma_start3A_856 : memref<!tpu.dma_semaphore, #tpu.memory_space<semaphore_mem>>)
    %dma_wait3A_857 = arith.constant 9 : i32
    %dma_wait3A_858 = arith.constant 0 : i32
    %dma_wait3A_859 = arith.constant 0 : i32
    %dma_wait3A_860 = arith.constant 0 : i32
    %dma_wait3A_861 = arith.constant 0 : i32
    %dma_wait3A_862 = arith.constant 0 : i32
    %dma_wait3A_863 = tpu.memref_slice %arg7[%dma_wait3A_859, %dma_wait3A_861, %dma_wait3A_862] : memref<3x512x32xf32, #tpu.memory_space<vmem>> -> memref<1x512x32xf32, #tpu.memory_space<vmem>>
    %dma_wait3A_864 = tpu.memref_squeeze %dma_wait3A_863 : memref<1x512x32xf32, #tpu.memory_space<vmem>> -> memref<512x32xf32, #tpu.memory_space<vmem>>
    %dma_wait3A_865 = arith.constant 0 : i32
    %dma_wait3A_866 = tpu.memref_slice %arg6[%dma_wait3A_858, %dma_wait3A_865] : memref<3x512xi32, #tpu.memory_space<vmem>> -> memref<1x512xi32, #tpu.memory_space<vmem>>
    %dma_wait3A_867 = tpu.memref_squeeze %dma_wait3A_866 : memref<1x512xi32, #tpu.memory_space<vmem>> -> memref<512xi32, #tpu.memory_space<vmem>>
    %dma_wait3A_868 = arith.constant 0 : i32
    %dma_wait3A_869 = arith.constant 0 : i32
    %dma_wait3A_870 = tpu.memref_slice %arg3[%dma_wait3A_857, %dma_wait3A_868, %dma_wait3A_869] : memref<26x100000x32xf32, #tpu.memory_space<hbm>> -> memref<1x100000x32xf32, #tpu.memory_space<hbm>>
    %dma_wait3A_871 = tpu.memref_squeeze %dma_wait3A_870 : memref<1x100000x32xf32, #tpu.memory_space<hbm>> -> memref<100000x32xf32, #tpu.memory_space<hbm>>
    %dma_wait3A_872 = arith.constant 0 : i32
    %dma_wait3A_873 = arith.constant 0 : i32
    %dma_wait3A_874 = tpu.memref_slice %dma_wait3A_871[%dma_wait3A_872, %dma_wait3A_873] : memref<100000x32xf32, #tpu.memory_space<hbm>> -> memref<100000x32xf32, #tpu.memory_space<hbm>>
    %dma_wait3A_875 = tpu.memref_slice %arg8[%dma_wait3A_860] : memref<3x!tpu.dma_semaphore, #tpu.memory_space<semaphore_mem>> -> memref<1x!tpu.dma_semaphore, #tpu.memory_space<semaphore_mem>>
    %dma_wait3A_876 = tpu.memref_squeeze %dma_wait3A_875 : memref<1x!tpu.dma_semaphore, #tpu.memory_space<semaphore_mem>> -> memref<!tpu.dma_semaphore, #tpu.memory_space<semaphore_mem>>
    tpu.wait_indirect_dma semaphore(%dma_wait3A_876 : memref<!tpu.dma_semaphore, #tpu.memory_space<semaphore_mem>>) src(%dma_wait3A_874 : memref<100000x32xf32, #tpu.memory_space<hbm>>) dst(%dma_wait3A_864 : memref<512x32xf32, #tpu.memory_space<vmem>>)
    %dma_start3A_877 = arith.constant 0 : i32
    %dma_start3A_878 = arith.constant 9 : i32
    %dma_start3A_879 = arith.constant 0 : i32
    %dma_start3A_880 = arith.constant 0 : i32
    %dma_start3A_881 = arith.constant 0 : i32
    %dma_start3A_882 = tpu.memref_slice %arg7[%dma_start3A_877, %dma_start3A_880, %dma_start3A_881] : memref<3x512x32xf32, #tpu.memory_space<vmem>> -> memref<1x512x32xf32, #tpu.memory_space<vmem>>
    %dma_start3A_883 = tpu.memref_squeeze %dma_start3A_882 : memref<1x512x32xf32, #tpu.memory_space<vmem>> -> memref<512x32xf32, #tpu.memory_space<vmem>>
    %dma_start3A_884 = arith.constant 0 : i32
    %dma_start3A_885 = tpu.memref_slice %arg4[%dma_start3A_878, %mul3A_2, %dma_start3A_884] : memref<26x16384x32xf32, #tpu.memory_space<hbm>> -> memref<1x512x32xf32, #tpu.memory_space<hbm>>
    %dma_start3A_886 = tpu.memref_squeeze %dma_start3A_885 : memref<1x512x32xf32, #tpu.memory_space<hbm>> -> memref<512x32xf32, #tpu.memory_space<hbm>>
    %dma_start3A_887 = tpu.memref_slice %arg9[%dma_start3A_879] : memref<3x!tpu.dma_semaphore, #tpu.memory_space<semaphore_mem>> -> memref<1x!tpu.dma_semaphore, #tpu.memory_space<semaphore_mem>>
    %dma_start3A_888 = tpu.memref_squeeze %dma_start3A_887 : memref<1x!tpu.dma_semaphore, #tpu.memory_space<semaphore_mem>> -> memref<!tpu.dma_semaphore, #tpu.memory_space<semaphore_mem>>
    %dma_start3A_889 = arith.constant 0 : i32
    %dma_start3A_890 = tpu.memref_slice %arg4[%dma_start3A_878, %mul3A_2, %dma_start3A_889] : memref<26x16384x32xf32, #tpu.memory_space<hbm>> -> memref<1x512x32xf32, #tpu.memory_space<hbm>>
    %dma_start3A_891 = tpu.memref_squeeze %dma_start3A_890 : memref<1x512x32xf32, #tpu.memory_space<hbm>> -> memref<512x32xf32, #tpu.memory_space<hbm>>
    %dma_start3A_892 = arith.constant 0 : i32
    %dma_start3A_893 = arith.constant 0 : i32
    %dma_start3A_894 = tpu.memref_slice %arg7[%dma_start3A_877, %dma_start3A_892, %dma_start3A_893] : memref<3x512x32xf32, #tpu.memory_space<vmem>> -> memref<1x512x32xf32, #tpu.memory_space<vmem>>
    %dma_start3A_895 = tpu.memref_squeeze %dma_start3A_894 : memref<1x512x32xf32, #tpu.memory_space<vmem>> -> memref<512x32xf32, #tpu.memory_space<vmem>>
    tpu.enqueue_dma source(%dma_start3A_895 : memref<512x32xf32, #tpu.memory_space<vmem>>) target(%dma_start3A_891 : memref<512x32xf32, #tpu.memory_space<hbm>>) target_semaphore(%dma_start3A_888 : memref<!tpu.dma_semaphore, #tpu.memory_space<semaphore_mem>>)
    %dma_wait3A_896 = arith.constant 2 : i32
    %dma_wait3A_897 = arith.constant 8 : i32
    %dma_wait3A_898 = arith.constant 2 : i32
    %dma_wait3A_899 = arith.constant 0 : i32
    %dma_wait3A_900 = arith.constant 0 : i32
    %dma_wait3A_901 = tpu.memref_slice %arg7[%dma_wait3A_896, %dma_wait3A_899, %dma_wait3A_900] : memref<3x512x32xf32, #tpu.memory_space<vmem>> -> memref<1x512x32xf32, #tpu.memory_space<vmem>>
    %dma_wait3A_902 = tpu.memref_squeeze %dma_wait3A_901 : memref<1x512x32xf32, #tpu.memory_space<vmem>> -> memref<512x32xf32, #tpu.memory_space<vmem>>
    %dma_wait3A_903 = arith.constant 0 : i32
    %dma_wait3A_904 = tpu.memref_slice %arg4[%dma_wait3A_897, %mul3A_2, %dma_wait3A_903] : memref<26x16384x32xf32, #tpu.memory_space<hbm>> -> memref<1x512x32xf32, #tpu.memory_space<hbm>>
    %dma_wait3A_905 = tpu.memref_squeeze %dma_wait3A_904 : memref<1x512x32xf32, #tpu.memory_space<hbm>> -> memref<512x32xf32, #tpu.memory_space<hbm>>
    %dma_wait3A_906 = tpu.memref_slice %arg9[%dma_wait3A_898] : memref<3x!tpu.dma_semaphore, #tpu.memory_space<semaphore_mem>> -> memref<1x!tpu.dma_semaphore, #tpu.memory_space<semaphore_mem>>
    %dma_wait3A_907 = tpu.memref_squeeze %dma_wait3A_906 : memref<1x!tpu.dma_semaphore, #tpu.memory_space<semaphore_mem>> -> memref<!tpu.dma_semaphore, #tpu.memory_space<semaphore_mem>>
    %dma_wait3A_908 = arith.constant 0 : i32
    %dma_wait3A_909 = tpu.memref_slice %arg4[%dma_wait3A_897, %mul3A_2, %dma_wait3A_908] : memref<26x16384x32xf32, #tpu.memory_space<hbm>> -> memref<1x512x32xf32, #tpu.memory_space<hbm>>
    %dma_wait3A_910 = tpu.memref_squeeze %dma_wait3A_909 : memref<1x512x32xf32, #tpu.memory_space<hbm>> -> memref<512x32xf32, #tpu.memory_space<hbm>>
    %dma_wait3A_911 = arith.constant 0 : i32
    %dma_wait3A_912 = arith.constant 0 : i32
    %dma_wait3A_913 = tpu.memref_slice %arg7[%dma_wait3A_896, %dma_wait3A_911, %dma_wait3A_912] : memref<3x512x32xf32, #tpu.memory_space<vmem>> -> memref<1x512x32xf32, #tpu.memory_space<vmem>>
    %dma_wait3A_914 = tpu.memref_squeeze %dma_wait3A_913 : memref<1x512x32xf32, #tpu.memory_space<vmem>> -> memref<512x32xf32, #tpu.memory_space<vmem>>
    tpu.wait_dma2 semaphore(%dma_wait3A_907 : memref<!tpu.dma_semaphore, #tpu.memory_space<semaphore_mem>>) src(%dma_wait3A_914 : memref<512x32xf32, #tpu.memory_space<vmem>>) dst(%dma_wait3A_910 : memref<512x32xf32, #tpu.memory_space<hbm>>)
    %mul3A_915 = arith.constant 26 : i32
    %mul3A_916 = vector.broadcast %mul3A_915 : i32 to vector<16xi32>
    %mul3A_917 = arith.muli %iota3A, %mul3A_916 : vector<16xi32>
    %add3A_918 = arith.constant 11 : i32
    %add3A_919 = vector.broadcast %add3A_918 : i32 to vector<16xi32>
    %add3A_920 = arith.addi %mul3A_917, %add3A_919 : vector<16xi32>
    %scan3A_921 = arith.constant 0 : i32
    %scan3A_922 = arith.constant 0 : i32
    %scan3A_923 = arith.constant 32 : i32
    %scan3A_924 = arith.addi %scan3A_922, %scan3A_923 : i32
    %scan3A_925 = arith.constant 1 : i32
    scf.for %scan3A_2323 = %scan3A_922 to %scan3A_924 step %scan3A_925  : i32 {
      %mul3A_2324 = arith.constant 416 : i32
      %mul3A_2325 = arith.muli %scan3A_2323, %mul3A_2324 : i32
      %add3A_2326 = vector.broadcast %mul3A_2325 : i32 to vector<16xi32>
      %add3A_2327 = arith.addi %add3A_920, %add3A_2326 : vector<16xi32>
      %gather3A = tpu.vector_load_idx %arg5[%add3A_2327] : memref<13312xi32, #tpu.memory_space<vmem>>[vector<16xi32>], vector<16xi32>,
      %mul3A_2328 = arith.constant 16 : i32
      %mul3A_2329 = arith.muli %scan3A_2323, %mul3A_2328 : i32
      %swap3A = arith.constant 2 : i32
      %swap3A_2330 = arith.index_cast %swap3A : i32 to index
      %swap3A_2331 = arith.index_cast %mul3A_2329 : i32 to index
      %swap3A_2332 = tpu.vector_load %arg6[%swap3A_2330, %swap3A_2331] {strides = array<i32>} : memref<3x512xi32, #tpu.memory_space<vmem>>, vector<16xi32>,
      tpu.vector_store %arg6[%swap3A_2330, %swap3A_2331], %gather3A {strides = array<i32>} : memref<3x512xi32, #tpu.memory_space<vmem>>, vector<16xi32>,
    }
    %scan3A_926 = arith.constant 32 : i32
    %dma_start3A_927 = arith.constant 11 : i32
    %dma_start3A_928 = arith.constant 2 : i32
    %dma_start3A_929 = arith.constant 2 : i32
    %dma_start3A_930 = arith.constant 2 : i32
    %dma_start3A_931 = arith.constant 0 : i32
    %dma_start3A_932 = arith.constant 0 : i32
    %dma_start3A_933 = tpu.memref_slice %arg7[%dma_start3A_929, %dma_start3A_931, %dma_start3A_932] : memref<3x512x32xf32, #tpu.memory_space<vmem>> -> memref<1x512x32xf32, #tpu.memory_space<vmem>>
    %dma_start3A_934 = tpu.memref_squeeze %dma_start3A_933 : memref<1x512x32xf32, #tpu.memory_space<vmem>> -> memref<512x32xf32, #tpu.memory_space<vmem>>
    %dma_start3A_935 = arith.constant 0 : i32
    %dma_start3A_936 = tpu.memref_slice %arg6[%dma_start3A_928, %dma_start3A_935] : memref<3x512xi32, #tpu.memory_space<vmem>> -> memref<1x512xi32, #tpu.memory_space<vmem>>
    %dma_start3A_937 = tpu.memref_squeeze %dma_start3A_936 : memref<1x512xi32, #tpu.memory_space<vmem>> -> memref<512xi32, #tpu.memory_space<vmem>>
    %dma_start3A_938 = arith.constant 0 : i32
    %dma_start3A_939 = arith.constant 0 : i32
    %dma_start3A_940 = tpu.memref_slice %arg3[%dma_start3A_927, %dma_start3A_938, %dma_start3A_939] : memref<26x100000x32xf32, #tpu.memory_space<hbm>> -> memref<1x100000x32xf32, #tpu.memory_space<hbm>>
    %dma_start3A_941 = tpu.memref_squeeze %dma_start3A_940 : memref<1x100000x32xf32, #tpu.memory_space<hbm>> -> memref<100000x32xf32, #tpu.memory_space<hbm>>
    %dma_start3A_942 = arith.constant 0 : i32
    %dma_start3A_943 = arith.constant 0 : i32
    %dma_start3A_944 = tpu.memref_slice %dma_start3A_941[%dma_start3A_942, %dma_start3A_943] : memref<100000x32xf32, #tpu.memory_space<hbm>> -> memref<100000x32xf32, #tpu.memory_space<hbm>>
    %dma_start3A_945 = tpu.memref_slice %arg8[%dma_start3A_930] : memref<3x!tpu.dma_semaphore, #tpu.memory_space<semaphore_mem>> -> memref<1x!tpu.dma_semaphore, #tpu.memory_space<semaphore_mem>>
    %dma_start3A_946 = tpu.memref_squeeze %dma_start3A_945 : memref<1x!tpu.dma_semaphore, #tpu.memory_space<semaphore_mem>> -> memref<!tpu.dma_semaphore, #tpu.memory_space<semaphore_mem>>
    tpu.enqueue_indirect_dma source(%dma_start3A_944 : memref<100000x32xf32, #tpu.memory_space<hbm>>) target(%dma_start3A_934 : memref<512x32xf32, #tpu.memory_space<vmem>>) offsets(%dma_start3A_937 : memref<512xi32, #tpu.memory_space<vmem>>) semaphore(%dma_start3A_946 : memref<!tpu.dma_semaphore, #tpu.memory_space<semaphore_mem>>)
    %dma_wait3A_947 = arith.constant 10 : i32
    %dma_wait3A_948 = arith.constant 1 : i32
    %dma_wait3A_949 = arith.constant 1 : i32
    %dma_wait3A_950 = arith.constant 1 : i32
    %dma_wait3A_951 = arith.constant 0 : i32
    %dma_wait3A_952 = arith.constant 0 : i32
    %dma_wait3A_953 = tpu.memref_slice %arg7[%dma_wait3A_949, %dma_wait3A_951, %dma_wait3A_952] : memref<3x512x32xf32, #tpu.memory_space<vmem>> -> memref<1x512x32xf32, #tpu.memory_space<vmem>>
    %dma_wait3A_954 = tpu.memref_squeeze %dma_wait3A_953 : memref<1x512x32xf32, #tpu.memory_space<vmem>> -> memref<512x32xf32, #tpu.memory_space<vmem>>
    %dma_wait3A_955 = arith.constant 0 : i32
    %dma_wait3A_956 = tpu.memref_slice %arg6[%dma_wait3A_948, %dma_wait3A_955] : memref<3x512xi32, #tpu.memory_space<vmem>> -> memref<1x512xi32, #tpu.memory_space<vmem>>
    %dma_wait3A_957 = tpu.memref_squeeze %dma_wait3A_956 : memref<1x512xi32, #tpu.memory_space<vmem>> -> memref<512xi32, #tpu.memory_space<vmem>>
    %dma_wait3A_958 = arith.constant 0 : i32
    %dma_wait3A_959 = arith.constant 0 : i32
    %dma_wait3A_960 = tpu.memref_slice %arg3[%dma_wait3A_947, %dma_wait3A_958, %dma_wait3A_959] : memref<26x100000x32xf32, #tpu.memory_space<hbm>> -> memref<1x100000x32xf32, #tpu.memory_space<hbm>>
    %dma_wait3A_961 = tpu.memref_squeeze %dma_wait3A_960 : memref<1x100000x32xf32, #tpu.memory_space<hbm>> -> memref<100000x32xf32, #tpu.memory_space<hbm>>
    %dma_wait3A_962 = arith.constant 0 : i32
    %dma_wait3A_963 = arith.constant 0 : i32
    %dma_wait3A_964 = tpu.memref_slice %dma_wait3A_961[%dma_wait3A_962, %dma_wait3A_963] : memref<100000x32xf32, #tpu.memory_space<hbm>> -> memref<100000x32xf32, #tpu.memory_space<hbm>>
    %dma_wait3A_965 = tpu.memref_slice %arg8[%dma_wait3A_950] : memref<3x!tpu.dma_semaphore, #tpu.memory_space<semaphore_mem>> -> memref<1x!tpu.dma_semaphore, #tpu.memory_space<semaphore_mem>>
    %dma_wait3A_966 = tpu.memref_squeeze %dma_wait3A_965 : memref<1x!tpu.dma_semaphore, #tpu.memory_space<semaphore_mem>> -> memref<!tpu.dma_semaphore, #tpu.memory_space<semaphore_mem>>
    tpu.wait_indirect_dma semaphore(%dma_wait3A_966 : memref<!tpu.dma_semaphore, #tpu.memory_space<semaphore_mem>>) src(%dma_wait3A_964 : memref<100000x32xf32, #tpu.memory_space<hbm>>) dst(%dma_wait3A_954 : memref<512x32xf32, #tpu.memory_space<vmem>>)
    %dma_start3A_967 = arith.constant 1 : i32
    %dma_start3A_968 = arith.constant 10 : i32
    %dma_start3A_969 = arith.constant 1 : i32
    %dma_start3A_970 = arith.constant 0 : i32
    %dma_start3A_971 = arith.constant 0 : i32
    %dma_start3A_972 = tpu.memref_slice %arg7[%dma_start3A_967, %dma_start3A_970, %dma_start3A_971] : memref<3x512x32xf32, #tpu.memory_space<vmem>> -> memref<1x512x32xf32, #tpu.memory_space<vmem>>
    %dma_start3A_973 = tpu.memref_squeeze %dma_start3A_972 : memref<1x512x32xf32, #tpu.memory_space<vmem>> -> memref<512x32xf32, #tpu.memory_space<vmem>>
    %dma_start3A_974 = arith.constant 0 : i32
    %dma_start3A_975 = tpu.memref_slice %arg4[%dma_start3A_968, %mul3A_2, %dma_start3A_974] : memref<26x16384x32xf32, #tpu.memory_space<hbm>> -> memref<1x512x32xf32, #tpu.memory_space<hbm>>
    %dma_start3A_976 = tpu.memref_squeeze %dma_start3A_975 : memref<1x512x32xf32, #tpu.memory_space<hbm>> -> memref<512x32xf32, #tpu.memory_space<hbm>>
    %dma_start3A_977 = tpu.memref_slice %arg9[%dma_start3A_969] : memref<3x!tpu.dma_semaphore, #tpu.memory_space<semaphore_mem>> -> memref<1x!tpu.dma_semaphore, #tpu.memory_space<semaphore_mem>>
    %dma_start3A_978 = tpu.memref_squeeze %dma_start3A_977 : memref<1x!tpu.dma_semaphore, #tpu.memory_space<semaphore_mem>> -> memref<!tpu.dma_semaphore, #tpu.memory_space<semaphore_mem>>
    %dma_start3A_979 = arith.constant 0 : i32
    %dma_start3A_980 = tpu.memref_slice %arg4[%dma_start3A_968, %mul3A_2, %dma_start3A_979] : memref<26x16384x32xf32, #tpu.memory_space<hbm>> -> memref<1x512x32xf32, #tpu.memory_space<hbm>>
    %dma_start3A_981 = tpu.memref_squeeze %dma_start3A_980 : memref<1x512x32xf32, #tpu.memory_space<hbm>> -> memref<512x32xf32, #tpu.memory_space<hbm>>
    %dma_start3A_982 = arith.constant 0 : i32
    %dma_start3A_983 = arith.constant 0 : i32
    %dma_start3A_984 = tpu.memref_slice %arg7[%dma_start3A_967, %dma_start3A_982, %dma_start3A_983] : memref<3x512x32xf32, #tpu.memory_space<vmem>> -> memref<1x512x32xf32, #tpu.memory_space<vmem>>
    %dma_start3A_985 = tpu.memref_squeeze %dma_start3A_984 : memref<1x512x32xf32, #tpu.memory_space<vmem>> -> memref<512x32xf32, #tpu.memory_space<vmem>>
    tpu.enqueue_dma source(%dma_start3A_985 : memref<512x32xf32, #tpu.memory_space<vmem>>) target(%dma_start3A_981 : memref<512x32xf32, #tpu.memory_space<hbm>>) target_semaphore(%dma_start3A_978 : memref<!tpu.dma_semaphore, #tpu.memory_space<semaphore_mem>>)
    %dma_wait3A_986 = arith.constant 0 : i32
    %dma_wait3A_987 = arith.constant 9 : i32
    %dma_wait3A_988 = arith.constant 0 : i32
    %dma_wait3A_989 = arith.constant 0 : i32
    %dma_wait3A_990 = arith.constant 0 : i32
    %dma_wait3A_991 = tpu.memref_slice %arg7[%dma_wait3A_986, %dma_wait3A_989, %dma_wait3A_990] : memref<3x512x32xf32, #tpu.memory_space<vmem>> -> memref<1x512x32xf32, #tpu.memory_space<vmem>>
    %dma_wait3A_992 = tpu.memref_squeeze %dma_wait3A_991 : memref<1x512x32xf32, #tpu.memory_space<vmem>> -> memref<512x32xf32, #tpu.memory_space<vmem>>
    %dma_wait3A_993 = arith.constant 0 : i32
    %dma_wait3A_994 = tpu.memref_slice %arg4[%dma_wait3A_987, %mul3A_2, %dma_wait3A_993] : memref<26x16384x32xf32, #tpu.memory_space<hbm>> -> memref<1x512x32xf32, #tpu.memory_space<hbm>>
    %dma_wait3A_995 = tpu.memref_squeeze %dma_wait3A_994 : memref<1x512x32xf32, #tpu.memory_space<hbm>> -> memref<512x32xf32, #tpu.memory_space<hbm>>
    %dma_wait3A_996 = tpu.memref_slice %arg9[%dma_wait3A_988] : memref<3x!tpu.dma_semaphore, #tpu.memory_space<semaphore_mem>> -> memref<1x!tpu.dma_semaphore, #tpu.memory_space<semaphore_mem>>
    %dma_wait3A_997 = tpu.memref_squeeze %dma_wait3A_996 : memref<1x!tpu.dma_semaphore, #tpu.memory_space<semaphore_mem>> -> memref<!tpu.dma_semaphore, #tpu.memory_space<semaphore_mem>>
    %dma_wait3A_998 = arith.constant 0 : i32
    %dma_wait3A_999 = tpu.memref_slice %arg4[%dma_wait3A_987, %mul3A_2, %dma_wait3A_998] : memref<26x16384x32xf32, #tpu.memory_space<hbm>> -> memref<1x512x32xf32, #tpu.memory_space<hbm>>
    %dma_wait3A_1000 = tpu.memref_squeeze %dma_wait3A_999 : memref<1x512x32xf32, #tpu.memory_space<hbm>> -> memref<512x32xf32, #tpu.memory_space<hbm>>
    %dma_wait3A_1001 = arith.constant 0 : i32
    %dma_wait3A_1002 = arith.constant 0 : i32
    %dma_wait3A_1003 = tpu.memref_slice %arg7[%dma_wait3A_986, %dma_wait3A_1001, %dma_wait3A_1002] : memref<3x512x32xf32, #tpu.memory_space<vmem>> -> memref<1x512x32xf32, #tpu.memory_space<vmem>>
    %dma_wait3A_1004 = tpu.memref_squeeze %dma_wait3A_1003 : memref<1x512x32xf32, #tpu.memory_space<vmem>> -> memref<512x32xf32, #tpu.memory_space<vmem>>
    tpu.wait_dma2 semaphore(%dma_wait3A_997 : memref<!tpu.dma_semaphore, #tpu.memory_space<semaphore_mem>>) src(%dma_wait3A_1004 : memref<512x32xf32, #tpu.memory_space<vmem>>) dst(%dma_wait3A_1000 : memref<512x32xf32, #tpu.memory_space<hbm>>)
    %mul3A_1005 = arith.constant 26 : i32
    %mul3A_1006 = vector.broadcast %mul3A_1005 : i32 to vector<16xi32>
    %mul3A_1007 = arith.muli %iota3A, %mul3A_1006 : vector<16xi32>
    %add3A_1008 = arith.constant 12 : i32
    %add3A_1009 = vector.broadcast %add3A_1008 : i32 to vector<16xi32>
    %add3A_1010 = arith.addi %mul3A_1007, %add3A_1009 : vector<16xi32>
    %scan3A_1011 = arith.constant 0 : i32
    %scan3A_1012 = arith.constant 0 : i32
    %scan3A_1013 = arith.constant 32 : i32
    %scan3A_1014 = arith.addi %scan3A_1012, %scan3A_1013 : i32
    %scan3A_1015 = arith.constant 1 : i32
    scf.for %scan3A_2323 = %scan3A_1012 to %scan3A_1014 step %scan3A_1015  : i32 {
      %mul3A_2324 = arith.constant 416 : i32
      %mul3A_2325 = arith.muli %scan3A_2323, %mul3A_2324 : i32
      %add3A_2326 = vector.broadcast %mul3A_2325 : i32 to vector<16xi32>
      %add3A_2327 = arith.addi %add3A_1010, %add3A_2326 : vector<16xi32>
      %gather3A = tpu.vector_load_idx %arg5[%add3A_2327] : memref<13312xi32, #tpu.memory_space<vmem>>[vector<16xi32>], vector<16xi32>,
      %mul3A_2328 = arith.constant 16 : i32
      %mul3A_2329 = arith.muli %scan3A_2323, %mul3A_2328 : i32
      %swap3A = arith.constant 0 : i32
      %swap3A_2330 = arith.index_cast %swap3A : i32 to index
      %swap3A_2331 = arith.index_cast %mul3A_2329 : i32 to index
      %swap3A_2332 = tpu.vector_load %arg6[%swap3A_2330, %swap3A_2331] {strides = array<i32>} : memref<3x512xi32, #tpu.memory_space<vmem>>, vector<16xi32>,
      tpu.vector_store %arg6[%swap3A_2330, %swap3A_2331], %gather3A {strides = array<i32>} : memref<3x512xi32, #tpu.memory_space<vmem>>, vector<16xi32>,
    }
    %scan3A_1016 = arith.constant 32 : i32
    %dma_start3A_1017 = arith.constant 12 : i32
    %dma_start3A_1018 = arith.constant 0 : i32
    %dma_start3A_1019 = arith.constant 0 : i32
    %dma_start3A_1020 = arith.constant 0 : i32
    %dma_start3A_1021 = arith.constant 0 : i32
    %dma_start3A_1022 = arith.constant 0 : i32
    %dma_start3A_1023 = tpu.memref_slice %arg7[%dma_start3A_1019, %dma_start3A_1021, %dma_start3A_1022] : memref<3x512x32xf32, #tpu.memory_space<vmem>> -> memref<1x512x32xf32, #tpu.memory_space<vmem>>
    %dma_start3A_1024 = tpu.memref_squeeze %dma_start3A_1023 : memref<1x512x32xf32, #tpu.memory_space<vmem>> -> memref<512x32xf32, #tpu.memory_space<vmem>>
    %dma_start3A_1025 = arith.constant 0 : i32
    %dma_start3A_1026 = tpu.memref_slice %arg6[%dma_start3A_1018, %dma_start3A_1025] : memref<3x512xi32, #tpu.memory_space<vmem>> -> memref<1x512xi32, #tpu.memory_space<vmem>>
    %dma_start3A_1027 = tpu.memref_squeeze %dma_start3A_1026 : memref<1x512xi32, #tpu.memory_space<vmem>> -> memref<512xi32, #tpu.memory_space<vmem>>
    %dma_start3A_1028 = arith.constant 0 : i32
    %dma_start3A_1029 = arith.constant 0 : i32
    %dma_start3A_1030 = tpu.memref_slice %arg3[%dma_start3A_1017, %dma_start3A_1028, %dma_start3A_1029] : memref<26x100000x32xf32, #tpu.memory_space<hbm>> -> memref<1x100000x32xf32, #tpu.memory_space<hbm>>
    %dma_start3A_1031 = tpu.memref_squeeze %dma_start3A_1030 : memref<1x100000x32xf32, #tpu.memory_space<hbm>> -> memref<100000x32xf32, #tpu.memory_space<hbm>>
    %dma_start3A_1032 = arith.constant 0 : i32
    %dma_start3A_1033 = arith.constant 0 : i32
    %dma_start3A_1034 = tpu.memref_slice %dma_start3A_1031[%dma_start3A_1032, %dma_start3A_1033] : memref<100000x32xf32, #tpu.memory_space<hbm>> -> memref<100000x32xf32, #tpu.memory_space<hbm>>
    %dma_start3A_1035 = tpu.memref_slice %arg8[%dma_start3A_1020] : memref<3x!tpu.dma_semaphore, #tpu.memory_space<semaphore_mem>> -> memref<1x!tpu.dma_semaphore, #tpu.memory_space<semaphore_mem>>
    %dma_start3A_1036 = tpu.memref_squeeze %dma_start3A_1035 : memref<1x!tpu.dma_semaphore, #tpu.memory_space<semaphore_mem>> -> memref<!tpu.dma_semaphore, #tpu.memory_space<semaphore_mem>>
    tpu.enqueue_indirect_dma source(%dma_start3A_1034 : memref<100000x32xf32, #tpu.memory_space<hbm>>) target(%dma_start3A_1024 : memref<512x32xf32, #tpu.memory_space<vmem>>) offsets(%dma_start3A_1027 : memref<512xi32, #tpu.memory_space<vmem>>) semaphore(%dma_start3A_1036 : memref<!tpu.dma_semaphore, #tpu.memory_space<semaphore_mem>>)
    %dma_wait3A_1037 = arith.constant 11 : i32
    %dma_wait3A_1038 = arith.constant 2 : i32
    %dma_wait3A_1039 = arith.constant 2 : i32
    %dma_wait3A_1040 = arith.constant 2 : i32
    %dma_wait3A_1041 = arith.constant 0 : i32
    %dma_wait3A_1042 = arith.constant 0 : i32
    %dma_wait3A_1043 = tpu.memref_slice %arg7[%dma_wait3A_1039, %dma_wait3A_1041, %dma_wait3A_1042] : memref<3x512x32xf32, #tpu.memory_space<vmem>> -> memref<1x512x32xf32, #tpu.memory_space<vmem>>
    %dma_wait3A_1044 = tpu.memref_squeeze %dma_wait3A_1043 : memref<1x512x32xf32, #tpu.memory_space<vmem>> -> memref<512x32xf32, #tpu.memory_space<vmem>>
    %dma_wait3A_1045 = arith.constant 0 : i32
    %dma_wait3A_1046 = tpu.memref_slice %arg6[%dma_wait3A_1038, %dma_wait3A_1045] : memref<3x512xi32, #tpu.memory_space<vmem>> -> memref<1x512xi32, #tpu.memory_space<vmem>>
    %dma_wait3A_1047 = tpu.memref_squeeze %dma_wait3A_1046 : memref<1x512xi32, #tpu.memory_space<vmem>> -> memref<512xi32, #tpu.memory_space<vmem>>
    %dma_wait3A_1048 = arith.constant 0 : i32
    %dma_wait3A_1049 = arith.constant 0 : i32
    %dma_wait3A_1050 = tpu.memref_slice %arg3[%dma_wait3A_1037, %dma_wait3A_1048, %dma_wait3A_1049] : memref<26x100000x32xf32, #tpu.memory_space<hbm>> -> memref<1x100000x32xf32, #tpu.memory_space<hbm>>
    %dma_wait3A_1051 = tpu.memref_squeeze %dma_wait3A_1050 : memref<1x100000x32xf32, #tpu.memory_space<hbm>> -> memref<100000x32xf32, #tpu.memory_space<hbm>>
    %dma_wait3A_1052 = arith.constant 0 : i32
    %dma_wait3A_1053 = arith.constant 0 : i32
    %dma_wait3A_1054 = tpu.memref_slice %dma_wait3A_1051[%dma_wait3A_1052, %dma_wait3A_1053] : memref<100000x32xf32, #tpu.memory_space<hbm>> -> memref<100000x32xf32, #tpu.memory_space<hbm>>
    %dma_wait3A_1055 = tpu.memref_slice %arg8[%dma_wait3A_1040] : memref<3x!tpu.dma_semaphore, #tpu.memory_space<semaphore_mem>> -> memref<1x!tpu.dma_semaphore, #tpu.memory_space<semaphore_mem>>
    %dma_wait3A_1056 = tpu.memref_squeeze %dma_wait3A_1055 : memref<1x!tpu.dma_semaphore, #tpu.memory_space<semaphore_mem>> -> memref<!tpu.dma_semaphore, #tpu.memory_space<semaphore_mem>>
    tpu.wait_indirect_dma semaphore(%dma_wait3A_1056 : memref<!tpu.dma_semaphore, #tpu.memory_space<semaphore_mem>>) src(%dma_wait3A_1054 : memref<100000x32xf32, #tpu.memory_space<hbm>>) dst(%dma_wait3A_1044 : memref<512x32xf32, #tpu.memory_space<vmem>>)
    %dma_start3A_1057 = arith.constant 2 : i32
    %dma_start3A_1058 = arith.constant 11 : i32
    %dma_start3A_1059 = arith.constant 2 : i32
    %dma_start3A_1060 = arith.constant 0 : i32
    %dma_start3A_1061 = arith.constant 0 : i32
    %dma_start3A_1062 = tpu.memref_slice %arg7[%dma_start3A_1057, %dma_start3A_1060, %dma_start3A_1061] : memref<3x512x32xf32, #tpu.memory_space<vmem>> -> memref<1x512x32xf32, #tpu.memory_space<vmem>>
    %dma_start3A_1063 = tpu.memref_squeeze %dma_start3A_1062 : memref<1x512x32xf32, #tpu.memory_space<vmem>> -> memref<512x32xf32, #tpu.memory_space<vmem>>
    %dma_start3A_1064 = arith.constant 0 : i32
    %dma_start3A_1065 = tpu.memref_slice %arg4[%dma_start3A_1058, %mul3A_2, %dma_start3A_1064] : memref<26x16384x32xf32, #tpu.memory_space<hbm>> -> memref<1x512x32xf32, #tpu.memory_space<hbm>>
    %dma_start3A_1066 = tpu.memref_squeeze %dma_start3A_1065 : memref<1x512x32xf32, #tpu.memory_space<hbm>> -> memref<512x32xf32, #tpu.memory_space<hbm>>
    %dma_start3A_1067 = tpu.memref_slice %arg9[%dma_start3A_1059] : memref<3x!tpu.dma_semaphore, #tpu.memory_space<semaphore_mem>> -> memref<1x!tpu.dma_semaphore, #tpu.memory_space<semaphore_mem>>
    %dma_start3A_1068 = tpu.memref_squeeze %dma_start3A_1067 : memref<1x!tpu.dma_semaphore, #tpu.memory_space<semaphore_mem>> -> memref<!tpu.dma_semaphore, #tpu.memory_space<semaphore_mem>>
    %dma_start3A_1069 = arith.constant 0 : i32
    %dma_start3A_1070 = tpu.memref_slice %arg4[%dma_start3A_1058, %mul3A_2, %dma_start3A_1069] : memref<26x16384x32xf32, #tpu.memory_space<hbm>> -> memref<1x512x32xf32, #tpu.memory_space<hbm>>
    %dma_start3A_1071 = tpu.memref_squeeze %dma_start3A_1070 : memref<1x512x32xf32, #tpu.memory_space<hbm>> -> memref<512x32xf32, #tpu.memory_space<hbm>>
    %dma_start3A_1072 = arith.constant 0 : i32
    %dma_start3A_1073 = arith.constant 0 : i32
    %dma_start3A_1074 = tpu.memref_slice %arg7[%dma_start3A_1057, %dma_start3A_1072, %dma_start3A_1073] : memref<3x512x32xf32, #tpu.memory_space<vmem>> -> memref<1x512x32xf32, #tpu.memory_space<vmem>>
    %dma_start3A_1075 = tpu.memref_squeeze %dma_start3A_1074 : memref<1x512x32xf32, #tpu.memory_space<vmem>> -> memref<512x32xf32, #tpu.memory_space<vmem>>
    tpu.enqueue_dma source(%dma_start3A_1075 : memref<512x32xf32, #tpu.memory_space<vmem>>) target(%dma_start3A_1071 : memref<512x32xf32, #tpu.memory_space<hbm>>) target_semaphore(%dma_start3A_1068 : memref<!tpu.dma_semaphore, #tpu.memory_space<semaphore_mem>>)
    %dma_wait3A_1076 = arith.constant 1 : i32
    %dma_wait3A_1077 = arith.constant 10 : i32
    %dma_wait3A_1078 = arith.constant 1 : i32
    %dma_wait3A_1079 = arith.constant 0 : i32
    %dma_wait3A_1080 = arith.constant 0 : i32
    %dma_wait3A_1081 = tpu.memref_slice %arg7[%dma_wait3A_1076, %dma_wait3A_1079, %dma_wait3A_1080] : memref<3x512x32xf32, #tpu.memory_space<vmem>> -> memref<1x512x32xf32, #tpu.memory_space<vmem>>
    %dma_wait3A_1082 = tpu.memref_squeeze %dma_wait3A_1081 : memref<1x512x32xf32, #tpu.memory_space<vmem>> -> memref<512x32xf32, #tpu.memory_space<vmem>>
    %dma_wait3A_1083 = arith.constant 0 : i32
    %dma_wait3A_1084 = tpu.memref_slice %arg4[%dma_wait3A_1077, %mul3A_2, %dma_wait3A_1083] : memref<26x16384x32xf32, #tpu.memory_space<hbm>> -> memref<1x512x32xf32, #tpu.memory_space<hbm>>
    %dma_wait3A_1085 = tpu.memref_squeeze %dma_wait3A_1084 : memref<1x512x32xf32, #tpu.memory_space<hbm>> -> memref<512x32xf32, #tpu.memory_space<hbm>>
    %dma_wait3A_1086 = tpu.memref_slice %arg9[%dma_wait3A_1078] : memref<3x!tpu.dma_semaphore, #tpu.memory_space<semaphore_mem>> -> memref<1x!tpu.dma_semaphore, #tpu.memory_space<semaphore_mem>>
    %dma_wait3A_1087 = tpu.memref_squeeze %dma_wait3A_1086 : memref<1x!tpu.dma_semaphore, #tpu.memory_space<semaphore_mem>> -> memref<!tpu.dma_semaphore, #tpu.memory_space<semaphore_mem>>
    %dma_wait3A_1088 = arith.constant 0 : i32
    %dma_wait3A_1089 = tpu.memref_slice %arg4[%dma_wait3A_1077, %mul3A_2, %dma_wait3A_1088] : memref<26x16384x32xf32, #tpu.memory_space<hbm>> -> memref<1x512x32xf32, #tpu.memory_space<hbm>>
    %dma_wait3A_1090 = tpu.memref_squeeze %dma_wait3A_1089 : memref<1x512x32xf32, #tpu.memory_space<hbm>> -> memref<512x32xf32, #tpu.memory_space<hbm>>
    %dma_wait3A_1091 = arith.constant 0 : i32
    %dma_wait3A_1092 = arith.constant 0 : i32
    %dma_wait3A_1093 = tpu.memref_slice %arg7[%dma_wait3A_1076, %dma_wait3A_1091, %dma_wait3A_1092] : memref<3x512x32xf32, #tpu.memory_space<vmem>> -> memref<1x512x32xf32, #tpu.memory_space<vmem>>
    %dma_wait3A_1094 = tpu.memref_squeeze %dma_wait3A_1093 : memref<1x512x32xf32, #tpu.memory_space<vmem>> -> memref<512x32xf32, #tpu.memory_space<vmem>>
    tpu.wait_dma2 semaphore(%dma_wait3A_1087 : memref<!tpu.dma_semaphore, #tpu.memory_space<semaphore_mem>>) src(%dma_wait3A_1094 : memref<512x32xf32, #tpu.memory_space<vmem>>) dst(%dma_wait3A_1090 : memref<512x32xf32, #tpu.memory_space<hbm>>)
    %mul3A_1095 = arith.constant 26 : i32
    %mul3A_1096 = vector.broadcast %mul3A_1095 : i32 to vector<16xi32>
    %mul3A_1097 = arith.muli %iota3A, %mul3A_1096 : vector<16xi32>
    %add3A_1098 = arith.constant 13 : i32
    %add3A_1099 = vector.broadcast %add3A_1098 : i32 to vector<16xi32>
    %add3A_1100 = arith.addi %mul3A_1097, %add3A_1099 : vector<16xi32>
    %scan3A_1101 = arith.constant 0 : i32
    %scan3A_1102 = arith.constant 0 : i32
    %scan3A_1103 = arith.constant 32 : i32
    %scan3A_1104 = arith.addi %scan3A_1102, %scan3A_1103 : i32
    %scan3A_1105 = arith.constant 1 : i32
    scf.for %scan3A_2323 = %scan3A_1102 to %scan3A_1104 step %scan3A_1105  : i32 {
      %mul3A_2324 = arith.constant 416 : i32
      %mul3A_2325 = arith.muli %scan3A_2323, %mul3A_2324 : i32
      %add3A_2326 = vector.broadcast %mul3A_2325 : i32 to vector<16xi32>
      %add3A_2327 = arith.addi %add3A_1100, %add3A_2326 : vector<16xi32>
      %gather3A = tpu.vector_load_idx %arg5[%add3A_2327] : memref<13312xi32, #tpu.memory_space<vmem>>[vector<16xi32>], vector<16xi32>,
      %mul3A_2328 = arith.constant 16 : i32
      %mul3A_2329 = arith.muli %scan3A_2323, %mul3A_2328 : i32
      %swap3A = arith.constant 1 : i32
      %swap3A_2330 = arith.index_cast %swap3A : i32 to index
      %swap3A_2331 = arith.index_cast %mul3A_2329 : i32 to index
      %swap3A_2332 = tpu.vector_load %arg6[%swap3A_2330, %swap3A_2331] {strides = array<i32>} : memref<3x512xi32, #tpu.memory_space<vmem>>, vector<16xi32>,
      tpu.vector_store %arg6[%swap3A_2330, %swap3A_2331], %gather3A {strides = array<i32>} : memref<3x512xi32, #tpu.memory_space<vmem>>, vector<16xi32>,
    }
    %scan3A_1106 = arith.constant 32 : i32
    %dma_start3A_1107 = arith.constant 13 : i32
    %dma_start3A_1108 = arith.constant 1 : i32
    %dma_start3A_1109 = arith.constant 1 : i32
    %dma_start3A_1110 = arith.constant 1 : i32
    %dma_start3A_1111 = arith.constant 0 : i32
    %dma_start3A_1112 = arith.constant 0 : i32
    %dma_start3A_1113 = tpu.memref_slice %arg7[%dma_start3A_1109, %dma_start3A_1111, %dma_start3A_1112] : memref<3x512x32xf32, #tpu.memory_space<vmem>> -> memref<1x512x32xf32, #tpu.memory_space<vmem>>
    %dma_start3A_1114 = tpu.memref_squeeze %dma_start3A_1113 : memref<1x512x32xf32, #tpu.memory_space<vmem>> -> memref<512x32xf32, #tpu.memory_space<vmem>>
    %dma_start3A_1115 = arith.constant 0 : i32
    %dma_start3A_1116 = tpu.memref_slice %arg6[%dma_start3A_1108, %dma_start3A_1115] : memref<3x512xi32, #tpu.memory_space<vmem>> -> memref<1x512xi32, #tpu.memory_space<vmem>>
    %dma_start3A_1117 = tpu.memref_squeeze %dma_start3A_1116 : memref<1x512xi32, #tpu.memory_space<vmem>> -> memref<512xi32, #tpu.memory_space<vmem>>
    %dma_start3A_1118 = arith.constant 0 : i32
    %dma_start3A_1119 = arith.constant 0 : i32
    %dma_start3A_1120 = tpu.memref_slice %arg3[%dma_start3A_1107, %dma_start3A_1118, %dma_start3A_1119] : memref<26x100000x32xf32, #tpu.memory_space<hbm>> -> memref<1x100000x32xf32, #tpu.memory_space<hbm>>
    %dma_start3A_1121 = tpu.memref_squeeze %dma_start3A_1120 : memref<1x100000x32xf32, #tpu.memory_space<hbm>> -> memref<100000x32xf32, #tpu.memory_space<hbm>>
    %dma_start3A_1122 = arith.constant 0 : i32
    %dma_start3A_1123 = arith.constant 0 : i32
    %dma_start3A_1124 = tpu.memref_slice %dma_start3A_1121[%dma_start3A_1122, %dma_start3A_1123] : memref<100000x32xf32, #tpu.memory_space<hbm>> -> memref<100000x32xf32, #tpu.memory_space<hbm>>
    %dma_start3A_1125 = tpu.memref_slice %arg8[%dma_start3A_1110] : memref<3x!tpu.dma_semaphore, #tpu.memory_space<semaphore_mem>> -> memref<1x!tpu.dma_semaphore, #tpu.memory_space<semaphore_mem>>
    %dma_start3A_1126 = tpu.memref_squeeze %dma_start3A_1125 : memref<1x!tpu.dma_semaphore, #tpu.memory_space<semaphore_mem>> -> memref<!tpu.dma_semaphore, #tpu.memory_space<semaphore_mem>>
    tpu.enqueue_indirect_dma source(%dma_start3A_1124 : memref<100000x32xf32, #tpu.memory_space<hbm>>) target(%dma_start3A_1114 : memref<512x32xf32, #tpu.memory_space<vmem>>) offsets(%dma_start3A_1117 : memref<512xi32, #tpu.memory_space<vmem>>) semaphore(%dma_start3A_1126 : memref<!tpu.dma_semaphore, #tpu.memory_space<semaphore_mem>>)
    %dma_wait3A_1127 = arith.constant 12 : i32
    %dma_wait3A_1128 = arith.constant 0 : i32
    %dma_wait3A_1129 = arith.constant 0 : i32
    %dma_wait3A_1130 = arith.constant 0 : i32
    %dma_wait3A_1131 = arith.constant 0 : i32
    %dma_wait3A_1132 = arith.constant 0 : i32
    %dma_wait3A_1133 = tpu.memref_slice %arg7[%dma_wait3A_1129, %dma_wait3A_1131, %dma_wait3A_1132] : memref<3x512x32xf32, #tpu.memory_space<vmem>> -> memref<1x512x32xf32, #tpu.memory_space<vmem>>
    %dma_wait3A_1134 = tpu.memref_squeeze %dma_wait3A_1133 : memref<1x512x32xf32, #tpu.memory_space<vmem>> -> memref<512x32xf32, #tpu.memory_space<vmem>>
    %dma_wait3A_1135 = arith.constant 0 : i32
    %dma_wait3A_1136 = tpu.memref_slice %arg6[%dma_wait3A_1128, %dma_wait3A_1135] : memref<3x512xi32, #tpu.memory_space<vmem>> -> memref<1x512xi32, #tpu.memory_space<vmem>>
    %dma_wait3A_1137 = tpu.memref_squeeze %dma_wait3A_1136 : memref<1x512xi32, #tpu.memory_space<vmem>> -> memref<512xi32, #tpu.memory_space<vmem>>
    %dma_wait3A_1138 = arith.constant 0 : i32
    %dma_wait3A_1139 = arith.constant 0 : i32
    %dma_wait3A_1140 = tpu.memref_slice %arg3[%dma_wait3A_1127, %dma_wait3A_1138, %dma_wait3A_1139] : memref<26x100000x32xf32, #tpu.memory_space<hbm>> -> memref<1x100000x32xf32, #tpu.memory_space<hbm>>
    %dma_wait3A_1141 = tpu.memref_squeeze %dma_wait3A_1140 : memref<1x100000x32xf32, #tpu.memory_space<hbm>> -> memref<100000x32xf32, #tpu.memory_space<hbm>>
    %dma_wait3A_1142 = arith.constant 0 : i32
    %dma_wait3A_1143 = arith.constant 0 : i32
    %dma_wait3A_1144 = tpu.memref_slice %dma_wait3A_1141[%dma_wait3A_1142, %dma_wait3A_1143] : memref<100000x32xf32, #tpu.memory_space<hbm>> -> memref<100000x32xf32, #tpu.memory_space<hbm>>
    %dma_wait3A_1145 = tpu.memref_slice %arg8[%dma_wait3A_1130] : memref<3x!tpu.dma_semaphore, #tpu.memory_space<semaphore_mem>> -> memref<1x!tpu.dma_semaphore, #tpu.memory_space<semaphore_mem>>
    %dma_wait3A_1146 = tpu.memref_squeeze %dma_wait3A_1145 : memref<1x!tpu.dma_semaphore, #tpu.memory_space<semaphore_mem>> -> memref<!tpu.dma_semaphore, #tpu.memory_space<semaphore_mem>>
    tpu.wait_indirect_dma semaphore(%dma_wait3A_1146 : memref<!tpu.dma_semaphore, #tpu.memory_space<semaphore_mem>>) src(%dma_wait3A_1144 : memref<100000x32xf32, #tpu.memory_space<hbm>>) dst(%dma_wait3A_1134 : memref<512x32xf32, #tpu.memory_space<vmem>>)
    %dma_start3A_1147 = arith.constant 0 : i32
    %dma_start3A_1148 = arith.constant 12 : i32
    %dma_start3A_1149 = arith.constant 0 : i32
    %dma_start3A_1150 = arith.constant 0 : i32
    %dma_start3A_1151 = arith.constant 0 : i32
    %dma_start3A_1152 = tpu.memref_slice %arg7[%dma_start3A_1147, %dma_start3A_1150, %dma_start3A_1151] : memref<3x512x32xf32, #tpu.memory_space<vmem>> -> memref<1x512x32xf32, #tpu.memory_space<vmem>>
    %dma_start3A_1153 = tpu.memref_squeeze %dma_start3A_1152 : memref<1x512x32xf32, #tpu.memory_space<vmem>> -> memref<512x32xf32, #tpu.memory_space<vmem>>
    %dma_start3A_1154 = arith.constant 0 : i32
    %dma_start3A_1155 = tpu.memref_slice %arg4[%dma_start3A_1148, %mul3A_2, %dma_start3A_1154] : memref<26x16384x32xf32, #tpu.memory_space<hbm>> -> memref<1x512x32xf32, #tpu.memory_space<hbm>>
    %dma_start3A_1156 = tpu.memref_squeeze %dma_start3A_1155 : memref<1x512x32xf32, #tpu.memory_space<hbm>> -> memref<512x32xf32, #tpu.memory_space<hbm>>
    %dma_start3A_1157 = tpu.memref_slice %arg9[%dma_start3A_1149] : memref<3x!tpu.dma_semaphore, #tpu.memory_space<semaphore_mem>> -> memref<1x!tpu.dma_semaphore, #tpu.memory_space<semaphore_mem>>
    %dma_start3A_1158 = tpu.memref_squeeze %dma_start3A_1157 : memref<1x!tpu.dma_semaphore, #tpu.memory_space<semaphore_mem>> -> memref<!tpu.dma_semaphore, #tpu.memory_space<semaphore_mem>>
    %dma_start3A_1159 = arith.constant 0 : i32
    %dma_start3A_1160 = tpu.memref_slice %arg4[%dma_start3A_1148, %mul3A_2, %dma_start3A_1159] : memref<26x16384x32xf32, #tpu.memory_space<hbm>> -> memref<1x512x32xf32, #tpu.memory_space<hbm>>
    %dma_start3A_1161 = tpu.memref_squeeze %dma_start3A_1160 : memref<1x512x32xf32, #tpu.memory_space<hbm>> -> memref<512x32xf32, #tpu.memory_space<hbm>>
    %dma_start3A_1162 = arith.constant 0 : i32
    %dma_start3A_1163 = arith.constant 0 : i32
    %dma_start3A_1164 = tpu.memref_slice %arg7[%dma_start3A_1147, %dma_start3A_1162, %dma_start3A_1163] : memref<3x512x32xf32, #tpu.memory_space<vmem>> -> memref<1x512x32xf32, #tpu.memory_space<vmem>>
    %dma_start3A_1165 = tpu.memref_squeeze %dma_start3A_1164 : memref<1x512x32xf32, #tpu.memory_space<vmem>> -> memref<512x32xf32, #tpu.memory_space<vmem>>
    tpu.enqueue_dma source(%dma_start3A_1165 : memref<512x32xf32, #tpu.memory_space<vmem>>) target(%dma_start3A_1161 : memref<512x32xf32, #tpu.memory_space<hbm>>) target_semaphore(%dma_start3A_1158 : memref<!tpu.dma_semaphore, #tpu.memory_space<semaphore_mem>>)
    %dma_wait3A_1166 = arith.constant 2 : i32
    %dma_wait3A_1167 = arith.constant 11 : i32
    %dma_wait3A_1168 = arith.constant 2 : i32
    %dma_wait3A_1169 = arith.constant 0 : i32
    %dma_wait3A_1170 = arith.constant 0 : i32
    %dma_wait3A_1171 = tpu.memref_slice %arg7[%dma_wait3A_1166, %dma_wait3A_1169, %dma_wait3A_1170] : memref<3x512x32xf32, #tpu.memory_space<vmem>> -> memref<1x512x32xf32, #tpu.memory_space<vmem>>
    %dma_wait3A_1172 = tpu.memref_squeeze %dma_wait3A_1171 : memref<1x512x32xf32, #tpu.memory_space<vmem>> -> memref<512x32xf32, #tpu.memory_space<vmem>>
    %dma_wait3A_1173 = arith.constant 0 : i32
    %dma_wait3A_1174 = tpu.memref_slice %arg4[%dma_wait3A_1167, %mul3A_2, %dma_wait3A_1173] : memref<26x16384x32xf32, #tpu.memory_space<hbm>> -> memref<1x512x32xf32, #tpu.memory_space<hbm>>
    %dma_wait3A_1175 = tpu.memref_squeeze %dma_wait3A_1174 : memref<1x512x32xf32, #tpu.memory_space<hbm>> -> memref<512x32xf32, #tpu.memory_space<hbm>>
    %dma_wait3A_1176 = tpu.memref_slice %arg9[%dma_wait3A_1168] : memref<3x!tpu.dma_semaphore, #tpu.memory_space<semaphore_mem>> -> memref<1x!tpu.dma_semaphore, #tpu.memory_space<semaphore_mem>>
    %dma_wait3A_1177 = tpu.memref_squeeze %dma_wait3A_1176 : memref<1x!tpu.dma_semaphore, #tpu.memory_space<semaphore_mem>> -> memref<!tpu.dma_semaphore, #tpu.memory_space<semaphore_mem>>
    %dma_wait3A_1178 = arith.constant 0 : i32
    %dma_wait3A_1179 = tpu.memref_slice %arg4[%dma_wait3A_1167, %mul3A_2, %dma_wait3A_1178] : memref<26x16384x32xf32, #tpu.memory_space<hbm>> -> memref<1x512x32xf32, #tpu.memory_space<hbm>>
    %dma_wait3A_1180 = tpu.memref_squeeze %dma_wait3A_1179 : memref<1x512x32xf32, #tpu.memory_space<hbm>> -> memref<512x32xf32, #tpu.memory_space<hbm>>
    %dma_wait3A_1181 = arith.constant 0 : i32
    %dma_wait3A_1182 = arith.constant 0 : i32
    %dma_wait3A_1183 = tpu.memref_slice %arg7[%dma_wait3A_1166, %dma_wait3A_1181, %dma_wait3A_1182] : memref<3x512x32xf32, #tpu.memory_space<vmem>> -> memref<1x512x32xf32, #tpu.memory_space<vmem>>
    %dma_wait3A_1184 = tpu.memref_squeeze %dma_wait3A_1183 : memref<1x512x32xf32, #tpu.memory_space<vmem>> -> memref<512x32xf32, #tpu.memory_space<vmem>>
    tpu.wait_dma2 semaphore(%dma_wait3A_1177 : memref<!tpu.dma_semaphore, #tpu.memory_space<semaphore_mem>>) src(%dma_wait3A_1184 : memref<512x32xf32, #tpu.memory_space<vmem>>) dst(%dma_wait3A_1180 : memref<512x32xf32, #tpu.memory_space<hbm>>)
    %mul3A_1185 = arith.constant 26 : i32
    %mul3A_1186 = vector.broadcast %mul3A_1185 : i32 to vector<16xi32>
    %mul3A_1187 = arith.muli %iota3A, %mul3A_1186 : vector<16xi32>
    %add3A_1188 = arith.constant 14 : i32
    %add3A_1189 = vector.broadcast %add3A_1188 : i32 to vector<16xi32>
    %add3A_1190 = arith.addi %mul3A_1187, %add3A_1189 : vector<16xi32>
    %scan3A_1191 = arith.constant 0 : i32
    %scan3A_1192 = arith.constant 0 : i32
    %scan3A_1193 = arith.constant 32 : i32
    %scan3A_1194 = arith.addi %scan3A_1192, %scan3A_1193 : i32
    %scan3A_1195 = arith.constant 1 : i32
    scf.for %scan3A_2323 = %scan3A_1192 to %scan3A_1194 step %scan3A_1195  : i32 {
      %mul3A_2324 = arith.constant 416 : i32
      %mul3A_2325 = arith.muli %scan3A_2323, %mul3A_2324 : i32
      %add3A_2326 = vector.broadcast %mul3A_2325 : i32 to vector<16xi32>
      %add3A_2327 = arith.addi %add3A_1190, %add3A_2326 : vector<16xi32>
      %gather3A = tpu.vector_load_idx %arg5[%add3A_2327] : memref<13312xi32, #tpu.memory_space<vmem>>[vector<16xi32>], vector<16xi32>,
      %mul3A_2328 = arith.constant 16 : i32
      %mul3A_2329 = arith.muli %scan3A_2323, %mul3A_2328 : i32
      %swap3A = arith.constant 2 : i32
      %swap3A_2330 = arith.index_cast %swap3A : i32 to index
      %swap3A_2331 = arith.index_cast %mul3A_2329 : i32 to index
      %swap3A_2332 = tpu.vector_load %arg6[%swap3A_2330, %swap3A_2331] {strides = array<i32>} : memref<3x512xi32, #tpu.memory_space<vmem>>, vector<16xi32>,
      tpu.vector_store %arg6[%swap3A_2330, %swap3A_2331], %gather3A {strides = array<i32>} : memref<3x512xi32, #tpu.memory_space<vmem>>, vector<16xi32>,
    }
    %scan3A_1196 = arith.constant 32 : i32
    %dma_start3A_1197 = arith.constant 14 : i32
    %dma_start3A_1198 = arith.constant 2 : i32
    %dma_start3A_1199 = arith.constant 2 : i32
    %dma_start3A_1200 = arith.constant 2 : i32
    %dma_start3A_1201 = arith.constant 0 : i32
    %dma_start3A_1202 = arith.constant 0 : i32
    %dma_start3A_1203 = tpu.memref_slice %arg7[%dma_start3A_1199, %dma_start3A_1201, %dma_start3A_1202] : memref<3x512x32xf32, #tpu.memory_space<vmem>> -> memref<1x512x32xf32, #tpu.memory_space<vmem>>
    %dma_start3A_1204 = tpu.memref_squeeze %dma_start3A_1203 : memref<1x512x32xf32, #tpu.memory_space<vmem>> -> memref<512x32xf32, #tpu.memory_space<vmem>>
    %dma_start3A_1205 = arith.constant 0 : i32
    %dma_start3A_1206 = tpu.memref_slice %arg6[%dma_start3A_1198, %dma_start3A_1205] : memref<3x512xi32, #tpu.memory_space<vmem>> -> memref<1x512xi32, #tpu.memory_space<vmem>>
    %dma_start3A_1207 = tpu.memref_squeeze %dma_start3A_1206 : memref<1x512xi32, #tpu.memory_space<vmem>> -> memref<512xi32, #tpu.memory_space<vmem>>
    %dma_start3A_1208 = arith.constant 0 : i32
    %dma_start3A_1209 = arith.constant 0 : i32
    %dma_start3A_1210 = tpu.memref_slice %arg3[%dma_start3A_1197, %dma_start3A_1208, %dma_start3A_1209] : memref<26x100000x32xf32, #tpu.memory_space<hbm>> -> memref<1x100000x32xf32, #tpu.memory_space<hbm>>
    %dma_start3A_1211 = tpu.memref_squeeze %dma_start3A_1210 : memref<1x100000x32xf32, #tpu.memory_space<hbm>> -> memref<100000x32xf32, #tpu.memory_space<hbm>>
    %dma_start3A_1212 = arith.constant 0 : i32
    %dma_start3A_1213 = arith.constant 0 : i32
    %dma_start3A_1214 = tpu.memref_slice %dma_start3A_1211[%dma_start3A_1212, %dma_start3A_1213] : memref<100000x32xf32, #tpu.memory_space<hbm>> -> memref<100000x32xf32, #tpu.memory_space<hbm>>
    %dma_start3A_1215 = tpu.memref_slice %arg8[%dma_start3A_1200] : memref<3x!tpu.dma_semaphore, #tpu.memory_space<semaphore_mem>> -> memref<1x!tpu.dma_semaphore, #tpu.memory_space<semaphore_mem>>
    %dma_start3A_1216 = tpu.memref_squeeze %dma_start3A_1215 : memref<1x!tpu.dma_semaphore, #tpu.memory_space<semaphore_mem>> -> memref<!tpu.dma_semaphore, #tpu.memory_space<semaphore_mem>>
    tpu.enqueue_indirect_dma source(%dma_start3A_1214 : memref<100000x32xf32, #tpu.memory_space<hbm>>) target(%dma_start3A_1204 : memref<512x32xf32, #tpu.memory_space<vmem>>) offsets(%dma_start3A_1207 : memref<512xi32, #tpu.memory_space<vmem>>) semaphore(%dma_start3A_1216 : memref<!tpu.dma_semaphore, #tpu.memory_space<semaphore_mem>>)
    %dma_wait3A_1217 = arith.constant 13 : i32
    %dma_wait3A_1218 = arith.constant 1 : i32
    %dma_wait3A_1219 = arith.constant 1 : i32
    %dma_wait3A_1220 = arith.constant 1 : i32
    %dma_wait3A_1221 = arith.constant 0 : i32
    %dma_wait3A_1222 = arith.constant 0 : i32
    %dma_wait3A_1223 = tpu.memref_slice %arg7[%dma_wait3A_1219, %dma_wait3A_1221, %dma_wait3A_1222] : memref<3x512x32xf32, #tpu.memory_space<vmem>> -> memref<1x512x32xf32, #tpu.memory_space<vmem>>
    %dma_wait3A_1224 = tpu.memref_squeeze %dma_wait3A_1223 : memref<1x512x32xf32, #tpu.memory_space<vmem>> -> memref<512x32xf32, #tpu.memory_space<vmem>>
    %dma_wait3A_1225 = arith.constant 0 : i32
    %dma_wait3A_1226 = tpu.memref_slice %arg6[%dma_wait3A_1218, %dma_wait3A_1225] : memref<3x512xi32, #tpu.memory_space<vmem>> -> memref<1x512xi32, #tpu.memory_space<vmem>>
    %dma_wait3A_1227 = tpu.memref_squeeze %dma_wait3A_1226 : memref<1x512xi32, #tpu.memory_space<vmem>> -> memref<512xi32, #tpu.memory_space<vmem>>
    %dma_wait3A_1228 = arith.constant 0 : i32
    %dma_wait3A_1229 = arith.constant 0 : i32
    %dma_wait3A_1230 = tpu.memref_slice %arg3[%dma_wait3A_1217, %dma_wait3A_1228, %dma_wait3A_1229] : memref<26x100000x32xf32, #tpu.memory_space<hbm>> -> memref<1x100000x32xf32, #tpu.memory_space<hbm>>
    %dma_wait3A_1231 = tpu.memref_squeeze %dma_wait3A_1230 : memref<1x100000x32xf32, #tpu.memory_space<hbm>> -> memref<100000x32xf32, #tpu.memory_space<hbm>>
    %dma_wait3A_1232 = arith.constant 0 : i32
    %dma_wait3A_1233 = arith.constant 0 : i32
    %dma_wait3A_1234 = tpu.memref_slice %dma_wait3A_1231[%dma_wait3A_1232, %dma_wait3A_1233] : memref<100000x32xf32, #tpu.memory_space<hbm>> -> memref<100000x32xf32, #tpu.memory_space<hbm>>
    %dma_wait3A_1235 = tpu.memref_slice %arg8[%dma_wait3A_1220] : memref<3x!tpu.dma_semaphore, #tpu.memory_space<semaphore_mem>> -> memref<1x!tpu.dma_semaphore, #tpu.memory_space<semaphore_mem>>
    %dma_wait3A_1236 = tpu.memref_squeeze %dma_wait3A_1235 : memref<1x!tpu.dma_semaphore, #tpu.memory_space<semaphore_mem>> -> memref<!tpu.dma_semaphore, #tpu.memory_space<semaphore_mem>>
    tpu.wait_indirect_dma semaphore(%dma_wait3A_1236 : memref<!tpu.dma_semaphore, #tpu.memory_space<semaphore_mem>>) src(%dma_wait3A_1234 : memref<100000x32xf32, #tpu.memory_space<hbm>>) dst(%dma_wait3A_1224 : memref<512x32xf32, #tpu.memory_space<vmem>>)
    %dma_start3A_1237 = arith.constant 1 : i32
    %dma_start3A_1238 = arith.constant 13 : i32
    %dma_start3A_1239 = arith.constant 1 : i32
    %dma_start3A_1240 = arith.constant 0 : i32
    %dma_start3A_1241 = arith.constant 0 : i32
    %dma_start3A_1242 = tpu.memref_slice %arg7[%dma_start3A_1237, %dma_start3A_1240, %dma_start3A_1241] : memref<3x512x32xf32, #tpu.memory_space<vmem>> -> memref<1x512x32xf32, #tpu.memory_space<vmem>>
    %dma_start3A_1243 = tpu.memref_squeeze %dma_start3A_1242 : memref<1x512x32xf32, #tpu.memory_space<vmem>> -> memref<512x32xf32, #tpu.memory_space<vmem>>
    %dma_start3A_1244 = arith.constant 0 : i32
    %dma_start3A_1245 = tpu.memref_slice %arg4[%dma_start3A_1238, %mul3A_2, %dma_start3A_1244] : memref<26x16384x32xf32, #tpu.memory_space<hbm>> -> memref<1x512x32xf32, #tpu.memory_space<hbm>>
    %dma_start3A_1246 = tpu.memref_squeeze %dma_start3A_1245 : memref<1x512x32xf32, #tpu.memory_space<hbm>> -> memref<512x32xf32, #tpu.memory_space<hbm>>
    %dma_start3A_1247 = tpu.memref_slice %arg9[%dma_start3A_1239] : memref<3x!tpu.dma_semaphore, #tpu.memory_space<semaphore_mem>> -> memref<1x!tpu.dma_semaphore, #tpu.memory_space<semaphore_mem>>
    %dma_start3A_1248 = tpu.memref_squeeze %dma_start3A_1247 : memref<1x!tpu.dma_semaphore, #tpu.memory_space<semaphore_mem>> -> memref<!tpu.dma_semaphore, #tpu.memory_space<semaphore_mem>>
    %dma_start3A_1249 = arith.constant 0 : i32
    %dma_start3A_1250 = tpu.memref_slice %arg4[%dma_start3A_1238, %mul3A_2, %dma_start3A_1249] : memref<26x16384x32xf32, #tpu.memory_space<hbm>> -> memref<1x512x32xf32, #tpu.memory_space<hbm>>
    %dma_start3A_1251 = tpu.memref_squeeze %dma_start3A_1250 : memref<1x512x32xf32, #tpu.memory_space<hbm>> -> memref<512x32xf32, #tpu.memory_space<hbm>>
    %dma_start3A_1252 = arith.constant 0 : i32
    %dma_start3A_1253 = arith.constant 0 : i32
    %dma_start3A_1254 = tpu.memref_slice %arg7[%dma_start3A_1237, %dma_start3A_1252, %dma_start3A_1253] : memref<3x512x32xf32, #tpu.memory_space<vmem>> -> memref<1x512x32xf32, #tpu.memory_space<vmem>>
    %dma_start3A_1255 = tpu.memref_squeeze %dma_start3A_1254 : memref<1x512x32xf32, #tpu.memory_space<vmem>> -> memref<512x32xf32, #tpu.memory_space<vmem>>
    tpu.enqueue_dma source(%dma_start3A_1255 : memref<512x32xf32, #tpu.memory_space<vmem>>) target(%dma_start3A_1251 : memref<512x32xf32, #tpu.memory_space<hbm>>) target_semaphore(%dma_start3A_1248 : memref<!tpu.dma_semaphore, #tpu.memory_space<semaphore_mem>>)
    %dma_wait3A_1256 = arith.constant 0 : i32
    %dma_wait3A_1257 = arith.constant 12 : i32
    %dma_wait3A_1258 = arith.constant 0 : i32
    %dma_wait3A_1259 = arith.constant 0 : i32
    %dma_wait3A_1260 = arith.constant 0 : i32
    %dma_wait3A_1261 = tpu.memref_slice %arg7[%dma_wait3A_1256, %dma_wait3A_1259, %dma_wait3A_1260] : memref<3x512x32xf32, #tpu.memory_space<vmem>> -> memref<1x512x32xf32, #tpu.memory_space<vmem>>
    %dma_wait3A_1262 = tpu.memref_squeeze %dma_wait3A_1261 : memref<1x512x32xf32, #tpu.memory_space<vmem>> -> memref<512x32xf32, #tpu.memory_space<vmem>>
    %dma_wait3A_1263 = arith.constant 0 : i32
    %dma_wait3A_1264 = tpu.memref_slice %arg4[%dma_wait3A_1257, %mul3A_2, %dma_wait3A_1263] : memref<26x16384x32xf32, #tpu.memory_space<hbm>> -> memref<1x512x32xf32, #tpu.memory_space<hbm>>
    %dma_wait3A_1265 = tpu.memref_squeeze %dma_wait3A_1264 : memref<1x512x32xf32, #tpu.memory_space<hbm>> -> memref<512x32xf32, #tpu.memory_space<hbm>>
    %dma_wait3A_1266 = tpu.memref_slice %arg9[%dma_wait3A_1258] : memref<3x!tpu.dma_semaphore, #tpu.memory_space<semaphore_mem>> -> memref<1x!tpu.dma_semaphore, #tpu.memory_space<semaphore_mem>>
    %dma_wait3A_1267 = tpu.memref_squeeze %dma_wait3A_1266 : memref<1x!tpu.dma_semaphore, #tpu.memory_space<semaphore_mem>> -> memref<!tpu.dma_semaphore, #tpu.memory_space<semaphore_mem>>
    %dma_wait3A_1268 = arith.constant 0 : i32
    %dma_wait3A_1269 = tpu.memref_slice %arg4[%dma_wait3A_1257, %mul3A_2, %dma_wait3A_1268] : memref<26x16384x32xf32, #tpu.memory_space<hbm>> -> memref<1x512x32xf32, #tpu.memory_space<hbm>>
    %dma_wait3A_1270 = tpu.memref_squeeze %dma_wait3A_1269 : memref<1x512x32xf32, #tpu.memory_space<hbm>> -> memref<512x32xf32, #tpu.memory_space<hbm>>
    %dma_wait3A_1271 = arith.constant 0 : i32
    %dma_wait3A_1272 = arith.constant 0 : i32
    %dma_wait3A_1273 = tpu.memref_slice %arg7[%dma_wait3A_1256, %dma_wait3A_1271, %dma_wait3A_1272] : memref<3x512x32xf32, #tpu.memory_space<vmem>> -> memref<1x512x32xf32, #tpu.memory_space<vmem>>
    %dma_wait3A_1274 = tpu.memref_squeeze %dma_wait3A_1273 : memref<1x512x32xf32, #tpu.memory_space<vmem>> -> memref<512x32xf32, #tpu.memory_space<vmem>>
    tpu.wait_dma2 semaphore(%dma_wait3A_1267 : memref<!tpu.dma_semaphore, #tpu.memory_space<semaphore_mem>>) src(%dma_wait3A_1274 : memref<512x32xf32, #tpu.memory_space<vmem>>) dst(%dma_wait3A_1270 : memref<512x32xf32, #tpu.memory_space<hbm>>)
    %mul3A_1275 = arith.constant 26 : i32
    %mul3A_1276 = vector.broadcast %mul3A_1275 : i32 to vector<16xi32>
    %mul3A_1277 = arith.muli %iota3A, %mul3A_1276 : vector<16xi32>
    %add3A_1278 = arith.constant 15 : i32
    %add3A_1279 = vector.broadcast %add3A_1278 : i32 to vector<16xi32>
    %add3A_1280 = arith.addi %mul3A_1277, %add3A_1279 : vector<16xi32>
    %scan3A_1281 = arith.constant 0 : i32
    %scan3A_1282 = arith.constant 0 : i32
    %scan3A_1283 = arith.constant 32 : i32
    %scan3A_1284 = arith.addi %scan3A_1282, %scan3A_1283 : i32
    %scan3A_1285 = arith.constant 1 : i32
    scf.for %scan3A_2323 = %scan3A_1282 to %scan3A_1284 step %scan3A_1285  : i32 {
      %mul3A_2324 = arith.constant 416 : i32
      %mul3A_2325 = arith.muli %scan3A_2323, %mul3A_2324 : i32
      %add3A_2326 = vector.broadcast %mul3A_2325 : i32 to vector<16xi32>
      %add3A_2327 = arith.addi %add3A_1280, %add3A_2326 : vector<16xi32>
      %gather3A = tpu.vector_load_idx %arg5[%add3A_2327] : memref<13312xi32, #tpu.memory_space<vmem>>[vector<16xi32>], vector<16xi32>,
      %mul3A_2328 = arith.constant 16 : i32
      %mul3A_2329 = arith.muli %scan3A_2323, %mul3A_2328 : i32
      %swap3A = arith.constant 0 : i32
      %swap3A_2330 = arith.index_cast %swap3A : i32 to index
      %swap3A_2331 = arith.index_cast %mul3A_2329 : i32 to index
      %swap3A_2332 = tpu.vector_load %arg6[%swap3A_2330, %swap3A_2331] {strides = array<i32>} : memref<3x512xi32, #tpu.memory_space<vmem>>, vector<16xi32>,
      tpu.vector_store %arg6[%swap3A_2330, %swap3A_2331], %gather3A {strides = array<i32>} : memref<3x512xi32, #tpu.memory_space<vmem>>, vector<16xi32>,
    }
    %scan3A_1286 = arith.constant 32 : i32
    %dma_start3A_1287 = arith.constant 15 : i32
    %dma_start3A_1288 = arith.constant 0 : i32
    %dma_start3A_1289 = arith.constant 0 : i32
    %dma_start3A_1290 = arith.constant 0 : i32
    %dma_start3A_1291 = arith.constant 0 : i32
    %dma_start3A_1292 = arith.constant 0 : i32
    %dma_start3A_1293 = tpu.memref_slice %arg7[%dma_start3A_1289, %dma_start3A_1291, %dma_start3A_1292] : memref<3x512x32xf32, #tpu.memory_space<vmem>> -> memref<1x512x32xf32, #tpu.memory_space<vmem>>
    %dma_start3A_1294 = tpu.memref_squeeze %dma_start3A_1293 : memref<1x512x32xf32, #tpu.memory_space<vmem>> -> memref<512x32xf32, #tpu.memory_space<vmem>>
    %dma_start3A_1295 = arith.constant 0 : i32
    %dma_start3A_1296 = tpu.memref_slice %arg6[%dma_start3A_1288, %dma_start3A_1295] : memref<3x512xi32, #tpu.memory_space<vmem>> -> memref<1x512xi32, #tpu.memory_space<vmem>>
    %dma_start3A_1297 = tpu.memref_squeeze %dma_start3A_1296 : memref<1x512xi32, #tpu.memory_space<vmem>> -> memref<512xi32, #tpu.memory_space<vmem>>
    %dma_start3A_1298 = arith.constant 0 : i32
    %dma_start3A_1299 = arith.constant 0 : i32
    %dma_start3A_1300 = tpu.memref_slice %arg3[%dma_start3A_1287, %dma_start3A_1298, %dma_start3A_1299] : memref<26x100000x32xf32, #tpu.memory_space<hbm>> -> memref<1x100000x32xf32, #tpu.memory_space<hbm>>
    %dma_start3A_1301 = tpu.memref_squeeze %dma_start3A_1300 : memref<1x100000x32xf32, #tpu.memory_space<hbm>> -> memref<100000x32xf32, #tpu.memory_space<hbm>>
    %dma_start3A_1302 = arith.constant 0 : i32
    %dma_start3A_1303 = arith.constant 0 : i32
    %dma_start3A_1304 = tpu.memref_slice %dma_start3A_1301[%dma_start3A_1302, %dma_start3A_1303] : memref<100000x32xf32, #tpu.memory_space<hbm>> -> memref<100000x32xf32, #tpu.memory_space<hbm>>
    %dma_start3A_1305 = tpu.memref_slice %arg8[%dma_start3A_1290] : memref<3x!tpu.dma_semaphore, #tpu.memory_space<semaphore_mem>> -> memref<1x!tpu.dma_semaphore, #tpu.memory_space<semaphore_mem>>
    %dma_start3A_1306 = tpu.memref_squeeze %dma_start3A_1305 : memref<1x!tpu.dma_semaphore, #tpu.memory_space<semaphore_mem>> -> memref<!tpu.dma_semaphore, #tpu.memory_space<semaphore_mem>>
    tpu.enqueue_indirect_dma source(%dma_start3A_1304 : memref<100000x32xf32, #tpu.memory_space<hbm>>) target(%dma_start3A_1294 : memref<512x32xf32, #tpu.memory_space<vmem>>) offsets(%dma_start3A_1297 : memref<512xi32, #tpu.memory_space<vmem>>) semaphore(%dma_start3A_1306 : memref<!tpu.dma_semaphore, #tpu.memory_space<semaphore_mem>>)
    %dma_wait3A_1307 = arith.constant 14 : i32
    %dma_wait3A_1308 = arith.constant 2 : i32
    %dma_wait3A_1309 = arith.constant 2 : i32
    %dma_wait3A_1310 = arith.constant 2 : i32
    %dma_wait3A_1311 = arith.constant 0 : i32
    %dma_wait3A_1312 = arith.constant 0 : i32
    %dma_wait3A_1313 = tpu.memref_slice %arg7[%dma_wait3A_1309, %dma_wait3A_1311, %dma_wait3A_1312] : memref<3x512x32xf32, #tpu.memory_space<vmem>> -> memref<1x512x32xf32, #tpu.memory_space<vmem>>
    %dma_wait3A_1314 = tpu.memref_squeeze %dma_wait3A_1313 : memref<1x512x32xf32, #tpu.memory_space<vmem>> -> memref<512x32xf32, #tpu.memory_space<vmem>>
    %dma_wait3A_1315 = arith.constant 0 : i32
    %dma_wait3A_1316 = tpu.memref_slice %arg6[%dma_wait3A_1308, %dma_wait3A_1315] : memref<3x512xi32, #tpu.memory_space<vmem>> -> memref<1x512xi32, #tpu.memory_space<vmem>>
    %dma_wait3A_1317 = tpu.memref_squeeze %dma_wait3A_1316 : memref<1x512xi32, #tpu.memory_space<vmem>> -> memref<512xi32, #tpu.memory_space<vmem>>
    %dma_wait3A_1318 = arith.constant 0 : i32
    %dma_wait3A_1319 = arith.constant 0 : i32
    %dma_wait3A_1320 = tpu.memref_slice %arg3[%dma_wait3A_1307, %dma_wait3A_1318, %dma_wait3A_1319] : memref<26x100000x32xf32, #tpu.memory_space<hbm>> -> memref<1x100000x32xf32, #tpu.memory_space<hbm>>
    %dma_wait3A_1321 = tpu.memref_squeeze %dma_wait3A_1320 : memref<1x100000x32xf32, #tpu.memory_space<hbm>> -> memref<100000x32xf32, #tpu.memory_space<hbm>>
    %dma_wait3A_1322 = arith.constant 0 : i32
    %dma_wait3A_1323 = arith.constant 0 : i32
    %dma_wait3A_1324 = tpu.memref_slice %dma_wait3A_1321[%dma_wait3A_1322, %dma_wait3A_1323] : memref<100000x32xf32, #tpu.memory_space<hbm>> -> memref<100000x32xf32, #tpu.memory_space<hbm>>
    %dma_wait3A_1325 = tpu.memref_slice %arg8[%dma_wait3A_1310] : memref<3x!tpu.dma_semaphore, #tpu.memory_space<semaphore_mem>> -> memref<1x!tpu.dma_semaphore, #tpu.memory_space<semaphore_mem>>
    %dma_wait3A_1326 = tpu.memref_squeeze %dma_wait3A_1325 : memref<1x!tpu.dma_semaphore, #tpu.memory_space<semaphore_mem>> -> memref<!tpu.dma_semaphore, #tpu.memory_space<semaphore_mem>>
    tpu.wait_indirect_dma semaphore(%dma_wait3A_1326 : memref<!tpu.dma_semaphore, #tpu.memory_space<semaphore_mem>>) src(%dma_wait3A_1324 : memref<100000x32xf32, #tpu.memory_space<hbm>>) dst(%dma_wait3A_1314 : memref<512x32xf32, #tpu.memory_space<vmem>>)
    %dma_start3A_1327 = arith.constant 2 : i32
    %dma_start3A_1328 = arith.constant 14 : i32
    %dma_start3A_1329 = arith.constant 2 : i32
    %dma_start3A_1330 = arith.constant 0 : i32
    %dma_start3A_1331 = arith.constant 0 : i32
    %dma_start3A_1332 = tpu.memref_slice %arg7[%dma_start3A_1327, %dma_start3A_1330, %dma_start3A_1331] : memref<3x512x32xf32, #tpu.memory_space<vmem>> -> memref<1x512x32xf32, #tpu.memory_space<vmem>>
    %dma_start3A_1333 = tpu.memref_squeeze %dma_start3A_1332 : memref<1x512x32xf32, #tpu.memory_space<vmem>> -> memref<512x32xf32, #tpu.memory_space<vmem>>
    %dma_start3A_1334 = arith.constant 0 : i32
    %dma_start3A_1335 = tpu.memref_slice %arg4[%dma_start3A_1328, %mul3A_2, %dma_start3A_1334] : memref<26x16384x32xf32, #tpu.memory_space<hbm>> -> memref<1x512x32xf32, #tpu.memory_space<hbm>>
    %dma_start3A_1336 = tpu.memref_squeeze %dma_start3A_1335 : memref<1x512x32xf32, #tpu.memory_space<hbm>> -> memref<512x32xf32, #tpu.memory_space<hbm>>
    %dma_start3A_1337 = tpu.memref_slice %arg9[%dma_start3A_1329] : memref<3x!tpu.dma_semaphore, #tpu.memory_space<semaphore_mem>> -> memref<1x!tpu.dma_semaphore, #tpu.memory_space<semaphore_mem>>
    %dma_start3A_1338 = tpu.memref_squeeze %dma_start3A_1337 : memref<1x!tpu.dma_semaphore, #tpu.memory_space<semaphore_mem>> -> memref<!tpu.dma_semaphore, #tpu.memory_space<semaphore_mem>>
    %dma_start3A_1339 = arith.constant 0 : i32
    %dma_start3A_1340 = tpu.memref_slice %arg4[%dma_start3A_1328, %mul3A_2, %dma_start3A_1339] : memref<26x16384x32xf32, #tpu.memory_space<hbm>> -> memref<1x512x32xf32, #tpu.memory_space<hbm>>
    %dma_start3A_1341 = tpu.memref_squeeze %dma_start3A_1340 : memref<1x512x32xf32, #tpu.memory_space<hbm>> -> memref<512x32xf32, #tpu.memory_space<hbm>>
    %dma_start3A_1342 = arith.constant 0 : i32
    %dma_start3A_1343 = arith.constant 0 : i32
    %dma_start3A_1344 = tpu.memref_slice %arg7[%dma_start3A_1327, %dma_start3A_1342, %dma_start3A_1343] : memref<3x512x32xf32, #tpu.memory_space<vmem>> -> memref<1x512x32xf32, #tpu.memory_space<vmem>>
    %dma_start3A_1345 = tpu.memref_squeeze %dma_start3A_1344 : memref<1x512x32xf32, #tpu.memory_space<vmem>> -> memref<512x32xf32, #tpu.memory_space<vmem>>
    tpu.enqueue_dma source(%dma_start3A_1345 : memref<512x32xf32, #tpu.memory_space<vmem>>) target(%dma_start3A_1341 : memref<512x32xf32, #tpu.memory_space<hbm>>) target_semaphore(%dma_start3A_1338 : memref<!tpu.dma_semaphore, #tpu.memory_space<semaphore_mem>>)
    %dma_wait3A_1346 = arith.constant 1 : i32
    %dma_wait3A_1347 = arith.constant 13 : i32
    %dma_wait3A_1348 = arith.constant 1 : i32
    %dma_wait3A_1349 = arith.constant 0 : i32
    %dma_wait3A_1350 = arith.constant 0 : i32
    %dma_wait3A_1351 = tpu.memref_slice %arg7[%dma_wait3A_1346, %dma_wait3A_1349, %dma_wait3A_1350] : memref<3x512x32xf32, #tpu.memory_space<vmem>> -> memref<1x512x32xf32, #tpu.memory_space<vmem>>
    %dma_wait3A_1352 = tpu.memref_squeeze %dma_wait3A_1351 : memref<1x512x32xf32, #tpu.memory_space<vmem>> -> memref<512x32xf32, #tpu.memory_space<vmem>>
    %dma_wait3A_1353 = arith.constant 0 : i32
    %dma_wait3A_1354 = tpu.memref_slice %arg4[%dma_wait3A_1347, %mul3A_2, %dma_wait3A_1353] : memref<26x16384x32xf32, #tpu.memory_space<hbm>> -> memref<1x512x32xf32, #tpu.memory_space<hbm>>
    %dma_wait3A_1355 = tpu.memref_squeeze %dma_wait3A_1354 : memref<1x512x32xf32, #tpu.memory_space<hbm>> -> memref<512x32xf32, #tpu.memory_space<hbm>>
    %dma_wait3A_1356 = tpu.memref_slice %arg9[%dma_wait3A_1348] : memref<3x!tpu.dma_semaphore, #tpu.memory_space<semaphore_mem>> -> memref<1x!tpu.dma_semaphore, #tpu.memory_space<semaphore_mem>>
    %dma_wait3A_1357 = tpu.memref_squeeze %dma_wait3A_1356 : memref<1x!tpu.dma_semaphore, #tpu.memory_space<semaphore_mem>> -> memref<!tpu.dma_semaphore, #tpu.memory_space<semaphore_mem>>
    %dma_wait3A_1358 = arith.constant 0 : i32
    %dma_wait3A_1359 = tpu.memref_slice %arg4[%dma_wait3A_1347, %mul3A_2, %dma_wait3A_1358] : memref<26x16384x32xf32, #tpu.memory_space<hbm>> -> memref<1x512x32xf32, #tpu.memory_space<hbm>>
    %dma_wait3A_1360 = tpu.memref_squeeze %dma_wait3A_1359 : memref<1x512x32xf32, #tpu.memory_space<hbm>> -> memref<512x32xf32, #tpu.memory_space<hbm>>
    %dma_wait3A_1361 = arith.constant 0 : i32
    %dma_wait3A_1362 = arith.constant 0 : i32
    %dma_wait3A_1363 = tpu.memref_slice %arg7[%dma_wait3A_1346, %dma_wait3A_1361, %dma_wait3A_1362] : memref<3x512x32xf32, #tpu.memory_space<vmem>> -> memref<1x512x32xf32, #tpu.memory_space<vmem>>
    %dma_wait3A_1364 = tpu.memref_squeeze %dma_wait3A_1363 : memref<1x512x32xf32, #tpu.memory_space<vmem>> -> memref<512x32xf32, #tpu.memory_space<vmem>>
    tpu.wait_dma2 semaphore(%dma_wait3A_1357 : memref<!tpu.dma_semaphore, #tpu.memory_space<semaphore_mem>>) src(%dma_wait3A_1364 : memref<512x32xf32, #tpu.memory_space<vmem>>) dst(%dma_wait3A_1360 : memref<512x32xf32, #tpu.memory_space<hbm>>)
    %mul3A_1365 = arith.constant 26 : i32
    %mul3A_1366 = vector.broadcast %mul3A_1365 : i32 to vector<16xi32>
    %mul3A_1367 = arith.muli %iota3A, %mul3A_1366 : vector<16xi32>
    %add3A_1368 = arith.constant 16 : i32
    %add3A_1369 = vector.broadcast %add3A_1368 : i32 to vector<16xi32>
    %add3A_1370 = arith.addi %mul3A_1367, %add3A_1369 : vector<16xi32>
    %scan3A_1371 = arith.constant 0 : i32
    %scan3A_1372 = arith.constant 0 : i32
    %scan3A_1373 = arith.constant 32 : i32
    %scan3A_1374 = arith.addi %scan3A_1372, %scan3A_1373 : i32
    %scan3A_1375 = arith.constant 1 : i32
    scf.for %scan3A_2323 = %scan3A_1372 to %scan3A_1374 step %scan3A_1375  : i32 {
      %mul3A_2324 = arith.constant 416 : i32
      %mul3A_2325 = arith.muli %scan3A_2323, %mul3A_2324 : i32
      %add3A_2326 = vector.broadcast %mul3A_2325 : i32 to vector<16xi32>
      %add3A_2327 = arith.addi %add3A_1370, %add3A_2326 : vector<16xi32>
      %gather3A = tpu.vector_load_idx %arg5[%add3A_2327] : memref<13312xi32, #tpu.memory_space<vmem>>[vector<16xi32>], vector<16xi32>,
      %mul3A_2328 = arith.constant 16 : i32
      %mul3A_2329 = arith.muli %scan3A_2323, %mul3A_2328 : i32
      %swap3A = arith.constant 1 : i32
      %swap3A_2330 = arith.index_cast %swap3A : i32 to index
      %swap3A_2331 = arith.index_cast %mul3A_2329 : i32 to index
      %swap3A_2332 = tpu.vector_load %arg6[%swap3A_2330, %swap3A_2331] {strides = array<i32>} : memref<3x512xi32, #tpu.memory_space<vmem>>, vector<16xi32>,
      tpu.vector_store %arg6[%swap3A_2330, %swap3A_2331], %gather3A {strides = array<i32>} : memref<3x512xi32, #tpu.memory_space<vmem>>, vector<16xi32>,
    }
    %scan3A_1376 = arith.constant 32 : i32
    %dma_start3A_1377 = arith.constant 16 : i32
    %dma_start3A_1378 = arith.constant 1 : i32
    %dma_start3A_1379 = arith.constant 1 : i32
    %dma_start3A_1380 = arith.constant 1 : i32
    %dma_start3A_1381 = arith.constant 0 : i32
    %dma_start3A_1382 = arith.constant 0 : i32
    %dma_start3A_1383 = tpu.memref_slice %arg7[%dma_start3A_1379, %dma_start3A_1381, %dma_start3A_1382] : memref<3x512x32xf32, #tpu.memory_space<vmem>> -> memref<1x512x32xf32, #tpu.memory_space<vmem>>
    %dma_start3A_1384 = tpu.memref_squeeze %dma_start3A_1383 : memref<1x512x32xf32, #tpu.memory_space<vmem>> -> memref<512x32xf32, #tpu.memory_space<vmem>>
    %dma_start3A_1385 = arith.constant 0 : i32
    %dma_start3A_1386 = tpu.memref_slice %arg6[%dma_start3A_1378, %dma_start3A_1385] : memref<3x512xi32, #tpu.memory_space<vmem>> -> memref<1x512xi32, #tpu.memory_space<vmem>>
    %dma_start3A_1387 = tpu.memref_squeeze %dma_start3A_1386 : memref<1x512xi32, #tpu.memory_space<vmem>> -> memref<512xi32, #tpu.memory_space<vmem>>
    %dma_start3A_1388 = arith.constant 0 : i32
    %dma_start3A_1389 = arith.constant 0 : i32
    %dma_start3A_1390 = tpu.memref_slice %arg3[%dma_start3A_1377, %dma_start3A_1388, %dma_start3A_1389] : memref<26x100000x32xf32, #tpu.memory_space<hbm>> -> memref<1x100000x32xf32, #tpu.memory_space<hbm>>
    %dma_start3A_1391 = tpu.memref_squeeze %dma_start3A_1390 : memref<1x100000x32xf32, #tpu.memory_space<hbm>> -> memref<100000x32xf32, #tpu.memory_space<hbm>>
    %dma_start3A_1392 = arith.constant 0 : i32
    %dma_start3A_1393 = arith.constant 0 : i32
    %dma_start3A_1394 = tpu.memref_slice %dma_start3A_1391[%dma_start3A_1392, %dma_start3A_1393] : memref<100000x32xf32, #tpu.memory_space<hbm>> -> memref<100000x32xf32, #tpu.memory_space<hbm>>
    %dma_start3A_1395 = tpu.memref_slice %arg8[%dma_start3A_1380] : memref<3x!tpu.dma_semaphore, #tpu.memory_space<semaphore_mem>> -> memref<1x!tpu.dma_semaphore, #tpu.memory_space<semaphore_mem>>
    %dma_start3A_1396 = tpu.memref_squeeze %dma_start3A_1395 : memref<1x!tpu.dma_semaphore, #tpu.memory_space<semaphore_mem>> -> memref<!tpu.dma_semaphore, #tpu.memory_space<semaphore_mem>>
    tpu.enqueue_indirect_dma source(%dma_start3A_1394 : memref<100000x32xf32, #tpu.memory_space<hbm>>) target(%dma_start3A_1384 : memref<512x32xf32, #tpu.memory_space<vmem>>) offsets(%dma_start3A_1387 : memref<512xi32, #tpu.memory_space<vmem>>) semaphore(%dma_start3A_1396 : memref<!tpu.dma_semaphore, #tpu.memory_space<semaphore_mem>>)
    %dma_wait3A_1397 = arith.constant 15 : i32
    %dma_wait3A_1398 = arith.constant 0 : i32
    %dma_wait3A_1399 = arith.constant 0 : i32
    %dma_wait3A_1400 = arith.constant 0 : i32
    %dma_wait3A_1401 = arith.constant 0 : i32
    %dma_wait3A_1402 = arith.constant 0 : i32
    %dma_wait3A_1403 = tpu.memref_slice %arg7[%dma_wait3A_1399, %dma_wait3A_1401, %dma_wait3A_1402] : memref<3x512x32xf32, #tpu.memory_space<vmem>> -> memref<1x512x32xf32, #tpu.memory_space<vmem>>
    %dma_wait3A_1404 = tpu.memref_squeeze %dma_wait3A_1403 : memref<1x512x32xf32, #tpu.memory_space<vmem>> -> memref<512x32xf32, #tpu.memory_space<vmem>>
    %dma_wait3A_1405 = arith.constant 0 : i32
    %dma_wait3A_1406 = tpu.memref_slice %arg6[%dma_wait3A_1398, %dma_wait3A_1405] : memref<3x512xi32, #tpu.memory_space<vmem>> -> memref<1x512xi32, #tpu.memory_space<vmem>>
    %dma_wait3A_1407 = tpu.memref_squeeze %dma_wait3A_1406 : memref<1x512xi32, #tpu.memory_space<vmem>> -> memref<512xi32, #tpu.memory_space<vmem>>
    %dma_wait3A_1408 = arith.constant 0 : i32
    %dma_wait3A_1409 = arith.constant 0 : i32
    %dma_wait3A_1410 = tpu.memref_slice %arg3[%dma_wait3A_1397, %dma_wait3A_1408, %dma_wait3A_1409] : memref<26x100000x32xf32, #tpu.memory_space<hbm>> -> memref<1x100000x32xf32, #tpu.memory_space<hbm>>
    %dma_wait3A_1411 = tpu.memref_squeeze %dma_wait3A_1410 : memref<1x100000x32xf32, #tpu.memory_space<hbm>> -> memref<100000x32xf32, #tpu.memory_space<hbm>>
    %dma_wait3A_1412 = arith.constant 0 : i32
    %dma_wait3A_1413 = arith.constant 0 : i32
    %dma_wait3A_1414 = tpu.memref_slice %dma_wait3A_1411[%dma_wait3A_1412, %dma_wait3A_1413] : memref<100000x32xf32, #tpu.memory_space<hbm>> -> memref<100000x32xf32, #tpu.memory_space<hbm>>
    %dma_wait3A_1415 = tpu.memref_slice %arg8[%dma_wait3A_1400] : memref<3x!tpu.dma_semaphore, #tpu.memory_space<semaphore_mem>> -> memref<1x!tpu.dma_semaphore, #tpu.memory_space<semaphore_mem>>
    %dma_wait3A_1416 = tpu.memref_squeeze %dma_wait3A_1415 : memref<1x!tpu.dma_semaphore, #tpu.memory_space<semaphore_mem>> -> memref<!tpu.dma_semaphore, #tpu.memory_space<semaphore_mem>>
    tpu.wait_indirect_dma semaphore(%dma_wait3A_1416 : memref<!tpu.dma_semaphore, #tpu.memory_space<semaphore_mem>>) src(%dma_wait3A_1414 : memref<100000x32xf32, #tpu.memory_space<hbm>>) dst(%dma_wait3A_1404 : memref<512x32xf32, #tpu.memory_space<vmem>>)
    %dma_start3A_1417 = arith.constant 0 : i32
    %dma_start3A_1418 = arith.constant 15 : i32
    %dma_start3A_1419 = arith.constant 0 : i32
    %dma_start3A_1420 = arith.constant 0 : i32
    %dma_start3A_1421 = arith.constant 0 : i32
    %dma_start3A_1422 = tpu.memref_slice %arg7[%dma_start3A_1417, %dma_start3A_1420, %dma_start3A_1421] : memref<3x512x32xf32, #tpu.memory_space<vmem>> -> memref<1x512x32xf32, #tpu.memory_space<vmem>>
    %dma_start3A_1423 = tpu.memref_squeeze %dma_start3A_1422 : memref<1x512x32xf32, #tpu.memory_space<vmem>> -> memref<512x32xf32, #tpu.memory_space<vmem>>
    %dma_start3A_1424 = arith.constant 0 : i32
    %dma_start3A_1425 = tpu.memref_slice %arg4[%dma_start3A_1418, %mul3A_2, %dma_start3A_1424] : memref<26x16384x32xf32, #tpu.memory_space<hbm>> -> memref<1x512x32xf32, #tpu.memory_space<hbm>>
    %dma_start3A_1426 = tpu.memref_squeeze %dma_start3A_1425 : memref<1x512x32xf32, #tpu.memory_space<hbm>> -> memref<512x32xf32, #tpu.memory_space<hbm>>
    %dma_start3A_1427 = tpu.memref_slice %arg9[%dma_start3A_1419] : memref<3x!tpu.dma_semaphore, #tpu.memory_space<semaphore_mem>> -> memref<1x!tpu.dma_semaphore, #tpu.memory_space<semaphore_mem>>
    %dma_start3A_1428 = tpu.memref_squeeze %dma_start3A_1427 : memref<1x!tpu.dma_semaphore, #tpu.memory_space<semaphore_mem>> -> memref<!tpu.dma_semaphore, #tpu.memory_space<semaphore_mem>>
    %dma_start3A_1429 = arith.constant 0 : i32
    %dma_start3A_1430 = tpu.memref_slice %arg4[%dma_start3A_1418, %mul3A_2, %dma_start3A_1429] : memref<26x16384x32xf32, #tpu.memory_space<hbm>> -> memref<1x512x32xf32, #tpu.memory_space<hbm>>
    %dma_start3A_1431 = tpu.memref_squeeze %dma_start3A_1430 : memref<1x512x32xf32, #tpu.memory_space<hbm>> -> memref<512x32xf32, #tpu.memory_space<hbm>>
    %dma_start3A_1432 = arith.constant 0 : i32
    %dma_start3A_1433 = arith.constant 0 : i32
    %dma_start3A_1434 = tpu.memref_slice %arg7[%dma_start3A_1417, %dma_start3A_1432, %dma_start3A_1433] : memref<3x512x32xf32, #tpu.memory_space<vmem>> -> memref<1x512x32xf32, #tpu.memory_space<vmem>>
    %dma_start3A_1435 = tpu.memref_squeeze %dma_start3A_1434 : memref<1x512x32xf32, #tpu.memory_space<vmem>> -> memref<512x32xf32, #tpu.memory_space<vmem>>
    tpu.enqueue_dma source(%dma_start3A_1435 : memref<512x32xf32, #tpu.memory_space<vmem>>) target(%dma_start3A_1431 : memref<512x32xf32, #tpu.memory_space<hbm>>) target_semaphore(%dma_start3A_1428 : memref<!tpu.dma_semaphore, #tpu.memory_space<semaphore_mem>>)
    %dma_wait3A_1436 = arith.constant 2 : i32
    %dma_wait3A_1437 = arith.constant 14 : i32
    %dma_wait3A_1438 = arith.constant 2 : i32
    %dma_wait3A_1439 = arith.constant 0 : i32
    %dma_wait3A_1440 = arith.constant 0 : i32
    %dma_wait3A_1441 = tpu.memref_slice %arg7[%dma_wait3A_1436, %dma_wait3A_1439, %dma_wait3A_1440] : memref<3x512x32xf32, #tpu.memory_space<vmem>> -> memref<1x512x32xf32, #tpu.memory_space<vmem>>
    %dma_wait3A_1442 = tpu.memref_squeeze %dma_wait3A_1441 : memref<1x512x32xf32, #tpu.memory_space<vmem>> -> memref<512x32xf32, #tpu.memory_space<vmem>>
    %dma_wait3A_1443 = arith.constant 0 : i32
    %dma_wait3A_1444 = tpu.memref_slice %arg4[%dma_wait3A_1437, %mul3A_2, %dma_wait3A_1443] : memref<26x16384x32xf32, #tpu.memory_space<hbm>> -> memref<1x512x32xf32, #tpu.memory_space<hbm>>
    %dma_wait3A_1445 = tpu.memref_squeeze %dma_wait3A_1444 : memref<1x512x32xf32, #tpu.memory_space<hbm>> -> memref<512x32xf32, #tpu.memory_space<hbm>>
    %dma_wait3A_1446 = tpu.memref_slice %arg9[%dma_wait3A_1438] : memref<3x!tpu.dma_semaphore, #tpu.memory_space<semaphore_mem>> -> memref<1x!tpu.dma_semaphore, #tpu.memory_space<semaphore_mem>>
    %dma_wait3A_1447 = tpu.memref_squeeze %dma_wait3A_1446 : memref<1x!tpu.dma_semaphore, #tpu.memory_space<semaphore_mem>> -> memref<!tpu.dma_semaphore, #tpu.memory_space<semaphore_mem>>
    %dma_wait3A_1448 = arith.constant 0 : i32
    %dma_wait3A_1449 = tpu.memref_slice %arg4[%dma_wait3A_1437, %mul3A_2, %dma_wait3A_1448] : memref<26x16384x32xf32, #tpu.memory_space<hbm>> -> memref<1x512x32xf32, #tpu.memory_space<hbm>>
    %dma_wait3A_1450 = tpu.memref_squeeze %dma_wait3A_1449 : memref<1x512x32xf32, #tpu.memory_space<hbm>> -> memref<512x32xf32, #tpu.memory_space<hbm>>
    %dma_wait3A_1451 = arith.constant 0 : i32
    %dma_wait3A_1452 = arith.constant 0 : i32
    %dma_wait3A_1453 = tpu.memref_slice %arg7[%dma_wait3A_1436, %dma_wait3A_1451, %dma_wait3A_1452] : memref<3x512x32xf32, #tpu.memory_space<vmem>> -> memref<1x512x32xf32, #tpu.memory_space<vmem>>
    %dma_wait3A_1454 = tpu.memref_squeeze %dma_wait3A_1453 : memref<1x512x32xf32, #tpu.memory_space<vmem>> -> memref<512x32xf32, #tpu.memory_space<vmem>>
    tpu.wait_dma2 semaphore(%dma_wait3A_1447 : memref<!tpu.dma_semaphore, #tpu.memory_space<semaphore_mem>>) src(%dma_wait3A_1454 : memref<512x32xf32, #tpu.memory_space<vmem>>) dst(%dma_wait3A_1450 : memref<512x32xf32, #tpu.memory_space<hbm>>)
    %mul3A_1455 = arith.constant 26 : i32
    %mul3A_1456 = vector.broadcast %mul3A_1455 : i32 to vector<16xi32>
    %mul3A_1457 = arith.muli %iota3A, %mul3A_1456 : vector<16xi32>
    %add3A_1458 = arith.constant 17 : i32
    %add3A_1459 = vector.broadcast %add3A_1458 : i32 to vector<16xi32>
    %add3A_1460 = arith.addi %mul3A_1457, %add3A_1459 : vector<16xi32>
    %scan3A_1461 = arith.constant 0 : i32
    %scan3A_1462 = arith.constant 0 : i32
    %scan3A_1463 = arith.constant 32 : i32
    %scan3A_1464 = arith.addi %scan3A_1462, %scan3A_1463 : i32
    %scan3A_1465 = arith.constant 1 : i32
    scf.for %scan3A_2323 = %scan3A_1462 to %scan3A_1464 step %scan3A_1465  : i32 {
      %mul3A_2324 = arith.constant 416 : i32
      %mul3A_2325 = arith.muli %scan3A_2323, %mul3A_2324 : i32
      %add3A_2326 = vector.broadcast %mul3A_2325 : i32 to vector<16xi32>
      %add3A_2327 = arith.addi %add3A_1460, %add3A_2326 : vector<16xi32>
      %gather3A = tpu.vector_load_idx %arg5[%add3A_2327] : memref<13312xi32, #tpu.memory_space<vmem>>[vector<16xi32>], vector<16xi32>,
      %mul3A_2328 = arith.constant 16 : i32
      %mul3A_2329 = arith.muli %scan3A_2323, %mul3A_2328 : i32
      %swap3A = arith.constant 2 : i32
      %swap3A_2330 = arith.index_cast %swap3A : i32 to index
      %swap3A_2331 = arith.index_cast %mul3A_2329 : i32 to index
      %swap3A_2332 = tpu.vector_load %arg6[%swap3A_2330, %swap3A_2331] {strides = array<i32>} : memref<3x512xi32, #tpu.memory_space<vmem>>, vector<16xi32>,
      tpu.vector_store %arg6[%swap3A_2330, %swap3A_2331], %gather3A {strides = array<i32>} : memref<3x512xi32, #tpu.memory_space<vmem>>, vector<16xi32>,
    }
    %scan3A_1466 = arith.constant 32 : i32
    %dma_start3A_1467 = arith.constant 17 : i32
    %dma_start3A_1468 = arith.constant 2 : i32
    %dma_start3A_1469 = arith.constant 2 : i32
    %dma_start3A_1470 = arith.constant 2 : i32
    %dma_start3A_1471 = arith.constant 0 : i32
    %dma_start3A_1472 = arith.constant 0 : i32
    %dma_start3A_1473 = tpu.memref_slice %arg7[%dma_start3A_1469, %dma_start3A_1471, %dma_start3A_1472] : memref<3x512x32xf32, #tpu.memory_space<vmem>> -> memref<1x512x32xf32, #tpu.memory_space<vmem>>
    %dma_start3A_1474 = tpu.memref_squeeze %dma_start3A_1473 : memref<1x512x32xf32, #tpu.memory_space<vmem>> -> memref<512x32xf32, #tpu.memory_space<vmem>>
    %dma_start3A_1475 = arith.constant 0 : i32
    %dma_start3A_1476 = tpu.memref_slice %arg6[%dma_start3A_1468, %dma_start3A_1475] : memref<3x512xi32, #tpu.memory_space<vmem>> -> memref<1x512xi32, #tpu.memory_space<vmem>>
    %dma_start3A_1477 = tpu.memref_squeeze %dma_start3A_1476 : memref<1x512xi32, #tpu.memory_space<vmem>> -> memref<512xi32, #tpu.memory_space<vmem>>
    %dma_start3A_1478 = arith.constant 0 : i32
    %dma_start3A_1479 = arith.constant 0 : i32
    %dma_start3A_1480 = tpu.memref_slice %arg3[%dma_start3A_1467, %dma_start3A_1478, %dma_start3A_1479] : memref<26x100000x32xf32, #tpu.memory_space<hbm>> -> memref<1x100000x32xf32, #tpu.memory_space<hbm>>
    %dma_start3A_1481 = tpu.memref_squeeze %dma_start3A_1480 : memref<1x100000x32xf32, #tpu.memory_space<hbm>> -> memref<100000x32xf32, #tpu.memory_space<hbm>>
    %dma_start3A_1482 = arith.constant 0 : i32
    %dma_start3A_1483 = arith.constant 0 : i32
    %dma_start3A_1484 = tpu.memref_slice %dma_start3A_1481[%dma_start3A_1482, %dma_start3A_1483] : memref<100000x32xf32, #tpu.memory_space<hbm>> -> memref<100000x32xf32, #tpu.memory_space<hbm>>
    %dma_start3A_1485 = tpu.memref_slice %arg8[%dma_start3A_1470] : memref<3x!tpu.dma_semaphore, #tpu.memory_space<semaphore_mem>> -> memref<1x!tpu.dma_semaphore, #tpu.memory_space<semaphore_mem>>
    %dma_start3A_1486 = tpu.memref_squeeze %dma_start3A_1485 : memref<1x!tpu.dma_semaphore, #tpu.memory_space<semaphore_mem>> -> memref<!tpu.dma_semaphore, #tpu.memory_space<semaphore_mem>>
    tpu.enqueue_indirect_dma source(%dma_start3A_1484 : memref<100000x32xf32, #tpu.memory_space<hbm>>) target(%dma_start3A_1474 : memref<512x32xf32, #tpu.memory_space<vmem>>) offsets(%dma_start3A_1477 : memref<512xi32, #tpu.memory_space<vmem>>) semaphore(%dma_start3A_1486 : memref<!tpu.dma_semaphore, #tpu.memory_space<semaphore_mem>>)
    %dma_wait3A_1487 = arith.constant 16 : i32
    %dma_wait3A_1488 = arith.constant 1 : i32
    %dma_wait3A_1489 = arith.constant 1 : i32
    %dma_wait3A_1490 = arith.constant 1 : i32
    %dma_wait3A_1491 = arith.constant 0 : i32
    %dma_wait3A_1492 = arith.constant 0 : i32
    %dma_wait3A_1493 = tpu.memref_slice %arg7[%dma_wait3A_1489, %dma_wait3A_1491, %dma_wait3A_1492] : memref<3x512x32xf32, #tpu.memory_space<vmem>> -> memref<1x512x32xf32, #tpu.memory_space<vmem>>
    %dma_wait3A_1494 = tpu.memref_squeeze %dma_wait3A_1493 : memref<1x512x32xf32, #tpu.memory_space<vmem>> -> memref<512x32xf32, #tpu.memory_space<vmem>>
    %dma_wait3A_1495 = arith.constant 0 : i32
    %dma_wait3A_1496 = tpu.memref_slice %arg6[%dma_wait3A_1488, %dma_wait3A_1495] : memref<3x512xi32, #tpu.memory_space<vmem>> -> memref<1x512xi32, #tpu.memory_space<vmem>>
    %dma_wait3A_1497 = tpu.memref_squeeze %dma_wait3A_1496 : memref<1x512xi32, #tpu.memory_space<vmem>> -> memref<512xi32, #tpu.memory_space<vmem>>
    %dma_wait3A_1498 = arith.constant 0 : i32
    %dma_wait3A_1499 = arith.constant 0 : i32
    %dma_wait3A_1500 = tpu.memref_slice %arg3[%dma_wait3A_1487, %dma_wait3A_1498, %dma_wait3A_1499] : memref<26x100000x32xf32, #tpu.memory_space<hbm>> -> memref<1x100000x32xf32, #tpu.memory_space<hbm>>
    %dma_wait3A_1501 = tpu.memref_squeeze %dma_wait3A_1500 : memref<1x100000x32xf32, #tpu.memory_space<hbm>> -> memref<100000x32xf32, #tpu.memory_space<hbm>>
    %dma_wait3A_1502 = arith.constant 0 : i32
    %dma_wait3A_1503 = arith.constant 0 : i32
    %dma_wait3A_1504 = tpu.memref_slice %dma_wait3A_1501[%dma_wait3A_1502, %dma_wait3A_1503] : memref<100000x32xf32, #tpu.memory_space<hbm>> -> memref<100000x32xf32, #tpu.memory_space<hbm>>
    %dma_wait3A_1505 = tpu.memref_slice %arg8[%dma_wait3A_1490] : memref<3x!tpu.dma_semaphore, #tpu.memory_space<semaphore_mem>> -> memref<1x!tpu.dma_semaphore, #tpu.memory_space<semaphore_mem>>
    %dma_wait3A_1506 = tpu.memref_squeeze %dma_wait3A_1505 : memref<1x!tpu.dma_semaphore, #tpu.memory_space<semaphore_mem>> -> memref<!tpu.dma_semaphore, #tpu.memory_space<semaphore_mem>>
    tpu.wait_indirect_dma semaphore(%dma_wait3A_1506 : memref<!tpu.dma_semaphore, #tpu.memory_space<semaphore_mem>>) src(%dma_wait3A_1504 : memref<100000x32xf32, #tpu.memory_space<hbm>>) dst(%dma_wait3A_1494 : memref<512x32xf32, #tpu.memory_space<vmem>>)
    %dma_start3A_1507 = arith.constant 1 : i32
    %dma_start3A_1508 = arith.constant 16 : i32
    %dma_start3A_1509 = arith.constant 1 : i32
    %dma_start3A_1510 = arith.constant 0 : i32
    %dma_start3A_1511 = arith.constant 0 : i32
    %dma_start3A_1512 = tpu.memref_slice %arg7[%dma_start3A_1507, %dma_start3A_1510, %dma_start3A_1511] : memref<3x512x32xf32, #tpu.memory_space<vmem>> -> memref<1x512x32xf32, #tpu.memory_space<vmem>>
    %dma_start3A_1513 = tpu.memref_squeeze %dma_start3A_1512 : memref<1x512x32xf32, #tpu.memory_space<vmem>> -> memref<512x32xf32, #tpu.memory_space<vmem>>
    %dma_start3A_1514 = arith.constant 0 : i32
    %dma_start3A_1515 = tpu.memref_slice %arg4[%dma_start3A_1508, %mul3A_2, %dma_start3A_1514] : memref<26x16384x32xf32, #tpu.memory_space<hbm>> -> memref<1x512x32xf32, #tpu.memory_space<hbm>>
    %dma_start3A_1516 = tpu.memref_squeeze %dma_start3A_1515 : memref<1x512x32xf32, #tpu.memory_space<hbm>> -> memref<512x32xf32, #tpu.memory_space<hbm>>
    %dma_start3A_1517 = tpu.memref_slice %arg9[%dma_start3A_1509] : memref<3x!tpu.dma_semaphore, #tpu.memory_space<semaphore_mem>> -> memref<1x!tpu.dma_semaphore, #tpu.memory_space<semaphore_mem>>
    %dma_start3A_1518 = tpu.memref_squeeze %dma_start3A_1517 : memref<1x!tpu.dma_semaphore, #tpu.memory_space<semaphore_mem>> -> memref<!tpu.dma_semaphore, #tpu.memory_space<semaphore_mem>>
    %dma_start3A_1519 = arith.constant 0 : i32
    %dma_start3A_1520 = tpu.memref_slice %arg4[%dma_start3A_1508, %mul3A_2, %dma_start3A_1519] : memref<26x16384x32xf32, #tpu.memory_space<hbm>> -> memref<1x512x32xf32, #tpu.memory_space<hbm>>
    %dma_start3A_1521 = tpu.memref_squeeze %dma_start3A_1520 : memref<1x512x32xf32, #tpu.memory_space<hbm>> -> memref<512x32xf32, #tpu.memory_space<hbm>>
    %dma_start3A_1522 = arith.constant 0 : i32
    %dma_start3A_1523 = arith.constant 0 : i32
    %dma_start3A_1524 = tpu.memref_slice %arg7[%dma_start3A_1507, %dma_start3A_1522, %dma_start3A_1523] : memref<3x512x32xf32, #tpu.memory_space<vmem>> -> memref<1x512x32xf32, #tpu.memory_space<vmem>>
    %dma_start3A_1525 = tpu.memref_squeeze %dma_start3A_1524 : memref<1x512x32xf32, #tpu.memory_space<vmem>> -> memref<512x32xf32, #tpu.memory_space<vmem>>
    tpu.enqueue_dma source(%dma_start3A_1525 : memref<512x32xf32, #tpu.memory_space<vmem>>) target(%dma_start3A_1521 : memref<512x32xf32, #tpu.memory_space<hbm>>) target_semaphore(%dma_start3A_1518 : memref<!tpu.dma_semaphore, #tpu.memory_space<semaphore_mem>>)
    %dma_wait3A_1526 = arith.constant 0 : i32
    %dma_wait3A_1527 = arith.constant 15 : i32
    %dma_wait3A_1528 = arith.constant 0 : i32
    %dma_wait3A_1529 = arith.constant 0 : i32
    %dma_wait3A_1530 = arith.constant 0 : i32
    %dma_wait3A_1531 = tpu.memref_slice %arg7[%dma_wait3A_1526, %dma_wait3A_1529, %dma_wait3A_1530] : memref<3x512x32xf32, #tpu.memory_space<vmem>> -> memref<1x512x32xf32, #tpu.memory_space<vmem>>
    %dma_wait3A_1532 = tpu.memref_squeeze %dma_wait3A_1531 : memref<1x512x32xf32, #tpu.memory_space<vmem>> -> memref<512x32xf32, #tpu.memory_space<vmem>>
    %dma_wait3A_1533 = arith.constant 0 : i32
    %dma_wait3A_1534 = tpu.memref_slice %arg4[%dma_wait3A_1527, %mul3A_2, %dma_wait3A_1533] : memref<26x16384x32xf32, #tpu.memory_space<hbm>> -> memref<1x512x32xf32, #tpu.memory_space<hbm>>
    %dma_wait3A_1535 = tpu.memref_squeeze %dma_wait3A_1534 : memref<1x512x32xf32, #tpu.memory_space<hbm>> -> memref<512x32xf32, #tpu.memory_space<hbm>>
    %dma_wait3A_1536 = tpu.memref_slice %arg9[%dma_wait3A_1528] : memref<3x!tpu.dma_semaphore, #tpu.memory_space<semaphore_mem>> -> memref<1x!tpu.dma_semaphore, #tpu.memory_space<semaphore_mem>>
    %dma_wait3A_1537 = tpu.memref_squeeze %dma_wait3A_1536 : memref<1x!tpu.dma_semaphore, #tpu.memory_space<semaphore_mem>> -> memref<!tpu.dma_semaphore, #tpu.memory_space<semaphore_mem>>
    %dma_wait3A_1538 = arith.constant 0 : i32
    %dma_wait3A_1539 = tpu.memref_slice %arg4[%dma_wait3A_1527, %mul3A_2, %dma_wait3A_1538] : memref<26x16384x32xf32, #tpu.memory_space<hbm>> -> memref<1x512x32xf32, #tpu.memory_space<hbm>>
    %dma_wait3A_1540 = tpu.memref_squeeze %dma_wait3A_1539 : memref<1x512x32xf32, #tpu.memory_space<hbm>> -> memref<512x32xf32, #tpu.memory_space<hbm>>
    %dma_wait3A_1541 = arith.constant 0 : i32
    %dma_wait3A_1542 = arith.constant 0 : i32
    %dma_wait3A_1543 = tpu.memref_slice %arg7[%dma_wait3A_1526, %dma_wait3A_1541, %dma_wait3A_1542] : memref<3x512x32xf32, #tpu.memory_space<vmem>> -> memref<1x512x32xf32, #tpu.memory_space<vmem>>
    %dma_wait3A_1544 = tpu.memref_squeeze %dma_wait3A_1543 : memref<1x512x32xf32, #tpu.memory_space<vmem>> -> memref<512x32xf32, #tpu.memory_space<vmem>>
    tpu.wait_dma2 semaphore(%dma_wait3A_1537 : memref<!tpu.dma_semaphore, #tpu.memory_space<semaphore_mem>>) src(%dma_wait3A_1544 : memref<512x32xf32, #tpu.memory_space<vmem>>) dst(%dma_wait3A_1540 : memref<512x32xf32, #tpu.memory_space<hbm>>)
    %mul3A_1545 = arith.constant 26 : i32
    %mul3A_1546 = vector.broadcast %mul3A_1545 : i32 to vector<16xi32>
    %mul3A_1547 = arith.muli %iota3A, %mul3A_1546 : vector<16xi32>
    %add3A_1548 = arith.constant 18 : i32
    %add3A_1549 = vector.broadcast %add3A_1548 : i32 to vector<16xi32>
    %add3A_1550 = arith.addi %mul3A_1547, %add3A_1549 : vector<16xi32>
    %scan3A_1551 = arith.constant 0 : i32
    %scan3A_1552 = arith.constant 0 : i32
    %scan3A_1553 = arith.constant 32 : i32
    %scan3A_1554 = arith.addi %scan3A_1552, %scan3A_1553 : i32
    %scan3A_1555 = arith.constant 1 : i32
    scf.for %scan3A_2323 = %scan3A_1552 to %scan3A_1554 step %scan3A_1555  : i32 {
      %mul3A_2324 = arith.constant 416 : i32
      %mul3A_2325 = arith.muli %scan3A_2323, %mul3A_2324 : i32
      %add3A_2326 = vector.broadcast %mul3A_2325 : i32 to vector<16xi32>
      %add3A_2327 = arith.addi %add3A_1550, %add3A_2326 : vector<16xi32>
      %gather3A = tpu.vector_load_idx %arg5[%add3A_2327] : memref<13312xi32, #tpu.memory_space<vmem>>[vector<16xi32>], vector<16xi32>,
      %mul3A_2328 = arith.constant 16 : i32
      %mul3A_2329 = arith.muli %scan3A_2323, %mul3A_2328 : i32
      %swap3A = arith.constant 0 : i32
      %swap3A_2330 = arith.index_cast %swap3A : i32 to index
      %swap3A_2331 = arith.index_cast %mul3A_2329 : i32 to index
      %swap3A_2332 = tpu.vector_load %arg6[%swap3A_2330, %swap3A_2331] {strides = array<i32>} : memref<3x512xi32, #tpu.memory_space<vmem>>, vector<16xi32>,
      tpu.vector_store %arg6[%swap3A_2330, %swap3A_2331], %gather3A {strides = array<i32>} : memref<3x512xi32, #tpu.memory_space<vmem>>, vector<16xi32>,
    }
    %scan3A_1556 = arith.constant 32 : i32
    %dma_start3A_1557 = arith.constant 18 : i32
    %dma_start3A_1558 = arith.constant 0 : i32
    %dma_start3A_1559 = arith.constant 0 : i32
    %dma_start3A_1560 = arith.constant 0 : i32
    %dma_start3A_1561 = arith.constant 0 : i32
    %dma_start3A_1562 = arith.constant 0 : i32
    %dma_start3A_1563 = tpu.memref_slice %arg7[%dma_start3A_1559, %dma_start3A_1561, %dma_start3A_1562] : memref<3x512x32xf32, #tpu.memory_space<vmem>> -> memref<1x512x32xf32, #tpu.memory_space<vmem>>
    %dma_start3A_1564 = tpu.memref_squeeze %dma_start3A_1563 : memref<1x512x32xf32, #tpu.memory_space<vmem>> -> memref<512x32xf32, #tpu.memory_space<vmem>>
    %dma_start3A_1565 = arith.constant 0 : i32
    %dma_start3A_1566 = tpu.memref_slice %arg6[%dma_start3A_1558, %dma_start3A_1565] : memref<3x512xi32, #tpu.memory_space<vmem>> -> memref<1x512xi32, #tpu.memory_space<vmem>>
    %dma_start3A_1567 = tpu.memref_squeeze %dma_start3A_1566 : memref<1x512xi32, #tpu.memory_space<vmem>> -> memref<512xi32, #tpu.memory_space<vmem>>
    %dma_start3A_1568 = arith.constant 0 : i32
    %dma_start3A_1569 = arith.constant 0 : i32
    %dma_start3A_1570 = tpu.memref_slice %arg3[%dma_start3A_1557, %dma_start3A_1568, %dma_start3A_1569] : memref<26x100000x32xf32, #tpu.memory_space<hbm>> -> memref<1x100000x32xf32, #tpu.memory_space<hbm>>
    %dma_start3A_1571 = tpu.memref_squeeze %dma_start3A_1570 : memref<1x100000x32xf32, #tpu.memory_space<hbm>> -> memref<100000x32xf32, #tpu.memory_space<hbm>>
    %dma_start3A_1572 = arith.constant 0 : i32
    %dma_start3A_1573 = arith.constant 0 : i32
    %dma_start3A_1574 = tpu.memref_slice %dma_start3A_1571[%dma_start3A_1572, %dma_start3A_1573] : memref<100000x32xf32, #tpu.memory_space<hbm>> -> memref<100000x32xf32, #tpu.memory_space<hbm>>
    %dma_start3A_1575 = tpu.memref_slice %arg8[%dma_start3A_1560] : memref<3x!tpu.dma_semaphore, #tpu.memory_space<semaphore_mem>> -> memref<1x!tpu.dma_semaphore, #tpu.memory_space<semaphore_mem>>
    %dma_start3A_1576 = tpu.memref_squeeze %dma_start3A_1575 : memref<1x!tpu.dma_semaphore, #tpu.memory_space<semaphore_mem>> -> memref<!tpu.dma_semaphore, #tpu.memory_space<semaphore_mem>>
    tpu.enqueue_indirect_dma source(%dma_start3A_1574 : memref<100000x32xf32, #tpu.memory_space<hbm>>) target(%dma_start3A_1564 : memref<512x32xf32, #tpu.memory_space<vmem>>) offsets(%dma_start3A_1567 : memref<512xi32, #tpu.memory_space<vmem>>) semaphore(%dma_start3A_1576 : memref<!tpu.dma_semaphore, #tpu.memory_space<semaphore_mem>>)
    %dma_wait3A_1577 = arith.constant 17 : i32
    %dma_wait3A_1578 = arith.constant 2 : i32
    %dma_wait3A_1579 = arith.constant 2 : i32
    %dma_wait3A_1580 = arith.constant 2 : i32
    %dma_wait3A_1581 = arith.constant 0 : i32
    %dma_wait3A_1582 = arith.constant 0 : i32
    %dma_wait3A_1583 = tpu.memref_slice %arg7[%dma_wait3A_1579, %dma_wait3A_1581, %dma_wait3A_1582] : memref<3x512x32xf32, #tpu.memory_space<vmem>> -> memref<1x512x32xf32, #tpu.memory_space<vmem>>
    %dma_wait3A_1584 = tpu.memref_squeeze %dma_wait3A_1583 : memref<1x512x32xf32, #tpu.memory_space<vmem>> -> memref<512x32xf32, #tpu.memory_space<vmem>>
    %dma_wait3A_1585 = arith.constant 0 : i32
    %dma_wait3A_1586 = tpu.memref_slice %arg6[%dma_wait3A_1578, %dma_wait3A_1585] : memref<3x512xi32, #tpu.memory_space<vmem>> -> memref<1x512xi32, #tpu.memory_space<vmem>>
    %dma_wait3A_1587 = tpu.memref_squeeze %dma_wait3A_1586 : memref<1x512xi32, #tpu.memory_space<vmem>> -> memref<512xi32, #tpu.memory_space<vmem>>
    %dma_wait3A_1588 = arith.constant 0 : i32
    %dma_wait3A_1589 = arith.constant 0 : i32
    %dma_wait3A_1590 = tpu.memref_slice %arg3[%dma_wait3A_1577, %dma_wait3A_1588, %dma_wait3A_1589] : memref<26x100000x32xf32, #tpu.memory_space<hbm>> -> memref<1x100000x32xf32, #tpu.memory_space<hbm>>
    %dma_wait3A_1591 = tpu.memref_squeeze %dma_wait3A_1590 : memref<1x100000x32xf32, #tpu.memory_space<hbm>> -> memref<100000x32xf32, #tpu.memory_space<hbm>>
    %dma_wait3A_1592 = arith.constant 0 : i32
    %dma_wait3A_1593 = arith.constant 0 : i32
    %dma_wait3A_1594 = tpu.memref_slice %dma_wait3A_1591[%dma_wait3A_1592, %dma_wait3A_1593] : memref<100000x32xf32, #tpu.memory_space<hbm>> -> memref<100000x32xf32, #tpu.memory_space<hbm>>
    %dma_wait3A_1595 = tpu.memref_slice %arg8[%dma_wait3A_1580] : memref<3x!tpu.dma_semaphore, #tpu.memory_space<semaphore_mem>> -> memref<1x!tpu.dma_semaphore, #tpu.memory_space<semaphore_mem>>
    %dma_wait3A_1596 = tpu.memref_squeeze %dma_wait3A_1595 : memref<1x!tpu.dma_semaphore, #tpu.memory_space<semaphore_mem>> -> memref<!tpu.dma_semaphore, #tpu.memory_space<semaphore_mem>>
    tpu.wait_indirect_dma semaphore(%dma_wait3A_1596 : memref<!tpu.dma_semaphore, #tpu.memory_space<semaphore_mem>>) src(%dma_wait3A_1594 : memref<100000x32xf32, #tpu.memory_space<hbm>>) dst(%dma_wait3A_1584 : memref<512x32xf32, #tpu.memory_space<vmem>>)
    %dma_start3A_1597 = arith.constant 2 : i32
    %dma_start3A_1598 = arith.constant 17 : i32
    %dma_start3A_1599 = arith.constant 2 : i32
    %dma_start3A_1600 = arith.constant 0 : i32
    %dma_start3A_1601 = arith.constant 0 : i32
    %dma_start3A_1602 = tpu.memref_slice %arg7[%dma_start3A_1597, %dma_start3A_1600, %dma_start3A_1601] : memref<3x512x32xf32, #tpu.memory_space<vmem>> -> memref<1x512x32xf32, #tpu.memory_space<vmem>>
    %dma_start3A_1603 = tpu.memref_squeeze %dma_start3A_1602 : memref<1x512x32xf32, #tpu.memory_space<vmem>> -> memref<512x32xf32, #tpu.memory_space<vmem>>
    %dma_start3A_1604 = arith.constant 0 : i32
    %dma_start3A_1605 = tpu.memref_slice %arg4[%dma_start3A_1598, %mul3A_2, %dma_start3A_1604] : memref<26x16384x32xf32, #tpu.memory_space<hbm>> -> memref<1x512x32xf32, #tpu.memory_space<hbm>>
    %dma_start3A_1606 = tpu.memref_squeeze %dma_start3A_1605 : memref<1x512x32xf32, #tpu.memory_space<hbm>> -> memref<512x32xf32, #tpu.memory_space<hbm>>
    %dma_start3A_1607 = tpu.memref_slice %arg9[%dma_start3A_1599] : memref<3x!tpu.dma_semaphore, #tpu.memory_space<semaphore_mem>> -> memref<1x!tpu.dma_semaphore, #tpu.memory_space<semaphore_mem>>
    %dma_start3A_1608 = tpu.memref_squeeze %dma_start3A_1607 : memref<1x!tpu.dma_semaphore, #tpu.memory_space<semaphore_mem>> -> memref<!tpu.dma_semaphore, #tpu.memory_space<semaphore_mem>>
    %dma_start3A_1609 = arith.constant 0 : i32
    %dma_start3A_1610 = tpu.memref_slice %arg4[%dma_start3A_1598, %mul3A_2, %dma_start3A_1609] : memref<26x16384x32xf32, #tpu.memory_space<hbm>> -> memref<1x512x32xf32, #tpu.memory_space<hbm>>
    %dma_start3A_1611 = tpu.memref_squeeze %dma_start3A_1610 : memref<1x512x32xf32, #tpu.memory_space<hbm>> -> memref<512x32xf32, #tpu.memory_space<hbm>>
    %dma_start3A_1612 = arith.constant 0 : i32
    %dma_start3A_1613 = arith.constant 0 : i32
    %dma_start3A_1614 = tpu.memref_slice %arg7[%dma_start3A_1597, %dma_start3A_1612, %dma_start3A_1613] : memref<3x512x32xf32, #tpu.memory_space<vmem>> -> memref<1x512x32xf32, #tpu.memory_space<vmem>>
    %dma_start3A_1615 = tpu.memref_squeeze %dma_start3A_1614 : memref<1x512x32xf32, #tpu.memory_space<vmem>> -> memref<512x32xf32, #tpu.memory_space<vmem>>
    tpu.enqueue_dma source(%dma_start3A_1615 : memref<512x32xf32, #tpu.memory_space<vmem>>) target(%dma_start3A_1611 : memref<512x32xf32, #tpu.memory_space<hbm>>) target_semaphore(%dma_start3A_1608 : memref<!tpu.dma_semaphore, #tpu.memory_space<semaphore_mem>>)
    %dma_wait3A_1616 = arith.constant 1 : i32
    %dma_wait3A_1617 = arith.constant 16 : i32
    %dma_wait3A_1618 = arith.constant 1 : i32
    %dma_wait3A_1619 = arith.constant 0 : i32
    %dma_wait3A_1620 = arith.constant 0 : i32
    %dma_wait3A_1621 = tpu.memref_slice %arg7[%dma_wait3A_1616, %dma_wait3A_1619, %dma_wait3A_1620] : memref<3x512x32xf32, #tpu.memory_space<vmem>> -> memref<1x512x32xf32, #tpu.memory_space<vmem>>
    %dma_wait3A_1622 = tpu.memref_squeeze %dma_wait3A_1621 : memref<1x512x32xf32, #tpu.memory_space<vmem>> -> memref<512x32xf32, #tpu.memory_space<vmem>>
    %dma_wait3A_1623 = arith.constant 0 : i32
    %dma_wait3A_1624 = tpu.memref_slice %arg4[%dma_wait3A_1617, %mul3A_2, %dma_wait3A_1623] : memref<26x16384x32xf32, #tpu.memory_space<hbm>> -> memref<1x512x32xf32, #tpu.memory_space<hbm>>
    %dma_wait3A_1625 = tpu.memref_squeeze %dma_wait3A_1624 : memref<1x512x32xf32, #tpu.memory_space<hbm>> -> memref<512x32xf32, #tpu.memory_space<hbm>>
    %dma_wait3A_1626 = tpu.memref_slice %arg9[%dma_wait3A_1618] : memref<3x!tpu.dma_semaphore, #tpu.memory_space<semaphore_mem>> -> memref<1x!tpu.dma_semaphore, #tpu.memory_space<semaphore_mem>>
    %dma_wait3A_1627 = tpu.memref_squeeze %dma_wait3A_1626 : memref<1x!tpu.dma_semaphore, #tpu.memory_space<semaphore_mem>> -> memref<!tpu.dma_semaphore, #tpu.memory_space<semaphore_mem>>
    %dma_wait3A_1628 = arith.constant 0 : i32
    %dma_wait3A_1629 = tpu.memref_slice %arg4[%dma_wait3A_1617, %mul3A_2, %dma_wait3A_1628] : memref<26x16384x32xf32, #tpu.memory_space<hbm>> -> memref<1x512x32xf32, #tpu.memory_space<hbm>>
    %dma_wait3A_1630 = tpu.memref_squeeze %dma_wait3A_1629 : memref<1x512x32xf32, #tpu.memory_space<hbm>> -> memref<512x32xf32, #tpu.memory_space<hbm>>
    %dma_wait3A_1631 = arith.constant 0 : i32
    %dma_wait3A_1632 = arith.constant 0 : i32
    %dma_wait3A_1633 = tpu.memref_slice %arg7[%dma_wait3A_1616, %dma_wait3A_1631, %dma_wait3A_1632] : memref<3x512x32xf32, #tpu.memory_space<vmem>> -> memref<1x512x32xf32, #tpu.memory_space<vmem>>
    %dma_wait3A_1634 = tpu.memref_squeeze %dma_wait3A_1633 : memref<1x512x32xf32, #tpu.memory_space<vmem>> -> memref<512x32xf32, #tpu.memory_space<vmem>>
    tpu.wait_dma2 semaphore(%dma_wait3A_1627 : memref<!tpu.dma_semaphore, #tpu.memory_space<semaphore_mem>>) src(%dma_wait3A_1634 : memref<512x32xf32, #tpu.memory_space<vmem>>) dst(%dma_wait3A_1630 : memref<512x32xf32, #tpu.memory_space<hbm>>)
    %mul3A_1635 = arith.constant 26 : i32
    %mul3A_1636 = vector.broadcast %mul3A_1635 : i32 to vector<16xi32>
    %mul3A_1637 = arith.muli %iota3A, %mul3A_1636 : vector<16xi32>
    %add3A_1638 = arith.constant 19 : i32
    %add3A_1639 = vector.broadcast %add3A_1638 : i32 to vector<16xi32>
    %add3A_1640 = arith.addi %mul3A_1637, %add3A_1639 : vector<16xi32>
    %scan3A_1641 = arith.constant 0 : i32
    %scan3A_1642 = arith.constant 0 : i32
    %scan3A_1643 = arith.constant 32 : i32
    %scan3A_1644 = arith.addi %scan3A_1642, %scan3A_1643 : i32
    %scan3A_1645 = arith.constant 1 : i32
    scf.for %scan3A_2323 = %scan3A_1642 to %scan3A_1644 step %scan3A_1645  : i32 {
      %mul3A_2324 = arith.constant 416 : i32
      %mul3A_2325 = arith.muli %scan3A_2323, %mul3A_2324 : i32
      %add3A_2326 = vector.broadcast %mul3A_2325 : i32 to vector<16xi32>
      %add3A_2327 = arith.addi %add3A_1640, %add3A_2326 : vector<16xi32>
      %gather3A = tpu.vector_load_idx %arg5[%add3A_2327] : memref<13312xi32, #tpu.memory_space<vmem>>[vector<16xi32>], vector<16xi32>,
      %mul3A_2328 = arith.constant 16 : i32
      %mul3A_2329 = arith.muli %scan3A_2323, %mul3A_2328 : i32
      %swap3A = arith.constant 1 : i32
      %swap3A_2330 = arith.index_cast %swap3A : i32 to index
      %swap3A_2331 = arith.index_cast %mul3A_2329 : i32 to index
      %swap3A_2332 = tpu.vector_load %arg6[%swap3A_2330, %swap3A_2331] {strides = array<i32>} : memref<3x512xi32, #tpu.memory_space<vmem>>, vector<16xi32>,
      tpu.vector_store %arg6[%swap3A_2330, %swap3A_2331], %gather3A {strides = array<i32>} : memref<3x512xi32, #tpu.memory_space<vmem>>, vector<16xi32>,
    }
    %scan3A_1646 = arith.constant 32 : i32
    %dma_start3A_1647 = arith.constant 19 : i32
    %dma_start3A_1648 = arith.constant 1 : i32
    %dma_start3A_1649 = arith.constant 1 : i32
    %dma_start3A_1650 = arith.constant 1 : i32
    %dma_start3A_1651 = arith.constant 0 : i32
    %dma_start3A_1652 = arith.constant 0 : i32
    %dma_start3A_1653 = tpu.memref_slice %arg7[%dma_start3A_1649, %dma_start3A_1651, %dma_start3A_1652] : memref<3x512x32xf32, #tpu.memory_space<vmem>> -> memref<1x512x32xf32, #tpu.memory_space<vmem>>
    %dma_start3A_1654 = tpu.memref_squeeze %dma_start3A_1653 : memref<1x512x32xf32, #tpu.memory_space<vmem>> -> memref<512x32xf32, #tpu.memory_space<vmem>>
    %dma_start3A_1655 = arith.constant 0 : i32
    %dma_start3A_1656 = tpu.memref_slice %arg6[%dma_start3A_1648, %dma_start3A_1655] : memref<3x512xi32, #tpu.memory_space<vmem>> -> memref<1x512xi32, #tpu.memory_space<vmem>>
    %dma_start3A_1657 = tpu.memref_squeeze %dma_start3A_1656 : memref<1x512xi32, #tpu.memory_space<vmem>> -> memref<512xi32, #tpu.memory_space<vmem>>
    %dma_start3A_1658 = arith.constant 0 : i32
    %dma_start3A_1659 = arith.constant 0 : i32
    %dma_start3A_1660 = tpu.memref_slice %arg3[%dma_start3A_1647, %dma_start3A_1658, %dma_start3A_1659] : memref<26x100000x32xf32, #tpu.memory_space<hbm>> -> memref<1x100000x32xf32, #tpu.memory_space<hbm>>
    %dma_start3A_1661 = tpu.memref_squeeze %dma_start3A_1660 : memref<1x100000x32xf32, #tpu.memory_space<hbm>> -> memref<100000x32xf32, #tpu.memory_space<hbm>>
    %dma_start3A_1662 = arith.constant 0 : i32
    %dma_start3A_1663 = arith.constant 0 : i32
    %dma_start3A_1664 = tpu.memref_slice %dma_start3A_1661[%dma_start3A_1662, %dma_start3A_1663] : memref<100000x32xf32, #tpu.memory_space<hbm>> -> memref<100000x32xf32, #tpu.memory_space<hbm>>
    %dma_start3A_1665 = tpu.memref_slice %arg8[%dma_start3A_1650] : memref<3x!tpu.dma_semaphore, #tpu.memory_space<semaphore_mem>> -> memref<1x!tpu.dma_semaphore, #tpu.memory_space<semaphore_mem>>
    %dma_start3A_1666 = tpu.memref_squeeze %dma_start3A_1665 : memref<1x!tpu.dma_semaphore, #tpu.memory_space<semaphore_mem>> -> memref<!tpu.dma_semaphore, #tpu.memory_space<semaphore_mem>>
    tpu.enqueue_indirect_dma source(%dma_start3A_1664 : memref<100000x32xf32, #tpu.memory_space<hbm>>) target(%dma_start3A_1654 : memref<512x32xf32, #tpu.memory_space<vmem>>) offsets(%dma_start3A_1657 : memref<512xi32, #tpu.memory_space<vmem>>) semaphore(%dma_start3A_1666 : memref<!tpu.dma_semaphore, #tpu.memory_space<semaphore_mem>>)
    %dma_wait3A_1667 = arith.constant 18 : i32
    %dma_wait3A_1668 = arith.constant 0 : i32
    %dma_wait3A_1669 = arith.constant 0 : i32
    %dma_wait3A_1670 = arith.constant 0 : i32
    %dma_wait3A_1671 = arith.constant 0 : i32
    %dma_wait3A_1672 = arith.constant 0 : i32
    %dma_wait3A_1673 = tpu.memref_slice %arg7[%dma_wait3A_1669, %dma_wait3A_1671, %dma_wait3A_1672] : memref<3x512x32xf32, #tpu.memory_space<vmem>> -> memref<1x512x32xf32, #tpu.memory_space<vmem>>
    %dma_wait3A_1674 = tpu.memref_squeeze %dma_wait3A_1673 : memref<1x512x32xf32, #tpu.memory_space<vmem>> -> memref<512x32xf32, #tpu.memory_space<vmem>>
    %dma_wait3A_1675 = arith.constant 0 : i32
    %dma_wait3A_1676 = tpu.memref_slice %arg6[%dma_wait3A_1668, %dma_wait3A_1675] : memref<3x512xi32, #tpu.memory_space<vmem>> -> memref<1x512xi32, #tpu.memory_space<vmem>>
    %dma_wait3A_1677 = tpu.memref_squeeze %dma_wait3A_1676 : memref<1x512xi32, #tpu.memory_space<vmem>> -> memref<512xi32, #tpu.memory_space<vmem>>
    %dma_wait3A_1678 = arith.constant 0 : i32
    %dma_wait3A_1679 = arith.constant 0 : i32
    %dma_wait3A_1680 = tpu.memref_slice %arg3[%dma_wait3A_1667, %dma_wait3A_1678, %dma_wait3A_1679] : memref<26x100000x32xf32, #tpu.memory_space<hbm>> -> memref<1x100000x32xf32, #tpu.memory_space<hbm>>
    %dma_wait3A_1681 = tpu.memref_squeeze %dma_wait3A_1680 : memref<1x100000x32xf32, #tpu.memory_space<hbm>> -> memref<100000x32xf32, #tpu.memory_space<hbm>>
    %dma_wait3A_1682 = arith.constant 0 : i32
    %dma_wait3A_1683 = arith.constant 0 : i32
    %dma_wait3A_1684 = tpu.memref_slice %dma_wait3A_1681[%dma_wait3A_1682, %dma_wait3A_1683] : memref<100000x32xf32, #tpu.memory_space<hbm>> -> memref<100000x32xf32, #tpu.memory_space<hbm>>
    %dma_wait3A_1685 = tpu.memref_slice %arg8[%dma_wait3A_1670] : memref<3x!tpu.dma_semaphore, #tpu.memory_space<semaphore_mem>> -> memref<1x!tpu.dma_semaphore, #tpu.memory_space<semaphore_mem>>
    %dma_wait3A_1686 = tpu.memref_squeeze %dma_wait3A_1685 : memref<1x!tpu.dma_semaphore, #tpu.memory_space<semaphore_mem>> -> memref<!tpu.dma_semaphore, #tpu.memory_space<semaphore_mem>>
    tpu.wait_indirect_dma semaphore(%dma_wait3A_1686 : memref<!tpu.dma_semaphore, #tpu.memory_space<semaphore_mem>>) src(%dma_wait3A_1684 : memref<100000x32xf32, #tpu.memory_space<hbm>>) dst(%dma_wait3A_1674 : memref<512x32xf32, #tpu.memory_space<vmem>>)
    %dma_start3A_1687 = arith.constant 0 : i32
    %dma_start3A_1688 = arith.constant 18 : i32
    %dma_start3A_1689 = arith.constant 0 : i32
    %dma_start3A_1690 = arith.constant 0 : i32
    %dma_start3A_1691 = arith.constant 0 : i32
    %dma_start3A_1692 = tpu.memref_slice %arg7[%dma_start3A_1687, %dma_start3A_1690, %dma_start3A_1691] : memref<3x512x32xf32, #tpu.memory_space<vmem>> -> memref<1x512x32xf32, #tpu.memory_space<vmem>>
    %dma_start3A_1693 = tpu.memref_squeeze %dma_start3A_1692 : memref<1x512x32xf32, #tpu.memory_space<vmem>> -> memref<512x32xf32, #tpu.memory_space<vmem>>
    %dma_start3A_1694 = arith.constant 0 : i32
    %dma_start3A_1695 = tpu.memref_slice %arg4[%dma_start3A_1688, %mul3A_2, %dma_start3A_1694] : memref<26x16384x32xf32, #tpu.memory_space<hbm>> -> memref<1x512x32xf32, #tpu.memory_space<hbm>>
    %dma_start3A_1696 = tpu.memref_squeeze %dma_start3A_1695 : memref<1x512x32xf32, #tpu.memory_space<hbm>> -> memref<512x32xf32, #tpu.memory_space<hbm>>
    %dma_start3A_1697 = tpu.memref_slice %arg9[%dma_start3A_1689] : memref<3x!tpu.dma_semaphore, #tpu.memory_space<semaphore_mem>> -> memref<1x!tpu.dma_semaphore, #tpu.memory_space<semaphore_mem>>
    %dma_start3A_1698 = tpu.memref_squeeze %dma_start3A_1697 : memref<1x!tpu.dma_semaphore, #tpu.memory_space<semaphore_mem>> -> memref<!tpu.dma_semaphore, #tpu.memory_space<semaphore_mem>>
    %dma_start3A_1699 = arith.constant 0 : i32
    %dma_start3A_1700 = tpu.memref_slice %arg4[%dma_start3A_1688, %mul3A_2, %dma_start3A_1699] : memref<26x16384x32xf32, #tpu.memory_space<hbm>> -> memref<1x512x32xf32, #tpu.memory_space<hbm>>
    %dma_start3A_1701 = tpu.memref_squeeze %dma_start3A_1700 : memref<1x512x32xf32, #tpu.memory_space<hbm>> -> memref<512x32xf32, #tpu.memory_space<hbm>>
    %dma_start3A_1702 = arith.constant 0 : i32
    %dma_start3A_1703 = arith.constant 0 : i32
    %dma_start3A_1704 = tpu.memref_slice %arg7[%dma_start3A_1687, %dma_start3A_1702, %dma_start3A_1703] : memref<3x512x32xf32, #tpu.memory_space<vmem>> -> memref<1x512x32xf32, #tpu.memory_space<vmem>>
    %dma_start3A_1705 = tpu.memref_squeeze %dma_start3A_1704 : memref<1x512x32xf32, #tpu.memory_space<vmem>> -> memref<512x32xf32, #tpu.memory_space<vmem>>
    tpu.enqueue_dma source(%dma_start3A_1705 : memref<512x32xf32, #tpu.memory_space<vmem>>) target(%dma_start3A_1701 : memref<512x32xf32, #tpu.memory_space<hbm>>) target_semaphore(%dma_start3A_1698 : memref<!tpu.dma_semaphore, #tpu.memory_space<semaphore_mem>>)
    %dma_wait3A_1706 = arith.constant 2 : i32
    %dma_wait3A_1707 = arith.constant 17 : i32
    %dma_wait3A_1708 = arith.constant 2 : i32
    %dma_wait3A_1709 = arith.constant 0 : i32
    %dma_wait3A_1710 = arith.constant 0 : i32
    %dma_wait3A_1711 = tpu.memref_slice %arg7[%dma_wait3A_1706, %dma_wait3A_1709, %dma_wait3A_1710] : memref<3x512x32xf32, #tpu.memory_space<vmem>> -> memref<1x512x32xf32, #tpu.memory_space<vmem>>
    %dma_wait3A_1712 = tpu.memref_squeeze %dma_wait3A_1711 : memref<1x512x32xf32, #tpu.memory_space<vmem>> -> memref<512x32xf32, #tpu.memory_space<vmem>>
    %dma_wait3A_1713 = arith.constant 0 : i32
    %dma_wait3A_1714 = tpu.memref_slice %arg4[%dma_wait3A_1707, %mul3A_2, %dma_wait3A_1713] : memref<26x16384x32xf32, #tpu.memory_space<hbm>> -> memref<1x512x32xf32, #tpu.memory_space<hbm>>
    %dma_wait3A_1715 = tpu.memref_squeeze %dma_wait3A_1714 : memref<1x512x32xf32, #tpu.memory_space<hbm>> -> memref<512x32xf32, #tpu.memory_space<hbm>>
    %dma_wait3A_1716 = tpu.memref_slice %arg9[%dma_wait3A_1708] : memref<3x!tpu.dma_semaphore, #tpu.memory_space<semaphore_mem>> -> memref<1x!tpu.dma_semaphore, #tpu.memory_space<semaphore_mem>>
    %dma_wait3A_1717 = tpu.memref_squeeze %dma_wait3A_1716 : memref<1x!tpu.dma_semaphore, #tpu.memory_space<semaphore_mem>> -> memref<!tpu.dma_semaphore, #tpu.memory_space<semaphore_mem>>
    %dma_wait3A_1718 = arith.constant 0 : i32
    %dma_wait3A_1719 = tpu.memref_slice %arg4[%dma_wait3A_1707, %mul3A_2, %dma_wait3A_1718] : memref<26x16384x32xf32, #tpu.memory_space<hbm>> -> memref<1x512x32xf32, #tpu.memory_space<hbm>>
    %dma_wait3A_1720 = tpu.memref_squeeze %dma_wait3A_1719 : memref<1x512x32xf32, #tpu.memory_space<hbm>> -> memref<512x32xf32, #tpu.memory_space<hbm>>
    %dma_wait3A_1721 = arith.constant 0 : i32
    %dma_wait3A_1722 = arith.constant 0 : i32
    %dma_wait3A_1723 = tpu.memref_slice %arg7[%dma_wait3A_1706, %dma_wait3A_1721, %dma_wait3A_1722] : memref<3x512x32xf32, #tpu.memory_space<vmem>> -> memref<1x512x32xf32, #tpu.memory_space<vmem>>
    %dma_wait3A_1724 = tpu.memref_squeeze %dma_wait3A_1723 : memref<1x512x32xf32, #tpu.memory_space<vmem>> -> memref<512x32xf32, #tpu.memory_space<vmem>>
    tpu.wait_dma2 semaphore(%dma_wait3A_1717 : memref<!tpu.dma_semaphore, #tpu.memory_space<semaphore_mem>>) src(%dma_wait3A_1724 : memref<512x32xf32, #tpu.memory_space<vmem>>) dst(%dma_wait3A_1720 : memref<512x32xf32, #tpu.memory_space<hbm>>)
    %mul3A_1725 = arith.constant 26 : i32
    %mul3A_1726 = vector.broadcast %mul3A_1725 : i32 to vector<16xi32>
    %mul3A_1727 = arith.muli %iota3A, %mul3A_1726 : vector<16xi32>
    %add3A_1728 = arith.constant 20 : i32
    %add3A_1729 = vector.broadcast %add3A_1728 : i32 to vector<16xi32>
    %add3A_1730 = arith.addi %mul3A_1727, %add3A_1729 : vector<16xi32>
    %scan3A_1731 = arith.constant 0 : i32
    %scan3A_1732 = arith.constant 0 : i32
    %scan3A_1733 = arith.constant 32 : i32
    %scan3A_1734 = arith.addi %scan3A_1732, %scan3A_1733 : i32
    %scan3A_1735 = arith.constant 1 : i32
    scf.for %scan3A_2323 = %scan3A_1732 to %scan3A_1734 step %scan3A_1735  : i32 {
      %mul3A_2324 = arith.constant 416 : i32
      %mul3A_2325 = arith.muli %scan3A_2323, %mul3A_2324 : i32
      %add3A_2326 = vector.broadcast %mul3A_2325 : i32 to vector<16xi32>
      %add3A_2327 = arith.addi %add3A_1730, %add3A_2326 : vector<16xi32>
      %gather3A = tpu.vector_load_idx %arg5[%add3A_2327] : memref<13312xi32, #tpu.memory_space<vmem>>[vector<16xi32>], vector<16xi32>,
      %mul3A_2328 = arith.constant 16 : i32
      %mul3A_2329 = arith.muli %scan3A_2323, %mul3A_2328 : i32
      %swap3A = arith.constant 2 : i32
      %swap3A_2330 = arith.index_cast %swap3A : i32 to index
      %swap3A_2331 = arith.index_cast %mul3A_2329 : i32 to index
      %swap3A_2332 = tpu.vector_load %arg6[%swap3A_2330, %swap3A_2331] {strides = array<i32>} : memref<3x512xi32, #tpu.memory_space<vmem>>, vector<16xi32>,
      tpu.vector_store %arg6[%swap3A_2330, %swap3A_2331], %gather3A {strides = array<i32>} : memref<3x512xi32, #tpu.memory_space<vmem>>, vector<16xi32>,
    }
    %scan3A_1736 = arith.constant 32 : i32
    %dma_start3A_1737 = arith.constant 20 : i32
    %dma_start3A_1738 = arith.constant 2 : i32
    %dma_start3A_1739 = arith.constant 2 : i32
    %dma_start3A_1740 = arith.constant 2 : i32
    %dma_start3A_1741 = arith.constant 0 : i32
    %dma_start3A_1742 = arith.constant 0 : i32
    %dma_start3A_1743 = tpu.memref_slice %arg7[%dma_start3A_1739, %dma_start3A_1741, %dma_start3A_1742] : memref<3x512x32xf32, #tpu.memory_space<vmem>> -> memref<1x512x32xf32, #tpu.memory_space<vmem>>
    %dma_start3A_1744 = tpu.memref_squeeze %dma_start3A_1743 : memref<1x512x32xf32, #tpu.memory_space<vmem>> -> memref<512x32xf32, #tpu.memory_space<vmem>>
    %dma_start3A_1745 = arith.constant 0 : i32
    %dma_start3A_1746 = tpu.memref_slice %arg6[%dma_start3A_1738, %dma_start3A_1745] : memref<3x512xi32, #tpu.memory_space<vmem>> -> memref<1x512xi32, #tpu.memory_space<vmem>>
    %dma_start3A_1747 = tpu.memref_squeeze %dma_start3A_1746 : memref<1x512xi32, #tpu.memory_space<vmem>> -> memref<512xi32, #tpu.memory_space<vmem>>
    %dma_start3A_1748 = arith.constant 0 : i32
    %dma_start3A_1749 = arith.constant 0 : i32
    %dma_start3A_1750 = tpu.memref_slice %arg3[%dma_start3A_1737, %dma_start3A_1748, %dma_start3A_1749] : memref<26x100000x32xf32, #tpu.memory_space<hbm>> -> memref<1x100000x32xf32, #tpu.memory_space<hbm>>
    %dma_start3A_1751 = tpu.memref_squeeze %dma_start3A_1750 : memref<1x100000x32xf32, #tpu.memory_space<hbm>> -> memref<100000x32xf32, #tpu.memory_space<hbm>>
    %dma_start3A_1752 = arith.constant 0 : i32
    %dma_start3A_1753 = arith.constant 0 : i32
    %dma_start3A_1754 = tpu.memref_slice %dma_start3A_1751[%dma_start3A_1752, %dma_start3A_1753] : memref<100000x32xf32, #tpu.memory_space<hbm>> -> memref<100000x32xf32, #tpu.memory_space<hbm>>
    %dma_start3A_1755 = tpu.memref_slice %arg8[%dma_start3A_1740] : memref<3x!tpu.dma_semaphore, #tpu.memory_space<semaphore_mem>> -> memref<1x!tpu.dma_semaphore, #tpu.memory_space<semaphore_mem>>
    %dma_start3A_1756 = tpu.memref_squeeze %dma_start3A_1755 : memref<1x!tpu.dma_semaphore, #tpu.memory_space<semaphore_mem>> -> memref<!tpu.dma_semaphore, #tpu.memory_space<semaphore_mem>>
    tpu.enqueue_indirect_dma source(%dma_start3A_1754 : memref<100000x32xf32, #tpu.memory_space<hbm>>) target(%dma_start3A_1744 : memref<512x32xf32, #tpu.memory_space<vmem>>) offsets(%dma_start3A_1747 : memref<512xi32, #tpu.memory_space<vmem>>) semaphore(%dma_start3A_1756 : memref<!tpu.dma_semaphore, #tpu.memory_space<semaphore_mem>>)
    %dma_wait3A_1757 = arith.constant 19 : i32
    %dma_wait3A_1758 = arith.constant 1 : i32
    %dma_wait3A_1759 = arith.constant 1 : i32
    %dma_wait3A_1760 = arith.constant 1 : i32
    %dma_wait3A_1761 = arith.constant 0 : i32
    %dma_wait3A_1762 = arith.constant 0 : i32
    %dma_wait3A_1763 = tpu.memref_slice %arg7[%dma_wait3A_1759, %dma_wait3A_1761, %dma_wait3A_1762] : memref<3x512x32xf32, #tpu.memory_space<vmem>> -> memref<1x512x32xf32, #tpu.memory_space<vmem>>
    %dma_wait3A_1764 = tpu.memref_squeeze %dma_wait3A_1763 : memref<1x512x32xf32, #tpu.memory_space<vmem>> -> memref<512x32xf32, #tpu.memory_space<vmem>>
    %dma_wait3A_1765 = arith.constant 0 : i32
    %dma_wait3A_1766 = tpu.memref_slice %arg6[%dma_wait3A_1758, %dma_wait3A_1765] : memref<3x512xi32, #tpu.memory_space<vmem>> -> memref<1x512xi32, #tpu.memory_space<vmem>>
    %dma_wait3A_1767 = tpu.memref_squeeze %dma_wait3A_1766 : memref<1x512xi32, #tpu.memory_space<vmem>> -> memref<512xi32, #tpu.memory_space<vmem>>
    %dma_wait3A_1768 = arith.constant 0 : i32
    %dma_wait3A_1769 = arith.constant 0 : i32
    %dma_wait3A_1770 = tpu.memref_slice %arg3[%dma_wait3A_1757, %dma_wait3A_1768, %dma_wait3A_1769] : memref<26x100000x32xf32, #tpu.memory_space<hbm>> -> memref<1x100000x32xf32, #tpu.memory_space<hbm>>
    %dma_wait3A_1771 = tpu.memref_squeeze %dma_wait3A_1770 : memref<1x100000x32xf32, #tpu.memory_space<hbm>> -> memref<100000x32xf32, #tpu.memory_space<hbm>>
    %dma_wait3A_1772 = arith.constant 0 : i32
    %dma_wait3A_1773 = arith.constant 0 : i32
    %dma_wait3A_1774 = tpu.memref_slice %dma_wait3A_1771[%dma_wait3A_1772, %dma_wait3A_1773] : memref<100000x32xf32, #tpu.memory_space<hbm>> -> memref<100000x32xf32, #tpu.memory_space<hbm>>
    %dma_wait3A_1775 = tpu.memref_slice %arg8[%dma_wait3A_1760] : memref<3x!tpu.dma_semaphore, #tpu.memory_space<semaphore_mem>> -> memref<1x!tpu.dma_semaphore, #tpu.memory_space<semaphore_mem>>
    %dma_wait3A_1776 = tpu.memref_squeeze %dma_wait3A_1775 : memref<1x!tpu.dma_semaphore, #tpu.memory_space<semaphore_mem>> -> memref<!tpu.dma_semaphore, #tpu.memory_space<semaphore_mem>>
    tpu.wait_indirect_dma semaphore(%dma_wait3A_1776 : memref<!tpu.dma_semaphore, #tpu.memory_space<semaphore_mem>>) src(%dma_wait3A_1774 : memref<100000x32xf32, #tpu.memory_space<hbm>>) dst(%dma_wait3A_1764 : memref<512x32xf32, #tpu.memory_space<vmem>>)
    %dma_start3A_1777 = arith.constant 1 : i32
    %dma_start3A_1778 = arith.constant 19 : i32
    %dma_start3A_1779 = arith.constant 1 : i32
    %dma_start3A_1780 = arith.constant 0 : i32
    %dma_start3A_1781 = arith.constant 0 : i32
    %dma_start3A_1782 = tpu.memref_slice %arg7[%dma_start3A_1777, %dma_start3A_1780, %dma_start3A_1781] : memref<3x512x32xf32, #tpu.memory_space<vmem>> -> memref<1x512x32xf32, #tpu.memory_space<vmem>>
    %dma_start3A_1783 = tpu.memref_squeeze %dma_start3A_1782 : memref<1x512x32xf32, #tpu.memory_space<vmem>> -> memref<512x32xf32, #tpu.memory_space<vmem>>
    %dma_start3A_1784 = arith.constant 0 : i32
    %dma_start3A_1785 = tpu.memref_slice %arg4[%dma_start3A_1778, %mul3A_2, %dma_start3A_1784] : memref<26x16384x32xf32, #tpu.memory_space<hbm>> -> memref<1x512x32xf32, #tpu.memory_space<hbm>>
    %dma_start3A_1786 = tpu.memref_squeeze %dma_start3A_1785 : memref<1x512x32xf32, #tpu.memory_space<hbm>> -> memref<512x32xf32, #tpu.memory_space<hbm>>
    %dma_start3A_1787 = tpu.memref_slice %arg9[%dma_start3A_1779] : memref<3x!tpu.dma_semaphore, #tpu.memory_space<semaphore_mem>> -> memref<1x!tpu.dma_semaphore, #tpu.memory_space<semaphore_mem>>
    %dma_start3A_1788 = tpu.memref_squeeze %dma_start3A_1787 : memref<1x!tpu.dma_semaphore, #tpu.memory_space<semaphore_mem>> -> memref<!tpu.dma_semaphore, #tpu.memory_space<semaphore_mem>>
    %dma_start3A_1789 = arith.constant 0 : i32
    %dma_start3A_1790 = tpu.memref_slice %arg4[%dma_start3A_1778, %mul3A_2, %dma_start3A_1789] : memref<26x16384x32xf32, #tpu.memory_space<hbm>> -> memref<1x512x32xf32, #tpu.memory_space<hbm>>
    %dma_start3A_1791 = tpu.memref_squeeze %dma_start3A_1790 : memref<1x512x32xf32, #tpu.memory_space<hbm>> -> memref<512x32xf32, #tpu.memory_space<hbm>>
    %dma_start3A_1792 = arith.constant 0 : i32
    %dma_start3A_1793 = arith.constant 0 : i32
    %dma_start3A_1794 = tpu.memref_slice %arg7[%dma_start3A_1777, %dma_start3A_1792, %dma_start3A_1793] : memref<3x512x32xf32, #tpu.memory_space<vmem>> -> memref<1x512x32xf32, #tpu.memory_space<vmem>>
    %dma_start3A_1795 = tpu.memref_squeeze %dma_start3A_1794 : memref<1x512x32xf32, #tpu.memory_space<vmem>> -> memref<512x32xf32, #tpu.memory_space<vmem>>
    tpu.enqueue_dma source(%dma_start3A_1795 : memref<512x32xf32, #tpu.memory_space<vmem>>) target(%dma_start3A_1791 : memref<512x32xf32, #tpu.memory_space<hbm>>) target_semaphore(%dma_start3A_1788 : memref<!tpu.dma_semaphore, #tpu.memory_space<semaphore_mem>>)
    %dma_wait3A_1796 = arith.constant 0 : i32
    %dma_wait3A_1797 = arith.constant 18 : i32
    %dma_wait3A_1798 = arith.constant 0 : i32
    %dma_wait3A_1799 = arith.constant 0 : i32
    %dma_wait3A_1800 = arith.constant 0 : i32
    %dma_wait3A_1801 = tpu.memref_slice %arg7[%dma_wait3A_1796, %dma_wait3A_1799, %dma_wait3A_1800] : memref<3x512x32xf32, #tpu.memory_space<vmem>> -> memref<1x512x32xf32, #tpu.memory_space<vmem>>
    %dma_wait3A_1802 = tpu.memref_squeeze %dma_wait3A_1801 : memref<1x512x32xf32, #tpu.memory_space<vmem>> -> memref<512x32xf32, #tpu.memory_space<vmem>>
    %dma_wait3A_1803 = arith.constant 0 : i32
    %dma_wait3A_1804 = tpu.memref_slice %arg4[%dma_wait3A_1797, %mul3A_2, %dma_wait3A_1803] : memref<26x16384x32xf32, #tpu.memory_space<hbm>> -> memref<1x512x32xf32, #tpu.memory_space<hbm>>
    %dma_wait3A_1805 = tpu.memref_squeeze %dma_wait3A_1804 : memref<1x512x32xf32, #tpu.memory_space<hbm>> -> memref<512x32xf32, #tpu.memory_space<hbm>>
    %dma_wait3A_1806 = tpu.memref_slice %arg9[%dma_wait3A_1798] : memref<3x!tpu.dma_semaphore, #tpu.memory_space<semaphore_mem>> -> memref<1x!tpu.dma_semaphore, #tpu.memory_space<semaphore_mem>>
    %dma_wait3A_1807 = tpu.memref_squeeze %dma_wait3A_1806 : memref<1x!tpu.dma_semaphore, #tpu.memory_space<semaphore_mem>> -> memref<!tpu.dma_semaphore, #tpu.memory_space<semaphore_mem>>
    %dma_wait3A_1808 = arith.constant 0 : i32
    %dma_wait3A_1809 = tpu.memref_slice %arg4[%dma_wait3A_1797, %mul3A_2, %dma_wait3A_1808] : memref<26x16384x32xf32, #tpu.memory_space<hbm>> -> memref<1x512x32xf32, #tpu.memory_space<hbm>>
    %dma_wait3A_1810 = tpu.memref_squeeze %dma_wait3A_1809 : memref<1x512x32xf32, #tpu.memory_space<hbm>> -> memref<512x32xf32, #tpu.memory_space<hbm>>
    %dma_wait3A_1811 = arith.constant 0 : i32
    %dma_wait3A_1812 = arith.constant 0 : i32
    %dma_wait3A_1813 = tpu.memref_slice %arg7[%dma_wait3A_1796, %dma_wait3A_1811, %dma_wait3A_1812] : memref<3x512x32xf32, #tpu.memory_space<vmem>> -> memref<1x512x32xf32, #tpu.memory_space<vmem>>
    %dma_wait3A_1814 = tpu.memref_squeeze %dma_wait3A_1813 : memref<1x512x32xf32, #tpu.memory_space<vmem>> -> memref<512x32xf32, #tpu.memory_space<vmem>>
    tpu.wait_dma2 semaphore(%dma_wait3A_1807 : memref<!tpu.dma_semaphore, #tpu.memory_space<semaphore_mem>>) src(%dma_wait3A_1814 : memref<512x32xf32, #tpu.memory_space<vmem>>) dst(%dma_wait3A_1810 : memref<512x32xf32, #tpu.memory_space<hbm>>)
    %mul3A_1815 = arith.constant 26 : i32
    %mul3A_1816 = vector.broadcast %mul3A_1815 : i32 to vector<16xi32>
    %mul3A_1817 = arith.muli %iota3A, %mul3A_1816 : vector<16xi32>
    %add3A_1818 = arith.constant 21 : i32
    %add3A_1819 = vector.broadcast %add3A_1818 : i32 to vector<16xi32>
    %add3A_1820 = arith.addi %mul3A_1817, %add3A_1819 : vector<16xi32>
    %scan3A_1821 = arith.constant 0 : i32
    %scan3A_1822 = arith.constant 0 : i32
    %scan3A_1823 = arith.constant 32 : i32
    %scan3A_1824 = arith.addi %scan3A_1822, %scan3A_1823 : i32
    %scan3A_1825 = arith.constant 1 : i32
    scf.for %scan3A_2323 = %scan3A_1822 to %scan3A_1824 step %scan3A_1825  : i32 {
      %mul3A_2324 = arith.constant 416 : i32
      %mul3A_2325 = arith.muli %scan3A_2323, %mul3A_2324 : i32
      %add3A_2326 = vector.broadcast %mul3A_2325 : i32 to vector<16xi32>
      %add3A_2327 = arith.addi %add3A_1820, %add3A_2326 : vector<16xi32>
      %gather3A = tpu.vector_load_idx %arg5[%add3A_2327] : memref<13312xi32, #tpu.memory_space<vmem>>[vector<16xi32>], vector<16xi32>,
      %mul3A_2328 = arith.constant 16 : i32
      %mul3A_2329 = arith.muli %scan3A_2323, %mul3A_2328 : i32
      %swap3A = arith.constant 0 : i32
      %swap3A_2330 = arith.index_cast %swap3A : i32 to index
      %swap3A_2331 = arith.index_cast %mul3A_2329 : i32 to index
      %swap3A_2332 = tpu.vector_load %arg6[%swap3A_2330, %swap3A_2331] {strides = array<i32>} : memref<3x512xi32, #tpu.memory_space<vmem>>, vector<16xi32>,
      tpu.vector_store %arg6[%swap3A_2330, %swap3A_2331], %gather3A {strides = array<i32>} : memref<3x512xi32, #tpu.memory_space<vmem>>, vector<16xi32>,
    }
    %scan3A_1826 = arith.constant 32 : i32
    %dma_start3A_1827 = arith.constant 21 : i32
    %dma_start3A_1828 = arith.constant 0 : i32
    %dma_start3A_1829 = arith.constant 0 : i32
    %dma_start3A_1830 = arith.constant 0 : i32
    %dma_start3A_1831 = arith.constant 0 : i32
    %dma_start3A_1832 = arith.constant 0 : i32
    %dma_start3A_1833 = tpu.memref_slice %arg7[%dma_start3A_1829, %dma_start3A_1831, %dma_start3A_1832] : memref<3x512x32xf32, #tpu.memory_space<vmem>> -> memref<1x512x32xf32, #tpu.memory_space<vmem>>
    %dma_start3A_1834 = tpu.memref_squeeze %dma_start3A_1833 : memref<1x512x32xf32, #tpu.memory_space<vmem>> -> memref<512x32xf32, #tpu.memory_space<vmem>>
    %dma_start3A_1835 = arith.constant 0 : i32
    %dma_start3A_1836 = tpu.memref_slice %arg6[%dma_start3A_1828, %dma_start3A_1835] : memref<3x512xi32, #tpu.memory_space<vmem>> -> memref<1x512xi32, #tpu.memory_space<vmem>>
    %dma_start3A_1837 = tpu.memref_squeeze %dma_start3A_1836 : memref<1x512xi32, #tpu.memory_space<vmem>> -> memref<512xi32, #tpu.memory_space<vmem>>
    %dma_start3A_1838 = arith.constant 0 : i32
    %dma_start3A_1839 = arith.constant 0 : i32
    %dma_start3A_1840 = tpu.memref_slice %arg3[%dma_start3A_1827, %dma_start3A_1838, %dma_start3A_1839] : memref<26x100000x32xf32, #tpu.memory_space<hbm>> -> memref<1x100000x32xf32, #tpu.memory_space<hbm>>
    %dma_start3A_1841 = tpu.memref_squeeze %dma_start3A_1840 : memref<1x100000x32xf32, #tpu.memory_space<hbm>> -> memref<100000x32xf32, #tpu.memory_space<hbm>>
    %dma_start3A_1842 = arith.constant 0 : i32
    %dma_start3A_1843 = arith.constant 0 : i32
    %dma_start3A_1844 = tpu.memref_slice %dma_start3A_1841[%dma_start3A_1842, %dma_start3A_1843] : memref<100000x32xf32, #tpu.memory_space<hbm>> -> memref<100000x32xf32, #tpu.memory_space<hbm>>
    %dma_start3A_1845 = tpu.memref_slice %arg8[%dma_start3A_1830] : memref<3x!tpu.dma_semaphore, #tpu.memory_space<semaphore_mem>> -> memref<1x!tpu.dma_semaphore, #tpu.memory_space<semaphore_mem>>
    %dma_start3A_1846 = tpu.memref_squeeze %dma_start3A_1845 : memref<1x!tpu.dma_semaphore, #tpu.memory_space<semaphore_mem>> -> memref<!tpu.dma_semaphore, #tpu.memory_space<semaphore_mem>>
    tpu.enqueue_indirect_dma source(%dma_start3A_1844 : memref<100000x32xf32, #tpu.memory_space<hbm>>) target(%dma_start3A_1834 : memref<512x32xf32, #tpu.memory_space<vmem>>) offsets(%dma_start3A_1837 : memref<512xi32, #tpu.memory_space<vmem>>) semaphore(%dma_start3A_1846 : memref<!tpu.dma_semaphore, #tpu.memory_space<semaphore_mem>>)
    %dma_wait3A_1847 = arith.constant 20 : i32
    %dma_wait3A_1848 = arith.constant 2 : i32
    %dma_wait3A_1849 = arith.constant 2 : i32
    %dma_wait3A_1850 = arith.constant 2 : i32
    %dma_wait3A_1851 = arith.constant 0 : i32
    %dma_wait3A_1852 = arith.constant 0 : i32
    %dma_wait3A_1853 = tpu.memref_slice %arg7[%dma_wait3A_1849, %dma_wait3A_1851, %dma_wait3A_1852] : memref<3x512x32xf32, #tpu.memory_space<vmem>> -> memref<1x512x32xf32, #tpu.memory_space<vmem>>
    %dma_wait3A_1854 = tpu.memref_squeeze %dma_wait3A_1853 : memref<1x512x32xf32, #tpu.memory_space<vmem>> -> memref<512x32xf32, #tpu.memory_space<vmem>>
    %dma_wait3A_1855 = arith.constant 0 : i32
    %dma_wait3A_1856 = tpu.memref_slice %arg6[%dma_wait3A_1848, %dma_wait3A_1855] : memref<3x512xi32, #tpu.memory_space<vmem>> -> memref<1x512xi32, #tpu.memory_space<vmem>>
    %dma_wait3A_1857 = tpu.memref_squeeze %dma_wait3A_1856 : memref<1x512xi32, #tpu.memory_space<vmem>> -> memref<512xi32, #tpu.memory_space<vmem>>
    %dma_wait3A_1858 = arith.constant 0 : i32
    %dma_wait3A_1859 = arith.constant 0 : i32
    %dma_wait3A_1860 = tpu.memref_slice %arg3[%dma_wait3A_1847, %dma_wait3A_1858, %dma_wait3A_1859] : memref<26x100000x32xf32, #tpu.memory_space<hbm>> -> memref<1x100000x32xf32, #tpu.memory_space<hbm>>
    %dma_wait3A_1861 = tpu.memref_squeeze %dma_wait3A_1860 : memref<1x100000x32xf32, #tpu.memory_space<hbm>> -> memref<100000x32xf32, #tpu.memory_space<hbm>>
    %dma_wait3A_1862 = arith.constant 0 : i32
    %dma_wait3A_1863 = arith.constant 0 : i32
    %dma_wait3A_1864 = tpu.memref_slice %dma_wait3A_1861[%dma_wait3A_1862, %dma_wait3A_1863] : memref<100000x32xf32, #tpu.memory_space<hbm>> -> memref<100000x32xf32, #tpu.memory_space<hbm>>
    %dma_wait3A_1865 = tpu.memref_slice %arg8[%dma_wait3A_1850] : memref<3x!tpu.dma_semaphore, #tpu.memory_space<semaphore_mem>> -> memref<1x!tpu.dma_semaphore, #tpu.memory_space<semaphore_mem>>
    %dma_wait3A_1866 = tpu.memref_squeeze %dma_wait3A_1865 : memref<1x!tpu.dma_semaphore, #tpu.memory_space<semaphore_mem>> -> memref<!tpu.dma_semaphore, #tpu.memory_space<semaphore_mem>>
    tpu.wait_indirect_dma semaphore(%dma_wait3A_1866 : memref<!tpu.dma_semaphore, #tpu.memory_space<semaphore_mem>>) src(%dma_wait3A_1864 : memref<100000x32xf32, #tpu.memory_space<hbm>>) dst(%dma_wait3A_1854 : memref<512x32xf32, #tpu.memory_space<vmem>>)
    %dma_start3A_1867 = arith.constant 2 : i32
    %dma_start3A_1868 = arith.constant 20 : i32
    %dma_start3A_1869 = arith.constant 2 : i32
    %dma_start3A_1870 = arith.constant 0 : i32
    %dma_start3A_1871 = arith.constant 0 : i32
    %dma_start3A_1872 = tpu.memref_slice %arg7[%dma_start3A_1867, %dma_start3A_1870, %dma_start3A_1871] : memref<3x512x32xf32, #tpu.memory_space<vmem>> -> memref<1x512x32xf32, #tpu.memory_space<vmem>>
    %dma_start3A_1873 = tpu.memref_squeeze %dma_start3A_1872 : memref<1x512x32xf32, #tpu.memory_space<vmem>> -> memref<512x32xf32, #tpu.memory_space<vmem>>
    %dma_start3A_1874 = arith.constant 0 : i32
    %dma_start3A_1875 = tpu.memref_slice %arg4[%dma_start3A_1868, %mul3A_2, %dma_start3A_1874] : memref<26x16384x32xf32, #tpu.memory_space<hbm>> -> memref<1x512x32xf32, #tpu.memory_space<hbm>>
    %dma_start3A_1876 = tpu.memref_squeeze %dma_start3A_1875 : memref<1x512x32xf32, #tpu.memory_space<hbm>> -> memref<512x32xf32, #tpu.memory_space<hbm>>
    %dma_start3A_1877 = tpu.memref_slice %arg9[%dma_start3A_1869] : memref<3x!tpu.dma_semaphore, #tpu.memory_space<semaphore_mem>> -> memref<1x!tpu.dma_semaphore, #tpu.memory_space<semaphore_mem>>
    %dma_start3A_1878 = tpu.memref_squeeze %dma_start3A_1877 : memref<1x!tpu.dma_semaphore, #tpu.memory_space<semaphore_mem>> -> memref<!tpu.dma_semaphore, #tpu.memory_space<semaphore_mem>>
    %dma_start3A_1879 = arith.constant 0 : i32
    %dma_start3A_1880 = tpu.memref_slice %arg4[%dma_start3A_1868, %mul3A_2, %dma_start3A_1879] : memref<26x16384x32xf32, #tpu.memory_space<hbm>> -> memref<1x512x32xf32, #tpu.memory_space<hbm>>
    %dma_start3A_1881 = tpu.memref_squeeze %dma_start3A_1880 : memref<1x512x32xf32, #tpu.memory_space<hbm>> -> memref<512x32xf32, #tpu.memory_space<hbm>>
    %dma_start3A_1882 = arith.constant 0 : i32
    %dma_start3A_1883 = arith.constant 0 : i32
    %dma_start3A_1884 = tpu.memref_slice %arg7[%dma_start3A_1867, %dma_start3A_1882, %dma_start3A_1883] : memref<3x512x32xf32, #tpu.memory_space<vmem>> -> memref<1x512x32xf32, #tpu.memory_space<vmem>>
    %dma_start3A_1885 = tpu.memref_squeeze %dma_start3A_1884 : memref<1x512x32xf32, #tpu.memory_space<vmem>> -> memref<512x32xf32, #tpu.memory_space<vmem>>
    tpu.enqueue_dma source(%dma_start3A_1885 : memref<512x32xf32, #tpu.memory_space<vmem>>) target(%dma_start3A_1881 : memref<512x32xf32, #tpu.memory_space<hbm>>) target_semaphore(%dma_start3A_1878 : memref<!tpu.dma_semaphore, #tpu.memory_space<semaphore_mem>>)
    %dma_wait3A_1886 = arith.constant 1 : i32
    %dma_wait3A_1887 = arith.constant 19 : i32
    %dma_wait3A_1888 = arith.constant 1 : i32
    %dma_wait3A_1889 = arith.constant 0 : i32
    %dma_wait3A_1890 = arith.constant 0 : i32
    %dma_wait3A_1891 = tpu.memref_slice %arg7[%dma_wait3A_1886, %dma_wait3A_1889, %dma_wait3A_1890] : memref<3x512x32xf32, #tpu.memory_space<vmem>> -> memref<1x512x32xf32, #tpu.memory_space<vmem>>
    %dma_wait3A_1892 = tpu.memref_squeeze %dma_wait3A_1891 : memref<1x512x32xf32, #tpu.memory_space<vmem>> -> memref<512x32xf32, #tpu.memory_space<vmem>>
    %dma_wait3A_1893 = arith.constant 0 : i32
    %dma_wait3A_1894 = tpu.memref_slice %arg4[%dma_wait3A_1887, %mul3A_2, %dma_wait3A_1893] : memref<26x16384x32xf32, #tpu.memory_space<hbm>> -> memref<1x512x32xf32, #tpu.memory_space<hbm>>
    %dma_wait3A_1895 = tpu.memref_squeeze %dma_wait3A_1894 : memref<1x512x32xf32, #tpu.memory_space<hbm>> -> memref<512x32xf32, #tpu.memory_space<hbm>>
    %dma_wait3A_1896 = tpu.memref_slice %arg9[%dma_wait3A_1888] : memref<3x!tpu.dma_semaphore, #tpu.memory_space<semaphore_mem>> -> memref<1x!tpu.dma_semaphore, #tpu.memory_space<semaphore_mem>>
    %dma_wait3A_1897 = tpu.memref_squeeze %dma_wait3A_1896 : memref<1x!tpu.dma_semaphore, #tpu.memory_space<semaphore_mem>> -> memref<!tpu.dma_semaphore, #tpu.memory_space<semaphore_mem>>
    %dma_wait3A_1898 = arith.constant 0 : i32
    %dma_wait3A_1899 = tpu.memref_slice %arg4[%dma_wait3A_1887, %mul3A_2, %dma_wait3A_1898] : memref<26x16384x32xf32, #tpu.memory_space<hbm>> -> memref<1x512x32xf32, #tpu.memory_space<hbm>>
    %dma_wait3A_1900 = tpu.memref_squeeze %dma_wait3A_1899 : memref<1x512x32xf32, #tpu.memory_space<hbm>> -> memref<512x32xf32, #tpu.memory_space<hbm>>
    %dma_wait3A_1901 = arith.constant 0 : i32
    %dma_wait3A_1902 = arith.constant 0 : i32
    %dma_wait3A_1903 = tpu.memref_slice %arg7[%dma_wait3A_1886, %dma_wait3A_1901, %dma_wait3A_1902] : memref<3x512x32xf32, #tpu.memory_space<vmem>> -> memref<1x512x32xf32, #tpu.memory_space<vmem>>
    %dma_wait3A_1904 = tpu.memref_squeeze %dma_wait3A_1903 : memref<1x512x32xf32, #tpu.memory_space<vmem>> -> memref<512x32xf32, #tpu.memory_space<vmem>>
    tpu.wait_dma2 semaphore(%dma_wait3A_1897 : memref<!tpu.dma_semaphore, #tpu.memory_space<semaphore_mem>>) src(%dma_wait3A_1904 : memref<512x32xf32, #tpu.memory_space<vmem>>) dst(%dma_wait3A_1900 : memref<512x32xf32, #tpu.memory_space<hbm>>)
    %mul3A_1905 = arith.constant 26 : i32
    %mul3A_1906 = vector.broadcast %mul3A_1905 : i32 to vector<16xi32>
    %mul3A_1907 = arith.muli %iota3A, %mul3A_1906 : vector<16xi32>
    %add3A_1908 = arith.constant 22 : i32
    %add3A_1909 = vector.broadcast %add3A_1908 : i32 to vector<16xi32>
    %add3A_1910 = arith.addi %mul3A_1907, %add3A_1909 : vector<16xi32>
    %scan3A_1911 = arith.constant 0 : i32
    %scan3A_1912 = arith.constant 0 : i32
    %scan3A_1913 = arith.constant 32 : i32
    %scan3A_1914 = arith.addi %scan3A_1912, %scan3A_1913 : i32
    %scan3A_1915 = arith.constant 1 : i32
    scf.for %scan3A_2323 = %scan3A_1912 to %scan3A_1914 step %scan3A_1915  : i32 {
      %mul3A_2324 = arith.constant 416 : i32
      %mul3A_2325 = arith.muli %scan3A_2323, %mul3A_2324 : i32
      %add3A_2326 = vector.broadcast %mul3A_2325 : i32 to vector<16xi32>
      %add3A_2327 = arith.addi %add3A_1910, %add3A_2326 : vector<16xi32>
      %gather3A = tpu.vector_load_idx %arg5[%add3A_2327] : memref<13312xi32, #tpu.memory_space<vmem>>[vector<16xi32>], vector<16xi32>,
      %mul3A_2328 = arith.constant 16 : i32
      %mul3A_2329 = arith.muli %scan3A_2323, %mul3A_2328 : i32
      %swap3A = arith.constant 1 : i32
      %swap3A_2330 = arith.index_cast %swap3A : i32 to index
      %swap3A_2331 = arith.index_cast %mul3A_2329 : i32 to index
      %swap3A_2332 = tpu.vector_load %arg6[%swap3A_2330, %swap3A_2331] {strides = array<i32>} : memref<3x512xi32, #tpu.memory_space<vmem>>, vector<16xi32>,
      tpu.vector_store %arg6[%swap3A_2330, %swap3A_2331], %gather3A {strides = array<i32>} : memref<3x512xi32, #tpu.memory_space<vmem>>, vector<16xi32>,
    }
    %scan3A_1916 = arith.constant 32 : i32
    %dma_start3A_1917 = arith.constant 22 : i32
    %dma_start3A_1918 = arith.constant 1 : i32
    %dma_start3A_1919 = arith.constant 1 : i32
    %dma_start3A_1920 = arith.constant 1 : i32
    %dma_start3A_1921 = arith.constant 0 : i32
    %dma_start3A_1922 = arith.constant 0 : i32
    %dma_start3A_1923 = tpu.memref_slice %arg7[%dma_start3A_1919, %dma_start3A_1921, %dma_start3A_1922] : memref<3x512x32xf32, #tpu.memory_space<vmem>> -> memref<1x512x32xf32, #tpu.memory_space<vmem>>
    %dma_start3A_1924 = tpu.memref_squeeze %dma_start3A_1923 : memref<1x512x32xf32, #tpu.memory_space<vmem>> -> memref<512x32xf32, #tpu.memory_space<vmem>>
    %dma_start3A_1925 = arith.constant 0 : i32
    %dma_start3A_1926 = tpu.memref_slice %arg6[%dma_start3A_1918, %dma_start3A_1925] : memref<3x512xi32, #tpu.memory_space<vmem>> -> memref<1x512xi32, #tpu.memory_space<vmem>>
    %dma_start3A_1927 = tpu.memref_squeeze %dma_start3A_1926 : memref<1x512xi32, #tpu.memory_space<vmem>> -> memref<512xi32, #tpu.memory_space<vmem>>
    %dma_start3A_1928 = arith.constant 0 : i32
    %dma_start3A_1929 = arith.constant 0 : i32
    %dma_start3A_1930 = tpu.memref_slice %arg3[%dma_start3A_1917, %dma_start3A_1928, %dma_start3A_1929] : memref<26x100000x32xf32, #tpu.memory_space<hbm>> -> memref<1x100000x32xf32, #tpu.memory_space<hbm>>
    %dma_start3A_1931 = tpu.memref_squeeze %dma_start3A_1930 : memref<1x100000x32xf32, #tpu.memory_space<hbm>> -> memref<100000x32xf32, #tpu.memory_space<hbm>>
    %dma_start3A_1932 = arith.constant 0 : i32
    %dma_start3A_1933 = arith.constant 0 : i32
    %dma_start3A_1934 = tpu.memref_slice %dma_start3A_1931[%dma_start3A_1932, %dma_start3A_1933] : memref<100000x32xf32, #tpu.memory_space<hbm>> -> memref<100000x32xf32, #tpu.memory_space<hbm>>
    %dma_start3A_1935 = tpu.memref_slice %arg8[%dma_start3A_1920] : memref<3x!tpu.dma_semaphore, #tpu.memory_space<semaphore_mem>> -> memref<1x!tpu.dma_semaphore, #tpu.memory_space<semaphore_mem>>
    %dma_start3A_1936 = tpu.memref_squeeze %dma_start3A_1935 : memref<1x!tpu.dma_semaphore, #tpu.memory_space<semaphore_mem>> -> memref<!tpu.dma_semaphore, #tpu.memory_space<semaphore_mem>>
    tpu.enqueue_indirect_dma source(%dma_start3A_1934 : memref<100000x32xf32, #tpu.memory_space<hbm>>) target(%dma_start3A_1924 : memref<512x32xf32, #tpu.memory_space<vmem>>) offsets(%dma_start3A_1927 : memref<512xi32, #tpu.memory_space<vmem>>) semaphore(%dma_start3A_1936 : memref<!tpu.dma_semaphore, #tpu.memory_space<semaphore_mem>>)
    %dma_wait3A_1937 = arith.constant 21 : i32
    %dma_wait3A_1938 = arith.constant 0 : i32
    %dma_wait3A_1939 = arith.constant 0 : i32
    %dma_wait3A_1940 = arith.constant 0 : i32
    %dma_wait3A_1941 = arith.constant 0 : i32
    %dma_wait3A_1942 = arith.constant 0 : i32
    %dma_wait3A_1943 = tpu.memref_slice %arg7[%dma_wait3A_1939, %dma_wait3A_1941, %dma_wait3A_1942] : memref<3x512x32xf32, #tpu.memory_space<vmem>> -> memref<1x512x32xf32, #tpu.memory_space<vmem>>
    %dma_wait3A_1944 = tpu.memref_squeeze %dma_wait3A_1943 : memref<1x512x32xf32, #tpu.memory_space<vmem>> -> memref<512x32xf32, #tpu.memory_space<vmem>>
    %dma_wait3A_1945 = arith.constant 0 : i32
    %dma_wait3A_1946 = tpu.memref_slice %arg6[%dma_wait3A_1938, %dma_wait3A_1945] : memref<3x512xi32, #tpu.memory_space<vmem>> -> memref<1x512xi32, #tpu.memory_space<vmem>>
    %dma_wait3A_1947 = tpu.memref_squeeze %dma_wait3A_1946 : memref<1x512xi32, #tpu.memory_space<vmem>> -> memref<512xi32, #tpu.memory_space<vmem>>
    %dma_wait3A_1948 = arith.constant 0 : i32
    %dma_wait3A_1949 = arith.constant 0 : i32
    %dma_wait3A_1950 = tpu.memref_slice %arg3[%dma_wait3A_1937, %dma_wait3A_1948, %dma_wait3A_1949] : memref<26x100000x32xf32, #tpu.memory_space<hbm>> -> memref<1x100000x32xf32, #tpu.memory_space<hbm>>
    %dma_wait3A_1951 = tpu.memref_squeeze %dma_wait3A_1950 : memref<1x100000x32xf32, #tpu.memory_space<hbm>> -> memref<100000x32xf32, #tpu.memory_space<hbm>>
    %dma_wait3A_1952 = arith.constant 0 : i32
    %dma_wait3A_1953 = arith.constant 0 : i32
    %dma_wait3A_1954 = tpu.memref_slice %dma_wait3A_1951[%dma_wait3A_1952, %dma_wait3A_1953] : memref<100000x32xf32, #tpu.memory_space<hbm>> -> memref<100000x32xf32, #tpu.memory_space<hbm>>
    %dma_wait3A_1955 = tpu.memref_slice %arg8[%dma_wait3A_1940] : memref<3x!tpu.dma_semaphore, #tpu.memory_space<semaphore_mem>> -> memref<1x!tpu.dma_semaphore, #tpu.memory_space<semaphore_mem>>
    %dma_wait3A_1956 = tpu.memref_squeeze %dma_wait3A_1955 : memref<1x!tpu.dma_semaphore, #tpu.memory_space<semaphore_mem>> -> memref<!tpu.dma_semaphore, #tpu.memory_space<semaphore_mem>>
    tpu.wait_indirect_dma semaphore(%dma_wait3A_1956 : memref<!tpu.dma_semaphore, #tpu.memory_space<semaphore_mem>>) src(%dma_wait3A_1954 : memref<100000x32xf32, #tpu.memory_space<hbm>>) dst(%dma_wait3A_1944 : memref<512x32xf32, #tpu.memory_space<vmem>>)
    %dma_start3A_1957 = arith.constant 0 : i32
    %dma_start3A_1958 = arith.constant 21 : i32
    %dma_start3A_1959 = arith.constant 0 : i32
    %dma_start3A_1960 = arith.constant 0 : i32
    %dma_start3A_1961 = arith.constant 0 : i32
    %dma_start3A_1962 = tpu.memref_slice %arg7[%dma_start3A_1957, %dma_start3A_1960, %dma_start3A_1961] : memref<3x512x32xf32, #tpu.memory_space<vmem>> -> memref<1x512x32xf32, #tpu.memory_space<vmem>>
    %dma_start3A_1963 = tpu.memref_squeeze %dma_start3A_1962 : memref<1x512x32xf32, #tpu.memory_space<vmem>> -> memref<512x32xf32, #tpu.memory_space<vmem>>
    %dma_start3A_1964 = arith.constant 0 : i32
    %dma_start3A_1965 = tpu.memref_slice %arg4[%dma_start3A_1958, %mul3A_2, %dma_start3A_1964] : memref<26x16384x32xf32, #tpu.memory_space<hbm>> -> memref<1x512x32xf32, #tpu.memory_space<hbm>>
    %dma_start3A_1966 = tpu.memref_squeeze %dma_start3A_1965 : memref<1x512x32xf32, #tpu.memory_space<hbm>> -> memref<512x32xf32, #tpu.memory_space<hbm>>
    %dma_start3A_1967 = tpu.memref_slice %arg9[%dma_start3A_1959] : memref<3x!tpu.dma_semaphore, #tpu.memory_space<semaphore_mem>> -> memref<1x!tpu.dma_semaphore, #tpu.memory_space<semaphore_mem>>
    %dma_start3A_1968 = tpu.memref_squeeze %dma_start3A_1967 : memref<1x!tpu.dma_semaphore, #tpu.memory_space<semaphore_mem>> -> memref<!tpu.dma_semaphore, #tpu.memory_space<semaphore_mem>>
    %dma_start3A_1969 = arith.constant 0 : i32
    %dma_start3A_1970 = tpu.memref_slice %arg4[%dma_start3A_1958, %mul3A_2, %dma_start3A_1969] : memref<26x16384x32xf32, #tpu.memory_space<hbm>> -> memref<1x512x32xf32, #tpu.memory_space<hbm>>
    %dma_start3A_1971 = tpu.memref_squeeze %dma_start3A_1970 : memref<1x512x32xf32, #tpu.memory_space<hbm>> -> memref<512x32xf32, #tpu.memory_space<hbm>>
    %dma_start3A_1972 = arith.constant 0 : i32
    %dma_start3A_1973 = arith.constant 0 : i32
    %dma_start3A_1974 = tpu.memref_slice %arg7[%dma_start3A_1957, %dma_start3A_1972, %dma_start3A_1973] : memref<3x512x32xf32, #tpu.memory_space<vmem>> -> memref<1x512x32xf32, #tpu.memory_space<vmem>>
    %dma_start3A_1975 = tpu.memref_squeeze %dma_start3A_1974 : memref<1x512x32xf32, #tpu.memory_space<vmem>> -> memref<512x32xf32, #tpu.memory_space<vmem>>
    tpu.enqueue_dma source(%dma_start3A_1975 : memref<512x32xf32, #tpu.memory_space<vmem>>) target(%dma_start3A_1971 : memref<512x32xf32, #tpu.memory_space<hbm>>) target_semaphore(%dma_start3A_1968 : memref<!tpu.dma_semaphore, #tpu.memory_space<semaphore_mem>>)
    %dma_wait3A_1976 = arith.constant 2 : i32
    %dma_wait3A_1977 = arith.constant 20 : i32
    %dma_wait3A_1978 = arith.constant 2 : i32
    %dma_wait3A_1979 = arith.constant 0 : i32
    %dma_wait3A_1980 = arith.constant 0 : i32
    %dma_wait3A_1981 = tpu.memref_slice %arg7[%dma_wait3A_1976, %dma_wait3A_1979, %dma_wait3A_1980] : memref<3x512x32xf32, #tpu.memory_space<vmem>> -> memref<1x512x32xf32, #tpu.memory_space<vmem>>
    %dma_wait3A_1982 = tpu.memref_squeeze %dma_wait3A_1981 : memref<1x512x32xf32, #tpu.memory_space<vmem>> -> memref<512x32xf32, #tpu.memory_space<vmem>>
    %dma_wait3A_1983 = arith.constant 0 : i32
    %dma_wait3A_1984 = tpu.memref_slice %arg4[%dma_wait3A_1977, %mul3A_2, %dma_wait3A_1983] : memref<26x16384x32xf32, #tpu.memory_space<hbm>> -> memref<1x512x32xf32, #tpu.memory_space<hbm>>
    %dma_wait3A_1985 = tpu.memref_squeeze %dma_wait3A_1984 : memref<1x512x32xf32, #tpu.memory_space<hbm>> -> memref<512x32xf32, #tpu.memory_space<hbm>>
    %dma_wait3A_1986 = tpu.memref_slice %arg9[%dma_wait3A_1978] : memref<3x!tpu.dma_semaphore, #tpu.memory_space<semaphore_mem>> -> memref<1x!tpu.dma_semaphore, #tpu.memory_space<semaphore_mem>>
    %dma_wait3A_1987 = tpu.memref_squeeze %dma_wait3A_1986 : memref<1x!tpu.dma_semaphore, #tpu.memory_space<semaphore_mem>> -> memref<!tpu.dma_semaphore, #tpu.memory_space<semaphore_mem>>
    %dma_wait3A_1988 = arith.constant 0 : i32
    %dma_wait3A_1989 = tpu.memref_slice %arg4[%dma_wait3A_1977, %mul3A_2, %dma_wait3A_1988] : memref<26x16384x32xf32, #tpu.memory_space<hbm>> -> memref<1x512x32xf32, #tpu.memory_space<hbm>>
    %dma_wait3A_1990 = tpu.memref_squeeze %dma_wait3A_1989 : memref<1x512x32xf32, #tpu.memory_space<hbm>> -> memref<512x32xf32, #tpu.memory_space<hbm>>
    %dma_wait3A_1991 = arith.constant 0 : i32
    %dma_wait3A_1992 = arith.constant 0 : i32
    %dma_wait3A_1993 = tpu.memref_slice %arg7[%dma_wait3A_1976, %dma_wait3A_1991, %dma_wait3A_1992] : memref<3x512x32xf32, #tpu.memory_space<vmem>> -> memref<1x512x32xf32, #tpu.memory_space<vmem>>
    %dma_wait3A_1994 = tpu.memref_squeeze %dma_wait3A_1993 : memref<1x512x32xf32, #tpu.memory_space<vmem>> -> memref<512x32xf32, #tpu.memory_space<vmem>>
    tpu.wait_dma2 semaphore(%dma_wait3A_1987 : memref<!tpu.dma_semaphore, #tpu.memory_space<semaphore_mem>>) src(%dma_wait3A_1994 : memref<512x32xf32, #tpu.memory_space<vmem>>) dst(%dma_wait3A_1990 : memref<512x32xf32, #tpu.memory_space<hbm>>)
    %mul3A_1995 = arith.constant 26 : i32
    %mul3A_1996 = vector.broadcast %mul3A_1995 : i32 to vector<16xi32>
    %mul3A_1997 = arith.muli %iota3A, %mul3A_1996 : vector<16xi32>
    %add3A_1998 = arith.constant 23 : i32
    %add3A_1999 = vector.broadcast %add3A_1998 : i32 to vector<16xi32>
    %add3A_2000 = arith.addi %mul3A_1997, %add3A_1999 : vector<16xi32>
    %scan3A_2001 = arith.constant 0 : i32
    %scan3A_2002 = arith.constant 0 : i32
    %scan3A_2003 = arith.constant 32 : i32
    %scan3A_2004 = arith.addi %scan3A_2002, %scan3A_2003 : i32
    %scan3A_2005 = arith.constant 1 : i32
    scf.for %scan3A_2323 = %scan3A_2002 to %scan3A_2004 step %scan3A_2005  : i32 {
      %mul3A_2324 = arith.constant 416 : i32
      %mul3A_2325 = arith.muli %scan3A_2323, %mul3A_2324 : i32
      %add3A_2326 = vector.broadcast %mul3A_2325 : i32 to vector<16xi32>
      %add3A_2327 = arith.addi %add3A_2000, %add3A_2326 : vector<16xi32>
      %gather3A = tpu.vector_load_idx %arg5[%add3A_2327] : memref<13312xi32, #tpu.memory_space<vmem>>[vector<16xi32>], vector<16xi32>,
      %mul3A_2328 = arith.constant 16 : i32
      %mul3A_2329 = arith.muli %scan3A_2323, %mul3A_2328 : i32
      %swap3A = arith.constant 2 : i32
      %swap3A_2330 = arith.index_cast %swap3A : i32 to index
      %swap3A_2331 = arith.index_cast %mul3A_2329 : i32 to index
      %swap3A_2332 = tpu.vector_load %arg6[%swap3A_2330, %swap3A_2331] {strides = array<i32>} : memref<3x512xi32, #tpu.memory_space<vmem>>, vector<16xi32>,
      tpu.vector_store %arg6[%swap3A_2330, %swap3A_2331], %gather3A {strides = array<i32>} : memref<3x512xi32, #tpu.memory_space<vmem>>, vector<16xi32>,
    }
    %scan3A_2006 = arith.constant 32 : i32
    %dma_start3A_2007 = arith.constant 23 : i32
    %dma_start3A_2008 = arith.constant 2 : i32
    %dma_start3A_2009 = arith.constant 2 : i32
    %dma_start3A_2010 = arith.constant 2 : i32
    %dma_start3A_2011 = arith.constant 0 : i32
    %dma_start3A_2012 = arith.constant 0 : i32
    %dma_start3A_2013 = tpu.memref_slice %arg7[%dma_start3A_2009, %dma_start3A_2011, %dma_start3A_2012] : memref<3x512x32xf32, #tpu.memory_space<vmem>> -> memref<1x512x32xf32, #tpu.memory_space<vmem>>
    %dma_start3A_2014 = tpu.memref_squeeze %dma_start3A_2013 : memref<1x512x32xf32, #tpu.memory_space<vmem>> -> memref<512x32xf32, #tpu.memory_space<vmem>>
    %dma_start3A_2015 = arith.constant 0 : i32
    %dma_start3A_2016 = tpu.memref_slice %arg6[%dma_start3A_2008, %dma_start3A_2015] : memref<3x512xi32, #tpu.memory_space<vmem>> -> memref<1x512xi32, #tpu.memory_space<vmem>>
    %dma_start3A_2017 = tpu.memref_squeeze %dma_start3A_2016 : memref<1x512xi32, #tpu.memory_space<vmem>> -> memref<512xi32, #tpu.memory_space<vmem>>
    %dma_start3A_2018 = arith.constant 0 : i32
    %dma_start3A_2019 = arith.constant 0 : i32
    %dma_start3A_2020 = tpu.memref_slice %arg3[%dma_start3A_2007, %dma_start3A_2018, %dma_start3A_2019] : memref<26x100000x32xf32, #tpu.memory_space<hbm>> -> memref<1x100000x32xf32, #tpu.memory_space<hbm>>
    %dma_start3A_2021 = tpu.memref_squeeze %dma_start3A_2020 : memref<1x100000x32xf32, #tpu.memory_space<hbm>> -> memref<100000x32xf32, #tpu.memory_space<hbm>>
    %dma_start3A_2022 = arith.constant 0 : i32
    %dma_start3A_2023 = arith.constant 0 : i32
    %dma_start3A_2024 = tpu.memref_slice %dma_start3A_2021[%dma_start3A_2022, %dma_start3A_2023] : memref<100000x32xf32, #tpu.memory_space<hbm>> -> memref<100000x32xf32, #tpu.memory_space<hbm>>
    %dma_start3A_2025 = tpu.memref_slice %arg8[%dma_start3A_2010] : memref<3x!tpu.dma_semaphore, #tpu.memory_space<semaphore_mem>> -> memref<1x!tpu.dma_semaphore, #tpu.memory_space<semaphore_mem>>
    %dma_start3A_2026 = tpu.memref_squeeze %dma_start3A_2025 : memref<1x!tpu.dma_semaphore, #tpu.memory_space<semaphore_mem>> -> memref<!tpu.dma_semaphore, #tpu.memory_space<semaphore_mem>>
    tpu.enqueue_indirect_dma source(%dma_start3A_2024 : memref<100000x32xf32, #tpu.memory_space<hbm>>) target(%dma_start3A_2014 : memref<512x32xf32, #tpu.memory_space<vmem>>) offsets(%dma_start3A_2017 : memref<512xi32, #tpu.memory_space<vmem>>) semaphore(%dma_start3A_2026 : memref<!tpu.dma_semaphore, #tpu.memory_space<semaphore_mem>>)
    %dma_wait3A_2027 = arith.constant 22 : i32
    %dma_wait3A_2028 = arith.constant 1 : i32
    %dma_wait3A_2029 = arith.constant 1 : i32
    %dma_wait3A_2030 = arith.constant 1 : i32
    %dma_wait3A_2031 = arith.constant 0 : i32
    %dma_wait3A_2032 = arith.constant 0 : i32
    %dma_wait3A_2033 = tpu.memref_slice %arg7[%dma_wait3A_2029, %dma_wait3A_2031, %dma_wait3A_2032] : memref<3x512x32xf32, #tpu.memory_space<vmem>> -> memref<1x512x32xf32, #tpu.memory_space<vmem>>
    %dma_wait3A_2034 = tpu.memref_squeeze %dma_wait3A_2033 : memref<1x512x32xf32, #tpu.memory_space<vmem>> -> memref<512x32xf32, #tpu.memory_space<vmem>>
    %dma_wait3A_2035 = arith.constant 0 : i32
    %dma_wait3A_2036 = tpu.memref_slice %arg6[%dma_wait3A_2028, %dma_wait3A_2035] : memref<3x512xi32, #tpu.memory_space<vmem>> -> memref<1x512xi32, #tpu.memory_space<vmem>>
    %dma_wait3A_2037 = tpu.memref_squeeze %dma_wait3A_2036 : memref<1x512xi32, #tpu.memory_space<vmem>> -> memref<512xi32, #tpu.memory_space<vmem>>
    %dma_wait3A_2038 = arith.constant 0 : i32
    %dma_wait3A_2039 = arith.constant 0 : i32
    %dma_wait3A_2040 = tpu.memref_slice %arg3[%dma_wait3A_2027, %dma_wait3A_2038, %dma_wait3A_2039] : memref<26x100000x32xf32, #tpu.memory_space<hbm>> -> memref<1x100000x32xf32, #tpu.memory_space<hbm>>
    %dma_wait3A_2041 = tpu.memref_squeeze %dma_wait3A_2040 : memref<1x100000x32xf32, #tpu.memory_space<hbm>> -> memref<100000x32xf32, #tpu.memory_space<hbm>>
    %dma_wait3A_2042 = arith.constant 0 : i32
    %dma_wait3A_2043 = arith.constant 0 : i32
    %dma_wait3A_2044 = tpu.memref_slice %dma_wait3A_2041[%dma_wait3A_2042, %dma_wait3A_2043] : memref<100000x32xf32, #tpu.memory_space<hbm>> -> memref<100000x32xf32, #tpu.memory_space<hbm>>
    %dma_wait3A_2045 = tpu.memref_slice %arg8[%dma_wait3A_2030] : memref<3x!tpu.dma_semaphore, #tpu.memory_space<semaphore_mem>> -> memref<1x!tpu.dma_semaphore, #tpu.memory_space<semaphore_mem>>
    %dma_wait3A_2046 = tpu.memref_squeeze %dma_wait3A_2045 : memref<1x!tpu.dma_semaphore, #tpu.memory_space<semaphore_mem>> -> memref<!tpu.dma_semaphore, #tpu.memory_space<semaphore_mem>>
    tpu.wait_indirect_dma semaphore(%dma_wait3A_2046 : memref<!tpu.dma_semaphore, #tpu.memory_space<semaphore_mem>>) src(%dma_wait3A_2044 : memref<100000x32xf32, #tpu.memory_space<hbm>>) dst(%dma_wait3A_2034 : memref<512x32xf32, #tpu.memory_space<vmem>>)
    %dma_start3A_2047 = arith.constant 1 : i32
    %dma_start3A_2048 = arith.constant 22 : i32
    %dma_start3A_2049 = arith.constant 1 : i32
    %dma_start3A_2050 = arith.constant 0 : i32
    %dma_start3A_2051 = arith.constant 0 : i32
    %dma_start3A_2052 = tpu.memref_slice %arg7[%dma_start3A_2047, %dma_start3A_2050, %dma_start3A_2051] : memref<3x512x32xf32, #tpu.memory_space<vmem>> -> memref<1x512x32xf32, #tpu.memory_space<vmem>>
    %dma_start3A_2053 = tpu.memref_squeeze %dma_start3A_2052 : memref<1x512x32xf32, #tpu.memory_space<vmem>> -> memref<512x32xf32, #tpu.memory_space<vmem>>
    %dma_start3A_2054 = arith.constant 0 : i32
    %dma_start3A_2055 = tpu.memref_slice %arg4[%dma_start3A_2048, %mul3A_2, %dma_start3A_2054] : memref<26x16384x32xf32, #tpu.memory_space<hbm>> -> memref<1x512x32xf32, #tpu.memory_space<hbm>>
    %dma_start3A_2056 = tpu.memref_squeeze %dma_start3A_2055 : memref<1x512x32xf32, #tpu.memory_space<hbm>> -> memref<512x32xf32, #tpu.memory_space<hbm>>
    %dma_start3A_2057 = tpu.memref_slice %arg9[%dma_start3A_2049] : memref<3x!tpu.dma_semaphore, #tpu.memory_space<semaphore_mem>> -> memref<1x!tpu.dma_semaphore, #tpu.memory_space<semaphore_mem>>
    %dma_start3A_2058 = tpu.memref_squeeze %dma_start3A_2057 : memref<1x!tpu.dma_semaphore, #tpu.memory_space<semaphore_mem>> -> memref<!tpu.dma_semaphore, #tpu.memory_space<semaphore_mem>>
    %dma_start3A_2059 = arith.constant 0 : i32
    %dma_start3A_2060 = tpu.memref_slice %arg4[%dma_start3A_2048, %mul3A_2, %dma_start3A_2059] : memref<26x16384x32xf32, #tpu.memory_space<hbm>> -> memref<1x512x32xf32, #tpu.memory_space<hbm>>
    %dma_start3A_2061 = tpu.memref_squeeze %dma_start3A_2060 : memref<1x512x32xf32, #tpu.memory_space<hbm>> -> memref<512x32xf32, #tpu.memory_space<hbm>>
    %dma_start3A_2062 = arith.constant 0 : i32
    %dma_start3A_2063 = arith.constant 0 : i32
    %dma_start3A_2064 = tpu.memref_slice %arg7[%dma_start3A_2047, %dma_start3A_2062, %dma_start3A_2063] : memref<3x512x32xf32, #tpu.memory_space<vmem>> -> memref<1x512x32xf32, #tpu.memory_space<vmem>>
    %dma_start3A_2065 = tpu.memref_squeeze %dma_start3A_2064 : memref<1x512x32xf32, #tpu.memory_space<vmem>> -> memref<512x32xf32, #tpu.memory_space<vmem>>
    tpu.enqueue_dma source(%dma_start3A_2065 : memref<512x32xf32, #tpu.memory_space<vmem>>) target(%dma_start3A_2061 : memref<512x32xf32, #tpu.memory_space<hbm>>) target_semaphore(%dma_start3A_2058 : memref<!tpu.dma_semaphore, #tpu.memory_space<semaphore_mem>>)
    %dma_wait3A_2066 = arith.constant 0 : i32
    %dma_wait3A_2067 = arith.constant 21 : i32
    %dma_wait3A_2068 = arith.constant 0 : i32
    %dma_wait3A_2069 = arith.constant 0 : i32
    %dma_wait3A_2070 = arith.constant 0 : i32
    %dma_wait3A_2071 = tpu.memref_slice %arg7[%dma_wait3A_2066, %dma_wait3A_2069, %dma_wait3A_2070] : memref<3x512x32xf32, #tpu.memory_space<vmem>> -> memref<1x512x32xf32, #tpu.memory_space<vmem>>
    %dma_wait3A_2072 = tpu.memref_squeeze %dma_wait3A_2071 : memref<1x512x32xf32, #tpu.memory_space<vmem>> -> memref<512x32xf32, #tpu.memory_space<vmem>>
    %dma_wait3A_2073 = arith.constant 0 : i32
    %dma_wait3A_2074 = tpu.memref_slice %arg4[%dma_wait3A_2067, %mul3A_2, %dma_wait3A_2073] : memref<26x16384x32xf32, #tpu.memory_space<hbm>> -> memref<1x512x32xf32, #tpu.memory_space<hbm>>
    %dma_wait3A_2075 = tpu.memref_squeeze %dma_wait3A_2074 : memref<1x512x32xf32, #tpu.memory_space<hbm>> -> memref<512x32xf32, #tpu.memory_space<hbm>>
    %dma_wait3A_2076 = tpu.memref_slice %arg9[%dma_wait3A_2068] : memref<3x!tpu.dma_semaphore, #tpu.memory_space<semaphore_mem>> -> memref<1x!tpu.dma_semaphore, #tpu.memory_space<semaphore_mem>>
    %dma_wait3A_2077 = tpu.memref_squeeze %dma_wait3A_2076 : memref<1x!tpu.dma_semaphore, #tpu.memory_space<semaphore_mem>> -> memref<!tpu.dma_semaphore, #tpu.memory_space<semaphore_mem>>
    %dma_wait3A_2078 = arith.constant 0 : i32
    %dma_wait3A_2079 = tpu.memref_slice %arg4[%dma_wait3A_2067, %mul3A_2, %dma_wait3A_2078] : memref<26x16384x32xf32, #tpu.memory_space<hbm>> -> memref<1x512x32xf32, #tpu.memory_space<hbm>>
    %dma_wait3A_2080 = tpu.memref_squeeze %dma_wait3A_2079 : memref<1x512x32xf32, #tpu.memory_space<hbm>> -> memref<512x32xf32, #tpu.memory_space<hbm>>
    %dma_wait3A_2081 = arith.constant 0 : i32
    %dma_wait3A_2082 = arith.constant 0 : i32
    %dma_wait3A_2083 = tpu.memref_slice %arg7[%dma_wait3A_2066, %dma_wait3A_2081, %dma_wait3A_2082] : memref<3x512x32xf32, #tpu.memory_space<vmem>> -> memref<1x512x32xf32, #tpu.memory_space<vmem>>
    %dma_wait3A_2084 = tpu.memref_squeeze %dma_wait3A_2083 : memref<1x512x32xf32, #tpu.memory_space<vmem>> -> memref<512x32xf32, #tpu.memory_space<vmem>>
    tpu.wait_dma2 semaphore(%dma_wait3A_2077 : memref<!tpu.dma_semaphore, #tpu.memory_space<semaphore_mem>>) src(%dma_wait3A_2084 : memref<512x32xf32, #tpu.memory_space<vmem>>) dst(%dma_wait3A_2080 : memref<512x32xf32, #tpu.memory_space<hbm>>)
    %mul3A_2085 = arith.constant 26 : i32
    %mul3A_2086 = vector.broadcast %mul3A_2085 : i32 to vector<16xi32>
    %mul3A_2087 = arith.muli %iota3A, %mul3A_2086 : vector<16xi32>
    %add3A_2088 = arith.constant 24 : i32
    %add3A_2089 = vector.broadcast %add3A_2088 : i32 to vector<16xi32>
    %add3A_2090 = arith.addi %mul3A_2087, %add3A_2089 : vector<16xi32>
    %scan3A_2091 = arith.constant 0 : i32
    %scan3A_2092 = arith.constant 0 : i32
    %scan3A_2093 = arith.constant 32 : i32
    %scan3A_2094 = arith.addi %scan3A_2092, %scan3A_2093 : i32
    %scan3A_2095 = arith.constant 1 : i32
    scf.for %scan3A_2323 = %scan3A_2092 to %scan3A_2094 step %scan3A_2095  : i32 {
      %mul3A_2324 = arith.constant 416 : i32
      %mul3A_2325 = arith.muli %scan3A_2323, %mul3A_2324 : i32
      %add3A_2326 = vector.broadcast %mul3A_2325 : i32 to vector<16xi32>
      %add3A_2327 = arith.addi %add3A_2090, %add3A_2326 : vector<16xi32>
      %gather3A = tpu.vector_load_idx %arg5[%add3A_2327] : memref<13312xi32, #tpu.memory_space<vmem>>[vector<16xi32>], vector<16xi32>,
      %mul3A_2328 = arith.constant 16 : i32
      %mul3A_2329 = arith.muli %scan3A_2323, %mul3A_2328 : i32
      %swap3A = arith.constant 0 : i32
      %swap3A_2330 = arith.index_cast %swap3A : i32 to index
      %swap3A_2331 = arith.index_cast %mul3A_2329 : i32 to index
      %swap3A_2332 = tpu.vector_load %arg6[%swap3A_2330, %swap3A_2331] {strides = array<i32>} : memref<3x512xi32, #tpu.memory_space<vmem>>, vector<16xi32>,
      tpu.vector_store %arg6[%swap3A_2330, %swap3A_2331], %gather3A {strides = array<i32>} : memref<3x512xi32, #tpu.memory_space<vmem>>, vector<16xi32>,
    }
    %scan3A_2096 = arith.constant 32 : i32
    %dma_start3A_2097 = arith.constant 24 : i32
    %dma_start3A_2098 = arith.constant 0 : i32
    %dma_start3A_2099 = arith.constant 0 : i32
    %dma_start3A_2100 = arith.constant 0 : i32
    %dma_start3A_2101 = arith.constant 0 : i32
    %dma_start3A_2102 = arith.constant 0 : i32
    %dma_start3A_2103 = tpu.memref_slice %arg7[%dma_start3A_2099, %dma_start3A_2101, %dma_start3A_2102] : memref<3x512x32xf32, #tpu.memory_space<vmem>> -> memref<1x512x32xf32, #tpu.memory_space<vmem>>
    %dma_start3A_2104 = tpu.memref_squeeze %dma_start3A_2103 : memref<1x512x32xf32, #tpu.memory_space<vmem>> -> memref<512x32xf32, #tpu.memory_space<vmem>>
    %dma_start3A_2105 = arith.constant 0 : i32
    %dma_start3A_2106 = tpu.memref_slice %arg6[%dma_start3A_2098, %dma_start3A_2105] : memref<3x512xi32, #tpu.memory_space<vmem>> -> memref<1x512xi32, #tpu.memory_space<vmem>>
    %dma_start3A_2107 = tpu.memref_squeeze %dma_start3A_2106 : memref<1x512xi32, #tpu.memory_space<vmem>> -> memref<512xi32, #tpu.memory_space<vmem>>
    %dma_start3A_2108 = arith.constant 0 : i32
    %dma_start3A_2109 = arith.constant 0 : i32
    %dma_start3A_2110 = tpu.memref_slice %arg3[%dma_start3A_2097, %dma_start3A_2108, %dma_start3A_2109] : memref<26x100000x32xf32, #tpu.memory_space<hbm>> -> memref<1x100000x32xf32, #tpu.memory_space<hbm>>
    %dma_start3A_2111 = tpu.memref_squeeze %dma_start3A_2110 : memref<1x100000x32xf32, #tpu.memory_space<hbm>> -> memref<100000x32xf32, #tpu.memory_space<hbm>>
    %dma_start3A_2112 = arith.constant 0 : i32
    %dma_start3A_2113 = arith.constant 0 : i32
    %dma_start3A_2114 = tpu.memref_slice %dma_start3A_2111[%dma_start3A_2112, %dma_start3A_2113] : memref<100000x32xf32, #tpu.memory_space<hbm>> -> memref<100000x32xf32, #tpu.memory_space<hbm>>
    %dma_start3A_2115 = tpu.memref_slice %arg8[%dma_start3A_2100] : memref<3x!tpu.dma_semaphore, #tpu.memory_space<semaphore_mem>> -> memref<1x!tpu.dma_semaphore, #tpu.memory_space<semaphore_mem>>
    %dma_start3A_2116 = tpu.memref_squeeze %dma_start3A_2115 : memref<1x!tpu.dma_semaphore, #tpu.memory_space<semaphore_mem>> -> memref<!tpu.dma_semaphore, #tpu.memory_space<semaphore_mem>>
    tpu.enqueue_indirect_dma source(%dma_start3A_2114 : memref<100000x32xf32, #tpu.memory_space<hbm>>) target(%dma_start3A_2104 : memref<512x32xf32, #tpu.memory_space<vmem>>) offsets(%dma_start3A_2107 : memref<512xi32, #tpu.memory_space<vmem>>) semaphore(%dma_start3A_2116 : memref<!tpu.dma_semaphore, #tpu.memory_space<semaphore_mem>>)
    %dma_wait3A_2117 = arith.constant 23 : i32
    %dma_wait3A_2118 = arith.constant 2 : i32
    %dma_wait3A_2119 = arith.constant 2 : i32
    %dma_wait3A_2120 = arith.constant 2 : i32
    %dma_wait3A_2121 = arith.constant 0 : i32
    %dma_wait3A_2122 = arith.constant 0 : i32
    %dma_wait3A_2123 = tpu.memref_slice %arg7[%dma_wait3A_2119, %dma_wait3A_2121, %dma_wait3A_2122] : memref<3x512x32xf32, #tpu.memory_space<vmem>> -> memref<1x512x32xf32, #tpu.memory_space<vmem>>
    %dma_wait3A_2124 = tpu.memref_squeeze %dma_wait3A_2123 : memref<1x512x32xf32, #tpu.memory_space<vmem>> -> memref<512x32xf32, #tpu.memory_space<vmem>>
    %dma_wait3A_2125 = arith.constant 0 : i32
    %dma_wait3A_2126 = tpu.memref_slice %arg6[%dma_wait3A_2118, %dma_wait3A_2125] : memref<3x512xi32, #tpu.memory_space<vmem>> -> memref<1x512xi32, #tpu.memory_space<vmem>>
    %dma_wait3A_2127 = tpu.memref_squeeze %dma_wait3A_2126 : memref<1x512xi32, #tpu.memory_space<vmem>> -> memref<512xi32, #tpu.memory_space<vmem>>
    %dma_wait3A_2128 = arith.constant 0 : i32
    %dma_wait3A_2129 = arith.constant 0 : i32
    %dma_wait3A_2130 = tpu.memref_slice %arg3[%dma_wait3A_2117, %dma_wait3A_2128, %dma_wait3A_2129] : memref<26x100000x32xf32, #tpu.memory_space<hbm>> -> memref<1x100000x32xf32, #tpu.memory_space<hbm>>
    %dma_wait3A_2131 = tpu.memref_squeeze %dma_wait3A_2130 : memref<1x100000x32xf32, #tpu.memory_space<hbm>> -> memref<100000x32xf32, #tpu.memory_space<hbm>>
    %dma_wait3A_2132 = arith.constant 0 : i32
    %dma_wait3A_2133 = arith.constant 0 : i32
    %dma_wait3A_2134 = tpu.memref_slice %dma_wait3A_2131[%dma_wait3A_2132, %dma_wait3A_2133] : memref<100000x32xf32, #tpu.memory_space<hbm>> -> memref<100000x32xf32, #tpu.memory_space<hbm>>
    %dma_wait3A_2135 = tpu.memref_slice %arg8[%dma_wait3A_2120] : memref<3x!tpu.dma_semaphore, #tpu.memory_space<semaphore_mem>> -> memref<1x!tpu.dma_semaphore, #tpu.memory_space<semaphore_mem>>
    %dma_wait3A_2136 = tpu.memref_squeeze %dma_wait3A_2135 : memref<1x!tpu.dma_semaphore, #tpu.memory_space<semaphore_mem>> -> memref<!tpu.dma_semaphore, #tpu.memory_space<semaphore_mem>>
    tpu.wait_indirect_dma semaphore(%dma_wait3A_2136 : memref<!tpu.dma_semaphore, #tpu.memory_space<semaphore_mem>>) src(%dma_wait3A_2134 : memref<100000x32xf32, #tpu.memory_space<hbm>>) dst(%dma_wait3A_2124 : memref<512x32xf32, #tpu.memory_space<vmem>>)
    %dma_start3A_2137 = arith.constant 2 : i32
    %dma_start3A_2138 = arith.constant 23 : i32
    %dma_start3A_2139 = arith.constant 2 : i32
    %dma_start3A_2140 = arith.constant 0 : i32
    %dma_start3A_2141 = arith.constant 0 : i32
    %dma_start3A_2142 = tpu.memref_slice %arg7[%dma_start3A_2137, %dma_start3A_2140, %dma_start3A_2141] : memref<3x512x32xf32, #tpu.memory_space<vmem>> -> memref<1x512x32xf32, #tpu.memory_space<vmem>>
    %dma_start3A_2143 = tpu.memref_squeeze %dma_start3A_2142 : memref<1x512x32xf32, #tpu.memory_space<vmem>> -> memref<512x32xf32, #tpu.memory_space<vmem>>
    %dma_start3A_2144 = arith.constant 0 : i32
    %dma_start3A_2145 = tpu.memref_slice %arg4[%dma_start3A_2138, %mul3A_2, %dma_start3A_2144] : memref<26x16384x32xf32, #tpu.memory_space<hbm>> -> memref<1x512x32xf32, #tpu.memory_space<hbm>>
    %dma_start3A_2146 = tpu.memref_squeeze %dma_start3A_2145 : memref<1x512x32xf32, #tpu.memory_space<hbm>> -> memref<512x32xf32, #tpu.memory_space<hbm>>
    %dma_start3A_2147 = tpu.memref_slice %arg9[%dma_start3A_2139] : memref<3x!tpu.dma_semaphore, #tpu.memory_space<semaphore_mem>> -> memref<1x!tpu.dma_semaphore, #tpu.memory_space<semaphore_mem>>
    %dma_start3A_2148 = tpu.memref_squeeze %dma_start3A_2147 : memref<1x!tpu.dma_semaphore, #tpu.memory_space<semaphore_mem>> -> memref<!tpu.dma_semaphore, #tpu.memory_space<semaphore_mem>>
    %dma_start3A_2149 = arith.constant 0 : i32
    %dma_start3A_2150 = tpu.memref_slice %arg4[%dma_start3A_2138, %mul3A_2, %dma_start3A_2149] : memref<26x16384x32xf32, #tpu.memory_space<hbm>> -> memref<1x512x32xf32, #tpu.memory_space<hbm>>
    %dma_start3A_2151 = tpu.memref_squeeze %dma_start3A_2150 : memref<1x512x32xf32, #tpu.memory_space<hbm>> -> memref<512x32xf32, #tpu.memory_space<hbm>>
    %dma_start3A_2152 = arith.constant 0 : i32
    %dma_start3A_2153 = arith.constant 0 : i32
    %dma_start3A_2154 = tpu.memref_slice %arg7[%dma_start3A_2137, %dma_start3A_2152, %dma_start3A_2153] : memref<3x512x32xf32, #tpu.memory_space<vmem>> -> memref<1x512x32xf32, #tpu.memory_space<vmem>>
    %dma_start3A_2155 = tpu.memref_squeeze %dma_start3A_2154 : memref<1x512x32xf32, #tpu.memory_space<vmem>> -> memref<512x32xf32, #tpu.memory_space<vmem>>
    tpu.enqueue_dma source(%dma_start3A_2155 : memref<512x32xf32, #tpu.memory_space<vmem>>) target(%dma_start3A_2151 : memref<512x32xf32, #tpu.memory_space<hbm>>) target_semaphore(%dma_start3A_2148 : memref<!tpu.dma_semaphore, #tpu.memory_space<semaphore_mem>>)
    %dma_wait3A_2156 = arith.constant 1 : i32
    %dma_wait3A_2157 = arith.constant 22 : i32
    %dma_wait3A_2158 = arith.constant 1 : i32
    %dma_wait3A_2159 = arith.constant 0 : i32
    %dma_wait3A_2160 = arith.constant 0 : i32
    %dma_wait3A_2161 = tpu.memref_slice %arg7[%dma_wait3A_2156, %dma_wait3A_2159, %dma_wait3A_2160] : memref<3x512x32xf32, #tpu.memory_space<vmem>> -> memref<1x512x32xf32, #tpu.memory_space<vmem>>
    %dma_wait3A_2162 = tpu.memref_squeeze %dma_wait3A_2161 : memref<1x512x32xf32, #tpu.memory_space<vmem>> -> memref<512x32xf32, #tpu.memory_space<vmem>>
    %dma_wait3A_2163 = arith.constant 0 : i32
    %dma_wait3A_2164 = tpu.memref_slice %arg4[%dma_wait3A_2157, %mul3A_2, %dma_wait3A_2163] : memref<26x16384x32xf32, #tpu.memory_space<hbm>> -> memref<1x512x32xf32, #tpu.memory_space<hbm>>
    %dma_wait3A_2165 = tpu.memref_squeeze %dma_wait3A_2164 : memref<1x512x32xf32, #tpu.memory_space<hbm>> -> memref<512x32xf32, #tpu.memory_space<hbm>>
    %dma_wait3A_2166 = tpu.memref_slice %arg9[%dma_wait3A_2158] : memref<3x!tpu.dma_semaphore, #tpu.memory_space<semaphore_mem>> -> memref<1x!tpu.dma_semaphore, #tpu.memory_space<semaphore_mem>>
    %dma_wait3A_2167 = tpu.memref_squeeze %dma_wait3A_2166 : memref<1x!tpu.dma_semaphore, #tpu.memory_space<semaphore_mem>> -> memref<!tpu.dma_semaphore, #tpu.memory_space<semaphore_mem>>
    %dma_wait3A_2168 = arith.constant 0 : i32
    %dma_wait3A_2169 = tpu.memref_slice %arg4[%dma_wait3A_2157, %mul3A_2, %dma_wait3A_2168] : memref<26x16384x32xf32, #tpu.memory_space<hbm>> -> memref<1x512x32xf32, #tpu.memory_space<hbm>>
    %dma_wait3A_2170 = tpu.memref_squeeze %dma_wait3A_2169 : memref<1x512x32xf32, #tpu.memory_space<hbm>> -> memref<512x32xf32, #tpu.memory_space<hbm>>
    %dma_wait3A_2171 = arith.constant 0 : i32
    %dma_wait3A_2172 = arith.constant 0 : i32
    %dma_wait3A_2173 = tpu.memref_slice %arg7[%dma_wait3A_2156, %dma_wait3A_2171, %dma_wait3A_2172] : memref<3x512x32xf32, #tpu.memory_space<vmem>> -> memref<1x512x32xf32, #tpu.memory_space<vmem>>
    %dma_wait3A_2174 = tpu.memref_squeeze %dma_wait3A_2173 : memref<1x512x32xf32, #tpu.memory_space<vmem>> -> memref<512x32xf32, #tpu.memory_space<vmem>>
    tpu.wait_dma2 semaphore(%dma_wait3A_2167 : memref<!tpu.dma_semaphore, #tpu.memory_space<semaphore_mem>>) src(%dma_wait3A_2174 : memref<512x32xf32, #tpu.memory_space<vmem>>) dst(%dma_wait3A_2170 : memref<512x32xf32, #tpu.memory_space<hbm>>)
    %mul3A_2175 = arith.constant 26 : i32
    %mul3A_2176 = vector.broadcast %mul3A_2175 : i32 to vector<16xi32>
    %mul3A_2177 = arith.muli %iota3A, %mul3A_2176 : vector<16xi32>
    %add3A_2178 = arith.constant 25 : i32
    %add3A_2179 = vector.broadcast %add3A_2178 : i32 to vector<16xi32>
    %add3A_2180 = arith.addi %mul3A_2177, %add3A_2179 : vector<16xi32>
    %scan3A_2181 = arith.constant 0 : i32
    %scan3A_2182 = arith.constant 0 : i32
    %scan3A_2183 = arith.constant 32 : i32
    %scan3A_2184 = arith.addi %scan3A_2182, %scan3A_2183 : i32
    %scan3A_2185 = arith.constant 1 : i32
    scf.for %scan3A_2323 = %scan3A_2182 to %scan3A_2184 step %scan3A_2185  : i32 {
      %mul3A_2324 = arith.constant 416 : i32
      %mul3A_2325 = arith.muli %scan3A_2323, %mul3A_2324 : i32
      %add3A_2326 = vector.broadcast %mul3A_2325 : i32 to vector<16xi32>
      %add3A_2327 = arith.addi %add3A_2180, %add3A_2326 : vector<16xi32>
      %gather3A = tpu.vector_load_idx %arg5[%add3A_2327] : memref<13312xi32, #tpu.memory_space<vmem>>[vector<16xi32>], vector<16xi32>,
      %mul3A_2328 = arith.constant 16 : i32
      %mul3A_2329 = arith.muli %scan3A_2323, %mul3A_2328 : i32
      %swap3A = arith.constant 1 : i32
      %swap3A_2330 = arith.index_cast %swap3A : i32 to index
      %swap3A_2331 = arith.index_cast %mul3A_2329 : i32 to index
      %swap3A_2332 = tpu.vector_load %arg6[%swap3A_2330, %swap3A_2331] {strides = array<i32>} : memref<3x512xi32, #tpu.memory_space<vmem>>, vector<16xi32>,
      tpu.vector_store %arg6[%swap3A_2330, %swap3A_2331], %gather3A {strides = array<i32>} : memref<3x512xi32, #tpu.memory_space<vmem>>, vector<16xi32>,
    }
    %scan3A_2186 = arith.constant 32 : i32
    %dma_start3A_2187 = arith.constant 25 : i32
    %dma_start3A_2188 = arith.constant 1 : i32
    %dma_start3A_2189 = arith.constant 1 : i32
    %dma_start3A_2190 = arith.constant 1 : i32
    %dma_start3A_2191 = arith.constant 0 : i32
    %dma_start3A_2192 = arith.constant 0 : i32
    %dma_start3A_2193 = tpu.memref_slice %arg7[%dma_start3A_2189, %dma_start3A_2191, %dma_start3A_2192] : memref<3x512x32xf32, #tpu.memory_space<vmem>> -> memref<1x512x32xf32, #tpu.memory_space<vmem>>
    %dma_start3A_2194 = tpu.memref_squeeze %dma_start3A_2193 : memref<1x512x32xf32, #tpu.memory_space<vmem>> -> memref<512x32xf32, #tpu.memory_space<vmem>>
    %dma_start3A_2195 = arith.constant 0 : i32
    %dma_start3A_2196 = tpu.memref_slice %arg6[%dma_start3A_2188, %dma_start3A_2195] : memref<3x512xi32, #tpu.memory_space<vmem>> -> memref<1x512xi32, #tpu.memory_space<vmem>>
    %dma_start3A_2197 = tpu.memref_squeeze %dma_start3A_2196 : memref<1x512xi32, #tpu.memory_space<vmem>> -> memref<512xi32, #tpu.memory_space<vmem>>
    %dma_start3A_2198 = arith.constant 0 : i32
    %dma_start3A_2199 = arith.constant 0 : i32
    %dma_start3A_2200 = tpu.memref_slice %arg3[%dma_start3A_2187, %dma_start3A_2198, %dma_start3A_2199] : memref<26x100000x32xf32, #tpu.memory_space<hbm>> -> memref<1x100000x32xf32, #tpu.memory_space<hbm>>
    %dma_start3A_2201 = tpu.memref_squeeze %dma_start3A_2200 : memref<1x100000x32xf32, #tpu.memory_space<hbm>> -> memref<100000x32xf32, #tpu.memory_space<hbm>>
    %dma_start3A_2202 = arith.constant 0 : i32
    %dma_start3A_2203 = arith.constant 0 : i32
    %dma_start3A_2204 = tpu.memref_slice %dma_start3A_2201[%dma_start3A_2202, %dma_start3A_2203] : memref<100000x32xf32, #tpu.memory_space<hbm>> -> memref<100000x32xf32, #tpu.memory_space<hbm>>
    %dma_start3A_2205 = tpu.memref_slice %arg8[%dma_start3A_2190] : memref<3x!tpu.dma_semaphore, #tpu.memory_space<semaphore_mem>> -> memref<1x!tpu.dma_semaphore, #tpu.memory_space<semaphore_mem>>
    %dma_start3A_2206 = tpu.memref_squeeze %dma_start3A_2205 : memref<1x!tpu.dma_semaphore, #tpu.memory_space<semaphore_mem>> -> memref<!tpu.dma_semaphore, #tpu.memory_space<semaphore_mem>>
    tpu.enqueue_indirect_dma source(%dma_start3A_2204 : memref<100000x32xf32, #tpu.memory_space<hbm>>) target(%dma_start3A_2194 : memref<512x32xf32, #tpu.memory_space<vmem>>) offsets(%dma_start3A_2197 : memref<512xi32, #tpu.memory_space<vmem>>) semaphore(%dma_start3A_2206 : memref<!tpu.dma_semaphore, #tpu.memory_space<semaphore_mem>>)
    %dma_wait3A_2207 = arith.constant 24 : i32
    %dma_wait3A_2208 = arith.constant 0 : i32
    %dma_wait3A_2209 = arith.constant 0 : i32
    %dma_wait3A_2210 = arith.constant 0 : i32
    %dma_wait3A_2211 = arith.constant 0 : i32
    %dma_wait3A_2212 = arith.constant 0 : i32
    %dma_wait3A_2213 = tpu.memref_slice %arg7[%dma_wait3A_2209, %dma_wait3A_2211, %dma_wait3A_2212] : memref<3x512x32xf32, #tpu.memory_space<vmem>> -> memref<1x512x32xf32, #tpu.memory_space<vmem>>
    %dma_wait3A_2214 = tpu.memref_squeeze %dma_wait3A_2213 : memref<1x512x32xf32, #tpu.memory_space<vmem>> -> memref<512x32xf32, #tpu.memory_space<vmem>>
    %dma_wait3A_2215 = arith.constant 0 : i32
    %dma_wait3A_2216 = tpu.memref_slice %arg6[%dma_wait3A_2208, %dma_wait3A_2215] : memref<3x512xi32, #tpu.memory_space<vmem>> -> memref<1x512xi32, #tpu.memory_space<vmem>>
    %dma_wait3A_2217 = tpu.memref_squeeze %dma_wait3A_2216 : memref<1x512xi32, #tpu.memory_space<vmem>> -> memref<512xi32, #tpu.memory_space<vmem>>
    %dma_wait3A_2218 = arith.constant 0 : i32
    %dma_wait3A_2219 = arith.constant 0 : i32
    %dma_wait3A_2220 = tpu.memref_slice %arg3[%dma_wait3A_2207, %dma_wait3A_2218, %dma_wait3A_2219] : memref<26x100000x32xf32, #tpu.memory_space<hbm>> -> memref<1x100000x32xf32, #tpu.memory_space<hbm>>
    %dma_wait3A_2221 = tpu.memref_squeeze %dma_wait3A_2220 : memref<1x100000x32xf32, #tpu.memory_space<hbm>> -> memref<100000x32xf32, #tpu.memory_space<hbm>>
    %dma_wait3A_2222 = arith.constant 0 : i32
    %dma_wait3A_2223 = arith.constant 0 : i32
    %dma_wait3A_2224 = tpu.memref_slice %dma_wait3A_2221[%dma_wait3A_2222, %dma_wait3A_2223] : memref<100000x32xf32, #tpu.memory_space<hbm>> -> memref<100000x32xf32, #tpu.memory_space<hbm>>
    %dma_wait3A_2225 = tpu.memref_slice %arg8[%dma_wait3A_2210] : memref<3x!tpu.dma_semaphore, #tpu.memory_space<semaphore_mem>> -> memref<1x!tpu.dma_semaphore, #tpu.memory_space<semaphore_mem>>
    %dma_wait3A_2226 = tpu.memref_squeeze %dma_wait3A_2225 : memref<1x!tpu.dma_semaphore, #tpu.memory_space<semaphore_mem>> -> memref<!tpu.dma_semaphore, #tpu.memory_space<semaphore_mem>>
    tpu.wait_indirect_dma semaphore(%dma_wait3A_2226 : memref<!tpu.dma_semaphore, #tpu.memory_space<semaphore_mem>>) src(%dma_wait3A_2224 : memref<100000x32xf32, #tpu.memory_space<hbm>>) dst(%dma_wait3A_2214 : memref<512x32xf32, #tpu.memory_space<vmem>>)
    %dma_start3A_2227 = arith.constant 0 : i32
    %dma_start3A_2228 = arith.constant 24 : i32
    %dma_start3A_2229 = arith.constant 0 : i32
    %dma_start3A_2230 = arith.constant 0 : i32
    %dma_start3A_2231 = arith.constant 0 : i32
    %dma_start3A_2232 = tpu.memref_slice %arg7[%dma_start3A_2227, %dma_start3A_2230, %dma_start3A_2231] : memref<3x512x32xf32, #tpu.memory_space<vmem>> -> memref<1x512x32xf32, #tpu.memory_space<vmem>>
    %dma_start3A_2233 = tpu.memref_squeeze %dma_start3A_2232 : memref<1x512x32xf32, #tpu.memory_space<vmem>> -> memref<512x32xf32, #tpu.memory_space<vmem>>
    %dma_start3A_2234 = arith.constant 0 : i32
    %dma_start3A_2235 = tpu.memref_slice %arg4[%dma_start3A_2228, %mul3A_2, %dma_start3A_2234] : memref<26x16384x32xf32, #tpu.memory_space<hbm>> -> memref<1x512x32xf32, #tpu.memory_space<hbm>>
    %dma_start3A_2236 = tpu.memref_squeeze %dma_start3A_2235 : memref<1x512x32xf32, #tpu.memory_space<hbm>> -> memref<512x32xf32, #tpu.memory_space<hbm>>
    %dma_start3A_2237 = tpu.memref_slice %arg9[%dma_start3A_2229] : memref<3x!tpu.dma_semaphore, #tpu.memory_space<semaphore_mem>> -> memref<1x!tpu.dma_semaphore, #tpu.memory_space<semaphore_mem>>
    %dma_start3A_2238 = tpu.memref_squeeze %dma_start3A_2237 : memref<1x!tpu.dma_semaphore, #tpu.memory_space<semaphore_mem>> -> memref<!tpu.dma_semaphore, #tpu.memory_space<semaphore_mem>>
    %dma_start3A_2239 = arith.constant 0 : i32
    %dma_start3A_2240 = tpu.memref_slice %arg4[%dma_start3A_2228, %mul3A_2, %dma_start3A_2239] : memref<26x16384x32xf32, #tpu.memory_space<hbm>> -> memref<1x512x32xf32, #tpu.memory_space<hbm>>
    %dma_start3A_2241 = tpu.memref_squeeze %dma_start3A_2240 : memref<1x512x32xf32, #tpu.memory_space<hbm>> -> memref<512x32xf32, #tpu.memory_space<hbm>>
    %dma_start3A_2242 = arith.constant 0 : i32
    %dma_start3A_2243 = arith.constant 0 : i32
    %dma_start3A_2244 = tpu.memref_slice %arg7[%dma_start3A_2227, %dma_start3A_2242, %dma_start3A_2243] : memref<3x512x32xf32, #tpu.memory_space<vmem>> -> memref<1x512x32xf32, #tpu.memory_space<vmem>>
    %dma_start3A_2245 = tpu.memref_squeeze %dma_start3A_2244 : memref<1x512x32xf32, #tpu.memory_space<vmem>> -> memref<512x32xf32, #tpu.memory_space<vmem>>
    tpu.enqueue_dma source(%dma_start3A_2245 : memref<512x32xf32, #tpu.memory_space<vmem>>) target(%dma_start3A_2241 : memref<512x32xf32, #tpu.memory_space<hbm>>) target_semaphore(%dma_start3A_2238 : memref<!tpu.dma_semaphore, #tpu.memory_space<semaphore_mem>>)
    %dma_wait3A_2246 = arith.constant 25 : i32
    %dma_wait3A_2247 = arith.constant 1 : i32
    %dma_wait3A_2248 = arith.constant 1 : i32
    %dma_wait3A_2249 = arith.constant 1 : i32
    %dma_wait3A_2250 = arith.constant 0 : i32
    %dma_wait3A_2251 = arith.constant 0 : i32
    %dma_wait3A_2252 = tpu.memref_slice %arg7[%dma_wait3A_2248, %dma_wait3A_2250, %dma_wait3A_2251] : memref<3x512x32xf32, #tpu.memory_space<vmem>> -> memref<1x512x32xf32, #tpu.memory_space<vmem>>
    %dma_wait3A_2253 = tpu.memref_squeeze %dma_wait3A_2252 : memref<1x512x32xf32, #tpu.memory_space<vmem>> -> memref<512x32xf32, #tpu.memory_space<vmem>>
    %dma_wait3A_2254 = arith.constant 0 : i32
    %dma_wait3A_2255 = tpu.memref_slice %arg6[%dma_wait3A_2247, %dma_wait3A_2254] : memref<3x512xi32, #tpu.memory_space<vmem>> -> memref<1x512xi32, #tpu.memory_space<vmem>>
    %dma_wait3A_2256 = tpu.memref_squeeze %dma_wait3A_2255 : memref<1x512xi32, #tpu.memory_space<vmem>> -> memref<512xi32, #tpu.memory_space<vmem>>
    %dma_wait3A_2257 = arith.constant 0 : i32
    %dma_wait3A_2258 = arith.constant 0 : i32
    %dma_wait3A_2259 = tpu.memref_slice %arg3[%dma_wait3A_2246, %dma_wait3A_2257, %dma_wait3A_2258] : memref<26x100000x32xf32, #tpu.memory_space<hbm>> -> memref<1x100000x32xf32, #tpu.memory_space<hbm>>
    %dma_wait3A_2260 = tpu.memref_squeeze %dma_wait3A_2259 : memref<1x100000x32xf32, #tpu.memory_space<hbm>> -> memref<100000x32xf32, #tpu.memory_space<hbm>>
    %dma_wait3A_2261 = arith.constant 0 : i32
    %dma_wait3A_2262 = arith.constant 0 : i32
    %dma_wait3A_2263 = tpu.memref_slice %dma_wait3A_2260[%dma_wait3A_2261, %dma_wait3A_2262] : memref<100000x32xf32, #tpu.memory_space<hbm>> -> memref<100000x32xf32, #tpu.memory_space<hbm>>
    %dma_wait3A_2264 = tpu.memref_slice %arg8[%dma_wait3A_2249] : memref<3x!tpu.dma_semaphore, #tpu.memory_space<semaphore_mem>> -> memref<1x!tpu.dma_semaphore, #tpu.memory_space<semaphore_mem>>
    %dma_wait3A_2265 = tpu.memref_squeeze %dma_wait3A_2264 : memref<1x!tpu.dma_semaphore, #tpu.memory_space<semaphore_mem>> -> memref<!tpu.dma_semaphore, #tpu.memory_space<semaphore_mem>>
    tpu.wait_indirect_dma semaphore(%dma_wait3A_2265 : memref<!tpu.dma_semaphore, #tpu.memory_space<semaphore_mem>>) src(%dma_wait3A_2263 : memref<100000x32xf32, #tpu.memory_space<hbm>>) dst(%dma_wait3A_2253 : memref<512x32xf32, #tpu.memory_space<vmem>>)
    %dma_start3A_2266 = arith.constant 1 : i32
    %dma_start3A_2267 = arith.constant 25 : i32
    %dma_start3A_2268 = arith.constant 1 : i32
    %dma_start3A_2269 = arith.constant 0 : i32
    %dma_start3A_2270 = arith.constant 0 : i32
    %dma_start3A_2271 = tpu.memref_slice %arg7[%dma_start3A_2266, %dma_start3A_2269, %dma_start3A_2270] : memref<3x512x32xf32, #tpu.memory_space<vmem>> -> memref<1x512x32xf32, #tpu.memory_space<vmem>>
    %dma_start3A_2272 = tpu.memref_squeeze %dma_start3A_2271 : memref<1x512x32xf32, #tpu.memory_space<vmem>> -> memref<512x32xf32, #tpu.memory_space<vmem>>
    %dma_start3A_2273 = arith.constant 0 : i32
    %dma_start3A_2274 = tpu.memref_slice %arg4[%dma_start3A_2267, %mul3A_2, %dma_start3A_2273] : memref<26x16384x32xf32, #tpu.memory_space<hbm>> -> memref<1x512x32xf32, #tpu.memory_space<hbm>>
    %dma_start3A_2275 = tpu.memref_squeeze %dma_start3A_2274 : memref<1x512x32xf32, #tpu.memory_space<hbm>> -> memref<512x32xf32, #tpu.memory_space<hbm>>
    %dma_start3A_2276 = tpu.memref_slice %arg9[%dma_start3A_2268] : memref<3x!tpu.dma_semaphore, #tpu.memory_space<semaphore_mem>> -> memref<1x!tpu.dma_semaphore, #tpu.memory_space<semaphore_mem>>
    %dma_start3A_2277 = tpu.memref_squeeze %dma_start3A_2276 : memref<1x!tpu.dma_semaphore, #tpu.memory_space<semaphore_mem>> -> memref<!tpu.dma_semaphore, #tpu.memory_space<semaphore_mem>>
    %dma_start3A_2278 = arith.constant 0 : i32
    %dma_start3A_2279 = tpu.memref_slice %arg4[%dma_start3A_2267, %mul3A_2, %dma_start3A_2278] : memref<26x16384x32xf32, #tpu.memory_space<hbm>> -> memref<1x512x32xf32, #tpu.memory_space<hbm>>
    %dma_start3A_2280 = tpu.memref_squeeze %dma_start3A_2279 : memref<1x512x32xf32, #tpu.memory_space<hbm>> -> memref<512x32xf32, #tpu.memory_space<hbm>>
    %dma_start3A_2281 = arith.constant 0 : i32
    %dma_start3A_2282 = arith.constant 0 : i32
    %dma_start3A_2283 = tpu.memref_slice %arg7[%dma_start3A_2266, %dma_start3A_2281, %dma_start3A_2282] : memref<3x512x32xf32, #tpu.memory_space<vmem>> -> memref<1x512x32xf32, #tpu.memory_space<vmem>>
    %dma_start3A_2284 = tpu.memref_squeeze %dma_start3A_2283 : memref<1x512x32xf32, #tpu.memory_space<vmem>> -> memref<512x32xf32, #tpu.memory_space<vmem>>
    tpu.enqueue_dma source(%dma_start3A_2284 : memref<512x32xf32, #tpu.memory_space<vmem>>) target(%dma_start3A_2280 : memref<512x32xf32, #tpu.memory_space<hbm>>) target_semaphore(%dma_start3A_2277 : memref<!tpu.dma_semaphore, #tpu.memory_space<semaphore_mem>>)
    %dma_wait3A_2285 = arith.constant 0 : i32
    %dma_wait3A_2286 = arith.constant 24 : i32
    %dma_wait3A_2287 = arith.constant 0 : i32
    %dma_wait3A_2288 = arith.constant 0 : i32
    %dma_wait3A_2289 = arith.constant 0 : i32
    %dma_wait3A_2290 = tpu.memref_slice %arg7[%dma_wait3A_2285, %dma_wait3A_2288, %dma_wait3A_2289] : memref<3x512x32xf32, #tpu.memory_space<vmem>> -> memref<1x512x32xf32, #tpu.memory_space<vmem>>
    %dma_wait3A_2291 = tpu.memref_squeeze %dma_wait3A_2290 : memref<1x512x32xf32, #tpu.memory_space<vmem>> -> memref<512x32xf32, #tpu.memory_space<vmem>>
    %dma_wait3A_2292 = arith.constant 0 : i32
    %dma_wait3A_2293 = tpu.memref_slice %arg4[%dma_wait3A_2286, %mul3A_2, %dma_wait3A_2292] : memref<26x16384x32xf32, #tpu.memory_space<hbm>> -> memref<1x512x32xf32, #tpu.memory_space<hbm>>
    %dma_wait3A_2294 = tpu.memref_squeeze %dma_wait3A_2293 : memref<1x512x32xf32, #tpu.memory_space<hbm>> -> memref<512x32xf32, #tpu.memory_space<hbm>>
    %dma_wait3A_2295 = tpu.memref_slice %arg9[%dma_wait3A_2287] : memref<3x!tpu.dma_semaphore, #tpu.memory_space<semaphore_mem>> -> memref<1x!tpu.dma_semaphore, #tpu.memory_space<semaphore_mem>>
    %dma_wait3A_2296 = tpu.memref_squeeze %dma_wait3A_2295 : memref<1x!tpu.dma_semaphore, #tpu.memory_space<semaphore_mem>> -> memref<!tpu.dma_semaphore, #tpu.memory_space<semaphore_mem>>
    %dma_wait3A_2297 = arith.constant 0 : i32
    %dma_wait3A_2298 = tpu.memref_slice %arg4[%dma_wait3A_2286, %mul3A_2, %dma_wait3A_2297] : memref<26x16384x32xf32, #tpu.memory_space<hbm>> -> memref<1x512x32xf32, #tpu.memory_space<hbm>>
    %dma_wait3A_2299 = tpu.memref_squeeze %dma_wait3A_2298 : memref<1x512x32xf32, #tpu.memory_space<hbm>> -> memref<512x32xf32, #tpu.memory_space<hbm>>
    %dma_wait3A_2300 = arith.constant 0 : i32
    %dma_wait3A_2301 = arith.constant 0 : i32
    %dma_wait3A_2302 = tpu.memref_slice %arg7[%dma_wait3A_2285, %dma_wait3A_2300, %dma_wait3A_2301] : memref<3x512x32xf32, #tpu.memory_space<vmem>> -> memref<1x512x32xf32, #tpu.memory_space<vmem>>
    %dma_wait3A_2303 = tpu.memref_squeeze %dma_wait3A_2302 : memref<1x512x32xf32, #tpu.memory_space<vmem>> -> memref<512x32xf32, #tpu.memory_space<vmem>>
    tpu.wait_dma2 semaphore(%dma_wait3A_2296 : memref<!tpu.dma_semaphore, #tpu.memory_space<semaphore_mem>>) src(%dma_wait3A_2303 : memref<512x32xf32, #tpu.memory_space<vmem>>) dst(%dma_wait3A_2299 : memref<512x32xf32, #tpu.memory_space<hbm>>)
    %dma_wait3A_2304 = arith.constant 1 : i32
    %dma_wait3A_2305 = arith.constant 25 : i32
    %dma_wait3A_2306 = arith.constant 1 : i32
    %dma_wait3A_2307 = arith.constant 0 : i32
    %dma_wait3A_2308 = arith.constant 0 : i32
    %dma_wait3A_2309 = tpu.memref_slice %arg7[%dma_wait3A_2304, %dma_wait3A_2307, %dma_wait3A_2308] : memref<3x512x32xf32, #tpu.memory_space<vmem>> -> memref<1x512x32xf32, #tpu.memory_space<vmem>>
    %dma_wait3A_2310 = tpu.memref_squeeze %dma_wait3A_2309 : memref<1x512x32xf32, #tpu.memory_space<vmem>> -> memref<512x32xf32, #tpu.memory_space<vmem>>
    %dma_wait3A_2311 = arith.constant 0 : i32
    %dma_wait3A_2312 = tpu.memref_slice %arg4[%dma_wait3A_2305, %mul3A_2, %dma_wait3A_2311] : memref<26x16384x32xf32, #tpu.memory_space<hbm>> -> memref<1x512x32xf32, #tpu.memory_space<hbm>>
    %dma_wait3A_2313 = tpu.memref_squeeze %dma_wait3A_2312 : memref<1x512x32xf32, #tpu.memory_space<hbm>> -> memref<512x32xf32, #tpu.memory_space<hbm>>
    %dma_wait3A_2314 = tpu.memref_slice %arg9[%dma_wait3A_2306] : memref<3x!tpu.dma_semaphore, #tpu.memory_space<semaphore_mem>> -> memref<1x!tpu.dma_semaphore, #tpu.memory_space<semaphore_mem>>
    %dma_wait3A_2315 = tpu.memref_squeeze %dma_wait3A_2314 : memref<1x!tpu.dma_semaphore, #tpu.memory_space<semaphore_mem>> -> memref<!tpu.dma_semaphore, #tpu.memory_space<semaphore_mem>>
    %dma_wait3A_2316 = arith.constant 0 : i32
    %dma_wait3A_2317 = tpu.memref_slice %arg4[%dma_wait3A_2305, %mul3A_2, %dma_wait3A_2316] : memref<26x16384x32xf32, #tpu.memory_space<hbm>> -> memref<1x512x32xf32, #tpu.memory_space<hbm>>
    %dma_wait3A_2318 = tpu.memref_squeeze %dma_wait3A_2317 : memref<1x512x32xf32, #tpu.memory_space<hbm>> -> memref<512x32xf32, #tpu.memory_space<hbm>>
    %dma_wait3A_2319 = arith.constant 0 : i32
    %dma_wait3A_2320 = arith.constant 0 : i32
    %dma_wait3A_2321 = tpu.memref_slice %arg7[%dma_wait3A_2304, %dma_wait3A_2319, %dma_wait3A_2320] : memref<3x512x32xf32, #tpu.memory_space<vmem>> -> memref<1x512x32xf32, #tpu.memory_space<vmem>>
    %dma_wait3A_2322 = tpu.memref_squeeze %dma_wait3A_2321 : memref<1x512x32xf32, #tpu.memory_space<vmem>> -> memref<512x32xf32, #tpu.memory_space<vmem>>
    tpu.wait_dma2 semaphore(%dma_wait3A_2315 : memref<!tpu.dma_semaphore, #tpu.memory_space<semaphore_mem>>) src(%dma_wait3A_2322 : memref<512x32xf32, #tpu.memory_space<vmem>>) dst(%dma_wait3A_2318 : memref<512x32xf32, #tpu.memory_space<hbm>>)
    return
  }
}

</mosaic_0001>

<sc_bundles>
// kernel: kernel.3.cloned.1.call-start
scs
__scs_entry_jumppad:
0x0: {  	(pc) =	sbr.rel $0x88, $3  }
0x1: {  	(tag) =	ssettag $0x0;
	lr =	simm.s32 $0x1  }
0x2: {  	[smem:$0x3F9F] =	sst lr;
	_ =	strace $0xD0000000  }
0x3: {  	_ = 	snop  }
0x4: {  	_ = 	snop  }
0x5: {  	_ = 	snop  }
0x6: {  	_ = 	snop  }
0x7: {  	_ = 	snop  }
__scs_overlays_trampoline_lowered:
0x8: {  	[smem:$0x3FAE] =	sst s0  }
0x9: {  	[smem:$0x3FAF] =	sst s1  }
0xa: {  	[smem:$0x3FB0] =	sst s2  }
0xb: {  	[smem:$0x3FB1] =	sst s3  }
0xc: {  	[smem:$0x3FB2] =	sst s4  }
0xd: {  	[smem:$0x3FB3] =	sst s5  }
0xe: {  	[smem:$0x3FB4] =	sst s6  }
0xf: {  	[smem:$0x3FB5] =	sst s7  }
0x10: {  	[smem:$0x3FB6] =	sst s8  }
0x11: {  	[smem:$0x3FB7] =	sst s9;
	s0 =	simm.s32 @!p0 $0x0  }
0x12: {  	s1 =	sld [smem:$0x3F9D];
	s0 =	simm.s32 @p0 $0x1  }
0x13: {  	[smem:$0x3FB8] =	sst s0;
	s0 =	simm.s32 @!p1 $0x0  }
0x14: {  	s2 =	sld [smem:$0x3F9C];
	s0 =	simm.s32 @p1 $0x1  }
0x15: {  	[smem:$0x3FB9] =	sst s0;
	s0 =	simm.s32 @!p2 $0x0  }
0x16: {  	s3 =	sld [smem:$0x3FDB];
	s0 =	simm.s32 @p2 $0x1  }
0x17: {  	s4 =	simm.s32 $0x1BF5;
	[smem:$0x3FBB] =	sst s0  }
0x18: {  	s0 =	sld [smem:$0x3F9E];
	_ =	swait.ge [sflag:s4], $0x0  }
0x19: {  	s7 =	sld [smem:$0x3F9F]  }
0x1a: {  	s8 =	sadd.s32 $0xFFFFE003, lr  }
0x1b: {  	s9 =	sadd.s32 $0xFFFFFEF7, lr;
	s5 =	simm.s32 $0xFFFFFFFF;
	p2 =	slt.u32 s8, $0xFFFFF086  }
0x1c: {  	p1 =	slt.u32 s9, $0xF7A;
	s5 =	simm.s32 @!p2 $0x0  }
0x1d: {  	s5 =	simm.s32 @p1 $0x1;
	p0 =	seq.s32 s7, s2  }
0x1e: {  	s7 =	smul.u32 @!p0 $0xF7A, s2;
	p2 =	seq.s32 @!p0 s5, $0x0  }
0x1f: {  	s9 =	smul.u32 $0xF7A, s1;
	s8 =	simm.s32 @!p0 $0x1BF5;
	p2 =	por !p2, p0  }
0x20: {  	[sflag:s8] =	ssyncset.s32 @!p0 $0xFFFFF086;
	s6 =	sadd.s32 @!p0 s3, s7;
	s7 =	simm.s32 @!p0 $0x108  }
0x21: {  	s3 =	sadd.s32 s3, s9;
	s6 =	sadd.s32 @!p0 $0x88, s6;
	s7 =	simm.s32 @p2 $0x1082  }
0x22: {  	[simem:s7], [sflag:s8] =	dma.local @!p0 [hbm:s6], $0xF7A  }
0x23: {  	s9 =	sor.u32 $0xD0000000, s2;
	s6 =	simm.s32 $0x108;
	_ =	swait.ge @!p0 [sflag:s8], $0x0  }
0x24: {  	s3 =	sadd.s32 $0x88, s3;
	s6 =	simm.s32 @!p1 $0x1082;
	[sflag:s4] =	ssyncset.s32 $0xFFFFF086  }
0x25: {  	[simem:s6], [sflag:s4] =	dma.local [hbm:s3], $0xF7A  }
0x26: {  	[smem:$0x3F9F] =	sst s1;
	(tag) =	ssettag s2;
	_ =	strace s9  }
0x27: {  	s1 =	sld [smem:$0x3FAF]  }
0x28: {  	s2 =	sld [smem:$0x3FB0]  }
0x29: {  	s4 =	sld [smem:$0x3FB2]  }
0x2a: {  	p0 =	seq.s32 s5, $0x0;
	s5 =	sld [smem:$0x3FB3]  }
0x2b: {  	s6 =	sld [smem:$0x3FB4]  }
0x2c: {  	s7 =	sld [smem:$0x3FB5]  }
0x2d: {  	s3 =	simm.s32 $0x108;
	s8 =	sld [smem:$0x3FB6]  }
0x2e: {  	s3 =	simm.s32 @!p0 $0x1082;
	s9 =	sld [smem:$0x3FB7]  }
0x2f: {  	lr =	sadd.s32 s0, s3;
	s0 =	sld [smem:$0x3FAE]  }
0x30: {  	s3 =	sld [smem:$0x3FB1]  }
0x31: {  	[smem:$0x3FBA] =	sst s10  }
0x32: {  	s10 =	sld [smem:$0x3FB8];
	_ =	sdelay $0x3  }
0x33: {  	p0 =	seq.s32 s10, $0x1;
	s10 =	sld [smem:$0x3FBA];
	_ =	sdelay $0x3  }
0x34: {  	[smem:$0x3FBA] =	sst s10  }
0x35: {  	s10 =	sld [smem:$0x3FB9];
	_ =	sdelay $0x3  }
0x36: {  	p1 =	seq.s32 s10, $0x1;
	s10 =	sld [smem:$0x3FBA];
	_ =	sdelay $0x3  }
0x37: {  	[smem:$0x3FBA] =	sst s10  }
0x38: {  	s10 =	sld [smem:$0x3FBB]  }
0x39: {  	_ = 	snop;
	(pc) =	sbr.ind lr, $3  }
0x3a: {  	_ = 	snop  }
0x3b: {  	_ = 	snop  }
0x3c: {  	p2 =	seq.s32 s10, $0x1;
	s10 =	sld [smem:$0x3FBA]  }
0x3d: {  	_ =	shalt  }
0x3e: {  	_ =	shalt  }
0x3f: {  	_ =	shalt  }
0x40: {  	_ =	shalt  }
0x41: {  	_ =	shalt  }
0x42: {  	_ =	shalt  }
0x43: {  	_ =	shalt  }
0x44: {  	_ =	shalt  }
0x45: {  	_ =	shalt  }
0x46: {  	_ =	shalt  }
0x47: {  	_ =	shalt  }
0x48: {  	_ =	shalt  }
0x49: {  	_ =	shalt  }
0x4a: {  	_ =	shalt  }
0x4b: {  	_ =	shalt  }
0x4c: {  	_ =	shalt  }
0x4d: {  	_ =	shalt  }
0x4e: {  	_ =	shalt  }
0x4f: {  	_ =	shalt  }
0x50: {  	_ =	shalt  }
0x51: {  	_ =	shalt  }
0x52: {  	_ =	shalt  }
0x53: {  	_ =	shalt  }
0x54: {  	_ =	shalt  }
0x55: {  	_ =	shalt  }
0x56: {  	_ =	shalt  }
0x57: {  	_ =	shalt  }
0x58: {  	_ =	shalt  }
0x59: {  	_ =	shalt  }
0x5a: {  	_ =	shalt  }
0x5b: {  	_ =	shalt  }
0x5c: {  	_ =	shalt  }
0x5d: {  	_ =	shalt  }
0x5e: {  	_ =	shalt  }
0x5f: {  	_ =	shalt  }
0x60: {  	_ =	shalt  }
0x61: {  	_ =	shalt  }
0x62: {  	_ =	shalt  }
0x63: {  	_ =	shalt  }
0x64: {  	_ =	shalt  }
0x65: {  	_ =	shalt  }
0x66: {  	_ =	shalt  }
0x67: {  	_ =	shalt  }
0x68: {  	_ =	shalt  }
0x69: {  	_ =	shalt  }
0x6a: {  	_ =	shalt  }
0x6b: {  	_ =	shalt  }
0x6c: {  	_ =	shalt  }
0x6d: {  	_ =	shalt  }
0x6e: {  	_ =	shalt  }
0x6f: {  	_ =	shalt  }
0x70: {  	_ =	shalt  }
0x71: {  	_ =	shalt  }
0x72: {  	_ =	shalt  }
0x73: {  	_ =	shalt  }
0x74: {  	_ =	shalt  }
0x75: {  	_ =	shalt  }
0x76: {  	_ =	shalt  }
0x77: {  	_ =	shalt  }
0x78: {  	_ =	shalt  }
0x79: {  	_ =	shalt  }
0x7a: {  	_ =	shalt  }
0x7b: {  	_ =	shalt  }
0x7c: {  	_ =	shalt  }
0x7d: {  	_ =	shalt  }
0x7e: {  	_ =	shalt  }
0x7f: {  	_ =	shalt  }
0x80: {  	_ =	shalt  }
0x81: {  	_ =	shalt  }
0x82: {  	_ =	shalt  }
0x83: {  	_ =	shalt  }
0x84: {  	_ =	shalt  }
0x85: {  	_ =	shalt  }
0x86: {  	_ =	shalt  }
0x87: {  	_ =	shalt  }
.Lfunc_end0:
.L_simem_size_0:
called_computation.1_lowered:
.L_overlay_start_0:
0x88: {  	s2 =	sld [smem:$0x3FD9]  }
0x89: {  	s3 =	sld [smem:$0x3FFE];
	_ =	sdelay $0x1  }
0x8a: {  	s1 =	srdreg.scid  }
0x8b: {  	s0 =	sand.u32 $0x1, s1  }
0x8c: {  	s17 =	sshll.u32 s0, $0xA;
	s2 =	sadd.s32 s3, s2  }
0x8d: {  	s2 =	sadd.s32 s2, s17  }
0x8e: {  	[smem:$0x3FC6] =	sst s2  }
0x8f: {  	_ = 	snop  }
0x90: {  	s2 =	sld [smem:$0x3FD0];
	(tm) =	ssettm $0x1  }
0x91: {  	s18 =	sld [smem:$0x3FFB];
	_ =	sdelay $0x3  }
0x92: {  	_ =	strace s18  }
0x93: {  	s3 =	sld [smem:$0x3FFC];
	_ =	sdelay $0x3  }
0x94: {  	_ =	strace s3  }
0x95: {  	s3 =	sld [smem:$0x3FFD];
	_ =	sdelay $0x3  }
0x96: {  	_ =	strace s3  }
0x97: {  	_ =	strace $0x8FFFFFFF  }
0x98: {  	s19 =	sld [smem:$0x3FDB];
	_ =	sdelay $0x1  }
0x99: {  	s4 =	simm.s32 $_scs_section_size  }
0x9a: {  	s5 =	simm.s32 $_size__tile_overlayer_lowered;
	s6 =	simm.s32 $_tile_overlayer_lowered  }
0x9b: {  	s22 =	simm.s32 $0x1BFF;
	s21 =	sshll.u32 s6, $0x1;
	s3 =	sadd.s32 s4, s19  }
0x9c: {  	s7 =	simm.s32 $0x0;
	s20 =	sshll.u32 s5, $0x1;
	s5 =	sadd.s32 s21, s3  }
0x9d: {  	[timem:s7], [sflag:s22] =	dma.local [hbm:s5], s20  }
0x9e: {  	_ =	swait.ge [sflag:s22], s20  }
0x9f: {  	s4 =	ssub.s32 $0x0, s20;
	[sflag:s22] =	ssyncset.done $0x0  }
0xa0: {  	[sflag:s22] =	ssyncadd.s32 s4;
	_ =	sdelay $0x1  }
0xa1: {  	s23 =	simm.s32 $0x1B8B  }
0xa2: {  	_ =	swait.ge [sflag:s23], $0x1  }
0xa3: {  	[sflag:s23] =	ssyncset.done $0x0  }
0xa4: {  	s25 =	simm.s32 $0x1B8E;
	s24 =	sld [smem:$0x3FFE];
	[sflag:s23] =	ssyncadd.s32 $0xFFFFFFFF  }
0xa5: {  	s26 =	simm.s32 $execute0_lowered;
	[smem:$0x3FD2] =	sst s25  }
0xa6: {  	s5 =	sshll.u32 s26, $0x1;
	_ =	strace $0x80000046;
	[dreg:$0x1] =	wrdreg $0xFFFFFFFF  }
0xa7: {  	s28 =	simm.s32 $_size_execute0_lowered;
	s3 =	sadd.s32 s3, s5;
	[dreg:$0x0] =	wrdreg $0x0  }
0xa8: {  	s5 =	sshll.u32 s28, $0x1;
	[dreg:$0x2] =	wrdreg s3  }
0xa9: {  	[dreg:$0x3] =	wrdreg s5  }
0xaa: {  	[dreg:$0x4] =	wrdreg $0xC0  }
0xab: {  	_ =	task [dreg:s7], $0x5FFFF  }
0xac: {  	[dreg:$0x1] =	wrdreg $0xFFFFFFFF  }
0xad: {  	[dreg:$0x0] =	wrdreg $0x60  }
0xae: {  	[dreg:$0x2] =	wrdreg s24  }
0xaf: {  	[dreg:$0x3] =	wrdreg s2  }
0xb0: {  	[dreg:$0x4] =	wrdreg $0x9  }
0xb1: {  	_ =	task.clear_ibuf [dreg:s7], $0x5FFFF;
	_ =	strace $0x90000046  }
0xb2: {  	s29 =	simm.s32 $0x9;
	_ =	strace $0x80000048  }
0xb3: {  	_ =	swait.ge [sflag:s29], $0x1  }
0xb4: {  	[sflag:s29] =	ssyncadd.s32 $0xFFFFFFFF  }
0xb5: {  	_ =	strace $0x90000048  }
0xb6: {  	_ =	sfence  }
0xb7: {  	s30 =	sld [smem:$0x0];
	_ =	sdelay $0x2  }
0xb8: {  	s31 =	sshll.u32 s1, $0xD;
	s1 =	sshrl.u32 s1, $0x2  }
0xb9: {  	s3 =	sand.u32 $0x4000, s31;
	s1 =	sadd.s32 s1, s30  }
0xba: {  	s0 =	sor.u32 s3, s0;
	s1 =	sshll.u32 s1, $0x11  }
0xbb: {  	s0 =	sor.u32 s1, s0  }
0xbc: {  	s0 =	sadd.s32 $0x8F2B, s0  }
0xbd: {  	[sflag:s0] =	ssyncadd.remote.s32 $0x1  }
0xbe: {  	_ =	sfence.sel $0xFFFF  }
0xbf: {  	[dreg:$0x0] =	wrdreg $0xFFFFFFFF;
	(pc) =	sbr.abs _section_cstart, $3  }
0xc0: {  	[dreg:$0x1] =	wrdreg $0xFFFFFFFF  }
0xc1: {  	_ =	task.clear_ibuf [dreg:s7], $0x2FFFF;
	_ =	strace $0x9FFFFFFF  }
0xc2: {  	(tm) =	ssettm $0x7FFFFFFF  }
0xc3: {  	_ =	shalt  }
tec
execute0_lowered:
.L_overlay_start_1:
0x0: {  	(tag) =	ssettag $0x1  }
0x1: {  	s0 =	rddreg [dreg:$0x0];
	s2 =	stileid.u32  }
0x2: {  	s3 =	rddreg [dreg:$0x1];
	s4 =	sshll.u32 s2, $0x1;
	s2 =	simm.s32 $0x0  }
0x3: {  	s6 =	sadd.s32 $0x27ACE00, s0;
	[smem:$0x7FF] =	sst s2  }
0x4: {  	s8 =	sadd.s32 $0x280E880, s0;
	_ =	strace $0x80000047;
	[dreg:$0x3] =	wrdreg s6  }
0x5: {  	s9 =	sadd.s32 $0x2870300, s0;
	[dreg:$0x4] =	wrdreg s8  }
0x6: {  	s10 =	sadd.s32 $0x28D1D80, s0;
	[dreg:$0x6] =	wrdreg s9  }
0x7: {  	s11 =	sadd.s32 $0x2933800, s0;
	[dreg:$0x7] =	wrdreg s10  }
0x8: {  	s12 =	sadd.s32 $0x2995280, s0;
	[dreg:$0x8] =	wrdreg s11  }
0x9: {  	s13 =	sadd.s32 $0x29F6D00, s0;
	[dreg:$0x9] =	wrdreg s12  }
0xa: {  	s14 =	sadd.s32 $0x2A58780, s0;
	[dreg:$0xa] =	wrdreg s13  }
0xb: {  	s15 =	sadd.s32 $0x2ABA200, s0;
	[dreg:$0xb] =	wrdreg s14  }
0xc: {  	s16 =	sadd.s32 $0x2B1BC80, s0;
	[dreg:$0xc] =	wrdreg s15  }
0xd: {  	s17 =	sadd.s32 $0x2B7D700, s0;
	[dreg:$0xd] =	wrdreg s16  }
0xe: {  	s18 =	sadd.s32 $0x2BDF180, s0;
	[dreg:$0xe] =	wrdreg s17  }
0xf: {  	s19 =	sadd.s32 $0x2C40C00, s0;
	[dreg:$0xf] =	wrdreg s18  }
0x10: {  	s20 =	sadd.s32 $0x2CA2680, s0;
	[dreg:$0x10] =	wrdreg s19  }
0x11: {  	s21 =	sadd.s32 $0x2D04100, s0;
	[dreg:$0x11] =	wrdreg s20  }
0x12: {  	s22 =	sadd.s32 $0x2D65B80, s0;
	[dreg:$0x12] =	wrdreg s21  }
0x13: {  	s23 =	sadd.s32 $0x2DC7600, s0;
	[dreg:$0x13] =	wrdreg s22  }
0x14: {  	s1 =	srdreg.scid;
	s24 =	sadd.s32 $0x2E29080, s0;
	[dreg:$0x14] =	wrdreg s23  }
0x15: {  	s1 =	sand.u32 $0x1, s1;
	s25 =	sadd.s32 $0x2E8AB00, s0;
	[dreg:$0x15] =	wrdreg s24  }
0x16: {  	s7 =	sadd.s32 $0x2EEC580, s0;
	s4 =	sor.u32 s1, s4;
	[dreg:$0x16] =	wrdreg s25  }
0x17: {  	s1 =	ssub.s32 $0x2, s1;
	[dreg:$0x17] =	wrdreg s7;
	s8 =	sadd.s32 $0x2F4E000, s0  }
0x18: {  	s5 =	smul.u32 $0x680, s4;
	s9 =	sadd.s32 $0x2FAFA80, s0;
	[dreg:$0x18] =	wrdreg s8  }
0x19: {  	s4 =	sshll.u32 s4, $0xB;
	s10 =	sadd.s32 $0x3011500, s0;
	[dreg:$0x19] =	wrdreg s9  }
0x1a: {  	s26 =	sshrl.u32 s1, $0x1;
	s11 =	sadd.s32 $0x3072F80, s0;
	[dreg:$0x1a] =	wrdreg s10  }
0x1b: {  	s12 =	sadd.s32 $0x30D4A00, s0;
	s1 =	ssub.s32 s1, s26;
	[dreg:$0x1b] =	wrdreg s11  }
0x1c: {  	[dreg:$0x1c] =	wrdreg s12;
	s5 =	sadd.s32 s5, s0;
	s0 =	sadd.s32 $0x3136480, s0  }
0x1d: {  	s28 =	sadd.s32 s3, s4;
	s13 =	smax.u32 s1, $0x1;
	[dreg:$0x1d] =	wrdreg s0  }
0x1e: {  	s14 =	sadd.s32 $0x10000, s28;
	[dreg:$0x1e] =	wrdreg s13  }
0x1f: {  	s29 =	simm.s32 $0x7;
	s15 =	sadd.s32 $0x20000, s28;
	[dreg:$0x1f] =	wrdreg s14  }
0x20: {  	s30 =	simm.s32 $0x200;
	s16 =	sadd.s32 $0x30000, s28;
	[smem:$0x7F2] =	sst s15  }
0x21: {  	s31 =	simm.s32 $0x3400;
	s17 =	sadd.s32 $0x40000, s28;
	[smem:$0x7F3] =	sst s16  }
0x22: {  	v7 =	vimm.s32 $0x1070503;
	s6 =	simm.s32 $0xBA00;
	s18 =	sadd.s32 $0x50000, s28;
	[smem:$0x7F4] =	sst s17  }
0x23: {  	v9 =	vimm.s32 $0x2000604;
	v11 =	vimm.s32 $0x3010705;
	s7 =	simm.s32 $0x2;
	s19 =	sadd.s32 $0x60000, s28;
	[smem:$0x7F5] =	sst s18  }
0x24: {  	v0 =	vlaneseq.u32;
	v5 =	vimm.s32 $0x60402;
	v13 =	vimm.s32 $0x4020006;
	s3 =	simm.s32 $0x7A00;
	s20 =	sadd.s32 $0x70000, s28;
	[smem:$0x7F6] =	sst s19  }
0x25: {  	v15 =	vimm.s32 $0x5030107;
	v1 =	vand.u32 $0x3, v0;
	v0 =	vmul.u32 $0x1A, v0;
	s4 =	simm.s32 $0x1;
	s21 =	sadd.s32 $0x80000, s28;
	[smem:$0x7F7] =	sst s20  }
0x26: {  	v5 =	vunpack.c.0.s8.s32 v5;
	v7 =	vunpack.c.0.s8.s32 v7;
	v9 =	vunpack.c.0.s8.s32 v9;
	s8 =	simm.s32 $0x4;
	s22 =	sadd.s32 $0x90000, s28;
	[smem:$0x7F8] =	sst s21  }
0x27: {  	v11 =	vunpack.c.0.s8.s32 v11;
	v13 =	vunpack.c.0.s8.s32 v13;
	v15 =	vunpack.c.0.s8.s32 v15;
	s9 =	simm.s32 $0x3;
	s23 =	sadd.s32 $0xA0000, s28;
	[smem:$0x7F9] =	sst s22  }
0x28: {  	v1 =	vmul.u32 $0x2, v1;
	v2 =	vor.u32 $0x1, v0;
	v4 =	vadd.s32 $0x2, v0;
	s10 =	simm.s32 $0x5;
	s24 =	sadd.s32 $0xB0000, s28;
	[smem:$0x7FA] =	sst s23  }
0x29: {  	v6 =	vadd.s32 $0x3, v0;
	v8 =	vadd.s32 $0x4, v0;
	v10 =	vadd.s32 $0x5, v0;
	s11 =	simm.s32 $0x6;
	s25 =	sadd.s32 $0xC0000, s28;
	[smem:$0x7FB] =	sst s24  }
0x2a: {  	v12 =	vadd.s32 $0x6, v0;
	v14 =	vadd.s32 $0x7, v0;
	v16 =	vadd.s32 $0x8, v0;
	s12 =	simm.s32 $0x0;
	s26 =	sadd.s32 $0xD0000, s28;
	[smem:$0x7FC] =	sst s25  }
0x2b: {  	v17 =	vadd.s32 $0x9, v0;
	v18 =	vadd.s32 $0xA, v0;
	v19 =	vadd.s32 $0xB, v0;
	s1 =	simm.s32 $0x3A00;
	s5 =	sadd.s32 $0xA00, s5;
	[smem:$0x7FD] =	sst s26  }
0x2c: {  	v20 =	vadd.s32 $0xC, v0;
	v21 =	vadd.s32 $0xD, v0;
	v22 =	vadd.s32 $0xE, v0;
	s15 =	sadd.s32 $0xE0000, s28;
	s16 =	sadd.s32 $0xF0000, s28;
	s17 =	sadd.s32 $0x100000, s28  }
0x2d: {  	v23 =	vadd.s32 $0xF, v0;
	v24 =	vadd.s32 $0x10, v0;
	v25 =	vadd.s32 $0x11, v0;
	s18 =	sadd.s32 $0x110000, s28;
	s19 =	sadd.s32 $0x120000, s28;
	s20 =	sadd.s32 $0x130000, s28  }
0x2e: {  	v26 =	vadd.s32 $0x12, v0;
	v27 =	vadd.s32 $0x13, v0;
	v28 =	vadd.s32 $0x14, v0;
	s21 =	sadd.s32 $0x140000, s28;
	s22 =	sadd.s32 $0x150000, s28;
	s23 =	sadd.s32 $0x160000, s28  }
0x2f: {  	v29 =	vadd.s32 $0x15, v0;
	v30 =	vadd.s32 $0x16, v0;
	v31 =	vadd.s32 $0x17, v0;
	s24 =	sadd.s32 $0x170000, s28;
	s25 =	sadd.s32 $0x180000, s28;
	s26 =	sadd.s32 $0x190000, s28  }
0x30: {  	v32 =	vadd.s32 $0x18, v0;
	v33 =	vadd.s32 $0x19, v0;
	v3 =	vor.u32 $0x1, v1;
	s0 =	simm.s32 $0x3600;
	[dreg:$0x5] =	wrdreg s5;
	s5 =	simm.s32 $0x3800  }
.LBB2_1:
0x31: {  	v34 =	vadd.s32 s2, v0  }
0x32: {  	v34 =	vand.u32 $0x7FF8, v34  }
0x33: {  	s13 =	rddreg [dreg:$0x5];
	v34 =	vor.u32 v1, v34  }
0x34: {  	[tilespmem:s2], [sflag:$0x7] =	stream.linear.gather [hbm4b:s13+s2], $0x3400, $0x38;
	[tilespmem:$0xFA00] =	vst v63  }
0x35: {  	_ =	swait.ge [sflag:s29], $0x3400  }
0x36: {  	s14 =	simm.s32 $0x1A0;
	[sflag:s29] =	ssyncset.done $0x0  }
0x37: {  	v35 =	vadd.s32 s14, v0;
	[sflag:s29] =	ssyncadd.s32 $0xFFFFCC00  }
0x38: {  	v35 =	vand.u32 $0x7FF8, v35;
	v34 =	vld.idx.msk [tilespmem:v34+s2+$0x0], $0xffff  }
0x39: {  	v36 =	vor.u32 v1, v35;
	_ =	sdelay $0x3  }
0x3a: {  	s14 =	simm.s32 $0x340;
	[tilespmem:s31+$0x0] =	vst v34  }
0x3b: {  	s13 =	simm.s32 $0x3400;
	v35 =	vadd.s32 s14, v0;
	s14 =	simm.s32 $0x4E0;
	v34 =	vld.idx.msk [tilespmem:v36+s2+$0x0], $0xffff  }
.LBB2_2:
0x3c: {  	p0 =	sne.s32 s14, $0x3260;
	v35 =	vand.u32 $0x7FF8, v35  }
0x3d: {  	v36 =	vor.u32 v1, v35  }
.Ltmp0:
0x3e: {  	(pc) =	sbr.rel @p0 .LBB2_2-.Ltmp0, $4  }
0x3f: {  	_ = 	snop  }
0x40: {  	s13 =	sadd.s32 $0x10, s13  }
0x41: {  	[tilespmem:s13+$0x0] =	vst v34  }
0x42: {  	v35 =	vadd.s32 s14, v0;
	s14 =	sadd.s32 $0x1A0, s14;
	v34 =	vld.idx.msk [tilespmem:v36+s2+$0x0], $0xffff  }
0x43: {  	v35 =	vand.u32 $0x7FF8, v35  }
0x44: {  	v35 =	vor.u32 v1, v35;
	_ =	sdelay $0x2  }
0x45: {  	s13 =	sadd.s32 $0x10, s13  }
0x46: {  	s14 =	simm.s32 $0x0;
	[tilespmem:s13+$0x0] =	vst v34  }
0x47: {  	v62 =	vadd.s32 s14, v2;
	v34 =	vld.idx.msk [tilespmem:v35+s2+$0x0], $0xffff  }
0x48: {  	v35 =	vand.u32 $0x7FF8, v62  }
0x49: {  	v35 =	vor.u32 v3, v35;
	_ =	sdelay $0x1  }
0x4a: {  	s13 =	sadd.s32 $0x10, s13  }
0x4b: {  	s14 =	rddreg [dreg:$0x3];
	[tilespmem:s13+$0x0] =	vst v34;
	s13 =	simm.s32 $0x1A0  }
0x4c: {  	[tilespmem:s1], [sflag:$0x1] =	stream.indirect.gather [hbm4b:s14+s30], $0x20, s31, s30, $0xb8;
	v63 =	vadd.s32 s13, v2;
	[tilespmem:$0xFA00] =	vst v63  }
0x4d: {  	v35 =	vld.idx.msk [tilespmem:v35+s2+$0x0], $0xffff;
	v34 =	vand.u32 $0x7FF8, v63  }
0x4e: {  	v34 =	vor.u32 v3, v34;
	_ =	sdelay $0x2  }
0x4f: {  	s13 =	simm.s32 $0x3600  }
0x50: {  	s14 =	simm.s32 $0x340;
	[tilespmem:s13+$0x0] =	vst v35  }
0x51: {  	v35 =	vadd.s32 s14, v2;
	s14 =	simm.s32 $0x4E0;
	v34 =	vld.idx.msk [tilespmem:v34+s2+$0x0], $0xffff  }
.LBB2_4:
0x52: {  	p0 =	sne.s32 s14, $0x3260;
	v35 =	vand.u32 $0x7FF8, v35  }
0x53: {  	v36 =	vor.u32 v3, v35  }
.Ltmp1:
0x54: {  	(pc) =	sbr.rel @p0 .LBB2_4-.Ltmp1, $4  }
0x55: {  	_ = 	snop  }
0x56: {  	s13 =	sadd.s32 $0x10, s13  }
0x57: {  	[tilespmem:s13+$0x0] =	vst v34  }
0x58: {  	v35 =	vadd.s32 s14, v2;
	s14 =	sadd.s32 $0x1A0, s14;
	v34 =	vld.idx.msk [tilespmem:v36+s2+$0x0], $0xffff  }
0x59: {  	v35 =	vand.u32 $0x7FF8, v35  }
0x5a: {  	v35 =	vor.u32 v3, v35;
	_ =	sdelay $0x2  }
0x5b: {  	s13 =	sadd.s32 $0x10, s13  }
0x5c: {  	[tilespmem:s13+$0x0] =	vst v34  }
0x5d: {  	v34 =	vld.idx.msk [tilespmem:v35+s2+$0x0], $0xffff;
	_ =	sdelay $0x2  }
0x5e: {  	s14 =	simm.s32 $0x0  }
0x5f: {  	v61 =	vadd.s32 s14, v4;
	s13 =	sadd.s32 $0x10, s13  }
0x60: {  	v62 =	vand.u32 $0x7FF8, v61;
	[tilespmem:s13+$0x0] =	vst v34;
	s13 =	rddreg [dreg:$0x4]  }
0x61: {  	v34 =	vor.u32 v5, v62;
	[tilespmem:s3], [sflag:$0x2] =	stream.indirect.gather [hbm4b:s13+s30], $0x20, s0, s30, $0xb8;
	[tilespmem:$0xFA00] =	vst v63  }
0x62: {  	_ =	swait.ge [sflag:s4], $0x4000  }
0x63: {  	[sflag:s4] =	ssyncset.done $0x0  }
0x64: {  	s13 =	simm.s32 $0x1A0;
	[sflag:s4] =	ssyncadd.s32 $0xFFFFC000  }
0x65: {  	v63 =	vadd.s32 s13, v4;
	[hbm4b:s28+s14] =	stream.linear.scatter [tilespmem:s1], [sflag:$0x4], $0x4000, $0x38;
	[tilespmem:$0xFA00] =	vst v63  }
0x66: {  	v35 =	vand.u32 $0x7FF8, v63;
	v34 =	vld.idx.msk [tilespmem:v34+s2+$0x0], $0xffff  }
0x67: {  	v36 =	vor.u32 v5, v35;
	_ =	sdelay $0x2  }
0x68: {  	s13 =	simm.s32 $0x3800  }
0x69: {  	s14 =	simm.s32 $0x340;
	[tilespmem:s13+$0x0] =	vst v34  }
0x6a: {  	v35 =	vadd.s32 s14, v4;
	s14 =	simm.s32 $0x4E0;
	v34 =	vld.idx.msk [tilespmem:v36+s2+$0x0], $0xffff  }
.LBB2_6:
0x6b: {  	p0 =	sne.s32 s14, $0x3260;
	v35 =	vand.u32 $0x7FF8, v35  }
0x6c: {  	v36 =	vor.u32 v5, v35  }
.Ltmp2:
0x6d: {  	(pc) =	sbr.rel @p0 .LBB2_6-.Ltmp2, $4  }
0x6e: {  	_ = 	snop  }
0x6f: {  	s13 =	sadd.s32 $0x10, s13  }
0x70: {  	[tilespmem:s13+$0x0] =	vst v34  }
0x71: {  	v35 =	vadd.s32 s14, v4;
	s14 =	sadd.s32 $0x1A0, s14;
	v34 =	vld.idx.msk [tilespmem:v36+s2+$0x0], $0xffff  }
0x72: {  	v35 =	vand.u32 $0x7FF8, v35  }
0x73: {  	v35 =	vor.u32 v5, v35;
	_ =	sdelay $0x2  }
0x74: {  	s13 =	sadd.s32 $0x10, s13  }
0x75: {  	[tilespmem:s13+$0x0] =	vst v34  }
0x76: {  	v34 =	vld.idx.msk [tilespmem:v35+s2+$0x0], $0xffff;
	_ =	sdelay $0x3  }
0x77: {  	s13 =	sadd.s32 $0x10, s13  }
0x78: {  	s14 =	rddreg [dreg:$0x6];
	[tilespmem:s13+$0x0] =	vst v34;
	s13 =	simm.s32 $0x0  }
0x79: {  	[tilespmem:s6], [sflag:$0x3] =	stream.indirect.gather [hbm4b:s14+s30], $0x20, s5, s30, $0xb8;
	[tilespmem:$0xFA00] =	vst v63  }
0x7a: {  	v62 =	vadd.s32 s13, v6;
	_ =	swait.ge [sflag:s7], $0x4000  }
0x7b: {  	v34 =	vand.u32 $0x7FF8, v62;
	[sflag:s7] =	ssyncset.done $0x0  }
0x7c: {  	v34 =	vor.u32 v7, v34;
	s14 =	rddreg [dreg:$0x1f];
	[sflag:s7] =	ssyncadd.s32 $0xFFFFC000  }
0x7d: {  	[hbm4b:s14+s13] =	stream.linear.scatter [tilespmem:s3], [sflag:$0x5], $0x4000, $0x38;
	[tilespmem:$0xFA00] =	vst v63  }
0x7e: {  	_ =	swait.ge [sflag:s8], $0x4000  }
0x7f: {  	s14 =	simm.s32 $0x1A0;
	[sflag:s8] =	ssyncset.done $0x0  }
0x80: {  	v63 =	vadd.s32 s14, v6;
	[sflag:s8] =	ssyncadd.s32 $0xFFFFC000  }
0x81: {  	v35 =	vand.u32 $0x7FF8, v63;
	v34 =	vld.idx.msk [tilespmem:v34+s2+$0x0], $0xffff  }
0x82: {  	v36 =	vor.u32 v7, v35;
	_ =	sdelay $0x2  }
0x83: {  	s13 =	simm.s32 $0x3400  }
0x84: {  	s14 =	simm.s32 $0x340;
	[tilespmem:s13+$0x0] =	vst v34  }
0x85: {  	v35 =	vadd.s32 s14, v6;
	s14 =	simm.s32 $0x4E0;
	v34 =	vld.idx.msk [tilespmem:v36+s2+$0x0], $0xffff  }
.LBB2_8:
0x86: {  	p0 =	sne.s32 s14, $0x3260;
	v35 =	vand.u32 $0x7FF8, v35  }
0x87: {  	v36 =	vor.u32 v7, v35  }
.Ltmp3:
0x88: {  	(pc) =	sbr.rel @p0 .LBB2_8-.Ltmp3, $4  }
0x89: {  	_ = 	snop  }
0x8a: {  	s13 =	sadd.s32 $0x10, s13  }
0x8b: {  	[tilespmem:s13+$0x0] =	vst v34  }
0x8c: {  	v35 =	vadd.s32 s14, v6;
	s14 =	sadd.s32 $0x1A0, s14;
	v34 =	vld.idx.msk [tilespmem:v36+s2+$0x0], $0xffff  }
0x8d: {  	v35 =	vand.u32 $0x7FF8, v35  }
0x8e: {  	v35 =	vor.u32 v7, v35;
	_ =	sdelay $0x2  }
0x8f: {  	s13 =	sadd.s32 $0x10, s13  }
0x90: {  	[tilespmem:s13+$0x0] =	vst v34  }
0x91: {  	v34 =	vld.idx.msk [tilespmem:v35+s2+$0x0], $0xffff;
	_ =	sdelay $0x3  }
0x92: {  	s13 =	sadd.s32 $0x10, s13  }
0x93: {  	s14 =	rddreg [dreg:$0x7];
	[tilespmem:s13+$0x0] =	vst v34  }
0x94: {  	[tilespmem:s1], [sflag:$0x1] =	stream.indirect.gather [hbm4b:s14+s30], $0x20, s31, s30, $0xb8;
	[tilespmem:$0xFA00] =	vst v63  }
0x95: {  	s13 =	simm.s32 $0x0;
	_ =	swait.ge [sflag:s9], $0x4000  }
0x96: {  	v62 =	vadd.s32 s13, v8;
	s14 =	sld [smem:$0x7F2]  }
0x97: {  	v34 =	vand.u32 $0x7FF8, v62;
	[sflag:s9] =	ssyncset.done $0x0  }
0x98: {  	v34 =	vor.u32 v9, v34;
	[sflag:s9] =	ssyncadd.s32 $0xFFFFC000  }
0x99: {  	[hbm4b:s14+s13] =	stream.linear.scatter [tilespmem:s6], [sflag:$0x6], $0x4000, $0x38;
	[tilespmem:$0xFA00] =	vst v63  }
0x9a: {  	_ =	swait.ge [sflag:s10], $0x4000  }
0x9b: {  	s14 =	simm.s32 $0x1A0;
	[sflag:s10] =	ssyncset.done $0x0  }
0x9c: {  	v63 =	vadd.s32 s14, v8;
	[sflag:s10] =	ssyncadd.s32 $0xFFFFC000  }
0x9d: {  	v35 =	vand.u32 $0x7FF8, v63;
	v34 =	vld.idx.msk [tilespmem:v34+s2+$0x0], $0xffff  }
0x9e: {  	v36 =	vor.u32 v9, v35;
	_ =	sdelay $0x2  }
0x9f: {  	s13 =	simm.s32 $0x3600  }
0xa0: {  	s14 =	simm.s32 $0x340;
	[tilespmem:s13+$0x0] =	vst v34  }
0xa1: {  	v35 =	vadd.s32 s14, v8;
	s14 =	simm.s32 $0x4E0;
	v34 =	vld.idx.msk [tilespmem:v36+s2+$0x0], $0xffff  }
.LBB2_10:
0xa2: {  	p0 =	sne.s32 s14, $0x3260;
	v35 =	vand.u32 $0x7FF8, v35  }
0xa3: {  	v36 =	vor.u32 v9, v35  }
.Ltmp4:
0xa4: {  	(pc) =	sbr.rel @p0 .LBB2_10-.Ltmp4, $4  }
0xa5: {  	_ = 	snop  }
0xa6: {  	s13 =	sadd.s32 $0x10, s13  }
0xa7: {  	[tilespmem:s13+$0x0] =	vst v34  }
0xa8: {  	v35 =	vadd.s32 s14, v8;
	s14 =	sadd.s32 $0x1A0, s14;
	v34 =	vld.idx.msk [tilespmem:v36+s2+$0x0], $0xffff  }
0xa9: {  	v35 =	vand.u32 $0x7FF8, v35  }
0xaa: {  	v35 =	vor.u32 v9, v35;
	_ =	sdelay $0x2  }
0xab: {  	s13 =	sadd.s32 $0x10, s13  }
0xac: {  	[tilespmem:s13+$0x0] =	vst v34  }
0xad: {  	v34 =	vld.idx.msk [tilespmem:v35+s2+$0x0], $0xffff;
	_ =	sdelay $0x3  }
0xae: {  	s13 =	sadd.s32 $0x10, s13  }
0xaf: {  	s14 =	rddreg [dreg:$0x8];
	[tilespmem:s13+$0x0] =	vst v34  }
0xb0: {  	[tilespmem:s3], [sflag:$0x2] =	stream.indirect.gather [hbm4b:s14+s30], $0x20, s0, s30, $0xb8;
	[tilespmem:$0xFA00] =	vst v63  }
0xb1: {  	s13 =	simm.s32 $0x0;
	_ =	swait.ge [sflag:s4], $0x4000  }
0xb2: {  	v62 =	vadd.s32 s13, v10;
	s14 =	sld [smem:$0x7F3]  }
0xb3: {  	v34 =	vand.u32 $0x7FF8, v62;
	[sflag:s4] =	ssyncset.done $0x0  }
0xb4: {  	v34 =	vor.u32 v11, v34;
	[sflag:s4] =	ssyncadd.s32 $0xFFFFC000  }
0xb5: {  	[hbm4b:s14+s13] =	stream.linear.scatter [tilespmem:s1], [sflag:$0x4], $0x4000, $0x38;
	[tilespmem:$0xFA00] =	vst v63  }
0xb6: {  	_ =	swait.ge [sflag:s11], $0x4000  }
0xb7: {  	s14 =	simm.s32 $0x1A0;
	[sflag:s11] =	ssyncset.done $0x0  }
0xb8: {  	v63 =	vadd.s32 s14, v10;
	[sflag:s11] =	ssyncadd.s32 $0xFFFFC000  }
0xb9: {  	v35 =	vand.u32 $0x7FF8, v63;
	v34 =	vld.idx.msk [tilespmem:v34+s2+$0x0], $0xffff  }
0xba: {  	v36 =	vor.u32 v11, v35;
	_ =	sdelay $0x2  }
0xbb: {  	s13 =	simm.s32 $0x3800  }
0xbc: {  	s14 =	simm.s32 $0x340;
	[tilespmem:s13+$0x0] =	vst v34  }
0xbd: {  	v35 =	vadd.s32 s14, v10;
	s14 =	simm.s32 $0x4E0;
	v34 =	vld.idx.msk [tilespmem:v36+s2+$0x0], $0xffff  }
.LBB2_12:
0xbe: {  	p0 =	sne.s32 s14, $0x3260;
	v35 =	vand.u32 $0x7FF8, v35  }
0xbf: {  	v36 =	vor.u32 v11, v35  }
.Ltmp5:
0xc0: {  	(pc) =	sbr.rel @p0 .LBB2_12-.Ltmp5, $4  }
0xc1: {  	_ = 	snop  }
0xc2: {  	s13 =	sadd.s32 $0x10, s13  }
0xc3: {  	[tilespmem:s13+$0x0] =	vst v34  }
0xc4: {  	v35 =	vadd.s32 s14, v10;
	s14 =	sadd.s32 $0x1A0, s14;
	v34 =	vld.idx.msk [tilespmem:v36+s2+$0x0], $0xffff  }
0xc5: {  	v35 =	vand.u32 $0x7FF8, v35  }
0xc6: {  	v35 =	vor.u32 v11, v35;
	_ =	sdelay $0x2  }
0xc7: {  	s13 =	sadd.s32 $0x10, s13  }
0xc8: {  	[tilespmem:s13+$0x0] =	vst v34  }
0xc9: {  	v34 =	vld.idx.msk [tilespmem:v35+s2+$0x0], $0xffff;
	_ =	sdelay $0x3  }
0xca: {  	s13 =	sadd.s32 $0x10, s13  }
0xcb: {  	s14 =	rddreg [dreg:$0x9];
	[tilespmem:s13+$0x0] =	vst v34  }
0xcc: {  	[tilespmem:s6], [sflag:$0x3] =	stream.indirect.gather [hbm4b:s14+s30], $0x20, s5, s30, $0xb8;
	[tilespmem:$0xFA00] =	vst v63  }
0xcd: {  	s13 =	simm.s32 $0x0;
	_ =	swait.ge [sflag:s7], $0x4000  }
0xce: {  	v62 =	vadd.s32 s13, v12;
	s14 =	sld [smem:$0x7F4]  }
0xcf: {  	v34 =	vand.u32 $0x7FF8, v62;
	[sflag:s7] =	ssyncset.done $0x0  }
0xd0: {  	v34 =	vor.u32 v13, v34;
	[sflag:s7] =	ssyncadd.s32 $0xFFFFC000  }
0xd1: {  	[hbm4b:s14+s13] =	stream.linear.scatter [tilespmem:s3], [sflag:$0x5], $0x4000, $0x38;
	[tilespmem:$0xFA00] =	vst v63  }
0xd2: {  	_ =	swait.ge [sflag:s8], $0x4000  }
0xd3: {  	s14 =	simm.s32 $0x1A0;
	[sflag:s8] =	ssyncset.done $0x0  }
0xd4: {  	v63 =	vadd.s32 s14, v12;
	[sflag:s8] =	ssyncadd.s32 $0xFFFFC000  }
0xd5: {  	v35 =	vand.u32 $0x7FF8, v63;
	v34 =	vld.idx.msk [tilespmem:v34+s2+$0x0], $0xffff  }
0xd6: {  	v36 =	vor.u32 v13, v35;
	_ =	sdelay $0x2  }
0xd7: {  	s13 =	simm.s32 $0x3400  }
0xd8: {  	s14 =	simm.s32 $0x340;
	[tilespmem:s13+$0x0] =	vst v34  }
0xd9: {  	v35 =	vadd.s32 s14, v12;
	s14 =	simm.s32 $0x4E0;
	v34 =	vld.idx.msk [tilespmem:v36+s2+$0x0], $0xffff  }
.LBB2_14:
0xda: {  	p0 =	sne.s32 s14, $0x3260;
	v35 =	vand.u32 $0x7FF8, v35  }
0xdb: {  	v36 =	vor.u32 v13, v35  }
.Ltmp6:
0xdc: {  	(pc) =	sbr.rel @p0 .LBB2_14-.Ltmp6, $4  }
0xdd: {  	_ = 	snop  }
0xde: {  	s13 =	sadd.s32 $0x10, s13  }
0xdf: {  	[tilespmem:s13+$0x0] =	vst v34  }
0xe0: {  	v35 =	vadd.s32 s14, v12;
	s14 =	sadd.s32 $0x1A0, s14;
	v34 =	vld.idx.msk [tilespmem:v36+s2+$0x0], $0xffff  }
0xe1: {  	v35 =	vand.u32 $0x7FF8, v35  }
0xe2: {  	v35 =	vor.u32 v13, v35;
	_ =	sdelay $0x2  }
0xe3: {  	s13 =	sadd.s32 $0x10, s13  }
0xe4: {  	[tilespmem:s13+$0x0] =	vst v34  }
0xe5: {  	v34 =	vld.idx.msk [tilespmem:v35+s2+$0x0], $0xffff;
	_ =	sdelay $0x3  }
0xe6: {  	s13 =	sadd.s32 $0x10, s13  }
0xe7: {  	s14 =	rddreg [dreg:$0xa];
	[tilespmem:s13+$0x0] =	vst v34  }
0xe8: {  	[tilespmem:s1], [sflag:$0x1] =	stream.indirect.gather [hbm4b:s14+s30], $0x20, s31, s30, $0xb8;
	[tilespmem:$0xFA00] =	vst v63  }
0xe9: {  	s13 =	simm.s32 $0x0;
	_ =	swait.ge [sflag:s9], $0x4000  }
0xea: {  	v62 =	vadd.s32 s13, v14;
	s14 =	sld [smem:$0x7F5]  }
0xeb: {  	v34 =	vand.u32 $0x7FF8, v62;
	[sflag:s9] =	ssyncset.done $0x0  }
0xec: {  	v34 =	vor.u32 v15, v34;
	[sflag:s9] =	ssyncadd.s32 $0xFFFFC000  }
0xed: {  	[hbm4b:s14+s13] =	stream.linear.scatter [tilespmem:s6], [sflag:$0x6], $0x4000, $0x38;
	[tilespmem:$0xFA00] =	vst v63  }
0xee: {  	_ =	swait.ge [sflag:s10], $0x4000  }
0xef: {  	s14 =	simm.s32 $0x1A0;
	[sflag:s10] =	ssyncset.done $0x0  }
0xf0: {  	v63 =	vadd.s32 s14, v14;
	[sflag:s10] =	ssyncadd.s32 $0xFFFFC000  }
0xf1: {  	v35 =	vand.u32 $0x7FF8, v63;
	v34 =	vld.idx.msk [tilespmem:v34+s2+$0x0], $0xffff  }
0xf2: {  	v36 =	vor.u32 v15, v35;
	_ =	sdelay $0x2  }
0xf3: {  	s13 =	simm.s32 $0x3600  }
0xf4: {  	s14 =	simm.s32 $0x340;
	[tilespmem:s13+$0x0] =	vst v34  }
0xf5: {  	v35 =	vadd.s32 s14, v14;
	s14 =	simm.s32 $0x4E0;
	v34 =	vld.idx.msk [tilespmem:v36+s2+$0x0], $0xffff  }
.LBB2_16:
0xf6: {  	p0 =	sne.s32 s14, $0x3260;
	v35 =	vand.u32 $0x7FF8, v35  }
0xf7: {  	v36 =	vor.u32 v15, v35  }
.Ltmp7:
0xf8: {  	(pc) =	sbr.rel @p0 .LBB2_16-.Ltmp7, $4  }
0xf9: {  	_ = 	snop  }
0xfa: {  	s13 =	sadd.s32 $0x10, s13  }
0xfb: {  	[tilespmem:s13+$0x0] =	vst v34  }
0xfc: {  	v35 =	vadd.s32 s14, v14;
	s14 =	sadd.s32 $0x1A0, s14;
	v34 =	vld.idx.msk [tilespmem:v36+s2+$0x0], $0xffff  }
0xfd: {  	v35 =	vand.u32 $0x7FF8, v35  }
0xfe: {  	v35 =	vor.u32 v15, v35;
	_ =	sdelay $0x2  }
0xff: {  	s13 =	sadd.s32 $0x10, s13  }
0x100: {  	[tilespmem:s13+$0x0] =	vst v34  }
0x101: {  	v34 =	vld.idx.msk [tilespmem:v35+s2+$0x0], $0xffff;
	_ =	sdelay $0x3  }
0x102: {  	s13 =	sadd.s32 $0x10, s13  }
0x103: {  	s14 =	rddreg [dreg:$0xb];
	[tilespmem:s13+$0x0] =	vst v34  }
0x104: {  	[tilespmem:s3], [sflag:$0x2] =	stream.indirect.gather [hbm4b:s14+s30], $0x20, s0, s30, $0xb8;
	[tilespmem:$0xFA00] =	vst v63  }
0x105: {  	s13 =	simm.s32 $0x0;
	_ =	swait.ge [sflag:s4], $0x4000  }
0x106: {  	v62 =	vadd.s32 s13, v16;
	s14 =	sld [smem:$0x7F6]  }
0x107: {  	v34 =	vand.u32 $0x7FF8, v62;
	[sflag:s4] =	ssyncset.done $0x0  }
0x108: {  	v34 =	vor.u32 v1, v34;
	[sflag:s4] =	ssyncadd.s32 $0xFFFFC000  }
0x109: {  	[hbm4b:s14+s13] =	stream.linear.scatter [tilespmem:s1], [sflag:$0x4], $0x4000, $0x38;
	[tilespmem:$0xFA00] =	vst v63  }
0x10a: {  	_ =	swait.ge [sflag:s11], $0x4000  }
0x10b: {  	s14 =	simm.s32 $0x1A0;
	[sflag:s11] =	ssyncset.done $0x0  }
0x10c: {  	v63 =	vadd.s32 s14, v16;
	[sflag:s11] =	ssyncadd.s32 $0xFFFFC000  }
0x10d: {  	v35 =	vand.u32 $0x7FF8, v63;
	v34 =	vld.idx.msk [tilespmem:v34+s2+$0x0], $0xffff  }
0x10e: {  	v36 =	vor.u32 v1, v35;
	_ =	sdelay $0x2  }
0x10f: {  	s13 =	simm.s32 $0x3800  }
0x110: {  	s14 =	simm.s32 $0x340;
	[tilespmem:s13+$0x0] =	vst v34  }
0x111: {  	v35 =	vadd.s32 s14, v16;
	s14 =	simm.s32 $0x4E0;
	v34 =	vld.idx.msk [tilespmem:v36+s2+$0x0], $0xffff  }
.LBB2_18:
0x112: {  	p0 =	sne.s32 s14, $0x3260;
	v35 =	vand.u32 $0x7FF8, v35  }
0x113: {  	v36 =	vor.u32 v1, v35  }
.Ltmp8:
0x114: {  	(pc) =	sbr.rel @p0 .LBB2_18-.Ltmp8, $4  }
0x115: {  	_ = 	snop  }
0x116: {  	s13 =	sadd.s32 $0x10, s13  }
0x117: {  	[tilespmem:s13+$0x0] =	vst v34  }
0x118: {  	v35 =	vadd.s32 s14, v16;
	s14 =	sadd.s32 $0x1A0, s14;
	v34 =	vld.idx.msk [tilespmem:v36+s2+$0x0], $0xffff  }
0x119: {  	v35 =	vand.u32 $0x7FF8, v35  }
0x11a: {  	v35 =	vor.u32 v1, v35;
	_ =	sdelay $0x2  }
0x11b: {  	s13 =	sadd.s32 $0x10, s13  }
0x11c: {  	[tilespmem:s13+$0x0] =	vst v34  }
0x11d: {  	v34 =	vld.idx.msk [tilespmem:v35+s2+$0x0], $0xffff;
	_ =	sdelay $0x3  }
0x11e: {  	s13 =	sadd.s32 $0x10, s13  }
0x11f: {  	s14 =	rddreg [dreg:$0xc];
	[tilespmem:s13+$0x0] =	vst v34  }
0x120: {  	[tilespmem:s6], [sflag:$0x3] =	stream.indirect.gather [hbm4b:s14+s30], $0x20, s5, s30, $0xb8;
	[tilespmem:$0xFA00] =	vst v63  }
0x121: {  	s13 =	simm.s32 $0x0;
	_ =	swait.ge [sflag:s7], $0x4000  }
0x122: {  	v62 =	vadd.s32 s13, v17;
	s14 =	sld [smem:$0x7F7]  }
0x123: {  	v34 =	vand.u32 $0x7FF8, v62;
	[sflag:s7] =	ssyncset.done $0x0  }
0x124: {  	v34 =	vor.u32 v3, v34;
	[sflag:s7] =	ssyncadd.s32 $0xFFFFC000  }
0x125: {  	[hbm4b:s14+s13] =	stream.linear.scatter [tilespmem:s3], [sflag:$0x5], $0x4000, $0x38;
	[tilespmem:$0xFA00] =	vst v63  }
0x126: {  	_ =	swait.ge [sflag:s8], $0x4000  }
0x127: {  	s14 =	simm.s32 $0x1A0;
	[sflag:s8] =	ssyncset.done $0x0  }
0x128: {  	v63 =	vadd.s32 s14, v17;
	[sflag:s8] =	ssyncadd.s32 $0xFFFFC000  }
0x129: {  	v35 =	vand.u32 $0x7FF8, v63;
	v34 =	vld.idx.msk [tilespmem:v34+s2+$0x0], $0xffff  }
0x12a: {  	v36 =	vor.u32 v3, v35;
	_ =	sdelay $0x2  }
0x12b: {  	s13 =	simm.s32 $0x3400  }
0x12c: {  	s14 =	simm.s32 $0x340;
	[tilespmem:s13+$0x0] =	vst v34  }
0x12d: {  	v35 =	vadd.s32 s14, v17;
	s14 =	simm.s32 $0x4E0;
	v34 =	vld.idx.msk [tilespmem:v36+s2+$0x0], $0xffff  }
.LBB2_20:
0x12e: {  	p0 =	sne.s32 s14, $0x3260;
	v35 =	vand.u32 $0x7FF8, v35  }
0x12f: {  	v36 =	vor.u32 v3, v35  }
.Ltmp9:
0x130: {  	(pc) =	sbr.rel @p0 .LBB2_20-.Ltmp9, $4  }
0x131: {  	_ = 	snop  }
0x132: {  	s13 =	sadd.s32 $0x10, s13  }
0x133: {  	[tilespmem:s13+$0x0] =	vst v34  }
0x134: {  	v35 =	vadd.s32 s14, v17;
	s14 =	sadd.s32 $0x1A0, s14;
	v34 =	vld.idx.msk [tilespmem:v36+s2+$0x0], $0xffff  }
0x135: {  	v35 =	vand.u32 $0x7FF8, v35  }
0x136: {  	v35 =	vor.u32 v3, v35;
	_ =	sdelay $0x2  }
0x137: {  	s13 =	sadd.s32 $0x10, s13  }
0x138: {  	[tilespmem:s13+$0x0] =	vst v34  }
0x139: {  	v34 =	vld.idx.msk [tilespmem:v35+s2+$0x0], $0xffff;
	_ =	sdelay $0x3  }
0x13a: {  	s13 =	sadd.s32 $0x10, s13  }
0x13b: {  	s14 =	rddreg [dreg:$0xd];
	[tilespmem:s13+$0x0] =	vst v34  }
0x13c: {  	[tilespmem:s1], [sflag:$0x1] =	stream.indirect.gather [hbm4b:s14+s30], $0x20, s31, s30, $0xb8;
	[tilespmem:$0xFA00] =	vst v63  }
0x13d: {  	s13 =	simm.s32 $0x0;
	_ =	swait.ge [sflag:s9], $0x4000  }
0x13e: {  	v62 =	vadd.s32 s13, v18;
	s14 =	sld [smem:$0x7F8]  }
0x13f: {  	v34 =	vand.u32 $0x7FF8, v62;
	[sflag:s9] =	ssyncset.done $0x0  }
0x140: {  	v34 =	vor.u32 v5, v34;
	[sflag:s9] =	ssyncadd.s32 $0xFFFFC000  }
0x141: {  	[hbm4b:s14+s13] =	stream.linear.scatter [tilespmem:s6], [sflag:$0x6], $0x4000, $0x38;
	[tilespmem:$0xFA00] =	vst v63  }
0x142: {  	_ =	swait.ge [sflag:s10], $0x4000  }
0x143: {  	s14 =	simm.s32 $0x1A0;
	[sflag:s10] =	ssyncset.done $0x0  }
0x144: {  	v63 =	vadd.s32 s14, v18;
	[sflag:s10] =	ssyncadd.s32 $0xFFFFC000  }
0x145: {  	v35 =	vand.u32 $0x7FF8, v63;
	v34 =	vld.idx.msk [tilespmem:v34+s2+$0x0], $0xffff  }
0x146: {  	v36 =	vor.u32 v5, v35;
	_ =	sdelay $0x2  }
0x147: {  	s13 =	simm.s32 $0x3600  }
0x148: {  	s14 =	simm.s32 $0x340;
	[tilespmem:s13+$0x0] =	vst v34  }
0x149: {  	v35 =	vadd.s32 s14, v18;
	s14 =	simm.s32 $0x4E0;
	v34 =	vld.idx.msk [tilespmem:v36+s2+$0x0], $0xffff  }
.LBB2_22:
0x14a: {  	p0 =	sne.s32 s14, $0x3260;
	v35 =	vand.u32 $0x7FF8, v35  }
0x14b: {  	v36 =	vor.u32 v5, v35  }
.Ltmp10:
0x14c: {  	(pc) =	sbr.rel @p0 .LBB2_22-.Ltmp10, $4  }
0x14d: {  	_ = 	snop  }
0x14e: {  	s13 =	sadd.s32 $0x10, s13  }
0x14f: {  	[tilespmem:s13+$0x0] =	vst v34  }
0x150: {  	v35 =	vadd.s32 s14, v18;
	s14 =	sadd.s32 $0x1A0, s14;
	v34 =	vld.idx.msk [tilespmem:v36+s2+$0x0], $0xffff  }
0x151: {  	v35 =	vand.u32 $0x7FF8, v35  }
0x152: {  	v35 =	vor.u32 v5, v35;
	_ =	sdelay $0x2  }
0x153: {  	s13 =	sadd.s32 $0x10, s13  }
0x154: {  	[tilespmem:s13+$0x0] =	vst v34  }
0x155: {  	v34 =	vld.idx.msk [tilespmem:v35+s2+$0x0], $0xffff;
	_ =	sdelay $0x3  }
0x156: {  	s13 =	sadd.s32 $0x10, s13  }
0x157: {  	s14 =	rddreg [dreg:$0xe];
	[tilespmem:s13+$0x0] =	vst v34  }
0x158: {  	[tilespmem:s3], [sflag:$0x2] =	stream.indirect.gather [hbm4b:s14+s30], $0x20, s0, s30, $0xb8;
	[tilespmem:$0xFA00] =	vst v63  }
0x159: {  	s13 =	simm.s32 $0x0;
	_ =	swait.ge [sflag:s4], $0x4000  }
0x15a: {  	v62 =	vadd.s32 s13, v19;
	s14 =	sld [smem:$0x7F9]  }
0x15b: {  	v34 =	vand.u32 $0x7FF8, v62;
	[sflag:s4] =	ssyncset.done $0x0  }
0x15c: {  	v34 =	vor.u32 v7, v34;
	[sflag:s4] =	ssyncadd.s32 $0xFFFFC000  }
0x15d: {  	[hbm4b:s14+s13] =	stream.linear.scatter [tilespmem:s1], [sflag:$0x4], $0x4000, $0x38;
	[tilespmem:$0xFA00] =	vst v63  }
0x15e: {  	_ =	swait.ge [sflag:s11], $0x4000  }
0x15f: {  	s14 =	simm.s32 $0x1A0;
	[sflag:s11] =	ssyncset.done $0x0  }
0x160: {  	v63 =	vadd.s32 s14, v19;
	[sflag:s11] =	ssyncadd.s32 $0xFFFFC000  }
0x161: {  	v35 =	vand.u32 $0x7FF8, v63;
	v34 =	vld.idx.msk [tilespmem:v34+s2+$0x0], $0xffff  }
0x162: {  	v36 =	vor.u32 v7, v35;
	_ =	sdelay $0x2  }
0x163: {  	s13 =	simm.s32 $0x3800  }
0x164: {  	s14 =	simm.s32 $0x340;
	[tilespmem:s13+$0x0] =	vst v34  }
0x165: {  	v35 =	vadd.s32 s14, v19;
	s14 =	simm.s32 $0x4E0;
	v34 =	vld.idx.msk [tilespmem:v36+s2+$0x0], $0xffff  }
.LBB2_24:
0x166: {  	p0 =	sne.s32 s14, $0x3260;
	v35 =	vand.u32 $0x7FF8, v35  }
0x167: {  	v36 =	vor.u32 v7, v35  }
.Ltmp11:
0x168: {  	(pc) =	sbr.rel @p0 .LBB2_24-.Ltmp11, $4  }
0x169: {  	_ = 	snop  }
0x16a: {  	s13 =	sadd.s32 $0x10, s13  }
0x16b: {  	[tilespmem:s13+$0x0] =	vst v34  }
0x16c: {  	v35 =	vadd.s32 s14, v19;
	s14 =	sadd.s32 $0x1A0, s14;
	v34 =	vld.idx.msk [tilespmem:v36+s2+$0x0], $0xffff  }
0x16d: {  	v35 =	vand.u32 $0x7FF8, v35  }
0x16e: {  	v35 =	vor.u32 v7, v35;
	_ =	sdelay $0x2  }
0x16f: {  	s13 =	sadd.s32 $0x10, s13  }
0x170: {  	[tilespmem:s13+$0x0] =	vst v34  }
0x171: {  	v34 =	vld.idx.msk [tilespmem:v35+s2+$0x0], $0xffff;
	_ =	sdelay $0x3  }
0x172: {  	s13 =	sadd.s32 $0x10, s13  }
0x173: {  	s14 =	rddreg [dreg:$0xf];
	[tilespmem:s13+$0x0] =	vst v34  }
0x174: {  	[tilespmem:s6], [sflag:$0x3] =	stream.indirect.gather [hbm4b:s14+s30], $0x20, s5, s30, $0xb8;
	[tilespmem:$0xFA00] =	vst v63  }
0x175: {  	s13 =	simm.s32 $0x0;
	_ =	swait.ge [sflag:s7], $0x4000  }
0x176: {  	v62 =	vadd.s32 s13, v20;
	s14 =	sld [smem:$0x7FA]  }
0x177: {  	v34 =	vand.u32 $0x7FF8, v62;
	[sflag:s7] =	ssyncset.done $0x0  }
0x178: {  	v34 =	vor.u32 v9, v34;
	[sflag:s7] =	ssyncadd.s32 $0xFFFFC000  }
0x179: {  	[hbm4b:s14+s13] =	stream.linear.scatter [tilespmem:s3], [sflag:$0x5], $0x4000, $0x38;
	[tilespmem:$0xFA00] =	vst v63  }
0x17a: {  	_ =	swait.ge [sflag:s8], $0x4000  }
0x17b: {  	s14 =	simm.s32 $0x1A0;
	[sflag:s8] =	ssyncset.done $0x0  }
0x17c: {  	v63 =	vadd.s32 s14, v20;
	[sflag:s8] =	ssyncadd.s32 $0xFFFFC000  }
0x17d: {  	v35 =	vand.u32 $0x7FF8, v63;
	v34 =	vld.idx.msk [tilespmem:v34+s2+$0x0], $0xffff  }
0x17e: {  	v36 =	vor.u32 v9, v35;
	_ =	sdelay $0x2  }
0x17f: {  	s13 =	simm.s32 $0x3400  }
0x180: {  	s14 =	simm.s32 $0x340;
	[tilespmem:s13+$0x0] =	vst v34  }
0x181: {  	v35 =	vadd.s32 s14, v20;
	s14 =	simm.s32 $0x4E0;
	v34 =	vld.idx.msk [tilespmem:v36+s2+$0x0], $0xffff  }
.LBB2_26:
0x182: {  	p0 =	sne.s32 s14, $0x3260;
	v35 =	vand.u32 $0x7FF8, v35  }
0x183: {  	v36 =	vor.u32 v9, v35  }
.Ltmp12:
0x184: {  	(pc) =	sbr.rel @p0 .LBB2_26-.Ltmp12, $4  }
0x185: {  	_ = 	snop  }
0x186: {  	s13 =	sadd.s32 $0x10, s13  }
0x187: {  	[tilespmem:s13+$0x0] =	vst v34  }
0x188: {  	v35 =	vadd.s32 s14, v20;
	s14 =	sadd.s32 $0x1A0, s14;
	v34 =	vld.idx.msk [tilespmem:v36+s2+$0x0], $0xffff  }
0x189: {  	v35 =	vand.u32 $0x7FF8, v35  }
0x18a: {  	v35 =	vor.u32 v9, v35;
	_ =	sdelay $0x2  }
0x18b: {  	s13 =	sadd.s32 $0x10, s13  }
0x18c: {  	[tilespmem:s13+$0x0] =	vst v34  }
0x18d: {  	v34 =	vld.idx.msk [tilespmem:v35+s2+$0x0], $0xffff;
	_ =	sdelay $0x3  }
0x18e: {  	s13 =	sadd.s32 $0x10, s13  }
0x18f: {  	s14 =	rddreg [dreg:$0x10];
	[tilespmem:s13+$0x0] =	vst v34  }
0x190: {  	[tilespmem:s1], [sflag:$0x1] =	stream.indirect.gather [hbm4b:s14+s30], $0x20, s31, s30, $0xb8;
	[tilespmem:$0xFA00] =	vst v63  }
0x191: {  	s13 =	simm.s32 $0x0;
	_ =	swait.ge [sflag:s9], $0x4000  }
0x192: {  	v62 =	vadd.s32 s13, v21;
	s14 =	sld [smem:$0x7FB]  }
0x193: {  	v34 =	vand.u32 $0x7FF8, v62;
	[sflag:s9] =	ssyncset.done $0x0  }
0x194: {  	v34 =	vor.u32 v11, v34;
	[sflag:s9] =	ssyncadd.s32 $0xFFFFC000  }
0x195: {  	[hbm4b:s14+s13] =	stream.linear.scatter [tilespmem:s6], [sflag:$0x6], $0x4000, $0x38;
	[tilespmem:$0xFA00] =	vst v63  }
0x196: {  	_ =	swait.ge [sflag:s10], $0x4000  }
0x197: {  	s14 =	simm.s32 $0x1A0;
	[sflag:s10] =	ssyncset.done $0x0  }
0x198: {  	v63 =	vadd.s32 s14, v21;
	[sflag:s10] =	ssyncadd.s32 $0xFFFFC000  }
0x199: {  	v35 =	vand.u32 $0x7FF8, v63;
	v34 =	vld.idx.msk [tilespmem:v34+s2+$0x0], $0xffff  }
0x19a: {  	v36 =	vor.u32 v11, v35;
	_ =	sdelay $0x2  }
0x19b: {  	s13 =	simm.s32 $0x3600  }
0x19c: {  	s14 =	simm.s32 $0x340;
	[tilespmem:s13+$0x0] =	vst v34  }
0x19d: {  	v35 =	vadd.s32 s14, v21;
	s14 =	simm.s32 $0x4E0;
	v34 =	vld.idx.msk [tilespmem:v36+s2+$0x0], $0xffff  }
.LBB2_28:
0x19e: {  	p0 =	sne.s32 s14, $0x3260;
	v35 =	vand.u32 $0x7FF8, v35  }
0x19f: {  	v36 =	vor.u32 v11, v35  }
.Ltmp13:
0x1a0: {  	(pc) =	sbr.rel @p0 .LBB2_28-.Ltmp13, $4  }
0x1a1: {  	_ = 	snop  }
0x1a2: {  	s13 =	sadd.s32 $0x10, s13  }
0x1a3: {  	[tilespmem:s13+$0x0] =	vst v34  }
0x1a4: {  	v35 =	vadd.s32 s14, v21;
	s14 =	sadd.s32 $0x1A0, s14;
	v34 =	vld.idx.msk [tilespmem:v36+s2+$0x0], $0xffff  }
0x1a5: {  	v35 =	vand.u32 $0x7FF8, v35  }
0x1a6: {  	v35 =	vor.u32 v11, v35;
	_ =	sdelay $0x2  }
0x1a7: {  	s13 =	sadd.s32 $0x10, s13  }
0x1a8: {  	[tilespmem:s13+$0x0] =	vst v34  }
0x1a9: {  	v34 =	vld.idx.msk [tilespmem:v35+s2+$0x0], $0xffff;
	_ =	sdelay $0x3  }
0x1aa: {  	s13 =	sadd.s32 $0x10, s13  }
0x1ab: {  	s14 =	rddreg [dreg:$0x11];
	[tilespmem:s13+$0x0] =	vst v34  }
0x1ac: {  	[tilespmem:s3], [sflag:$0x2] =	stream.indirect.gather [hbm4b:s14+s30], $0x20, s0, s30, $0xb8;
	[tilespmem:$0xFA00] =	vst v63  }
0x1ad: {  	s13 =	simm.s32 $0x0;
	_ =	swait.ge [sflag:s4], $0x4000  }
0x1ae: {  	v62 =	vadd.s32 s13, v22;
	s14 =	sld [smem:$0x7FC]  }
0x1af: {  	v34 =	vand.u32 $0x7FF8, v62;
	[sflag:s4] =	ssyncset.done $0x0  }
0x1b0: {  	v34 =	vor.u32 v13, v34;
	[sflag:s4] =	ssyncadd.s32 $0xFFFFC000  }
0x1b1: {  	[hbm4b:s14+s13] =	stream.linear.scatter [tilespmem:s1], [sflag:$0x4], $0x4000, $0x38;
	[tilespmem:$0xFA00] =	vst v63  }
0x1b2: {  	_ =	swait.ge [sflag:s11], $0x4000  }
0x1b3: {  	s14 =	simm.s32 $0x1A0;
	[sflag:s11] =	ssyncset.done $0x0  }
0x1b4: {  	v63 =	vadd.s32 s14, v22;
	[sflag:s11] =	ssyncadd.s32 $0xFFFFC000  }
0x1b5: {  	v35 =	vand.u32 $0x7FF8, v63;
	v34 =	vld.idx.msk [tilespmem:v34+s2+$0x0], $0xffff  }
0x1b6: {  	v36 =	vor.u32 v13, v35;
	_ =	sdelay $0x2  }
0x1b7: {  	s13 =	simm.s32 $0x3800  }
0x1b8: {  	s14 =	simm.s32 $0x340;
	[tilespmem:s13+$0x0] =	vst v34  }
0x1b9: {  	v35 =	vadd.s32 s14, v22;
	s14 =	simm.s32 $0x4E0;
	v34 =	vld.idx.msk [tilespmem:v36+s2+$0x0], $0xffff  }
.LBB2_30:
0x1ba: {  	p0 =	sne.s32 s14, $0x3260;
	v35 =	vand.u32 $0x7FF8, v35  }
0x1bb: {  	v36 =	vor.u32 v13, v35  }
.Ltmp14:
0x1bc: {  	(pc) =	sbr.rel @p0 .LBB2_30-.Ltmp14, $4  }
0x1bd: {  	_ = 	snop  }
0x1be: {  	s13 =	sadd.s32 $0x10, s13  }
0x1bf: {  	[tilespmem:s13+$0x0] =	vst v34  }
0x1c0: {  	v35 =	vadd.s32 s14, v22;
	s14 =	sadd.s32 $0x1A0, s14;
	v34 =	vld.idx.msk [tilespmem:v36+s2+$0x0], $0xffff  }
0x1c1: {  	v35 =	vand.u32 $0x7FF8, v35  }
0x1c2: {  	v35 =	vor.u32 v13, v35;
	_ =	sdelay $0x2  }
0x1c3: {  	s13 =	sadd.s32 $0x10, s13  }
0x1c4: {  	[tilespmem:s13+$0x0] =	vst v34  }
0x1c5: {  	v34 =	vld.idx.msk [tilespmem:v35+s2+$0x0], $0xffff;
	_ =	sdelay $0x3  }
0x1c6: {  	s13 =	sadd.s32 $0x10, s13  }
0x1c7: {  	s14 =	rddreg [dreg:$0x12];
	[tilespmem:s13+$0x0] =	vst v34  }
0x1c8: {  	[tilespmem:s6], [sflag:$0x3] =	stream.indirect.gather [hbm4b:s14+s30], $0x20, s5, s30, $0xb8;
	[tilespmem:$0xFA00] =	vst v63  }
0x1c9: {  	s13 =	simm.s32 $0x0;
	_ =	swait.ge [sflag:s7], $0x4000  }
0x1ca: {  	v62 =	vadd.s32 s13, v23;
	s14 =	sld [smem:$0x7FD]  }
0x1cb: {  	v34 =	vand.u32 $0x7FF8, v62;
	[sflag:s7] =	ssyncset.done $0x0  }
0x1cc: {  	v34 =	vor.u32 v15, v34;
	[sflag:s7] =	ssyncadd.s32 $0xFFFFC000  }
0x1cd: {  	[hbm4b:s14+s13] =	stream.linear.scatter [tilespmem:s3], [sflag:$0x5], $0x4000, $0x38;
	[tilespmem:$0xFA00] =	vst v63  }
0x1ce: {  	_ =	swait.ge [sflag:s8], $0x4000  }
0x1cf: {  	s14 =	simm.s32 $0x1A0;
	[sflag:s8] =	ssyncset.done $0x0  }
0x1d0: {  	v63 =	vadd.s32 s14, v23;
	[sflag:s8] =	ssyncadd.s32 $0xFFFFC000  }
0x1d1: {  	v35 =	vand.u32 $0x7FF8, v63;
	v34 =	vld.idx.msk [tilespmem:v34+s2+$0x0], $0xffff  }
0x1d2: {  	v36 =	vor.u32 v15, v35;
	_ =	sdelay $0x2  }
0x1d3: {  	s13 =	simm.s32 $0x3400  }
0x1d4: {  	s14 =	simm.s32 $0x340;
	[tilespmem:s13+$0x0] =	vst v34  }
0x1d5: {  	v35 =	vadd.s32 s14, v23;
	s14 =	simm.s32 $0x4E0;
	v34 =	vld.idx.msk [tilespmem:v36+s2+$0x0], $0xffff  }
.LBB2_32:
0x1d6: {  	p0 =	sne.s32 s14, $0x3260;
	v35 =	vand.u32 $0x7FF8, v35  }
0x1d7: {  	v36 =	vor.u32 v15, v35  }
.Ltmp15:
0x1d8: {  	(pc) =	sbr.rel @p0 .LBB2_32-.Ltmp15, $4  }
0x1d9: {  	_ = 	snop  }
0x1da: {  	s13 =	sadd.s32 $0x10, s13  }
0x1db: {  	[tilespmem:s13+$0x0] =	vst v34  }
0x1dc: {  	v35 =	vadd.s32 s14, v23;
	s14 =	sadd.s32 $0x1A0, s14;
	v34 =	vld.idx.msk [tilespmem:v36+s2+$0x0], $0xffff  }
0x1dd: {  	v35 =	vand.u32 $0x7FF8, v35  }
0x1de: {  	v35 =	vor.u32 v15, v35;
	_ =	sdelay $0x2  }
0x1df: {  	s13 =	sadd.s32 $0x10, s13  }
0x1e0: {  	[tilespmem:s13+$0x0] =	vst v34  }
0x1e1: {  	v34 =	vld.idx.msk [tilespmem:v35+s2+$0x0], $0xffff;
	_ =	sdelay $0x3  }
0x1e2: {  	s13 =	sadd.s32 $0x10, s13  }
0x1e3: {  	s14 =	rddreg [dreg:$0x13];
	[tilespmem:s13+$0x0] =	vst v34  }
0x1e4: {  	[tilespmem:s1], [sflag:$0x1] =	stream.indirect.gather [hbm4b:s14+s30], $0x20, s31, s30, $0xb8;
	[tilespmem:$0xFA00] =	vst v63  }
0x1e5: {  	s14 =	simm.s32 $0x0  }
0x1e6: {  	_ =	swait.ge [sflag:s9], $0x4000;
	v62 =	vadd.s32 s14, v24  }
0x1e7: {  	[sflag:s9] =	ssyncset.done $0x0;
	v34 =	vand.u32 $0x7FF8, v62  }
0x1e8: {  	[sflag:s9] =	ssyncadd.s32 $0xFFFFC000;
	v34 =	vor.u32 v1, v34  }
0x1e9: {  	[hbm4b:s15+s14] =	stream.linear.scatter [tilespmem:s6], [sflag:$0x6], $0x4000, $0x38;
	[tilespmem:$0xFA00] =	vst v63  }
0x1ea: {  	_ =	swait.ge [sflag:s10], $0x4000  }
0x1eb: {  	s14 =	simm.s32 $0x1A0;
	[sflag:s10] =	ssyncset.done $0x0  }
0x1ec: {  	v63 =	vadd.s32 s14, v24;
	[sflag:s10] =	ssyncadd.s32 $0xFFFFC000  }
0x1ed: {  	v35 =	vand.u32 $0x7FF8, v63;
	v34 =	vld.idx.msk [tilespmem:v34+s2+$0x0], $0xffff  }
0x1ee: {  	v36 =	vor.u32 v1, v35;
	_ =	sdelay $0x2  }
0x1ef: {  	s13 =	simm.s32 $0x3600  }
0x1f0: {  	s14 =	simm.s32 $0x340;
	[tilespmem:s13+$0x0] =	vst v34  }
0x1f1: {  	v35 =	vadd.s32 s14, v24;
	s14 =	simm.s32 $0x4E0;
	v34 =	vld.idx.msk [tilespmem:v36+s2+$0x0], $0xffff  }
.LBB2_34:
0x1f2: {  	p0 =	sne.s32 s14, $0x3260;
	v35 =	vand.u32 $0x7FF8, v35  }
0x1f3: {  	v36 =	vor.u32 v1, v35  }
.Ltmp16:
0x1f4: {  	(pc) =	sbr.rel @p0 .LBB2_34-.Ltmp16, $4  }
0x1f5: {  	_ = 	snop  }
0x1f6: {  	s13 =	sadd.s32 $0x10, s13  }
0x1f7: {  	[tilespmem:s13+$0x0] =	vst v34  }
0x1f8: {  	v35 =	vadd.s32 s14, v24;
	s14 =	sadd.s32 $0x1A0, s14;
	v34 =	vld.idx.msk [tilespmem:v36+s2+$0x0], $0xffff  }
0x1f9: {  	v35 =	vand.u32 $0x7FF8, v35  }
0x1fa: {  	v35 =	vor.u32 v1, v35;
	_ =	sdelay $0x2  }
0x1fb: {  	s13 =	sadd.s32 $0x10, s13  }
0x1fc: {  	[tilespmem:s13+$0x0] =	vst v34  }
0x1fd: {  	v34 =	vld.idx.msk [tilespmem:v35+s2+$0x0], $0xffff;
	_ =	sdelay $0x3  }
0x1fe: {  	s13 =	sadd.s32 $0x10, s13  }
0x1ff: {  	s14 =	rddreg [dreg:$0x14];
	[tilespmem:s13+$0x0] =	vst v34  }
0x200: {  	[tilespmem:s3], [sflag:$0x2] =	stream.indirect.gather [hbm4b:s14+s30], $0x20, s0, s30, $0xb8;
	[tilespmem:$0xFA00] =	vst v63  }
0x201: {  	s14 =	simm.s32 $0x0  }
0x202: {  	_ =	swait.ge [sflag:s4], $0x4000;
	v62 =	vadd.s32 s14, v25  }
0x203: {  	[sflag:s4] =	ssyncset.done $0x0;
	v34 =	vand.u32 $0x7FF8, v62  }
0x204: {  	[sflag:s4] =	ssyncadd.s32 $0xFFFFC000;
	v34 =	vor.u32 v3, v34  }
0x205: {  	[hbm4b:s16+s14] =	stream.linear.scatter [tilespmem:s1], [sflag:$0x4], $0x4000, $0x38;
	[tilespmem:$0xFA00] =	vst v63  }
0x206: {  	_ =	swait.ge [sflag:s11], $0x4000  }
0x207: {  	s14 =	simm.s32 $0x1A0;
	[sflag:s11] =	ssyncset.done $0x0  }
0x208: {  	v63 =	vadd.s32 s14, v25;
	[sflag:s11] =	ssyncadd.s32 $0xFFFFC000  }
0x209: {  	v35 =	vand.u32 $0x7FF8, v63;
	v34 =	vld.idx.msk [tilespmem:v34+s2+$0x0], $0xffff  }
0x20a: {  	v36 =	vor.u32 v3, v35;
	_ =	sdelay $0x2  }
0x20b: {  	s13 =	simm.s32 $0x3800  }
0x20c: {  	s14 =	simm.s32 $0x340;
	[tilespmem:s13+$0x0] =	vst v34  }
0x20d: {  	v35 =	vadd.s32 s14, v25;
	s14 =	simm.s32 $0x4E0;
	v34 =	vld.idx.msk [tilespmem:v36+s2+$0x0], $0xffff  }
.LBB2_36:
0x20e: {  	p0 =	sne.s32 s14, $0x3260;
	v35 =	vand.u32 $0x7FF8, v35  }
0x20f: {  	v36 =	vor.u32 v3, v35  }
.Ltmp17:
0x210: {  	(pc) =	sbr.rel @p0 .LBB2_36-.Ltmp17, $4  }
0x211: {  	_ = 	snop  }
0x212: {  	s13 =	sadd.s32 $0x10, s13  }
0x213: {  	[tilespmem:s13+$0x0] =	vst v34  }
0x214: {  	v35 =	vadd.s32 s14, v25;
	s14 =	sadd.s32 $0x1A0, s14;
	v34 =	vld.idx.msk [tilespmem:v36+s2+$0x0], $0xffff  }
0x215: {  	v35 =	vand.u32 $0x7FF8, v35  }
0x216: {  	v35 =	vor.u32 v3, v35;
	_ =	sdelay $0x2  }
0x217: {  	s13 =	sadd.s32 $0x10, s13  }
0x218: {  	[tilespmem:s13+$0x0] =	vst v34  }
0x219: {  	v34 =	vld.idx.msk [tilespmem:v35+s2+$0x0], $0xffff;
	_ =	sdelay $0x3  }
0x21a: {  	s13 =	sadd.s32 $0x10, s13  }
0x21b: {  	s14 =	rddreg [dreg:$0x15];
	[tilespmem:s13+$0x0] =	vst v34  }
0x21c: {  	[tilespmem:s6], [sflag:$0x3] =	stream.indirect.gather [hbm4b:s14+s30], $0x20, s5, s30, $0xb8;
	[tilespmem:$0xFA00] =	vst v63  }
0x21d: {  	s14 =	simm.s32 $0x0  }
0x21e: {  	_ =	swait.ge [sflag:s7], $0x4000;
	v62 =	vadd.s32 s14, v26  }
0x21f: {  	[sflag:s7] =	ssyncset.done $0x0;
	v34 =	vand.u32 $0x7FF8, v62  }
0x220: {  	[sflag:s7] =	ssyncadd.s32 $0xFFFFC000;
	v34 =	vor.u32 v5, v34  }
0x221: {  	[hbm4b:s17+s14] =	stream.linear.scatter [tilespmem:s3], [sflag:$0x5], $0x4000, $0x38;
	[tilespmem:$0xFA00] =	vst v63  }
0x222: {  	_ =	swait.ge [sflag:s8], $0x4000  }
0x223: {  	s14 =	simm.s32 $0x1A0;
	[sflag:s8] =	ssyncset.done $0x0  }
0x224: {  	v63 =	vadd.s32 s14, v26;
	[sflag:s8] =	ssyncadd.s32 $0xFFFFC000  }
0x225: {  	v35 =	vand.u32 $0x7FF8, v63;
	v34 =	vld.idx.msk [tilespmem:v34+s2+$0x0], $0xffff  }
0x226: {  	v36 =	vor.u32 v5, v35;
	_ =	sdelay $0x2  }
0x227: {  	s13 =	simm.s32 $0x3400  }
0x228: {  	s14 =	simm.s32 $0x340;
	[tilespmem:s13+$0x0] =	vst v34  }
0x229: {  	v35 =	vadd.s32 s14, v26;
	s14 =	simm.s32 $0x4E0;
	v34 =	vld.idx.msk [tilespmem:v36+s2+$0x0], $0xffff  }
.LBB2_38:
0x22a: {  	p0 =	sne.s32 s14, $0x3260;
	v35 =	vand.u32 $0x7FF8, v35  }
0x22b: {  	v36 =	vor.u32 v5, v35  }
.Ltmp18:
0x22c: {  	(pc) =	sbr.rel @p0 .LBB2_38-.Ltmp18, $4  }
0x22d: {  	_ = 	snop  }
0x22e: {  	s13 =	sadd.s32 $0x10, s13  }
0x22f: {  	[tilespmem:s13+$0x0] =	vst v34  }
0x230: {  	v35 =	vadd.s32 s14, v26;
	s14 =	sadd.s32 $0x1A0, s14;
	v34 =	vld.idx.msk [tilespmem:v36+s2+$0x0], $0xffff  }
0x231: {  	v35 =	vand.u32 $0x7FF8, v35  }
0x232: {  	v35 =	vor.u32 v5, v35;
	_ =	sdelay $0x2  }
0x233: {  	s13 =	sadd.s32 $0x10, s13  }
0x234: {  	[tilespmem:s13+$0x0] =	vst v34  }
0x235: {  	v34 =	vld.idx.msk [tilespmem:v35+s2+$0x0], $0xffff;
	_ =	sdelay $0x3  }
0x236: {  	s13 =	sadd.s32 $0x10, s13  }
0x237: {  	s14 =	rddreg [dreg:$0x16];
	[tilespmem:s13+$0x0] =	vst v34  }
0x238: {  	[tilespmem:s1], [sflag:$0x1] =	stream.indirect.gather [hbm4b:s14+s30], $0x20, s31, s30, $0xb8;
	[tilespmem:$0xFA00] =	vst v63  }
0x239: {  	s14 =	simm.s32 $0x0  }
0x23a: {  	_ =	swait.ge [sflag:s9], $0x4000;
	v62 =	vadd.s32 s14, v27  }
0x23b: {  	[sflag:s9] =	ssyncset.done $0x0;
	v34 =	vand.u32 $0x7FF8, v62  }
0x23c: {  	[sflag:s9] =	ssyncadd.s32 $0xFFFFC000;
	v34 =	vor.u32 v7, v34  }
0x23d: {  	[hbm4b:s18+s14] =	stream.linear.scatter [tilespmem:s6], [sflag:$0x6], $0x4000, $0x38;
	[tilespmem:$0xFA00] =	vst v63  }
0x23e: {  	_ =	swait.ge [sflag:s10], $0x4000  }
0x23f: {  	s14 =	simm.s32 $0x1A0;
	[sflag:s10] =	ssyncset.done $0x0  }
0x240: {  	v63 =	vadd.s32 s14, v27;
	[sflag:s10] =	ssyncadd.s32 $0xFFFFC000  }
0x241: {  	v35 =	vand.u32 $0x7FF8, v63;
	v34 =	vld.idx.msk [tilespmem:v34+s2+$0x0], $0xffff  }
0x242: {  	v36 =	vor.u32 v7, v35;
	_ =	sdelay $0x2  }
0x243: {  	s13 =	simm.s32 $0x3600  }
0x244: {  	s14 =	simm.s32 $0x340;
	[tilespmem:s13+$0x0] =	vst v34  }
0x245: {  	v35 =	vadd.s32 s14, v27;
	s14 =	simm.s32 $0x4E0;
	v34 =	vld.idx.msk [tilespmem:v36+s2+$0x0], $0xffff  }
.LBB2_40:
0x246: {  	p0 =	sne.s32 s14, $0x3260;
	v35 =	vand.u32 $0x7FF8, v35  }
0x247: {  	v36 =	vor.u32 v7, v35  }
.Ltmp19:
0x248: {  	(pc) =	sbr.rel @p0 .LBB2_40-.Ltmp19, $4  }
0x249: {  	_ = 	snop  }
0x24a: {  	s13 =	sadd.s32 $0x10, s13  }
0x24b: {  	[tilespmem:s13+$0x0] =	vst v34  }
0x24c: {  	v35 =	vadd.s32 s14, v27;
	s14 =	sadd.s32 $0x1A0, s14;
	v34 =	vld.idx.msk [tilespmem:v36+s2+$0x0], $0xffff  }
0x24d: {  	v35 =	vand.u32 $0x7FF8, v35  }
0x24e: {  	v35 =	vor.u32 v7, v35;
	_ =	sdelay $0x2  }
0x24f: {  	s13 =	sadd.s32 $0x10, s13  }
0x250: {  	[tilespmem:s13+$0x0] =	vst v34  }
0x251: {  	v34 =	vld.idx.msk [tilespmem:v35+s2+$0x0], $0xffff;
	_ =	sdelay $0x3  }
0x252: {  	s13 =	sadd.s32 $0x10, s13  }
0x253: {  	s14 =	rddreg [dreg:$0x17];
	[tilespmem:s13+$0x0] =	vst v34  }
0x254: {  	[tilespmem:s3], [sflag:$0x2] =	stream.indirect.gather [hbm4b:s14+s30], $0x20, s0, s30, $0xb8;
	[tilespmem:$0xFA00] =	vst v63  }
0x255: {  	s14 =	simm.s32 $0x0  }
0x256: {  	_ =	swait.ge [sflag:s4], $0x4000;
	v62 =	vadd.s32 s14, v28  }
0x257: {  	[sflag:s4] =	ssyncset.done $0x0;
	v34 =	vand.u32 $0x7FF8, v62  }
0x258: {  	[sflag:s4] =	ssyncadd.s32 $0xFFFFC000;
	v34 =	vor.u32 v9, v34  }
0x259: {  	[hbm4b:s19+s14] =	stream.linear.scatter [tilespmem:s1], [sflag:$0x4], $0x4000, $0x38;
	[tilespmem:$0xFA00] =	vst v63  }
0x25a: {  	_ =	swait.ge [sflag:s11], $0x4000  }
0x25b: {  	s14 =	simm.s32 $0x1A0;
	[sflag:s11] =	ssyncset.done $0x0  }
0x25c: {  	v63 =	vadd.s32 s14, v28;
	[sflag:s11] =	ssyncadd.s32 $0xFFFFC000  }
0x25d: {  	v35 =	vand.u32 $0x7FF8, v63;
	v34 =	vld.idx.msk [tilespmem:v34+s2+$0x0], $0xffff  }
0x25e: {  	v36 =	vor.u32 v9, v35;
	_ =	sdelay $0x2  }
0x25f: {  	s13 =	simm.s32 $0x3800  }
0x260: {  	s14 =	simm.s32 $0x340;
	[tilespmem:s13+$0x0] =	vst v34  }
0x261: {  	v35 =	vadd.s32 s14, v28;
	s14 =	simm.s32 $0x4E0;
	v34 =	vld.idx.msk [tilespmem:v36+s2+$0x0], $0xffff  }
.LBB2_42:
0x262: {  	p0 =	sne.s32 s14, $0x3260;
	v35 =	vand.u32 $0x7FF8, v35  }
0x263: {  	v36 =	vor.u32 v9, v35  }
.Ltmp20:
0x264: {  	(pc) =	sbr.rel @p0 .LBB2_42-.Ltmp20, $4  }
0x265: {  	_ = 	snop  }
0x266: {  	s13 =	sadd.s32 $0x10, s13  }
0x267: {  	[tilespmem:s13+$0x0] =	vst v34  }
0x268: {  	v35 =	vadd.s32 s14, v28;
	s14 =	sadd.s32 $0x1A0, s14;
	v34 =	vld.idx.msk [tilespmem:v36+s2+$0x0], $0xffff  }
0x269: {  	v35 =	vand.u32 $0x7FF8, v35  }
0x26a: {  	v35 =	vor.u32 v9, v35;
	_ =	sdelay $0x2  }
0x26b: {  	s13 =	sadd.s32 $0x10, s13  }
0x26c: {  	[tilespmem:s13+$0x0] =	vst v34  }
0x26d: {  	v34 =	vld.idx.msk [tilespmem:v35+s2+$0x0], $0xffff;
	_ =	sdelay $0x3  }
0x26e: {  	s13 =	sadd.s32 $0x10, s13  }
0x26f: {  	s14 =	rddreg [dreg:$0x18];
	[tilespmem:s13+$0x0] =	vst v34  }
0x270: {  	[tilespmem:s6], [sflag:$0x3] =	stream.indirect.gather [hbm4b:s14+s30], $0x20, s5, s30, $0xb8;
	[tilespmem:$0xFA00] =	vst v63  }
0x271: {  	s14 =	simm.s32 $0x0  }
0x272: {  	_ =	swait.ge [sflag:s7], $0x4000;
	v62 =	vadd.s32 s14, v29  }
0x273: {  	[sflag:s7] =	ssyncset.done $0x0;
	v34 =	vand.u32 $0x7FF8, v62  }
0x274: {  	[sflag:s7] =	ssyncadd.s32 $0xFFFFC000;
	v34 =	vor.u32 v11, v34  }
0x275: {  	[hbm4b:s20+s14] =	stream.linear.scatter [tilespmem:s3], [sflag:$0x5], $0x4000, $0x38;
	[tilespmem:$0xFA00] =	vst v63  }
0x276: {  	_ =	swait.ge [sflag:s8], $0x4000  }
0x277: {  	s14 =	simm.s32 $0x1A0;
	[sflag:s8] =	ssyncset.done $0x0  }
0x278: {  	v63 =	vadd.s32 s14, v29;
	[sflag:s8] =	ssyncadd.s32 $0xFFFFC000  }
0x279: {  	v35 =	vand.u32 $0x7FF8, v63;
	v34 =	vld.idx.msk [tilespmem:v34+s2+$0x0], $0xffff  }
0x27a: {  	v36 =	vor.u32 v11, v35;
	_ =	sdelay $0x2  }
0x27b: {  	s13 =	simm.s32 $0x3400  }
0x27c: {  	s14 =	simm.s32 $0x340;
	[tilespmem:s13+$0x0] =	vst v34  }
0x27d: {  	v35 =	vadd.s32 s14, v29;
	s14 =	simm.s32 $0x4E0;
	v34 =	vld.idx.msk [tilespmem:v36+s2+$0x0], $0xffff  }
.LBB2_44:
0x27e: {  	p0 =	sne.s32 s14, $0x3260;
	v35 =	vand.u32 $0x7FF8, v35  }
0x27f: {  	v36 =	vor.u32 v11, v35  }
.Ltmp21:
0x280: {  	(pc) =	sbr.rel @p0 .LBB2_44-.Ltmp21, $4  }
0x281: {  	_ = 	snop  }
0x282: {  	s13 =	sadd.s32 $0x10, s13  }
0x283: {  	[tilespmem:s13+$0x0] =	vst v34  }
0x284: {  	v35 =	vadd.s32 s14, v29;
	s14 =	sadd.s32 $0x1A0, s14;
	v34 =	vld.idx.msk [tilespmem:v36+s2+$0x0], $0xffff  }
0x285: {  	v35 =	vand.u32 $0x7FF8, v35  }
0x286: {  	v35 =	vor.u32 v11, v35;
	_ =	sdelay $0x2  }
0x287: {  	s13 =	sadd.s32 $0x10, s13  }
0x288: {  	[tilespmem:s13+$0x0] =	vst v34  }
0x289: {  	v34 =	vld.idx.msk [tilespmem:v35+s2+$0x0], $0xffff;
	_ =	sdelay $0x3  }
0x28a: {  	s13 =	sadd.s32 $0x10, s13  }
0x28b: {  	s14 =	rddreg [dreg:$0x19];
	[tilespmem:s13+$0x0] =	vst v34  }
0x28c: {  	[tilespmem:s1], [sflag:$0x1] =	stream.indirect.gather [hbm4b:s14+s30], $0x20, s31, s30, $0xb8;
	[tilespmem:$0xFA00] =	vst v63  }
0x28d: {  	s14 =	simm.s32 $0x0  }
0x28e: {  	_ =	swait.ge [sflag:s9], $0x4000;
	v62 =	vadd.s32 s14, v30  }
0x28f: {  	[sflag:s9] =	ssyncset.done $0x0;
	v34 =	vand.u32 $0x7FF8, v62  }
0x290: {  	[sflag:s9] =	ssyncadd.s32 $0xFFFFC000;
	v34 =	vor.u32 v13, v34  }
0x291: {  	[hbm4b:s21+s14] =	stream.linear.scatter [tilespmem:s6], [sflag:$0x6], $0x4000, $0x38;
	[tilespmem:$0xFA00] =	vst v63  }
0x292: {  	_ =	swait.ge [sflag:s10], $0x4000  }
0x293: {  	s14 =	simm.s32 $0x1A0;
	[sflag:s10] =	ssyncset.done $0x0  }
0x294: {  	v63 =	vadd.s32 s14, v30;
	[sflag:s10] =	ssyncadd.s32 $0xFFFFC000  }
0x295: {  	v35 =	vand.u32 $0x7FF8, v63;
	v34 =	vld.idx.msk [tilespmem:v34+s2+$0x0], $0xffff  }
0x296: {  	v36 =	vor.u32 v13, v35;
	_ =	sdelay $0x2  }
0x297: {  	s13 =	simm.s32 $0x3600  }
0x298: {  	s14 =	simm.s32 $0x340;
	[tilespmem:s13+$0x0] =	vst v34  }
0x299: {  	v35 =	vadd.s32 s14, v30;
	s14 =	simm.s32 $0x4E0;
	v34 =	vld.idx.msk [tilespmem:v36+s2+$0x0], $0xffff  }
.LBB2_46:
0x29a: {  	p0 =	sne.s32 s14, $0x3260;
	v35 =	vand.u32 $0x7FF8, v35  }
0x29b: {  	v36 =	vor.u32 v13, v35  }
.Ltmp22:
0x29c: {  	(pc) =	sbr.rel @p0 .LBB2_46-.Ltmp22, $4  }
0x29d: {  	_ = 	snop  }
0x29e: {  	s13 =	sadd.s32 $0x10, s13  }
0x29f: {  	[tilespmem:s13+$0x0] =	vst v34  }
0x2a0: {  	v35 =	vadd.s32 s14, v30;
	s14 =	sadd.s32 $0x1A0, s14;
	v34 =	vld.idx.msk [tilespmem:v36+s2+$0x0], $0xffff  }
0x2a1: {  	v35 =	vand.u32 $0x7FF8, v35  }
0x2a2: {  	v35 =	vor.u32 v13, v35;
	_ =	sdelay $0x2  }
0x2a3: {  	s13 =	sadd.s32 $0x10, s13  }
0x2a4: {  	[tilespmem:s13+$0x0] =	vst v34  }
0x2a5: {  	v34 =	vld.idx.msk [tilespmem:v35+s2+$0x0], $0xffff;
	_ =	sdelay $0x3  }
0x2a6: {  	s13 =	sadd.s32 $0x10, s13  }
0x2a7: {  	s14 =	rddreg [dreg:$0x1a];
	[tilespmem:s13+$0x0] =	vst v34  }
0x2a8: {  	[tilespmem:s3], [sflag:$0x2] =	stream.indirect.gather [hbm4b:s14+s30], $0x20, s0, s30, $0xb8;
	[tilespmem:$0xFA00] =	vst v63  }
0x2a9: {  	s14 =	simm.s32 $0x0  }
0x2aa: {  	_ =	swait.ge [sflag:s4], $0x4000;
	v62 =	vadd.s32 s14, v31  }
0x2ab: {  	[sflag:s4] =	ssyncset.done $0x0;
	v34 =	vand.u32 $0x7FF8, v62  }
0x2ac: {  	[sflag:s4] =	ssyncadd.s32 $0xFFFFC000;
	v34 =	vor.u32 v15, v34  }
0x2ad: {  	[hbm4b:s22+s14] =	stream.linear.scatter [tilespmem:s1], [sflag:$0x4], $0x4000, $0x38;
	[tilespmem:$0xFA00] =	vst v63  }
0x2ae: {  	_ =	swait.ge [sflag:s11], $0x4000  }
0x2af: {  	s14 =	simm.s32 $0x1A0;
	[sflag:s11] =	ssyncset.done $0x0  }
0x2b0: {  	v63 =	vadd.s32 s14, v31;
	[sflag:s11] =	ssyncadd.s32 $0xFFFFC000  }
0x2b1: {  	v35 =	vand.u32 $0x7FF8, v63;
	v34 =	vld.idx.msk [tilespmem:v34+s2+$0x0], $0xffff  }
0x2b2: {  	v36 =	vor.u32 v15, v35;
	_ =	sdelay $0x2  }
0x2b3: {  	s13 =	simm.s32 $0x3800  }
0x2b4: {  	s14 =	simm.s32 $0x340;
	[tilespmem:s13+$0x0] =	vst v34  }
0x2b5: {  	v35 =	vadd.s32 s14, v31;
	s14 =	simm.s32 $0x4E0;
	v34 =	vld.idx.msk [tilespmem:v36+s2+$0x0], $0xffff  }
.LBB2_48:
0x2b6: {  	p0 =	sne.s32 s14, $0x3260;
	v35 =	vand.u32 $0x7FF8, v35  }
0x2b7: {  	v36 =	vor.u32 v15, v35  }
.Ltmp23:
0x2b8: {  	(pc) =	sbr.rel @p0 .LBB2_48-.Ltmp23, $4  }
0x2b9: {  	_ = 	snop  }
0x2ba: {  	s13 =	sadd.s32 $0x10, s13  }
0x2bb: {  	[tilespmem:s13+$0x0] =	vst v34  }
0x2bc: {  	v35 =	vadd.s32 s14, v31;
	s14 =	sadd.s32 $0x1A0, s14;
	v34 =	vld.idx.msk [tilespmem:v36+s2+$0x0], $0xffff  }
0x2bd: {  	v35 =	vand.u32 $0x7FF8, v35  }
0x2be: {  	v35 =	vor.u32 v15, v35;
	_ =	sdelay $0x2  }
0x2bf: {  	s13 =	sadd.s32 $0x10, s13  }
0x2c0: {  	[tilespmem:s13+$0x0] =	vst v34  }
0x2c1: {  	v34 =	vld.idx.msk [tilespmem:v35+s2+$0x0], $0xffff;
	_ =	sdelay $0x3  }
0x2c2: {  	s13 =	sadd.s32 $0x10, s13  }
0x2c3: {  	s14 =	rddreg [dreg:$0x1b];
	[tilespmem:s13+$0x0] =	vst v34  }
0x2c4: {  	[tilespmem:s6], [sflag:$0x3] =	stream.indirect.gather [hbm4b:s14+s30], $0x20, s5, s30, $0xb8;
	[tilespmem:$0xFA00] =	vst v63  }
0x2c5: {  	s14 =	simm.s32 $0x0  }
0x2c6: {  	_ =	swait.ge [sflag:s7], $0x4000;
	v62 =	vadd.s32 s14, v32  }
0x2c7: {  	[sflag:s7] =	ssyncset.done $0x0;
	v34 =	vand.u32 $0x7FF8, v62  }
0x2c8: {  	[sflag:s7] =	ssyncadd.s32 $0xFFFFC000;
	v34 =	vor.u32 v1, v34  }
0x2c9: {  	[hbm4b:s23+s14] =	stream.linear.scatter [tilespmem:s3], [sflag:$0x5], $0x4000, $0x38;
	[tilespmem:$0xFA00] =	vst v63  }
0x2ca: {  	_ =	swait.ge [sflag:s8], $0x4000  }
0x2cb: {  	s14 =	simm.s32 $0x1A0;
	[sflag:s8] =	ssyncset.done $0x0  }
0x2cc: {  	v63 =	vadd.s32 s14, v32;
	[sflag:s8] =	ssyncadd.s32 $0xFFFFC000  }
0x2cd: {  	v35 =	vand.u32 $0x7FF8, v63;
	v34 =	vld.idx.msk [tilespmem:v34+s2+$0x0], $0xffff  }
0x2ce: {  	v36 =	vor.u32 v1, v35;
	_ =	sdelay $0x2  }
0x2cf: {  	s13 =	simm.s32 $0x3400  }
0x2d0: {  	s14 =	simm.s32 $0x340;
	[tilespmem:s13+$0x0] =	vst v34  }
0x2d1: {  	v35 =	vadd.s32 s14, v32;
	s14 =	simm.s32 $0x4E0;
	v34 =	vld.idx.msk [tilespmem:v36+s2+$0x0], $0xffff  }
.LBB2_50:
0x2d2: {  	p0 =	sne.s32 s14, $0x3260;
	v35 =	vand.u32 $0x7FF8, v35  }
0x2d3: {  	v36 =	vor.u32 v1, v35  }
.Ltmp24:
0x2d4: {  	(pc) =	sbr.rel @p0 .LBB2_50-.Ltmp24, $4  }
0x2d5: {  	_ = 	snop  }
0x2d6: {  	s13 =	sadd.s32 $0x10, s13  }
0x2d7: {  	[tilespmem:s13+$0x0] =	vst v34  }
0x2d8: {  	v35 =	vadd.s32 s14, v32;
	s14 =	sadd.s32 $0x1A0, s14;
	v34 =	vld.idx.msk [tilespmem:v36+s2+$0x0], $0xffff  }
0x2d9: {  	v35 =	vand.u32 $0x7FF8, v35  }
0x2da: {  	v35 =	vor.u32 v1, v35;
	_ =	sdelay $0x2  }
0x2db: {  	s13 =	sadd.s32 $0x10, s13  }
0x2dc: {  	[tilespmem:s13+$0x0] =	vst v34  }
0x2dd: {  	v34 =	vld.idx.msk [tilespmem:v35+s2+$0x0], $0xffff;
	_ =	sdelay $0x3  }
0x2de: {  	s13 =	sadd.s32 $0x10, s13  }
0x2df: {  	s14 =	rddreg [dreg:$0x1c];
	[tilespmem:s13+$0x0] =	vst v34  }
0x2e0: {  	[tilespmem:s1], [sflag:$0x1] =	stream.indirect.gather [hbm4b:s14+s30], $0x20, s31, s30, $0xb8;
	[tilespmem:$0xFA00] =	vst v63  }
0x2e1: {  	s14 =	simm.s32 $0x0  }
0x2e2: {  	_ =	swait.ge [sflag:s9], $0x4000;
	v62 =	vadd.s32 s14, v33  }
0x2e3: {  	[sflag:s9] =	ssyncset.done $0x0;
	v34 =	vand.u32 $0x7FF8, v62  }
0x2e4: {  	[sflag:s9] =	ssyncadd.s32 $0xFFFFC000;
	v34 =	vor.u32 v3, v34  }
0x2e5: {  	[hbm4b:s24+s14] =	stream.linear.scatter [tilespmem:s6], [sflag:$0x6], $0x4000, $0x38;
	[tilespmem:$0xFA00] =	vst v63  }
0x2e6: {  	_ =	swait.ge [sflag:s10], $0x4000  }
0x2e7: {  	s14 =	simm.s32 $0x1A0;
	[sflag:s10] =	ssyncset.done $0x0  }
0x2e8: {  	v63 =	vadd.s32 s14, v33;
	[sflag:s10] =	ssyncadd.s32 $0xFFFFC000  }
0x2e9: {  	v35 =	vand.u32 $0x7FF8, v63;
	v34 =	vld.idx.msk [tilespmem:v34+s2+$0x0], $0xffff  }
0x2ea: {  	v36 =	vor.u32 v3, v35;
	_ =	sdelay $0x2  }
0x2eb: {  	s13 =	simm.s32 $0x3600  }
0x2ec: {  	s14 =	simm.s32 $0x340;
	[tilespmem:s13+$0x0] =	vst v34  }
0x2ed: {  	v35 =	vadd.s32 s14, v33;
	s14 =	simm.s32 $0x4E0;
	v34 =	vld.idx.msk [tilespmem:v36+s2+$0x0], $0xffff  }
.LBB2_52:
0x2ee: {  	p0 =	sne.s32 s14, $0x3260;
	v35 =	vand.u32 $0x7FF8, v35  }
0x2ef: {  	v36 =	vor.u32 v3, v35  }
.Ltmp25:
0x2f0: {  	(pc) =	sbr.rel @p0 .LBB2_52-.Ltmp25, $4  }
0x2f1: {  	_ = 	snop  }
0x2f2: {  	s13 =	sadd.s32 $0x10, s13  }
0x2f3: {  	[tilespmem:s13+$0x0] =	vst v34  }
0x2f4: {  	v35 =	vadd.s32 s14, v33;
	s14 =	sadd.s32 $0x1A0, s14;
	v34 =	vld.idx.msk [tilespmem:v36+s2+$0x0], $0xffff  }
0x2f5: {  	v35 =	vand.u32 $0x7FF8, v35  }
0x2f6: {  	v35 =	vor.u32 v3, v35;
	_ =	sdelay $0x2  }
0x2f7: {  	s13 =	sadd.s32 $0x10, s13  }
0x2f8: {  	[tilespmem:s13+$0x0] =	vst v34  }
0x2f9: {  	v34 =	vld.idx.msk [tilespmem:v35+s2+$0x0], $0xffff;
	_ =	sdelay $0x3  }
0x2fa: {  	s13 =	sadd.s32 $0x10, s13  }
0x2fb: {  	s14 =	rddreg [dreg:$0x1d];
	[tilespmem:s13+$0x0] =	vst v34  }
0x2fc: {  	[tilespmem:s3], [sflag:$0x2] =	stream.indirect.gather [hbm4b:s14+s30], $0x20, s0, s30, $0xb8;
	[tilespmem:$0xFA00] =	vst v63  }
0x2fd: {  	_ =	swait.ge [sflag:s4], $0x4000  }
0x2fe: {  	[sflag:s4] =	ssyncset.done $0x0  }
0x2ff: {  	[sflag:s4] =	ssyncadd.s32 $0xFFFFC000  }
0x300: {  	[hbm4b:s25+s2] =	stream.linear.scatter [tilespmem:s1], [sflag:$0x4], $0x4000, $0x38;
	[tilespmem:$0xFA00] =	vst v63  }
0x301: {  	_ =	swait.ge [sflag:s7], $0x4000  }
0x302: {  	[sflag:s7] =	ssyncset.done $0x0  }
0x303: {  	[sflag:s7] =	ssyncadd.s32 $0xFFFFC000  }
0x304: {  	[hbm4b:s26+s2] =	stream.linear.scatter [tilespmem:s3], [sflag:$0x5], $0x4000, $0x38;
	[tilespmem:$0xFA00] =	vst v63  }
0x305: {  	_ =	swait.ge [sflag:s8], $0x4000  }
0x306: {  	[sflag:s8] =	ssyncset.done $0x0  }
0x307: {  	[sflag:s8] =	ssyncadd.s32 $0xFFFFC000  }
0x308: {  	_ =	swait.ge [sflag:s10], $0x4000  }
0x309: {  	s12 =	sadd.s32 $0x1, s12;
	s14 =	rddreg [dreg:$0x1e]  }
0x30a: {  	p0 =	sne.s32 s12, s14  }
.Ltmp26:
0x30b: {  	_ = 	snop;
	(pc) =	sbr.rel @p0 .LBB2_1-.Ltmp26, $3  }
0x30c: {  	_ =	sdelay $0x1  }
0x30d: {  	[sflag:s10] =	ssyncset.done $0x0  }
0x30e: {  	[sflag:s10] =	ssyncadd.s32 $0xFFFFC000  }
0x30f: {  	_ =	sfence.sel $0x180000  }
0x310: {  	[bflag:$0x0] =	sbarrier.arrive $0xFFFF  }
0x311: {  	_ =	strace $0x90000047  }
0x312: {  	s0 =	stileid.u32;
	[bflag:$0x2] =	sbarrier.arrive $0xFFFF  }
0x313: {  	p0 =	sne.s32 s0, $0x0;
	s0 =	rddreg [dreg:$0x2]  }
0x314: {  	s0 =	sadd.s32 @!p0 $0x100000, s0  }
0x315: {  	[sflag:s0] =	ssyncadd.tile.s32 @!p0 $0x1;
	_ =	shalt  }
.Lfunc_end2:
_tile_overlayer_lowered:
.L_overlay_start_2:
0x316: {  	(tag) =	ssettag $0x2  }
0x317: {  	s0 =	rddreg [dreg:$0x0];
	s2 =	stileid.u32  }
0x318: {  	s1 =	rddreg [dreg:$0x1];
	p0 =	sne.s32 s2, $0x0  }
0x319: {  	s3 =	rddreg [dreg:$0x2];
	[bflag:$0x3] =	sbarrier.arrive $0xFFFF;
	s2 =	simm.s32 @!p0 $0x1C07  }
0x31a: {  	[timem:s3], [sflag:s2] =	dma.local @!p0 [hbm:s0], s1  }
0x31b: {  	s0 =	simm.s32 @!p0 $0x7  }
0x31c: {  	_ =	swait.ge @!p0 [sflag:s0], s1  }
0x31d: {  	s1 =	ssub.s32 @!p0 $0x0, s1;
	[sflag:s0] =	ssyncset.done @!p0 $0x0  }
0x31e: {  	[sflag:s0] =	ssyncadd.s32 @!p0 s1  }
0x31f: {  	[bflag:$0x3] =	sbarrier.arrive $0xFFFF  }
0x320: {  	_ =	shalt  }

// kernel: sparse-core-data-format-call.cloned.1.call-start
scs
called_computation_lowered:
.L_overlay_start_0:
0x0: {  	s2 =	sld [smem:$0x3FD9]  }
0x1: {  	s3 =	sld [smem:$0x3FFE];
	_ =	sdelay $0x1  }
0x2: {  	s1 =	srdreg.scid  }
0x3: {  	s0 =	sand.u32 $0x1, s1  }
0x4: {  	s18 =	sshll.u32 s0, $0xA;
	s2 =	sadd.s32 s3, s2  }
0x5: {  	s2 =	sadd.s32 s2, s18  }
0x6: {  	[smem:$0x3FC6] =	sst s2  }
0x7: {  	_ = 	snop  }
0x8: {  	s2 =	sld [smem:$0x3FD0];
	(tm) =	ssettm $0x1  }
0x9: {  	s19 =	sld [smem:$0x3FFB];
	_ =	sdelay $0x3  }
0xa: {  	_ =	strace s19  }
0xb: {  	s3 =	sld [smem:$0x3FFC];
	_ =	sdelay $0x3  }
0xc: {  	_ =	strace s3  }
0xd: {  	s3 =	sld [smem:$0x3FFD];
	_ =	sdelay $0x3  }
0xe: {  	_ =	strace s3  }
0xf: {  	_ =	strace $0x8FFFFFFF  }
0x10: {  	s20 =	sld [smem:$0x3FDB];
	_ =	sdelay $0x1  }
0x11: {  	s4 =	simm.s32 $_scs_section_size  }
0x12: {  	s5 =	simm.s32 $_size__tile_overlayer_lowered;
	s6 =	simm.s32 $_tile_overlayer_lowered  }
0x13: {  	s23 =	simm.s32 $0x1BFF;
	s22 =	sshll.u32 s6, $0x1;
	s3 =	sadd.s32 s4, s20  }
0x14: {  	s7 =	simm.s32 $0x0;
	s21 =	sshll.u32 s5, $0x1;
	s5 =	sadd.s32 s22, s3  }
0x15: {  	[timem:s7], [sflag:s23] =	dma.local [hbm:s5], s21  }
0x16: {  	_ =	swait.ge [sflag:s23], s21  }
0x17: {  	s4 =	ssub.s32 $0x0, s21;
	[sflag:s23] =	ssyncset.done $0x0  }
0x18: {  	[sflag:s23] =	ssyncadd.s32 s4;
	_ =	sdelay $0x1  }
0x19: {  	s24 =	simm.s32 $0x1B8B  }
0x1a: {  	_ =	swait.ge [sflag:s24], $0x1  }
0x1b: {  	[sflag:s24] =	ssyncset.done $0x0  }
0x1c: {  	s26 =	simm.s32 $0x1B8E;
	s25 =	sld [smem:$0x3FFE];
	[sflag:s24] =	ssyncadd.s32 $0xFFFFFFFF  }
0x1d: {  	s27 =	simm.s32 $execute0_lowered;
	[smem:$0x3FD2] =	sst s26  }
0x1e: {  	s5 =	sshll.u32 s27, $0x1;
	_ =	strace $0x80000049;
	[dreg:$0x1] =	wrdreg $0xFFFFFFFF  }
0x1f: {  	s28 =	simm.s32 $_size_execute0_lowered;
	s3 =	sadd.s32 s3, s5;
	[dreg:$0x0] =	wrdreg $0x0  }
0x20: {  	s5 =	sshll.u32 s28, $0x1;
	[dreg:$0x2] =	wrdreg s3  }
0x21: {  	[dreg:$0x3] =	wrdreg s5  }
0x22: {  	[dreg:$0x4] =	wrdreg $0xC0  }
0x23: {  	_ =	task [dreg:s7], $0x5FFFF  }
0x24: {  	[dreg:$0x1] =	wrdreg $0xFFFFFFFF  }
0x25: {  	[dreg:$0x0] =	wrdreg $0x60  }
0x26: {  	[dreg:$0x2] =	wrdreg s25  }
0x27: {  	[dreg:$0x3] =	wrdreg s2  }
0x28: {  	[dreg:$0x4] =	wrdreg $0x9  }
0x29: {  	_ =	task.clear_ibuf [dreg:s7], $0x5FFFF;
	_ =	strace $0x90000049  }
0x2a: {  	s29 =	simm.s32 $0x9;
	_ =	strace $0x8000004B  }
0x2b: {  	_ =	swait.ge [sflag:s29], $0x1  }
0x2c: {  	[sflag:s29] =	ssyncadd.s32 $0xFFFFFFFF  }
0x2d: {  	_ =	strace $0x9000004B  }
0x2e: {  	_ =	sfence  }
0x2f: {  	s30 =	sld [smem:$0x0];
	_ =	sdelay $0x2  }
0x30: {  	s31 =	sshll.u32 s1, $0xD;
	s1 =	sshrl.u32 s1, $0x2  }
0x31: {  	s3 =	sand.u32 $0x4000, s31;
	s1 =	sadd.s32 s1, s30  }
0x32: {  	s0 =	sor.u32 s3, s0;
	s1 =	sshll.u32 s1, $0x11  }
0x33: {  	s0 =	sor.u32 s1, s0  }
0x34: {  	s0 =	sadd.s32 $0x8F2B, s0  }
0x35: {  	[sflag:s0] =	ssyncadd.remote.s32 $0x1  }
0x36: {  	_ =	sfence.sel $0xFFFF  }
0x37: {  	[dreg:$0x0] =	wrdreg $0xFFFFFFFF;
	(pc) =	sbr.abs _section_cstart, $3  }
0x38: {  	[dreg:$0x1] =	wrdreg $0xFFFFFFFF  }
0x39: {  	_ =	task.clear_ibuf [dreg:s7], $0x2FFFF;
	_ =	strace $0x9FFFFFFF  }
0x3a: {  	(tm) =	ssettm $0x7FFFFFFF  }
0x3b: {  	_ =	shalt  }
tec
execute0_lowered:
.L_overlay_start_1:
0x0: {  	(tag) =	ssettag $0x1  }
0x1: {  	s0 =	srdreg.scid  }
0x2: {  	s1 =	sshll.u32 s0, $0x4  }
0x3: {  	s0 =	stileid.u32;
	s1 =	sand.u32 $0x10, s1  }
0x4: {  	s7 =	rddreg [dreg:$0x0];
	s1 =	sor.u32 s0, s1  }
0x5: {  	s4 =	simm.s32 $0x1;
	s8 =	simm.s32 $0x2;
	s2 =	sshll.u32 s1, $0x7  }
0x6: {  	s13 =	simm.s32 $0x0;
	s9 =	simm.s32 $0x20000;
	s1 =	ssub.s32 $0x4000, s2  }
0x7: {  	s14 =	simm.s32 $0x0;
	s11 =	simm.s32 $0x0;
	s3 =	sand.u32 $0xF80, s1  }
0x8: {  	s12 =	simm.s32 $0x0;
	s5 =	sshrl.u32 s1, $0xC;
	p0 =	sne.s32 s3, $0x0  }
.Ltmp0:
0x9: {  	s1 =	rddreg [dreg:$0x2];
	s4 =	simm.s32 @!p0 $0x0;
	(pc) =	sbr.rel .LBB1_1-.Ltmp0, $4  }
0xa: {  	s6 =	sadd.s32 $0xA00, s7;
	s3 =	rddreg [dreg:$0x1];
	s5 =	sadd.s32 s4, s5  }
0xb: {  	_ =	strace $0x8000004A;
	s4 =	simm.s32 $0x1;
	s5 =	smul.u32 $0xD, s5  }
0xc: {  	s7 =	sadd.s32 $0x40A00, s7;
	s10 =	smov.u32 s2;
	[sflag:s4] =	ssyncpa.u1 $0x0  }
0xd: {  	p0 =	por $0x0, $0x0;
	[sflag:s8] =	ssyncpa.u1 $0x0;
	s8 =	sadd.s32 $0x1, s5  }
.LBB1_7:
0xe: {  	s15 =	sadd.s32 $0x1000, s10  }
0xf: {  	s13 =	sadd.s32 $0x2, s11;
	s17 =	smov.u32 s11;
	p2 =	sgt.s32 s15, $0x3FFF  }
0x10: {  	s17 =	smov.u32 @p2 s13  }
0x11: {  	s15 =	smov.u32 @p2 s2;
	p2 =	sgt.s32 s17, $0x19  }
0x12: {  	s17 =	simm.s32 @p2 $0x0;
	p2 =	sne.s32 s12, s8  }
.Ltmp1:
0x13: {  	p1 =	slt.u32 s12, $0x2;
	(pc) =	sbr.rel @!p2 .LBB1_8-.Ltmp1, $4  }
0x14: {  	s16 =	simm.s32 @!p1 $0x2  }
0x15: {  	s14 =	smov.u32 s11;
	p0 =	por !p0, !p0;
	_ =	swait.ge @!p1 [sflag:s16], $0x2000  }
0x16: {  	s13 =	smov.u32 s10;
	[sflag:s16] =	ssyncset.done @!p1 $0x0;
	s10 =	smov.u32 s15  }
0x17: {  	s12 =	sadd.s32 $0x1, s12;
	[sflag:s16] =	ssyncadd.s32 @!p1 $0xFFFFE000;
	s11 =	smov.u32 s17  }
.LBB1_1:
0x18: {  	p1 =	sge.u32 s12, s5  }
0x19: {  	s15 =	sxor.u32 @!p1 $0xFFFFFFFF, s12;
	s16 =	sshll.u32 @!p1 s11, $0x12  }
0x1a: {  	s17 =	sshll.u32 @!p1 s10, $0x4;
	s19 =	simm.s32 @!p1 $0x20;
	s20 =	simm.s32 @!p1 $0x80  }
0x1b: {  	s15 =	sshll.u32 @!p1 s15, $0xD;
	s17 =	sand.u32 @!p1 $0x3FFF0, s17;
	s18 =	sadd.s32 @!p1 s6, s16  }
0x1c: {  	s16 =	sadd.s32 @!p1 s16, s7;
	s15 =	sand.u32 @!p1 $0x2000, s15;
	s18 =	sadd.s32 @!p1 s17, s18  }
0x1d: {  	[tilespmem:s15], [sflag:$0x1] =	stream.strided.gather @!p1 [hbm4b:s18+s19], $0x1000, s20, s19, $0x38;
	[tilespmem:$0x8080] =	vst v63  }
0x1e: {  	s31 =	sadd.s32 $0xFFFFFFFF, s12;
	s16 =	sadd.s32 @!p1 s17, s16;
	s15 =	sor.u32 @!p1 $0x1000, s15  }
0x1f: {  	[tilespmem:s15], [sflag:$0x1] =	stream.strided.gather @!p1 [hbm4b:s16+s19], $0x1000, s20, s19, $0x38;
	[tilespmem:$0x8080] =	vst v63  }
0x20: {  	p1 =	sge.u32 s31, s5  }
.Ltmp2:
0x21: {  	_ = 	snop;
	(pc) =	sbr.rel @p1 .LBB1_7-.Ltmp2, $1  }
0x22: {  	_ =	sdelay $0x3  }
0x23: {  	s15 =	simm.s32 $0x1;
	s17 =	sand.u32 $0x1, s12  }
0x24: {  	_ =	swait.ge [sflag:s4], $0x2000;
	s15 =	simm.s32 @!p0 $0x0;
	s17 =	smul.u32 $0x8100, s17  }
0x25: {  	p2 =	por $0x1, $0x1;
	[sflag:s4] =	ssyncset.done $0x0;
	s16 =	smul.u32 $0x8100, s15  }
0x26: {  	s18 =	sshll.u32 s15, $0xF;
	[sflag:s4] =	ssyncadd.s32 $0xFFFFE000;
	s30 =	sshrl.u32 s17, $0x2  }
0x27: {  	s31 =	sshrl.u32 s18, $0x2;
	s18 =	simm.s32 $0x0;
	s16 =	sshrl.u32 s16, $0x2  }
0x28: {  	s15 =	sor.u32 $0x4000, s30;
	s17 =	sadd.s32 $0x10, s31;
	s16 =	sor.u32 $0x4000, s16  }
.LBB1_3:
0x29: {  	s19 =	sshll.u32 s18, $0xC  }
0x2a: {  	s19 =	sand.u32 $0x3FFFF000, s19  }
0x2b: {  	s20 =	sadd.s32 s19, s17  }
0x2c: {  	s31 =	smul.u32 $0x4080, s18;
	v1 =	vld [tilespmem:s20+$0x0]  }
0x2d: {  	v0 =	vld [tilespmem:s20+$0xFFFFFFF0]  }
0x2e: {  	s18 =	sshra.s32 s31, $0x2  }
0x2f: {  	s18 =	sadd.s32 s18, s16  }
0x30: {  	s21 =	sadd.s32 $0x0, s18  }
0x31: {  	p1 =	por p2, p2;
	s19 =	simm.s32 $0x4;
	s20 =	sadd.s32 $0x20, s20;
	[tilespmem:s21+$0x810 ss:$0x81] =	vst.msk $0xffff, v1  }
.LBB1_4:
0x32: {  	v1 =	vld [tilespmem:s20+$0x0];
	p2 =	sne.s32 s19, $0x1FC;
	[tilespmem:s21+$0x0 ss:$0x81] =	vst.msk $0xffff, v0;
	s21 =	smov.u32 s19;
	s19 =	sadd.s32 $0x4, s19  }
.Ltmp3:
0x33: {  	v0 =	vld [tilespmem:s20+$0xFFFFFFF0];
	(pc) =	sbr.rel @p2 .LBB1_4-.Ltmp3, $4  }
0x34: {  	_ = 	snop  }
0x35: {  	s21 =	sshra.s32 s21, $0x2  }
0x36: {  	s21 =	sadd.s32 s21, s18  }
0x37: {  	s20 =	sadd.s32 $0x20, s20;
	[tilespmem:s21+$0x810 ss:$0x81] =	vst.msk $0xffff, v1  }
.Ltmp4:
0x38: {  	(pc) =	sbr.rel @p1 .LBB1_3-.Ltmp4, $2  }
0x39: {  	_ =	sdelay $0x2  }
0x3a: {  	[tilespmem:s21+$0x0 ss:$0x81] =	vst.msk $0xffff, v0;
	s18 =	simm.s32 $0x1;
	p2 =	por $0x0, $0x0  }
0x3b: {  	s16 =	sshll.u32 s13, $0x3;
	s17 =	sand.u32 $0x78, s13;
	s14 =	sshll.u32 s14, $0x10  }
.Ltmp5:
0x3c: {  	s30 =	sand.u32 $0xF800, s13;
	s16 =	sand.u32 $0x3C00, s16;
	(pc) =	sbr.rel .LBB1_7-.Ltmp5, $4  }
0x3d: {  	s31 =	sand.u32 $0x7, s13;
	s14 =	sadd.s32 s3, s14;
	s16 =	sor.u32 s17, s16  }
0x3e: {  	s13 =	sshll.u32 s31, $0x12;
	s14 =	sadd.s32 s30, s14;
	s16 =	sshrl.u32 s16, $0x3  }
0x3f: {  	s13 =	sor.u32 $0x400, s13;
	s14 =	sadd.s32 s16, s14  }
0x40: {  	[hbm4b:s14+s13] =	stream.strided.scatter [tilespmem:s15], [sflag:$0x2], $0x2000, s9, s13, $0x20;
	[tilespmem:$0x8080] =	vst v63  }
.LBB1_8:
0x41: {  	_ =	sfence.sel $0x180000  }
0x42: {  	s2 =	simm.s32 $0x1;
	[bflag:$0x0] =	sbarrier.arrive $0xFFFF  }
0x43: {  	s31 =	simm.s32 $0x2;
	[sflag:s2] =	ssyncpa.u1 $0x1  }
0x44: {  	[sflag:s31] =	ssyncpa.u1 $0x1  }
0x45: {  	p0 =	sne.s32 s0, $0x0;
	_ =	strace $0x9000004A  }
0x46: {  	s0 =	sadd.s32 @!p0 $0x100000, s1;
	[bflag:$0x2] =	sbarrier.arrive $0xFFFF  }
0x47: {  	[sflag:s0] =	ssyncadd.tile.s32 @!p0 $0x1;
	_ =	shalt  }
.Lfunc_end1:
_tile_overlayer_lowered:
.L_overlay_start_2:
0x48: {  	(tag) =	ssettag $0x2  }
0x49: {  	s0 =	rddreg [dreg:$0x0];
	s2 =	stileid.u32  }
0x4a: {  	s1 =	rddreg [dreg:$0x1];
	p0 =	sne.s32 s2, $0x0  }
0x4b: {  	s3 =	rddreg [dreg:$0x2];
	[bflag:$0x3] =	sbarrier.arrive $0xFFFF;
	s2 =	simm.s32 @!p0 $0x1C01  }
0x4c: {  	[timem:s3], [sflag:s2] =	dma.local @!p0 [hbm:s0], s1  }
0x4d: {  	s0 =	simm.s32 @!p0 $0x1  }
0x4e: {  	_ =	swait.ge @!p0 [sflag:s0], s1  }
0x4f: {  	s1 =	ssub.s32 @!p0 $0x0, s1;
	[sflag:s0] =	ssyncset.done @!p0 $0x0  }
0x50: {  	[sflag:s0] =	ssyncadd.s32 @!p0 s1  }
0x51: {  	[bflag:$0x3] =	sbarrier.arrive $0xFFFF  }
0x52: {  	_ =	shalt  }

</sc_bundles>
